<compile_context>
chip_gen: v7x
topology: tpu7x:2x2x1
jax: 0.10.2.dev20260603
libtpu: 0.0.44.dev20260713+nightly
codegen_flags: <defaults>
</compile_context>

<pallas_src>
import functools

import jax
import jax.numpy as jnp
from jax import lax
from jax.experimental import pallas as pl
from jax.experimental.pallas import tpu as pltpu
from jax.experimental.pallas import tpu_sc as plsc

N = 100000
D = 128
E = 400000
M = 4 * E

NC = 2
NS = 16
LANES = 16

C = 12544
P = 8
NPAD = P * C
PASSES_PER_CORE = P // NC

EPT = M // NS
BLK = 800
NBLK = EPT // BLK
VPB = BLK // 32
GCH = 64
PAIR = 2 * GCH
CAP = BLK + 208
RPT = C // NS


def _matmul_body(x_ref, w_ref, o_ref):
    o_ref[...] = jnp.dot(x_ref[...], w_ref[...],
                         preferred_element_type=jnp.float32)


def _matmul(x, w_cat):
    BM = 2000
    return pl.pallas_call(
        _matmul_body,
        grid=(N // BM,),
        in_specs=[
            pl.BlockSpec((BM, D), lambda i: (i, 0)),
            pl.BlockSpec((D, 4 * D), lambda i: (0, 0)),
        ],
        out_specs=pl.BlockSpec((BM, 4 * D), lambda i: (i, 0)),
        out_shape=jax.ShapeDtypeStruct((N, 4 * D), jnp.float32),
    )(x, w_cat)


_mesh = plsc.VectorSubcoreMesh(core_axis_name="c", subcore_axis_name="s")


@functools.partial(
    pl.kernel,
    out_type=jax.ShapeDtypeStruct((NPAD, D), jnp.float32),
    mesh=_mesh,
    scratch_types=[
        pltpu.VMEM((BLK,), jnp.int32),
        pltpu.VMEM((BLK,), jnp.int32),
        pltpu.VMEM((BLK,), jnp.int32),
        pltpu.VMEM((BLK,), jnp.int32),
        pltpu.VMEM((CAP,), jnp.int32),
        pltpu.VMEM((CAP,), jnp.int32),
        pltpu.VMEM((GCH,), jnp.int32),
        pltpu.VMEM((GCH,), jnp.int32),
        pltpu.VMEM((GCH, D), jnp.float32),
        pltpu.VMEM((GCH, D), jnp.float32),
        pltpu.VMEM_SHARED((C + 8, D), jnp.float32),
        pltpu.SemaphoreType.DMA,
        pltpu.SemaphoreType.DMA,
        pltpu.SemaphoreType.DMA,
        pltpu.SemaphoreType.DMA,
        pltpu.SemaphoreType.DMA,
        pltpu.SemaphoreType.DMA,
    ],
)
def _edge_aggregate(h_hbm, src_hbm, dst_hbm, zeros_hbm, out_hbm,
                    srcb0, dstb0, srcb1, dstb1, csrc, cdst,
                    fire_d0, fire_d1, rows0, rows1, acc,
                    sem_e0, sem_e1, sem_g0, sem_g1, sem_s0, sem_s1):
    core = lax.axis_index("c")
    sub = lax.axis_index("s")
    rel = sub // 4
    ebase = sub * EPT

    def gather_issue(off, rbuf, sem):
        pltpu.async_copy(h_hbm.at[csrc.at[pl.ds(off, GCH)]], rbuf, sem)

    def gather_wait(off, rbuf, sem):
        pltpu.make_async_copy(
            h_hbm.at[csrc.at[pl.ds(off, GCH)]], rbuf, sem).wait()

    def scatter_wait(rbuf, fbuf, sem):
        pltpu.make_async_copy(rbuf, acc.at[fbuf], sem).wait()

    def fire_pairs(npair):
        nf = 2 * npair

        @pl.when(npair >= 1)
        def _():
            gather_issue(0, rows0, sem_g0)

        def pair_body(q, _):
            @pl.when(q >= 1)
            def _():
                scatter_wait(rows1, fire_d1, sem_s1)

            gather_issue(2 * q * GCH + GCH, rows1, sem_g1)
            gather_wait(2 * q * GCH, rows0, sem_g0)
            for j in range(GCH // LANES):
                fire_d0[pl.ds(j * LANES, LANES)] = (
                    cdst[pl.ds(2 * q * GCH + j * LANES, LANES)])
            pltpu.async_copy(rows0, acc.at[fire_d0], sem_s0, add=True)

            @pl.when(q + 1 < npair)
            def _():
                scatter_wait(rows0, fire_d0, sem_s0)
                gather_issue(2 * q * GCH + 2 * GCH, rows0, sem_g0)

            gather_wait(2 * q * GCH + GCH, rows1, sem_g1)
            for j in range(GCH // LANES):
                fire_d1[pl.ds(j * LANES, LANES)] = (
                    cdst[pl.ds(2 * q * GCH + GCH + j * LANES, LANES)])
            pltpu.async_copy(rows1, acc.at[fire_d1], sem_s1, add=True)
            return 0

        lax.fori_loop(0, npair, pair_body, 0)

        @pl.when(npair >= 1)
        def _():
            scatter_wait(rows0, fire_d0, sem_s0)
            scatter_wait(rows1, fire_d1, sem_s1)

    def carry_remainder(cnt, npair):
        rem_off = npair * PAIR
        for j in range(PAIR // LANES):
            sv = csrc[pl.ds(rem_off + j * LANES, LANES)]
            dv = cdst[pl.ds(rem_off + j * LANES, LANES)]
            csrc[pl.ds(j * LANES, LANES)] = sv
            cdst[pl.ds(j * LANES, LANES)] = dv
        return cnt - rem_off

    def one_pass(half_pass, _):
        p = core * PASSES_PER_CORE + half_pass
        lo = p * C

        pltpu.sync_copy(zeros_hbm.at[pl.ds(sub * RPT, RPT)],
                        acc.at[pl.ds(sub * RPT, RPT)])
        plsc.subcore_barrier()

        def filter_block(sb, db, cnt):
            iot = lax.iota(jnp.int32, LANES)

            def compact16(d, s, cnt):
                m = (d >= lo) & (d < lo + C)
                sc = jnp.where(m, 1, 0)
                for w in (1, 2, 4, 8):
                    sh = jnp.take(sc, jnp.maximum(iot - w, 0))
                    sc = sc + jnp.where(iot >= w, sh, 0)
                total = sc[15]
                j = jnp.zeros((LANES,), jnp.int32)
                tgt = iot + 1
                for w in (8, 4, 2, 1):
                    t2 = j + w
                    sval = jnp.take(sc, t2 - 1)
                    j = jnp.where(sval < tgt, t2, j)
                j = jnp.minimum(j, LANES - 1)
                cdst[pl.ds(cnt, LANES)] = jnp.take(d - lo, j)
                csrc[pl.ds(cnt, LANES)] = jnp.take(s * 4 + rel, j)
                return cnt + total

            def filt(i, cnt):
                da = db[pl.ds(i * 32, LANES)]
                sa = sb[pl.ds(i * 32, LANES)]
                dbv = db[pl.ds(i * 32 + LANES, LANES)]
                sbv = sb[pl.ds(i * 32 + LANES, LANES)]
                cnt = compact16(da, sa, cnt)
                cnt = compact16(dbv, sbv, cnt)
                return cnt

            return lax.fori_loop(0, VPB, filt, cnt)

        pltpu.async_copy(src_hbm.at[pl.ds(ebase, BLK)], srcb0, sem_e0)
        pltpu.async_copy(dst_hbm.at[pl.ds(ebase, BLK)], dstb0, sem_e0)

        def pair_block(pb, cnt):
            base0 = ebase + 2 * pb * BLK
            base1 = base0 + BLK
            pltpu.make_async_copy(src_hbm.at[pl.ds(base0, BLK)], srcb0,
                                  sem_e0).wait()
            pltpu.make_async_copy(dst_hbm.at[pl.ds(base0, BLK)], dstb0,
                                  sem_e0).wait()
            pltpu.async_copy(src_hbm.at[pl.ds(base1, BLK)], srcb1, sem_e1)
            pltpu.async_copy(dst_hbm.at[pl.ds(base1, BLK)], dstb1, sem_e1)
            cnt = filter_block(srcb0, dstb0, cnt)
            npair = cnt // PAIR
            fire_pairs(npair)
            cnt = carry_remainder(cnt, npair)
            pltpu.make_async_copy(src_hbm.at[pl.ds(base1, BLK)], srcb1,
                                  sem_e1).wait()
            pltpu.make_async_copy(dst_hbm.at[pl.ds(base1, BLK)], dstb1,
                                  sem_e1).wait()

            base2 = base1 + BLK
            pltpu.async_copy(src_hbm.at[pl.ds(base2, BLK)], srcb0, sem_e0)
            pltpu.async_copy(dst_hbm.at[pl.ds(base2, BLK)], dstb0, sem_e0)

            cnt = filter_block(srcb1, dstb1, cnt)
            npair = cnt // PAIR
            fire_pairs(npair)
            cnt = carry_remainder(cnt, npair)
            return cnt

        cnt = lax.fori_loop(0, NBLK // 2, pair_block, jnp.int32(0))

        tbase = ebase + (NBLK - 1) * BLK
        pltpu.make_async_copy(src_hbm.at[pl.ds(tbase, BLK)], srcb0,
                              sem_e0).wait()
        pltpu.make_async_copy(dst_hbm.at[pl.ds(tbase, BLK)], dstb0,
                              sem_e0).wait()
        cnt = filter_block(srcb0, dstb0, cnt)
        npair = cnt // PAIR
        fire_pairs(npair)
        cnt = carry_remainder(cnt, npair)

        sent_d = jnp.full((LANES,), C, jnp.int32)
        sent_s = jnp.zeros((LANES,), jnp.int32)
        for j in range(PAIR // LANES):
            cdst[pl.ds(cnt + j * LANES, LANES)] = sent_d
            csrc[pl.ds(cnt + j * LANES, LANES)] = sent_s
        fire_pairs((cnt + PAIR) // PAIR)
        plsc.subcore_barrier()

        pltpu.sync_copy(acc.at[pl.ds(sub * RPT, RPT)],
                        out_hbm.at[pl.ds(lo + sub * RPT, RPT)])
        plsc.subcore_barrier()
        return 0

    lax.fori_loop(0, PASSES_PER_CORE, one_pass, 0)


def kernel(hidden_states, adj_i, adj_ii, adj_iii, adj_a,
           W_i, W_ii, W_iii, W_a):
    w_cat = jnp.concatenate([W_i, W_ii, W_iii, W_a], axis=1)
    h = _matmul(hidden_states, w_cat)
    h4 = h.reshape(N * 4, D)
    srcs = jnp.concatenate([adj_i[0], adj_ii[0], adj_iii[0], adj_a[0]])
    dsts = jnp.concatenate([adj_i[1], adj_ii[1], adj_iii[1], adj_a[1]])
    zeros = jnp.zeros((C, D), jnp.float32)
    out = _edge_aggregate(h4, srcs, dsts, zeros)
    return out[:N]

# --- scband reference (transcript-rebuilt; emitter-appended) ---
"""Pipeline reference for scband-gclayer-59605556134259 (READ-ONLY COPY).

The authoritative reference and input builder live on the scoring server;
editing this copy changes nothing except your own understanding.
"""

import jax, jax.numpy as jnp
import numpy as np

N = 100000
D = 128
E = 400000


def setup_inputs(seed: int = 0) -> dict:
    key = jax.random.key(seed)
    ks = jax.random.split(key, 9)
    inp = {}
    inp["hidden_states"] = jax.random.normal(ks[0], (N, D), dtype=jnp.float32)
    for i, name in enumerate(["adj_i", "adj_ii", "adj_iii", "adj_a"]):
        inp[name] = jax.random.randint(ks[1 + i], (2, E), 0, N, dtype=jnp.int32)
    # GCNConv weights (normalize=False, bias=False, add_self_loops=False):
    # out = scatter_add over edges of (x @ W)[src] into dst
    for i, name in enumerate(["W_i", "W_ii", "W_iii", "W_a"]):
        inp[name] = jax.random.normal(ks[5 + i], (D, D), dtype=jnp.float32) * (1.0 / np.sqrt(D))
    return inp


def reference(hidden_states, adj_i, adj_ii, adj_iii, adj_a, W_i, W_ii, W_iii, W_a):
    # VariationalNormalEpanechnikovDropout acts as identity in eval mode.
    n = hidden_states.shape[0]
    out = jnp.zeros_like(hidden_states)
    for ei, W in ((adj_i, W_i), (adj_ii, W_ii), (adj_iii, W_iii), (adj_a, W_a)):
        h = hidden_states @ W
        msgs = jnp.take(h, ei[0], axis=0)
        out = out + jax.ops.segment_sum(msgs, ei[1], num_segments=n)
    return out

if __name__ == "__main__":
    import jax
    _d = setup_inputs()
    print(jax.jit(kernel)(*tuple(_d.values())))

</pallas_src>

<mosaic_0001>
#map = affine_map<(d0, d1) -> (0, 0)>
#map1 = affine_map<(d0, d1) -> (0)>
module attributes {stable_mosaic.version = 14 : i64} {
  func.func @_edge_aggregate(%arg0: i32, %arg1: i32, %arg2: memref<400000x128xf32, #tpu.memory_space<hbm>>, %arg3: memref<1600000xi32, #tpu.memory_space<hbm>>, %arg4: memref<1600000xi32, #tpu.memory_space<hbm>>, %arg5: memref<12544x128xf32, #tpu.memory_space<hbm>>, %arg6: memref<100352x128xf32, #tpu.memory_space<hbm>>, %arg7: memref<800xi32, #tpu.memory_space<vmem>>, %arg8: memref<800xi32, #tpu.memory_space<vmem>>, %arg9: memref<800xi32, #tpu.memory_space<vmem>>, %arg10: memref<800xi32, #tpu.memory_space<vmem>>, %arg11: memref<1008xi32, #tpu.memory_space<vmem>>, %arg12: memref<1008xi32, #tpu.memory_space<vmem>>, %arg13: memref<64xi32, #tpu.memory_space<vmem>>, %arg14: memref<64xi32, #tpu.memory_space<vmem>>, %arg15: memref<64x128xf32, #tpu.memory_space<vmem>>, %arg16: memref<64x128xf32, #tpu.memory_space<vmem>>, %arg17: memref<12552x128xf32, #tpu.memory_space<vmem_shared>>, %arg18: memref<!tpu.dma_semaphore, #tpu.memory_space<semaphore_mem>>, %arg19: memref<!tpu.dma_semaphore, #tpu.memory_space<semaphore_mem>>, %arg20: memref<!tpu.dma_semaphore, #tpu.memory_space<semaphore_mem>>, %arg21: memref<!tpu.dma_semaphore, #tpu.memory_space<semaphore_mem>>, %arg22: memref<!tpu.dma_semaphore, #tpu.memory_space<semaphore_mem>>, %arg23: memref<!tpu.dma_semaphore, #tpu.memory_space<semaphore_mem>>) attributes {dimension_semantics = [#tpu.dimension_semantics<core_parallel>, #tpu.dimension_semantics<subcore_parallel>], iteration_bounds = array<i64: 2, 16>, scalar_prefetch = 0 : i64, scratch_operands = 17 : i64, tpu.core_type = #tpu.core_type<sc_vector_subcore>, window_params = [{transform_indices = #map}, {transform_indices = #map1}, {transform_indices = #map1}, {transform_indices = #map}, {transform_indices = #map}]} {
    %jit3A = arith.constant 4 : i32
    %div3A = arith.divsi %arg1, %jit3A : i32
    %sign3A = arith.constant 0 : i32
    %sign3A_0 = arith.cmpi sgt, %arg1, %sign3A : i32
    %sign3A_1 = arith.extui %sign3A_0 : i1 to i32
    %sign3A_2 = arith.constant 0 : i32
    %sign3A_3 = arith.cmpi slt, %arg1, %sign3A_2 : i32
    %sign3A_4 = arith.extui %sign3A_3 : i1 to i32
    %sign3A_5 = arith.subi %sign3A_1, %sign3A_4 : i32
    %sign3A_6 = arith.constant 0 : i32
    %sign3A_7 = arith.cmpi sgt, %jit3A, %sign3A_6 : i32
    %sign3A_8 = arith.extui %sign3A_7 : i1 to i32
    %sign3A_9 = arith.constant 0 : i32
    %sign3A_10 = arith.cmpi slt, %jit3A, %sign3A_9 : i32
    %sign3A_11 = arith.extui %sign3A_10 : i1 to i32
    %sign3A_12 = arith.subi %sign3A_8, %sign3A_11 : i32
    %ne3A = arith.cmpi ne, %sign3A_5, %sign3A_12 : i32
    %rem3A = arith.remsi %arg1, %jit3A : i32
    %ne3A_13 = arith.constant 0 : i32
    %ne3A_14 = arith.cmpi ne, %rem3A, %ne3A_13 : i32
    %and3A = arith.andi %ne3A, %ne3A_14 : i1
    %sub3A = arith.constant 1 : i32
    %sub3A_15 = arith.subi %div3A, %sub3A : i32
    %select_n3A = arith.select %and3A, %sub3A_15, %div3A : i32
    %mul3A = arith.constant 100000 : i32
    %mul3A_16 = arith.muli %arg1, %mul3A : i32
    %scan3A = arith.constant 0 : i32
    %scan3A_17 = arith.constant 0 : i32
    %scan3A_18 = arith.constant 4 : i32
    %scan3A_19 = arith.addi %scan3A_17, %scan3A_18 : i32
    %scan3A_20 = arith.constant 1 : i32
    %scan3A_21 = scf.for %scan3A_23 = %scan3A_17 to %scan3A_19 step %scan3A_20 iter_args(%scan3A_24 = %scan3A) -> (i32)  : i32 {
      %mul3A_25 = arith.constant 4 : i32
      %mul3A_26 = arith.muli %arg0, %mul3A_25 : i32
      %add3A = arith.addi %mul3A_26, %scan3A_23 : i32
      %mul3A_27 = arith.constant 12544 : i32
      %mul3A_28 = arith.muli %add3A, %mul3A_27 : i32
      %mul3A_29 = arith.constant 784 : i32
      %mul3A_30 = arith.muli %arg1, %mul3A_29 : i32
      %mul3A_31 = arith.constant 784 : i32
      %mul3A_32 = arith.muli %arg1, %mul3A_31 : i32
      "tpu.region"() ({
        %run_scoped3A = tpu.sem_alloc : memref<!tpu.dma_semaphore, #tpu.memory_space<semaphore_mem>>
        %dma_start3A_400 = arith.constant 0 : i32
        %dma_start3A_401 = tpu.memref_slice %arg17[%mul3A_32, %dma_start3A_400] : memref<12552x128xf32, #tpu.memory_space<vmem_shared>> -> memref<784x128xf32, #tpu.memory_space<vmem_shared>>
        %dma_start3A_402 = arith.constant 0 : i32
        %dma_start3A_403 = tpu.memref_slice %arg5[%mul3A_30, %dma_start3A_402] : memref<12544x128xf32, #tpu.memory_space<hbm>> -> memref<784x128xf32, #tpu.memory_space<hbm>>
        tpu.enqueue_dma source(%dma_start3A_403 : memref<784x128xf32, #tpu.memory_space<hbm>>) target(%dma_start3A_401 : memref<784x128xf32, #tpu.memory_space<vmem_shared>>) target_semaphore(%run_scoped3A : memref<!tpu.dma_semaphore, #tpu.memory_space<semaphore_mem>>)
        %dma_wait3A_404 = arith.constant 0 : i32
        %dma_wait3A_405 = tpu.memref_slice %arg17[%mul3A_32, %dma_wait3A_404] : memref<12552x128xf32, #tpu.memory_space<vmem_shared>> -> memref<784x128xf32, #tpu.memory_space<vmem_shared>>
        %dma_wait3A_406 = arith.constant 0 : i32
        %dma_wait3A_407 = tpu.memref_slice %arg5[%mul3A_30, %dma_wait3A_406] : memref<12544x128xf32, #tpu.memory_space<hbm>> -> memref<784x128xf32, #tpu.memory_space<hbm>>
        tpu.wait_dma2 semaphore(%run_scoped3A : memref<!tpu.dma_semaphore, #tpu.memory_space<semaphore_mem>>) src(%dma_wait3A_407 : memref<784x128xf32, #tpu.memory_space<hbm>>) dst(%dma_wait3A_405 : memref<784x128xf32, #tpu.memory_space<vmem_shared>>)
        tpu.yield
      }) : () -> ()
      %barrier3A = arith.constant 0 : index
      tpu.barrier barrier_id(%barrier3A)
      %dma_start3A = tpu.memref_slice %arg3[%mul3A_16] : memref<1600000xi32, #tpu.memory_space<hbm>> -> memref<800xi32, #tpu.memory_space<hbm>>
      %dma_start3A_33 = tpu.memref_slice %arg3[%mul3A_16] : memref<1600000xi32, #tpu.memory_space<hbm>> -> memref<800xi32, #tpu.memory_space<hbm>>
      tpu.enqueue_dma source(%dma_start3A_33 : memref<800xi32, #tpu.memory_space<hbm>>) target(%arg7 : memref<800xi32, #tpu.memory_space<vmem>>) target_semaphore(%arg18 : memref<!tpu.dma_semaphore, #tpu.memory_space<semaphore_mem>>)
      %dma_start3A_34 = tpu.memref_slice %arg4[%mul3A_16] : memref<1600000xi32, #tpu.memory_space<hbm>> -> memref<800xi32, #tpu.memory_space<hbm>>
      %dma_start3A_35 = tpu.memref_slice %arg4[%mul3A_16] : memref<1600000xi32, #tpu.memory_space<hbm>> -> memref<800xi32, #tpu.memory_space<hbm>>
      tpu.enqueue_dma source(%dma_start3A_35 : memref<800xi32, #tpu.memory_space<hbm>>) target(%arg8 : memref<800xi32, #tpu.memory_space<vmem>>) target_semaphore(%arg18 : memref<!tpu.dma_semaphore, #tpu.memory_space<semaphore_mem>>)
      %scan3A_36 = arith.constant 0 : i32
      %scan3A_37 = arith.constant 0 : i32
      %scan3A_38 = arith.constant 62 : i32
      %scan3A_39 = arith.addi %scan3A_37, %scan3A_38 : i32
      %scan3A_40 = arith.constant 1 : i32
      %scan3A_41 = scf.for %scan3A_400 = %scan3A_37 to %scan3A_39 step %scan3A_40 iter_args(%scan3A_401 = %scan3A_36) -> (i32)  : i32 {
        %mul3A_402 = arith.constant 2 : i32
        %mul3A_403 = arith.muli %mul3A_402, %scan3A_400 : i32
        %mul3A_404 = arith.constant 800 : i32
        %mul3A_405 = arith.muli %mul3A_403, %mul3A_404 : i32
        %add3A_406 = arith.addi %mul3A_16, %mul3A_405 : i32
        %add3A_407 = arith.constant 800 : i32
        %add3A_408 = arith.addi %add3A_406, %add3A_407 : i32
        %dma_wait3A_409 = tpu.memref_slice %arg3[%add3A_406] : memref<1600000xi32, #tpu.memory_space<hbm>> -> memref<800xi32, #tpu.memory_space<hbm>>
        %dma_wait3A_410 = tpu.memref_slice %arg3[%add3A_406] : memref<1600000xi32, #tpu.memory_space<hbm>> -> memref<800xi32, #tpu.memory_space<hbm>>
        tpu.wait_dma2 semaphore(%arg18 : memref<!tpu.dma_semaphore, #tpu.memory_space<semaphore_mem>>) src(%dma_wait3A_410 : memref<800xi32, #tpu.memory_space<hbm>>) dst(%arg7 : memref<800xi32, #tpu.memory_space<vmem>>)
        %dma_wait3A_411 = tpu.memref_slice %arg4[%add3A_406] : memref<1600000xi32, #tpu.memory_space<hbm>> -> memref<800xi32, #tpu.memory_space<hbm>>
        %dma_wait3A_412 = tpu.memref_slice %arg4[%add3A_406] : memref<1600000xi32, #tpu.memory_space<hbm>> -> memref<800xi32, #tpu.memory_space<hbm>>
        tpu.wait_dma2 semaphore(%arg18 : memref<!tpu.dma_semaphore, #tpu.memory_space<semaphore_mem>>) src(%dma_wait3A_412 : memref<800xi32, #tpu.memory_space<hbm>>) dst(%arg8 : memref<800xi32, #tpu.memory_space<vmem>>)
        %dma_start3A_413 = tpu.memref_slice %arg3[%add3A_408] : memref<1600000xi32, #tpu.memory_space<hbm>> -> memref<800xi32, #tpu.memory_space<hbm>>
        %dma_start3A_414 = tpu.memref_slice %arg3[%add3A_408] : memref<1600000xi32, #tpu.memory_space<hbm>> -> memref<800xi32, #tpu.memory_space<hbm>>
        tpu.enqueue_dma source(%dma_start3A_414 : memref<800xi32, #tpu.memory_space<hbm>>) target(%arg9 : memref<800xi32, #tpu.memory_space<vmem>>) target_semaphore(%arg19 : memref<!tpu.dma_semaphore, #tpu.memory_space<semaphore_mem>>)
        %dma_start3A_415 = tpu.memref_slice %arg4[%add3A_408] : memref<1600000xi32, #tpu.memory_space<hbm>> -> memref<800xi32, #tpu.memory_space<hbm>>
        %dma_start3A_416 = tpu.memref_slice %arg4[%add3A_408] : memref<1600000xi32, #tpu.memory_space<hbm>> -> memref<800xi32, #tpu.memory_space<hbm>>
        tpu.enqueue_dma source(%dma_start3A_416 : memref<800xi32, #tpu.memory_space<hbm>>) target(%arg10 : memref<800xi32, #tpu.memory_space<vmem>>) target_semaphore(%arg19 : memref<!tpu.dma_semaphore, #tpu.memory_space<semaphore_mem>>)
        %iota3A_417 = tpu.iota {dimensions = array<i32: 0>} : vector<16xi32>
        %scan3A_418 = arith.constant 0 : i32
        %scan3A_419 = arith.constant 25 : i32
        %scan3A_420 = arith.addi %scan3A_418, %scan3A_419 : i32
        %scan3A_421 = arith.constant 1 : i32
        %scan3A_422 = scf.for %scan3A_831 = %scan3A_418 to %scan3A_420 step %scan3A_421 iter_args(%scan3A_832 = %scan3A_401) -> (i32)  : i32 {
          %mul3A_833 = arith.constant 32 : i32
          %mul3A_834 = arith.muli %scan3A_831, %mul3A_833 : i32
          %get3A_835 = arith.index_cast %mul3A_834 : i32 to index
          %get3A_836 = tpu.vector_load %arg8[%get3A_835] {strides = array<i32>} : memref<800xi32, #tpu.memory_space<vmem>>, vector<16xi32>,
          %get3A_837 = vector.shape_cast %get3A_836 : vector<16xi32> to vector<16xi32>
          %mul3A_838 = arith.constant 32 : i32
          %mul3A_839 = arith.muli %scan3A_831, %mul3A_838 : i32
          %get3A_840 = arith.index_cast %mul3A_839 : i32 to index
          %get3A_841 = tpu.vector_load %arg7[%get3A_840] {strides = array<i32>} : memref<800xi32, #tpu.memory_space<vmem>>, vector<16xi32>,
          %get3A_842 = vector.shape_cast %get3A_841 : vector<16xi32> to vector<16xi32>
          %mul3A_843 = arith.constant 32 : i32
          %mul3A_844 = arith.muli %scan3A_831, %mul3A_843 : i32
          %add3A_845 = arith.constant 16 : i32
          %add3A_846 = arith.addi %mul3A_844, %add3A_845 : i32
          %get3A_847 = arith.index_cast %add3A_846 : i32 to index
          %get3A_848 = tpu.vector_load %arg8[%get3A_847] {strides = array<i32>} : memref<800xi32, #tpu.memory_space<vmem>>, vector<16xi32>,
          %get3A_849 = vector.shape_cast %get3A_848 : vector<16xi32> to vector<16xi32>
          %mul3A_850 = arith.constant 32 : i32
          %mul3A_851 = arith.muli %scan3A_831, %mul3A_850 : i32
          %add3A_852 = arith.constant 16 : i32
          %add3A_853 = arith.addi %mul3A_851, %add3A_852 : i32
          %get3A_854 = arith.index_cast %add3A_853 : i32 to index
          %get3A_855 = tpu.vector_load %arg7[%get3A_854] {strides = array<i32>} : memref<800xi32, #tpu.memory_space<vmem>>, vector<16xi32>,
          %get3A_856 = vector.shape_cast %get3A_855 : vector<16xi32> to vector<16xi32>
          %ge3A_857 = vector.broadcast %mul3A_28 : i32 to vector<16xi32>
          %ge3A_858 = arith.cmpi sge, %get3A_837, %ge3A_857 : vector<16xi32>
          %add3A_859 = arith.constant 12544 : i32
          %add3A_860 = arith.addi %mul3A_28, %add3A_859 : i32
          %lt3A = vector.broadcast %add3A_860 : i32 to vector<16xi32>
          %lt3A_861 = arith.cmpi slt, %get3A_837, %lt3A : vector<16xi32>
          %and3A_862 = arith.andi %ge3A_858, %lt3A_861 : vector<16xi1>
          %jit3A_863 = arith.constant 1 : i32
          %jit3A_864 = arith.constant 0 : i32
          %broadcast_in_dim3A_865 = vector.broadcast %jit3A_863 : i32 to vector<16xi32>
          %broadcast_in_dim3A_866 = vector.broadcast %jit3A_864 : i32 to vector<16xi32>
          %select_n3A_867 = arith.select %and3A_862, %broadcast_in_dim3A_865, %broadcast_in_dim3A_866 : vector<16xi1>, vector<16xi32>
          %sub3A_868 = arith.constant 1 : i32
          %sub3A_869 = vector.broadcast %sub3A_868 : i32 to vector<16xi32>
          %sub3A_870 = arith.subi %iota3A_417, %sub3A_869 : vector<16xi32>
          %max3A = arith.constant 0 : i32
          %max3A_871 = vector.broadcast %max3A : i32 to vector<16xi32>
          %max3A_872 = arith.maxsi %sub3A_870, %max3A_871 : vector<16xi32>
          %lt3A_873 = arith.constant 0 : i32
          %lt3A_874 = vector.broadcast %lt3A_873 : i32 to vector<16xi32>
          %lt3A_875 = arith.cmpi slt, %max3A_872, %lt3A_874 : vector<16xi32>
          %add3A_876 = arith.constant 16 : i32
          %add3A_877 = vector.broadcast %add3A_876 : i32 to vector<16xi32>
          %add3A_878 = arith.addi %max3A_872, %add3A_877 : vector<16xi32>
          %select_n3A_879 = arith.select %lt3A_875, %add3A_878, %max3A_872 : vector<16xi1>, vector<16xi32>
          %broadcast_in_dim3A_880 = vector.shape_cast %select_n3A_879 : vector<16xi32> to vector<16x1xi32>
          %gather3A = vector.shape_cast %broadcast_in_dim3A_880 : vector<16x1xi32> to vector<16xi32>
          %gather3A_881 = tpu.dynamic_gather %select_n3A_867[%gather3A] in [0] : vector<16xi32>, vector<16xi32> -> vector<16xi32>
          %ge3A_882 = arith.constant 1 : i32
          %ge3A_883 = vector.broadcast %ge3A_882 : i32 to vector<16xi32>
          %ge3A_884 = arith.cmpi sge, %iota3A_417, %ge3A_883 : vector<16xi32>
          %jit3A_885 = arith.constant 0 : i32
          %broadcast_in_dim3A_886 = vector.broadcast %jit3A_885 : i32 to vector<16xi32>
          %select_n3A_887 = arith.select %ge3A_884, %gather3A_881, %broadcast_in_dim3A_886 : vector<16xi1>, vector<16xi32>
          %add3A_888 = arith.addi %select_n3A_867, %select_n3A_887 : vector<16xi32>
          %sub3A_889 = arith.constant 2 : i32
          %sub3A_890 = vector.broadcast %sub3A_889 : i32 to vector<16xi32>
          %sub3A_891 = arith.subi %iota3A_417, %sub3A_890 : vector<16xi32>
          %max3A_892 = arith.constant 0 : i32
          %max3A_893 = vector.broadcast %max3A_892 : i32 to vector<16xi32>
          %max3A_894 = arith.maxsi %sub3A_891, %max3A_893 : vector<16xi32>
          %lt3A_895 = arith.constant 0 : i32
          %lt3A_896 = vector.broadcast %lt3A_895 : i32 to vector<16xi32>
          %lt3A_897 = arith.cmpi slt, %max3A_894, %lt3A_896 : vector<16xi32>
          %add3A_898 = arith.constant 16 : i32
          %add3A_899 = vector.broadcast %add3A_898 : i32 to vector<16xi32>
          %add3A_900 = arith.addi %max3A_894, %add3A_899 : vector<16xi32>
          %select_n3A_901 = arith.select %lt3A_897, %add3A_900, %max3A_894 : vector<16xi1>, vector<16xi32>
          %broadcast_in_dim3A_902 = vector.shape_cast %select_n3A_901 : vector<16xi32> to vector<16x1xi32>
          %gather3A_903 = vector.shape_cast %broadcast_in_dim3A_902 : vector<16x1xi32> to vector<16xi32>
          %gather3A_904 = tpu.dynamic_gather %add3A_888[%gather3A_903] in [0] : vector<16xi32>, vector<16xi32> -> vector<16xi32>
          %ge3A_905 = arith.constant 2 : i32
          %ge3A_906 = vector.broadcast %ge3A_905 : i32 to vector<16xi32>
          %ge3A_907 = arith.cmpi sge, %iota3A_417, %ge3A_906 : vector<16xi32>
          %jit3A_908 = arith.constant 0 : i32
          %broadcast_in_dim3A_909 = vector.broadcast %jit3A_908 : i32 to vector<16xi32>
          %select_n3A_910 = arith.select %ge3A_907, %gather3A_904, %broadcast_in_dim3A_909 : vector<16xi1>, vector<16xi32>
          %add3A_911 = arith.addi %add3A_888, %select_n3A_910 : vector<16xi32>
          %sub3A_912 = arith.constant 4 : i32
          %sub3A_913 = vector.broadcast %sub3A_912 : i32 to vector<16xi32>
          %sub3A_914 = arith.subi %iota3A_417, %sub3A_913 : vector<16xi32>
          %max3A_915 = arith.constant 0 : i32
          %max3A_916 = vector.broadcast %max3A_915 : i32 to vector<16xi32>
          %max3A_917 = arith.maxsi %sub3A_914, %max3A_916 : vector<16xi32>
          %lt3A_918 = arith.constant 0 : i32
          %lt3A_919 = vector.broadcast %lt3A_918 : i32 to vector<16xi32>
          %lt3A_920 = arith.cmpi slt, %max3A_917, %lt3A_919 : vector<16xi32>
          %add3A_921 = arith.constant 16 : i32
          %add3A_922 = vector.broadcast %add3A_921 : i32 to vector<16xi32>
          %add3A_923 = arith.addi %max3A_917, %add3A_922 : vector<16xi32>
          %select_n3A_924 = arith.select %lt3A_920, %add3A_923, %max3A_917 : vector<16xi1>, vector<16xi32>
          %broadcast_in_dim3A_925 = vector.shape_cast %select_n3A_924 : vector<16xi32> to vector<16x1xi32>
          %gather3A_926 = vector.shape_cast %broadcast_in_dim3A_925 : vector<16x1xi32> to vector<16xi32>
          %gather3A_927 = tpu.dynamic_gather %add3A_911[%gather3A_926] in [0] : vector<16xi32>, vector<16xi32> -> vector<16xi32>
          %ge3A_928 = arith.constant 4 : i32
          %ge3A_929 = vector.broadcast %ge3A_928 : i32 to vector<16xi32>
          %ge3A_930 = arith.cmpi sge, %iota3A_417, %ge3A_929 : vector<16xi32>
          %jit3A_931 = arith.constant 0 : i32
          %broadcast_in_dim3A_932 = vector.broadcast %jit3A_931 : i32 to vector<16xi32>
          %select_n3A_933 = arith.select %ge3A_930, %gather3A_927, %broadcast_in_dim3A_932 : vector<16xi1>, vector<16xi32>
          %add3A_934 = arith.addi %add3A_911, %select_n3A_933 : vector<16xi32>
          %sub3A_935 = arith.constant 8 : i32
          %sub3A_936 = vector.broadcast %sub3A_935 : i32 to vector<16xi32>
          %sub3A_937 = arith.subi %iota3A_417, %sub3A_936 : vector<16xi32>
          %max3A_938 = arith.constant 0 : i32
          %max3A_939 = vector.broadcast %max3A_938 : i32 to vector<16xi32>
          %max3A_940 = arith.maxsi %sub3A_937, %max3A_939 : vector<16xi32>
          %lt3A_941 = arith.constant 0 : i32
          %lt3A_942 = vector.broadcast %lt3A_941 : i32 to vector<16xi32>
          %lt3A_943 = arith.cmpi slt, %max3A_940, %lt3A_942 : vector<16xi32>
          %add3A_944 = arith.constant 16 : i32
          %add3A_945 = vector.broadcast %add3A_944 : i32 to vector<16xi32>
          %add3A_946 = arith.addi %max3A_940, %add3A_945 : vector<16xi32>
          %select_n3A_947 = arith.select %lt3A_943, %add3A_946, %max3A_940 : vector<16xi1>, vector<16xi32>
          %broadcast_in_dim3A_948 = vector.shape_cast %select_n3A_947 : vector<16xi32> to vector<16x1xi32>
          %gather3A_949 = vector.shape_cast %broadcast_in_dim3A_948 : vector<16x1xi32> to vector<16xi32>
          %gather3A_950 = tpu.dynamic_gather %add3A_934[%gather3A_949] in [0] : vector<16xi32>, vector<16xi32> -> vector<16xi32>
          %ge3A_951 = arith.constant 8 : i32
          %ge3A_952 = vector.broadcast %ge3A_951 : i32 to vector<16xi32>
          %ge3A_953 = arith.cmpi sge, %iota3A_417, %ge3A_952 : vector<16xi32>
          %jit3A_954 = arith.constant 0 : i32
          %broadcast_in_dim3A_955 = vector.broadcast %jit3A_954 : i32 to vector<16xi32>
          %select_n3A_956 = arith.select %ge3A_953, %gather3A_950, %broadcast_in_dim3A_955 : vector<16xi1>, vector<16xi32>
          %add3A_957 = arith.addi %add3A_934, %select_n3A_956 : vector<16xi32>
          %slice3A = vector.extract_strided_slice %add3A_957 {offsets = [15], sizes = [1], strides = [1]} : vector<16xi32> to vector<1xi32>
          %squeeze3A = vector.extract %slice3A[0] : i32 from vector<1xi32>
          %broadcast_in_dim3A_958 = arith.constant 0 : i32
          %broadcast_in_dim3A_959 = vector.broadcast %broadcast_in_dim3A_958 : i32 to vector<16xi32>
          %add3A_960 = arith.constant 1 : i32
          %add3A_961 = vector.broadcast %add3A_960 : i32 to vector<16xi32>
          %add3A_962 = arith.addi %iota3A_417, %add3A_961 : vector<16xi32>
          %add3A_963 = arith.constant 8 : i32
          %add3A_964 = vector.broadcast %add3A_963 : i32 to vector<16xi32>
          %add3A_965 = arith.addi %broadcast_in_dim3A_959, %add3A_964 : vector<16xi32>
          %sub3A_966 = arith.constant 1 : i32
          %sub3A_967 = vector.broadcast %sub3A_966 : i32 to vector<16xi32>
          %sub3A_968 = arith.subi %add3A_965, %sub3A_967 : vector<16xi32>
          %lt3A_969 = arith.constant 0 : i32
          %lt3A_970 = vector.broadcast %lt3A_969 : i32 to vector<16xi32>
          %lt3A_971 = arith.cmpi slt, %sub3A_968, %lt3A_970 : vector<16xi32>
          %add3A_972 = arith.constant 16 : i32
          %add3A_973 = vector.broadcast %add3A_972 : i32 to vector<16xi32>
          %add3A_974 = arith.addi %sub3A_968, %add3A_973 : vector<16xi32>
          %select_n3A_975 = arith.select %lt3A_971, %add3A_974, %sub3A_968 : vector<16xi1>, vector<16xi32>
          %broadcast_in_dim3A_976 = vector.shape_cast %select_n3A_975 : vector<16xi32> to vector<16x1xi32>
          %gather3A_977 = vector.shape_cast %broadcast_in_dim3A_976 : vector<16x1xi32> to vector<16xi32>
          %gather3A_978 = tpu.dynamic_gather %add3A_957[%gather3A_977] in [0] : vector<16xi32>, vector<16xi32> -> vector<16xi32>
          %lt3A_979 = arith.cmpi slt, %gather3A_978, %add3A_962 : vector<16xi32>
          %select_n3A_980 = arith.select %lt3A_979, %add3A_965, %broadcast_in_dim3A_959 : vector<16xi1>, vector<16xi32>
          %add3A_981 = arith.constant 4 : i32
          %add3A_982 = vector.broadcast %add3A_981 : i32 to vector<16xi32>
          %add3A_983 = arith.addi %select_n3A_980, %add3A_982 : vector<16xi32>
          %sub3A_984 = arith.constant 1 : i32
          %sub3A_985 = vector.broadcast %sub3A_984 : i32 to vector<16xi32>
          %sub3A_986 = arith.subi %add3A_983, %sub3A_985 : vector<16xi32>
          %lt3A_987 = arith.constant 0 : i32
          %lt3A_988 = vector.broadcast %lt3A_987 : i32 to vector<16xi32>
          %lt3A_989 = arith.cmpi slt, %sub3A_986, %lt3A_988 : vector<16xi32>
          %add3A_990 = arith.constant 16 : i32
          %add3A_991 = vector.broadcast %add3A_990 : i32 to vector<16xi32>
          %add3A_992 = arith.addi %sub3A_986, %add3A_991 : vector<16xi32>
          %select_n3A_993 = arith.select %lt3A_989, %add3A_992, %sub3A_986 : vector<16xi1>, vector<16xi32>
          %broadcast_in_dim3A_994 = vector.shape_cast %select_n3A_993 : vector<16xi32> to vector<16x1xi32>
          %gather3A_995 = vector.shape_cast %broadcast_in_dim3A_994 : vector<16x1xi32> to vector<16xi32>
          %gather3A_996 = tpu.dynamic_gather %add3A_957[%gather3A_995] in [0] : vector<16xi32>, vector<16xi32> -> vector<16xi32>
          %lt3A_997 = arith.cmpi slt, %gather3A_996, %add3A_962 : vector<16xi32>
          %select_n3A_998 = arith.select %lt3A_997, %add3A_983, %select_n3A_980 : vector<16xi1>, vector<16xi32>
          %add3A_999 = arith.constant 2 : i32
          %add3A_1000 = vector.broadcast %add3A_999 : i32 to vector<16xi32>
          %add3A_1001 = arith.addi %select_n3A_998, %add3A_1000 : vector<16xi32>
          %sub3A_1002 = arith.constant 1 : i32
          %sub3A_1003 = vector.broadcast %sub3A_1002 : i32 to vector<16xi32>
          %sub3A_1004 = arith.subi %add3A_1001, %sub3A_1003 : vector<16xi32>
          %lt3A_1005 = arith.constant 0 : i32
          %lt3A_1006 = vector.broadcast %lt3A_1005 : i32 to vector<16xi32>
          %lt3A_1007 = arith.cmpi slt, %sub3A_1004, %lt3A_1006 : vector<16xi32>
          %add3A_1008 = arith.constant 16 : i32
          %add3A_1009 = vector.broadcast %add3A_1008 : i32 to vector<16xi32>
          %add3A_1010 = arith.addi %sub3A_1004, %add3A_1009 : vector<16xi32>
          %select_n3A_1011 = arith.select %lt3A_1007, %add3A_1010, %sub3A_1004 : vector<16xi1>, vector<16xi32>
          %broadcast_in_dim3A_1012 = vector.shape_cast %select_n3A_1011 : vector<16xi32> to vector<16x1xi32>
          %gather3A_1013 = vector.shape_cast %broadcast_in_dim3A_1012 : vector<16x1xi32> to vector<16xi32>
          %gather3A_1014 = tpu.dynamic_gather %add3A_957[%gather3A_1013] in [0] : vector<16xi32>, vector<16xi32> -> vector<16xi32>
          %lt3A_1015 = arith.cmpi slt, %gather3A_1014, %add3A_962 : vector<16xi32>
          %select_n3A_1016 = arith.select %lt3A_1015, %add3A_1001, %select_n3A_998 : vector<16xi1>, vector<16xi32>
          %add3A_1017 = arith.constant 1 : i32
          %add3A_1018 = vector.broadcast %add3A_1017 : i32 to vector<16xi32>
          %add3A_1019 = arith.addi %select_n3A_1016, %add3A_1018 : vector<16xi32>
          %sub3A_1020 = arith.constant 1 : i32
          %sub3A_1021 = vector.broadcast %sub3A_1020 : i32 to vector<16xi32>
          %sub3A_1022 = arith.subi %add3A_1019, %sub3A_1021 : vector<16xi32>
          %lt3A_1023 = arith.constant 0 : i32
          %lt3A_1024 = vector.broadcast %lt3A_1023 : i32 to vector<16xi32>
          %lt3A_1025 = arith.cmpi slt, %sub3A_1022, %lt3A_1024 : vector<16xi32>
          %add3A_1026 = arith.constant 16 : i32
          %add3A_1027 = vector.broadcast %add3A_1026 : i32 to vector<16xi32>
          %add3A_1028 = arith.addi %sub3A_1022, %add3A_1027 : vector<16xi32>
          %select_n3A_1029 = arith.select %lt3A_1025, %add3A_1028, %sub3A_1022 : vector<16xi1>, vector<16xi32>
          %broadcast_in_dim3A_1030 = vector.shape_cast %select_n3A_1029 : vector<16xi32> to vector<16x1xi32>
          %gather3A_1031 = vector.shape_cast %broadcast_in_dim3A_1030 : vector<16x1xi32> to vector<16xi32>
          %gather3A_1032 = tpu.dynamic_gather %add3A_957[%gather3A_1031] in [0] : vector<16xi32>, vector<16xi32> -> vector<16xi32>
          %lt3A_1033 = arith.cmpi slt, %gather3A_1032, %add3A_962 : vector<16xi32>
          %select_n3A_1034 = arith.select %lt3A_1033, %add3A_1019, %select_n3A_1016 : vector<16xi1>, vector<16xi32>
          %min3A = arith.constant 15 : i32
          %min3A_1035 = vector.broadcast %min3A : i32 to vector<16xi32>
          %min3A_1036 = arith.minsi %select_n3A_1034, %min3A_1035 : vector<16xi32>
          %sub3A_1037 = vector.broadcast %mul3A_28 : i32 to vector<16xi32>
          %sub3A_1038 = arith.subi %get3A_837, %sub3A_1037 : vector<16xi32>
          %lt3A_1039 = arith.constant 0 : i32
          %lt3A_1040 = vector.broadcast %lt3A_1039 : i32 to vector<16xi32>
          %lt3A_1041 = arith.cmpi slt, %min3A_1036, %lt3A_1040 : vector<16xi32>
          %add3A_1042 = arith.constant 16 : i32
          %add3A_1043 = vector.broadcast %add3A_1042 : i32 to vector<16xi32>
          %add3A_1044 = arith.addi %min3A_1036, %add3A_1043 : vector<16xi32>
          %select_n3A_1045 = arith.select %lt3A_1041, %add3A_1044, %min3A_1036 : vector<16xi1>, vector<16xi32>
          %broadcast_in_dim3A_1046 = vector.shape_cast %select_n3A_1045 : vector<16xi32> to vector<16x1xi32>
          %gather3A_1047 = vector.shape_cast %broadcast_in_dim3A_1046 : vector<16x1xi32> to vector<16xi32>
          %gather3A_1048 = tpu.dynamic_gather %sub3A_1038[%gather3A_1047] in [0] : vector<16xi32>, vector<16xi32> -> vector<16xi32>
          %swap3A_1049 = arith.index_cast %scan3A_832 : i32 to index
          %swap3A_1050 = tpu.vector_load %arg12[%swap3A_1049] {strides = array<i32>} : memref<1008xi32, #tpu.memory_space<vmem>>, vector<16xi32>,
          %swap3A_1051 = vector.shape_cast %swap3A_1050 : vector<16xi32> to vector<16xi32>
          %swap3A_1052 = vector.shape_cast %gather3A_1048 : vector<16xi32> to vector<16xi32>
          tpu.vector_store %arg12[%swap3A_1049], %swap3A_1052 {strides = array<i32>} : memref<1008xi32, #tpu.memory_space<vmem>>, vector<16xi32>,
          %mul3A_1053 = arith.constant 4 : i32
          %mul3A_1054 = vector.broadcast %mul3A_1053 : i32 to vector<16xi32>
          %mul3A_1055 = arith.muli %get3A_842, %mul3A_1054 : vector<16xi32>
          %add3A_1056 = vector.broadcast %select_n3A : i32 to vector<16xi32>
          %add3A_1057 = arith.addi %mul3A_1055, %add3A_1056 : vector<16xi32>
          %lt3A_1058 = arith.constant 0 : i32
          %lt3A_1059 = vector.broadcast %lt3A_1058 : i32 to vector<16xi32>
          %lt3A_1060 = arith.cmpi slt, %min3A_1036, %lt3A_1059 : vector<16xi32>
          %add3A_1061 = arith.constant 16 : i32
          %add3A_1062 = vector.broadcast %add3A_1061 : i32 to vector<16xi32>
          %add3A_1063 = arith.addi %min3A_1036, %add3A_1062 : vector<16xi32>
          %select_n3A_1064 = arith.select %lt3A_1060, %add3A_1063, %min3A_1036 : vector<16xi1>, vector<16xi32>
          %broadcast_in_dim3A_1065 = vector.shape_cast %select_n3A_1064 : vector<16xi32> to vector<16x1xi32>
          %gather3A_1066 = vector.shape_cast %broadcast_in_dim3A_1065 : vector<16x1xi32> to vector<16xi32>
          %gather3A_1067 = tpu.dynamic_gather %add3A_1057[%gather3A_1066] in [0] : vector<16xi32>, vector<16xi32> -> vector<16xi32>
          %swap3A_1068 = arith.index_cast %scan3A_832 : i32 to index
          %swap3A_1069 = tpu.vector_load %arg11[%swap3A_1068] {strides = array<i32>} : memref<1008xi32, #tpu.memory_space<vmem>>, vector<16xi32>,
          %swap3A_1070 = vector.shape_cast %swap3A_1069 : vector<16xi32> to vector<16xi32>
          %swap3A_1071 = vector.shape_cast %gather3A_1067 : vector<16xi32> to vector<16xi32>
          tpu.vector_store %arg11[%swap3A_1068], %swap3A_1071 {strides = array<i32>} : memref<1008xi32, #tpu.memory_space<vmem>>, vector<16xi32>,
          %add3A_1072 = arith.addi %scan3A_832, %squeeze3A : i32
          %ge3A_1073 = vector.broadcast %mul3A_28 : i32 to vector<16xi32>
          %ge3A_1074 = arith.cmpi sge, %get3A_849, %ge3A_1073 : vector<16xi32>
          %add3A_1075 = arith.constant 12544 : i32
          %add3A_1076 = arith.addi %mul3A_28, %add3A_1075 : i32
          %lt3A_1077 = vector.broadcast %add3A_1076 : i32 to vector<16xi32>
          %lt3A_1078 = arith.cmpi slt, %get3A_849, %lt3A_1077 : vector<16xi32>
          %and3A_1079 = arith.andi %ge3A_1074, %lt3A_1078 : vector<16xi1>
          %jit3A_1080 = arith.constant 1 : i32
          %jit3A_1081 = arith.constant 0 : i32
          %broadcast_in_dim3A_1082 = vector.broadcast %jit3A_1080 : i32 to vector<16xi32>
          %broadcast_in_dim3A_1083 = vector.broadcast %jit3A_1081 : i32 to vector<16xi32>
          %select_n3A_1084 = arith.select %and3A_1079, %broadcast_in_dim3A_1082, %broadcast_in_dim3A_1083 : vector<16xi1>, vector<16xi32>
          %sub3A_1085 = arith.constant 1 : i32
          %sub3A_1086 = vector.broadcast %sub3A_1085 : i32 to vector<16xi32>
          %sub3A_1087 = arith.subi %iota3A_417, %sub3A_1086 : vector<16xi32>
          %max3A_1088 = arith.constant 0 : i32
          %max3A_1089 = vector.broadcast %max3A_1088 : i32 to vector<16xi32>
          %max3A_1090 = arith.maxsi %sub3A_1087, %max3A_1089 : vector<16xi32>
          %lt3A_1091 = arith.constant 0 : i32
          %lt3A_1092 = vector.broadcast %lt3A_1091 : i32 to vector<16xi32>
          %lt3A_1093 = arith.cmpi slt, %max3A_1090, %lt3A_1092 : vector<16xi32>
          %add3A_1094 = arith.constant 16 : i32
          %add3A_1095 = vector.broadcast %add3A_1094 : i32 to vector<16xi32>
          %add3A_1096 = arith.addi %max3A_1090, %add3A_1095 : vector<16xi32>
          %select_n3A_1097 = arith.select %lt3A_1093, %add3A_1096, %max3A_1090 : vector<16xi1>, vector<16xi32>
          %broadcast_in_dim3A_1098 = vector.shape_cast %select_n3A_1097 : vector<16xi32> to vector<16x1xi32>
          %gather3A_1099 = vector.shape_cast %broadcast_in_dim3A_1098 : vector<16x1xi32> to vector<16xi32>
          %gather3A_1100 = tpu.dynamic_gather %select_n3A_1084[%gather3A_1099] in [0] : vector<16xi32>, vector<16xi32> -> vector<16xi32>
          %ge3A_1101 = arith.constant 1 : i32
          %ge3A_1102 = vector.broadcast %ge3A_1101 : i32 to vector<16xi32>
          %ge3A_1103 = arith.cmpi sge, %iota3A_417, %ge3A_1102 : vector<16xi32>
          %jit3A_1104 = arith.constant 0 : i32
          %broadcast_in_dim3A_1105 = vector.broadcast %jit3A_1104 : i32 to vector<16xi32>
          %select_n3A_1106 = arith.select %ge3A_1103, %gather3A_1100, %broadcast_in_dim3A_1105 : vector<16xi1>, vector<16xi32>
          %add3A_1107 = arith.addi %select_n3A_1084, %select_n3A_1106 : vector<16xi32>
          %sub3A_1108 = arith.constant 2 : i32
          %sub3A_1109 = vector.broadcast %sub3A_1108 : i32 to vector<16xi32>
          %sub3A_1110 = arith.subi %iota3A_417, %sub3A_1109 : vector<16xi32>
          %max3A_1111 = arith.constant 0 : i32
          %max3A_1112 = vector.broadcast %max3A_1111 : i32 to vector<16xi32>
          %max3A_1113 = arith.maxsi %sub3A_1110, %max3A_1112 : vector<16xi32>
          %lt3A_1114 = arith.constant 0 : i32
          %lt3A_1115 = vector.broadcast %lt3A_1114 : i32 to vector<16xi32>
          %lt3A_1116 = arith.cmpi slt, %max3A_1113, %lt3A_1115 : vector<16xi32>
          %add3A_1117 = arith.constant 16 : i32
          %add3A_1118 = vector.broadcast %add3A_1117 : i32 to vector<16xi32>
          %add3A_1119 = arith.addi %max3A_1113, %add3A_1118 : vector<16xi32>
          %select_n3A_1120 = arith.select %lt3A_1116, %add3A_1119, %max3A_1113 : vector<16xi1>, vector<16xi32>
          %broadcast_in_dim3A_1121 = vector.shape_cast %select_n3A_1120 : vector<16xi32> to vector<16x1xi32>
          %gather3A_1122 = vector.shape_cast %broadcast_in_dim3A_1121 : vector<16x1xi32> to vector<16xi32>
          %gather3A_1123 = tpu.dynamic_gather %add3A_1107[%gather3A_1122] in [0] : vector<16xi32>, vector<16xi32> -> vector<16xi32>
          %ge3A_1124 = arith.constant 2 : i32
          %ge3A_1125 = vector.broadcast %ge3A_1124 : i32 to vector<16xi32>
          %ge3A_1126 = arith.cmpi sge, %iota3A_417, %ge3A_1125 : vector<16xi32>
          %jit3A_1127 = arith.constant 0 : i32
          %broadcast_in_dim3A_1128 = vector.broadcast %jit3A_1127 : i32 to vector<16xi32>
          %select_n3A_1129 = arith.select %ge3A_1126, %gather3A_1123, %broadcast_in_dim3A_1128 : vector<16xi1>, vector<16xi32>
          %add3A_1130 = arith.addi %add3A_1107, %select_n3A_1129 : vector<16xi32>
          %sub3A_1131 = arith.constant 4 : i32
          %sub3A_1132 = vector.broadcast %sub3A_1131 : i32 to vector<16xi32>
          %sub3A_1133 = arith.subi %iota3A_417, %sub3A_1132 : vector<16xi32>
          %max3A_1134 = arith.constant 0 : i32
          %max3A_1135 = vector.broadcast %max3A_1134 : i32 to vector<16xi32>
          %max3A_1136 = arith.maxsi %sub3A_1133, %max3A_1135 : vector<16xi32>
          %lt3A_1137 = arith.constant 0 : i32
          %lt3A_1138 = vector.broadcast %lt3A_1137 : i32 to vector<16xi32>
          %lt3A_1139 = arith.cmpi slt, %max3A_1136, %lt3A_1138 : vector<16xi32>
          %add3A_1140 = arith.constant 16 : i32
          %add3A_1141 = vector.broadcast %add3A_1140 : i32 to vector<16xi32>
          %add3A_1142 = arith.addi %max3A_1136, %add3A_1141 : vector<16xi32>
          %select_n3A_1143 = arith.select %lt3A_1139, %add3A_1142, %max3A_1136 : vector<16xi1>, vector<16xi32>
          %broadcast_in_dim3A_1144 = vector.shape_cast %select_n3A_1143 : vector<16xi32> to vector<16x1xi32>
          %gather3A_1145 = vector.shape_cast %broadcast_in_dim3A_1144 : vector<16x1xi32> to vector<16xi32>
          %gather3A_1146 = tpu.dynamic_gather %add3A_1130[%gather3A_1145] in [0] : vector<16xi32>, vector<16xi32> -> vector<16xi32>
          %ge3A_1147 = arith.constant 4 : i32
          %ge3A_1148 = vector.broadcast %ge3A_1147 : i32 to vector<16xi32>
          %ge3A_1149 = arith.cmpi sge, %iota3A_417, %ge3A_1148 : vector<16xi32>
          %jit3A_1150 = arith.constant 0 : i32
          %broadcast_in_dim3A_1151 = vector.broadcast %jit3A_1150 : i32 to vector<16xi32>
          %select_n3A_1152 = arith.select %ge3A_1149, %gather3A_1146, %broadcast_in_dim3A_1151 : vector<16xi1>, vector<16xi32>
          %add3A_1153 = arith.addi %add3A_1130, %select_n3A_1152 : vector<16xi32>
          %sub3A_1154 = arith.constant 8 : i32
          %sub3A_1155 = vector.broadcast %sub3A_1154 : i32 to vector<16xi32>
          %sub3A_1156 = arith.subi %iota3A_417, %sub3A_1155 : vector<16xi32>
          %max3A_1157 = arith.constant 0 : i32
          %max3A_1158 = vector.broadcast %max3A_1157 : i32 to vector<16xi32>
          %max3A_1159 = arith.maxsi %sub3A_1156, %max3A_1158 : vector<16xi32>
          %lt3A_1160 = arith.constant 0 : i32
          %lt3A_1161 = vector.broadcast %lt3A_1160 : i32 to vector<16xi32>
          %lt3A_1162 = arith.cmpi slt, %max3A_1159, %lt3A_1161 : vector<16xi32>
          %add3A_1163 = arith.constant 16 : i32
          %add3A_1164 = vector.broadcast %add3A_1163 : i32 to vector<16xi32>
          %add3A_1165 = arith.addi %max3A_1159, %add3A_1164 : vector<16xi32>
          %select_n3A_1166 = arith.select %lt3A_1162, %add3A_1165, %max3A_1159 : vector<16xi1>, vector<16xi32>
          %broadcast_in_dim3A_1167 = vector.shape_cast %select_n3A_1166 : vector<16xi32> to vector<16x1xi32>
          %gather3A_1168 = vector.shape_cast %broadcast_in_dim3A_1167 : vector<16x1xi32> to vector<16xi32>
          %gather3A_1169 = tpu.dynamic_gather %add3A_1153[%gather3A_1168] in [0] : vector<16xi32>, vector<16xi32> -> vector<16xi32>
          %ge3A_1170 = arith.constant 8 : i32
          %ge3A_1171 = vector.broadcast %ge3A_1170 : i32 to vector<16xi32>
          %ge3A_1172 = arith.cmpi sge, %iota3A_417, %ge3A_1171 : vector<16xi32>
          %jit3A_1173 = arith.constant 0 : i32
          %broadcast_in_dim3A_1174 = vector.broadcast %jit3A_1173 : i32 to vector<16xi32>
          %select_n3A_1175 = arith.select %ge3A_1172, %gather3A_1169, %broadcast_in_dim3A_1174 : vector<16xi1>, vector<16xi32>
          %add3A_1176 = arith.addi %add3A_1153, %select_n3A_1175 : vector<16xi32>
          %slice3A_1177 = vector.extract_strided_slice %add3A_1176 {offsets = [15], sizes = [1], strides = [1]} : vector<16xi32> to vector<1xi32>
          %squeeze3A_1178 = vector.extract %slice3A_1177[0] : i32 from vector<1xi32>
          %broadcast_in_dim3A_1179 = arith.constant 0 : i32
          %broadcast_in_dim3A_1180 = vector.broadcast %broadcast_in_dim3A_1179 : i32 to vector<16xi32>
          %add3A_1181 = arith.constant 1 : i32
          %add3A_1182 = vector.broadcast %add3A_1181 : i32 to vector<16xi32>
          %add3A_1183 = arith.addi %iota3A_417, %add3A_1182 : vector<16xi32>
          %add3A_1184 = arith.constant 8 : i32
          %add3A_1185 = vector.broadcast %add3A_1184 : i32 to vector<16xi32>
          %add3A_1186 = arith.addi %broadcast_in_dim3A_1180, %add3A_1185 : vector<16xi32>
          %sub3A_1187 = arith.constant 1 : i32
          %sub3A_1188 = vector.broadcast %sub3A_1187 : i32 to vector<16xi32>
          %sub3A_1189 = arith.subi %add3A_1186, %sub3A_1188 : vector<16xi32>
          %lt3A_1190 = arith.constant 0 : i32
          %lt3A_1191 = vector.broadcast %lt3A_1190 : i32 to vector<16xi32>
          %lt3A_1192 = arith.cmpi slt, %sub3A_1189, %lt3A_1191 : vector<16xi32>
          %add3A_1193 = arith.constant 16 : i32
          %add3A_1194 = vector.broadcast %add3A_1193 : i32 to vector<16xi32>
          %add3A_1195 = arith.addi %sub3A_1189, %add3A_1194 : vector<16xi32>
          %select_n3A_1196 = arith.select %lt3A_1192, %add3A_1195, %sub3A_1189 : vector<16xi1>, vector<16xi32>
          %broadcast_in_dim3A_1197 = vector.shape_cast %select_n3A_1196 : vector<16xi32> to vector<16x1xi32>
          %gather3A_1198 = vector.shape_cast %broadcast_in_dim3A_1197 : vector<16x1xi32> to vector<16xi32>
          %gather3A_1199 = tpu.dynamic_gather %add3A_1176[%gather3A_1198] in [0] : vector<16xi32>, vector<16xi32> -> vector<16xi32>
          %lt3A_1200 = arith.cmpi slt, %gather3A_1199, %add3A_1183 : vector<16xi32>
          %select_n3A_1201 = arith.select %lt3A_1200, %add3A_1186, %broadcast_in_dim3A_1180 : vector<16xi1>, vector<16xi32>
          %add3A_1202 = arith.constant 4 : i32
          %add3A_1203 = vector.broadcast %add3A_1202 : i32 to vector<16xi32>
          %add3A_1204 = arith.addi %select_n3A_1201, %add3A_1203 : vector<16xi32>
          %sub3A_1205 = arith.constant 1 : i32
          %sub3A_1206 = vector.broadcast %sub3A_1205 : i32 to vector<16xi32>
          %sub3A_1207 = arith.subi %add3A_1204, %sub3A_1206 : vector<16xi32>
          %lt3A_1208 = arith.constant 0 : i32
          %lt3A_1209 = vector.broadcast %lt3A_1208 : i32 to vector<16xi32>
          %lt3A_1210 = arith.cmpi slt, %sub3A_1207, %lt3A_1209 : vector<16xi32>
          %add3A_1211 = arith.constant 16 : i32
          %add3A_1212 = vector.broadcast %add3A_1211 : i32 to vector<16xi32>
          %add3A_1213 = arith.addi %sub3A_1207, %add3A_1212 : vector<16xi32>
          %select_n3A_1214 = arith.select %lt3A_1210, %add3A_1213, %sub3A_1207 : vector<16xi1>, vector<16xi32>
          %broadcast_in_dim3A_1215 = vector.shape_cast %select_n3A_1214 : vector<16xi32> to vector<16x1xi32>
          %gather3A_1216 = vector.shape_cast %broadcast_in_dim3A_1215 : vector<16x1xi32> to vector<16xi32>
          %gather3A_1217 = tpu.dynamic_gather %add3A_1176[%gather3A_1216] in [0] : vector<16xi32>, vector<16xi32> -> vector<16xi32>
          %lt3A_1218 = arith.cmpi slt, %gather3A_1217, %add3A_1183 : vector<16xi32>
          %select_n3A_1219 = arith.select %lt3A_1218, %add3A_1204, %select_n3A_1201 : vector<16xi1>, vector<16xi32>
          %add3A_1220 = arith.constant 2 : i32
          %add3A_1221 = vector.broadcast %add3A_1220 : i32 to vector<16xi32>
          %add3A_1222 = arith.addi %select_n3A_1219, %add3A_1221 : vector<16xi32>
          %sub3A_1223 = arith.constant 1 : i32
          %sub3A_1224 = vector.broadcast %sub3A_1223 : i32 to vector<16xi32>
          %sub3A_1225 = arith.subi %add3A_1222, %sub3A_1224 : vector<16xi32>
          %lt3A_1226 = arith.constant 0 : i32
          %lt3A_1227 = vector.broadcast %lt3A_1226 : i32 to vector<16xi32>
          %lt3A_1228 = arith.cmpi slt, %sub3A_1225, %lt3A_1227 : vector<16xi32>
          %add3A_1229 = arith.constant 16 : i32
          %add3A_1230 = vector.broadcast %add3A_1229 : i32 to vector<16xi32>
          %add3A_1231 = arith.addi %sub3A_1225, %add3A_1230 : vector<16xi32>
          %select_n3A_1232 = arith.select %lt3A_1228, %add3A_1231, %sub3A_1225 : vector<16xi1>, vector<16xi32>
          %broadcast_in_dim3A_1233 = vector.shape_cast %select_n3A_1232 : vector<16xi32> to vector<16x1xi32>
          %gather3A_1234 = vector.shape_cast %broadcast_in_dim3A_1233 : vector<16x1xi32> to vector<16xi32>
          %gather3A_1235 = tpu.dynamic_gather %add3A_1176[%gather3A_1234] in [0] : vector<16xi32>, vector<16xi32> -> vector<16xi32>
          %lt3A_1236 = arith.cmpi slt, %gather3A_1235, %add3A_1183 : vector<16xi32>
          %select_n3A_1237 = arith.select %lt3A_1236, %add3A_1222, %select_n3A_1219 : vector<16xi1>, vector<16xi32>
          %add3A_1238 = arith.constant 1 : i32
          %add3A_1239 = vector.broadcast %add3A_1238 : i32 to vector<16xi32>
          %add3A_1240 = arith.addi %select_n3A_1237, %add3A_1239 : vector<16xi32>
          %sub3A_1241 = arith.constant 1 : i32
          %sub3A_1242 = vector.broadcast %sub3A_1241 : i32 to vector<16xi32>
          %sub3A_1243 = arith.subi %add3A_1240, %sub3A_1242 : vector<16xi32>
          %lt3A_1244 = arith.constant 0 : i32
          %lt3A_1245 = vector.broadcast %lt3A_1244 : i32 to vector<16xi32>
          %lt3A_1246 = arith.cmpi slt, %sub3A_1243, %lt3A_1245 : vector<16xi32>
          %add3A_1247 = arith.constant 16 : i32
          %add3A_1248 = vector.broadcast %add3A_1247 : i32 to vector<16xi32>
          %add3A_1249 = arith.addi %sub3A_1243, %add3A_1248 : vector<16xi32>
          %select_n3A_1250 = arith.select %lt3A_1246, %add3A_1249, %sub3A_1243 : vector<16xi1>, vector<16xi32>
          %broadcast_in_dim3A_1251 = vector.shape_cast %select_n3A_1250 : vector<16xi32> to vector<16x1xi32>
          %gather3A_1252 = vector.shape_cast %broadcast_in_dim3A_1251 : vector<16x1xi32> to vector<16xi32>
          %gather3A_1253 = tpu.dynamic_gather %add3A_1176[%gather3A_1252] in [0] : vector<16xi32>, vector<16xi32> -> vector<16xi32>
          %lt3A_1254 = arith.cmpi slt, %gather3A_1253, %add3A_1183 : vector<16xi32>
          %select_n3A_1255 = arith.select %lt3A_1254, %add3A_1240, %select_n3A_1237 : vector<16xi1>, vector<16xi32>
          %min3A_1256 = arith.constant 15 : i32
          %min3A_1257 = vector.broadcast %min3A_1256 : i32 to vector<16xi32>
          %min3A_1258 = arith.minsi %select_n3A_1255, %min3A_1257 : vector<16xi32>
          %sub3A_1259 = vector.broadcast %mul3A_28 : i32 to vector<16xi32>
          %sub3A_1260 = arith.subi %get3A_849, %sub3A_1259 : vector<16xi32>
          %lt3A_1261 = arith.constant 0 : i32
          %lt3A_1262 = vector.broadcast %lt3A_1261 : i32 to vector<16xi32>
          %lt3A_1263 = arith.cmpi slt, %min3A_1258, %lt3A_1262 : vector<16xi32>
          %add3A_1264 = arith.constant 16 : i32
          %add3A_1265 = vector.broadcast %add3A_1264 : i32 to vector<16xi32>
          %add3A_1266 = arith.addi %min3A_1258, %add3A_1265 : vector<16xi32>
          %select_n3A_1267 = arith.select %lt3A_1263, %add3A_1266, %min3A_1258 : vector<16xi1>, vector<16xi32>
          %broadcast_in_dim3A_1268 = vector.shape_cast %select_n3A_1267 : vector<16xi32> to vector<16x1xi32>
          %gather3A_1269 = vector.shape_cast %broadcast_in_dim3A_1268 : vector<16x1xi32> to vector<16xi32>
          %gather3A_1270 = tpu.dynamic_gather %sub3A_1260[%gather3A_1269] in [0] : vector<16xi32>, vector<16xi32> -> vector<16xi32>
          %swap3A_1271 = arith.index_cast %add3A_1072 : i32 to index
          %swap3A_1272 = tpu.vector_load %arg12[%swap3A_1271] {strides = array<i32>} : memref<1008xi32, #tpu.memory_space<vmem>>, vector<16xi32>,
          %swap3A_1273 = vector.shape_cast %swap3A_1272 : vector<16xi32> to vector<16xi32>
          %swap3A_1274 = vector.shape_cast %gather3A_1270 : vector<16xi32> to vector<16xi32>
          tpu.vector_store %arg12[%swap3A_1271], %swap3A_1274 {strides = array<i32>} : memref<1008xi32, #tpu.memory_space<vmem>>, vector<16xi32>,
          %mul3A_1275 = arith.constant 4 : i32
          %mul3A_1276 = vector.broadcast %mul3A_1275 : i32 to vector<16xi32>
          %mul3A_1277 = arith.muli %get3A_856, %mul3A_1276 : vector<16xi32>
          %add3A_1278 = vector.broadcast %select_n3A : i32 to vector<16xi32>
          %add3A_1279 = arith.addi %mul3A_1277, %add3A_1278 : vector<16xi32>
          %lt3A_1280 = arith.constant 0 : i32
          %lt3A_1281 = vector.broadcast %lt3A_1280 : i32 to vector<16xi32>
          %lt3A_1282 = arith.cmpi slt, %min3A_1258, %lt3A_1281 : vector<16xi32>
          %add3A_1283 = arith.constant 16 : i32
          %add3A_1284 = vector.broadcast %add3A_1283 : i32 to vector<16xi32>
          %add3A_1285 = arith.addi %min3A_1258, %add3A_1284 : vector<16xi32>
          %select_n3A_1286 = arith.select %lt3A_1282, %add3A_1285, %min3A_1258 : vector<16xi1>, vector<16xi32>
          %broadcast_in_dim3A_1287 = vector.shape_cast %select_n3A_1286 : vector<16xi32> to vector<16x1xi32>
          %gather3A_1288 = vector.shape_cast %broadcast_in_dim3A_1287 : vector<16x1xi32> to vector<16xi32>
          %gather3A_1289 = tpu.dynamic_gather %add3A_1279[%gather3A_1288] in [0] : vector<16xi32>, vector<16xi32> -> vector<16xi32>
          %swap3A_1290 = arith.index_cast %add3A_1072 : i32 to index
          %swap3A_1291 = tpu.vector_load %arg11[%swap3A_1290] {strides = array<i32>} : memref<1008xi32, #tpu.memory_space<vmem>>, vector<16xi32>,
          %swap3A_1292 = vector.shape_cast %swap3A_1291 : vector<16xi32> to vector<16xi32>
          %swap3A_1293 = vector.shape_cast %gather3A_1289 : vector<16xi32> to vector<16xi32>
          tpu.vector_store %arg11[%swap3A_1290], %swap3A_1293 {strides = array<i32>} : memref<1008xi32, #tpu.memory_space<vmem>>, vector<16xi32>,
          %add3A_1294 = arith.addi %add3A_1072, %squeeze3A_1178 : i32
          scf.yield %add3A_1294 : i32
        }
        %scan3A_423 = arith.constant 25 : i32
        %jit3A_424 = arith.constant 128 : i32
        %div3A_425 = arith.divsi %scan3A_422, %jit3A_424 : i32
        %sign3A_426 = arith.constant 0 : i32
        %sign3A_427 = arith.cmpi sgt, %scan3A_422, %sign3A_426 : i32
        %sign3A_428 = arith.extui %sign3A_427 : i1 to i32
        %sign3A_429 = arith.constant 0 : i32
        %sign3A_430 = arith.cmpi slt, %scan3A_422, %sign3A_429 : i32
        %sign3A_431 = arith.extui %sign3A_430 : i1 to i32
        %sign3A_432 = arith.subi %sign3A_428, %sign3A_431 : i32
        %sign3A_433 = arith.constant 0 : i32
        %sign3A_434 = arith.cmpi sgt, %jit3A_424, %sign3A_433 : i32
        %sign3A_435 = arith.extui %sign3A_434 : i1 to i32
        %sign3A_436 = arith.constant 0 : i32
        %sign3A_437 = arith.cmpi slt, %jit3A_424, %sign3A_436 : i32
        %sign3A_438 = arith.extui %sign3A_437 : i1 to i32
        %sign3A_439 = arith.subi %sign3A_435, %sign3A_438 : i32
        %ne3A_440 = arith.cmpi ne, %sign3A_432, %sign3A_439 : i32
        %rem3A_441 = arith.remsi %scan3A_422, %jit3A_424 : i32
        %ne3A_442 = arith.constant 0 : i32
        %ne3A_443 = arith.cmpi ne, %rem3A_441, %ne3A_442 : i32
        %and3A_444 = arith.andi %ne3A_440, %ne3A_443 : i1
        %sub3A_445 = arith.constant 1 : i32
        %sub3A_446 = arith.subi %div3A_425, %sub3A_445 : i32
        %select_n3A_447 = arith.select %and3A_444, %sub3A_446, %div3A_425 : i32
        %mul3A_448 = arith.constant 2 : i32
        %mul3A_449 = arith.muli %mul3A_448, %select_n3A_447 : i32
        %ge3A_450 = arith.constant 1 : i32
        %ge3A_451 = arith.cmpi sge, %select_n3A_447, %ge3A_450 : i32
        %convert_element_type3A_452 = arith.extui %ge3A_451 : i1 to i32
        %cond3A_453 = arith.constant 0 : i32
        %cond3A_454 = arith.cmpi ne, %convert_element_type3A_452, %cond3A_453 : i32
        scf.if %cond3A_454 {
          %dma_start3A_831 = arith.constant 0 : i32
          %dma_start3A_832 = tpu.memref_slice %arg11[%dma_start3A_831] : memref<1008xi32, #tpu.memory_space<vmem>> -> memref<64xi32, #tpu.memory_space<vmem>>
          %dma_start3A_833 = arith.constant 0 : i32
          %dma_start3A_834 = arith.constant 0 : i32
          %dma_start3A_835 = tpu.memref_slice %arg2[%dma_start3A_833, %dma_start3A_834] : memref<400000x128xf32, #tpu.memory_space<hbm>> -> memref<400000x128xf32, #tpu.memory_space<hbm>>
          tpu.enqueue_indirect_dma source(%dma_start3A_835 : memref<400000x128xf32, #tpu.memory_space<hbm>>) target(%arg15 : memref<64x128xf32, #tpu.memory_space<vmem>>) offsets(%dma_start3A_832 : memref<64xi32, #tpu.memory_space<vmem>>) semaphore(%arg20 : memref<!tpu.dma_semaphore, #tpu.memory_space<semaphore_mem>>)
        } else {
        }
        %while3A_455 = arith.constant 0 : i32
        %while3A_456 = arith.constant 0 : i32
        %while3A_457 = arith.subi %select_n3A_447, %while3A_455 : i32
        %while3A_458 = arith.addi %while3A_455, %while3A_457 : i32
        %while3A_459 = arith.constant 1 : i32
        %while3A_460 = arith.divsi %while3A_457, %while3A_459 : i32
        %while3A_461 = arith.muli %while3A_460, %while3A_459 : i32
        %while3A_462 = arith.addi %while3A_455, %while3A_461 : i32
        %while3A_463 = arith.constant 1 : i32
        %while3A_464 = scf.for %while3A_831 = %while3A_455 to %while3A_462 step %while3A_463 iter_args(%while3A_832 = %while3A_456) -> (i32)  : i32 {
          %ge3A_833 = arith.constant 1 : i32
          %ge3A_834 = arith.cmpi sge, %while3A_831, %ge3A_833 : i32
          %convert_element_type3A_835 = arith.extui %ge3A_834 : i1 to i32
          %cond3A_836 = arith.constant 0 : i32
          %cond3A_837 = arith.cmpi ne, %convert_element_type3A_835, %cond3A_836 : i32
          scf.if %cond3A_837 {
            %dma_wait3A_990 = arith.constant 0 : i32
            %dma_wait3A_991 = arith.constant 0 : i32
            %dma_wait3A_992 = tpu.memref_slice %arg17[%dma_wait3A_990, %dma_wait3A_991] : memref<12552x128xf32, #tpu.memory_space<vmem_shared>> -> memref<12552x128xf32, #tpu.memory_space<vmem_shared>>
            tpu.wait_indirect_dma semaphore(%arg23 : memref<!tpu.dma_semaphore, #tpu.memory_space<semaphore_mem>>) src(%arg16 : memref<64x128xf32, #tpu.memory_space<vmem>>) dst(%dma_wait3A_992 : memref<12552x128xf32, #tpu.memory_space<vmem_shared>>)
          } else {
          }
          %mul3A_838 = arith.constant 2 : i32
          %mul3A_839 = arith.muli %mul3A_838, %while3A_831 : i32
          %mul3A_840 = arith.constant 64 : i32
          %mul3A_841 = arith.muli %mul3A_839, %mul3A_840 : i32
          %add3A_842 = arith.constant 64 : i32
          %add3A_843 = arith.addi %mul3A_841, %add3A_842 : i32
          %dma_start3A_844 = tpu.memref_slice %arg11[%add3A_843] : memref<1008xi32, #tpu.memory_space<vmem>> -> memref<64xi32, #tpu.memory_space<vmem>>
          %dma_start3A_845 = arith.constant 0 : i32
          %dma_start3A_846 = arith.constant 0 : i32
          %dma_start3A_847 = tpu.memref_slice %arg2[%dma_start3A_845, %dma_start3A_846] : memref<400000x128xf32, #tpu.memory_space<hbm>> -> memref<400000x128xf32, #tpu.memory_space<hbm>>
          tpu.enqueue_indirect_dma source(%dma_start3A_847 : memref<400000x128xf32, #tpu.memory_space<hbm>>) target(%arg16 : memref<64x128xf32, #tpu.memory_space<vmem>>) offsets(%dma_start3A_844 : memref<64xi32, #tpu.memory_space<vmem>>) semaphore(%arg21 : memref<!tpu.dma_semaphore, #tpu.memory_space<semaphore_mem>>)
          %mul3A_848 = arith.constant 2 : i32
          %mul3A_849 = arith.muli %mul3A_848, %while3A_831 : i32
          %mul3A_850 = arith.constant 64 : i32
          %mul3A_851 = arith.muli %mul3A_849, %mul3A_850 : i32
          %dma_wait3A_852 = tpu.memref_slice %arg11[%mul3A_851] : memref<1008xi32, #tpu.memory_space<vmem>> -> memref<64xi32, #tpu.memory_space<vmem>>
          %dma_wait3A_853 = arith.constant 0 : i32
          %dma_wait3A_854 = arith.constant 0 : i32
          %dma_wait3A_855 = tpu.memref_slice %arg2[%dma_wait3A_853, %dma_wait3A_854] : memref<400000x128xf32, #tpu.memory_space<hbm>> -> memref<400000x128xf32, #tpu.memory_space<hbm>>
          tpu.wait_indirect_dma semaphore(%arg20 : memref<!tpu.dma_semaphore, #tpu.memory_space<semaphore_mem>>) src(%dma_wait3A_855 : memref<400000x128xf32, #tpu.memory_space<hbm>>) dst(%arg15 : memref<64x128xf32, #tpu.memory_space<vmem>>)
          %mul3A_856 = arith.constant 2 : i32
          %mul3A_857 = arith.muli %mul3A_856, %while3A_831 : i32
          %mul3A_858 = arith.constant 64 : i32
          %mul3A_859 = arith.muli %mul3A_857, %mul3A_858 : i32
          %add3A_860 = arith.constant 0 : i32
          %add3A_861 = arith.addi %mul3A_859, %add3A_860 : i32
          %get3A_862 = arith.index_cast %add3A_861 : i32 to index
          %get3A_863 = tpu.vector_load %arg12[%get3A_862] {strides = array<i32>} : memref<1008xi32, #tpu.memory_space<vmem>>, vector<16xi32>,
          %get3A_864 = vector.shape_cast %get3A_863 : vector<16xi32> to vector<16xi32>
          %swap3A_865 = arith.constant 0 : index
          %swap3A_866 = tpu.vector_load %arg13[%swap3A_865] {strides = array<i32>} : memref<64xi32, #tpu.memory_space<vmem>>, vector<16xi32>,
          %swap3A_867 = vector.shape_cast %swap3A_866 : vector<16xi32> to vector<16xi32>
          %swap3A_868 = vector.shape_cast %get3A_864 : vector<16xi32> to vector<16xi32>
          tpu.vector_store %arg13[%swap3A_865], %swap3A_868 {strides = array<i32>} : memref<64xi32, #tpu.memory_space<vmem>>, vector<16xi32>,
          %mul3A_869 = arith.constant 2 : i32
          %mul3A_870 = arith.muli %mul3A_869, %while3A_831 : i32
          %mul3A_871 = arith.constant 64 : i32
          %mul3A_872 = arith.muli %mul3A_870, %mul3A_871 : i32
          %add3A_873 = arith.constant 16 : i32
          %add3A_874 = arith.addi %mul3A_872, %add3A_873 : i32
          %get3A_875 = arith.index_cast %add3A_874 : i32 to index
          %get3A_876 = tpu.vector_load %arg12[%get3A_875] {strides = array<i32>} : memref<1008xi32, #tpu.memory_space<vmem>>, vector<16xi32>,
          %get3A_877 = vector.shape_cast %get3A_876 : vector<16xi32> to vector<16xi32>
          %swap3A_878 = arith.constant 16 : index
          %swap3A_879 = tpu.vector_load %arg13[%swap3A_878] {strides = array<i32>} : memref<64xi32, #tpu.memory_space<vmem>>, vector<16xi32>,
          %swap3A_880 = vector.shape_cast %swap3A_879 : vector<16xi32> to vector<16xi32>
          %swap3A_881 = vector.shape_cast %get3A_877 : vector<16xi32> to vector<16xi32>
          tpu.vector_store %arg13[%swap3A_878], %swap3A_881 {strides = array<i32>} : memref<64xi32, #tpu.memory_space<vmem>>, vector<16xi32>,
          %mul3A_882 = arith.constant 2 : i32
          %mul3A_883 = arith.muli %mul3A_882, %while3A_831 : i32
          %mul3A_884 = arith.constant 64 : i32
          %mul3A_885 = arith.muli %mul3A_883, %mul3A_884 : i32
          %add3A_886 = arith.constant 32 : i32
          %add3A_887 = arith.addi %mul3A_885, %add3A_886 : i32
          %get3A_888 = arith.index_cast %add3A_887 : i32 to index
          %get3A_889 = tpu.vector_load %arg12[%get3A_888] {strides = array<i32>} : memref<1008xi32, #tpu.memory_space<vmem>>, vector<16xi32>,
          %get3A_890 = vector.shape_cast %get3A_889 : vector<16xi32> to vector<16xi32>
          %swap3A_891 = arith.constant 32 : index
          %swap3A_892 = tpu.vector_load %arg13[%swap3A_891] {strides = array<i32>} : memref<64xi32, #tpu.memory_space<vmem>>, vector<16xi32>,
          %swap3A_893 = vector.shape_cast %swap3A_892 : vector<16xi32> to vector<16xi32>
          %swap3A_894 = vector.shape_cast %get3A_890 : vector<16xi32> to vector<16xi32>
          tpu.vector_store %arg13[%swap3A_891], %swap3A_894 {strides = array<i32>} : memref<64xi32, #tpu.memory_space<vmem>>, vector<16xi32>,
          %mul3A_895 = arith.constant 2 : i32
          %mul3A_896 = arith.muli %mul3A_895, %while3A_831 : i32
          %mul3A_897 = arith.constant 64 : i32
          %mul3A_898 = arith.muli %mul3A_896, %mul3A_897 : i32
          %add3A_899 = arith.constant 48 : i32
          %add3A_900 = arith.addi %mul3A_898, %add3A_899 : i32
          %get3A_901 = arith.index_cast %add3A_900 : i32 to index
          %get3A_902 = tpu.vector_load %arg12[%get3A_901] {strides = array<i32>} : memref<1008xi32, #tpu.memory_space<vmem>>, vector<16xi32>,
          %get3A_903 = vector.shape_cast %get3A_902 : vector<16xi32> to vector<16xi32>
          %swap3A_904 = arith.constant 48 : index
          %swap3A_905 = tpu.vector_load %arg13[%swap3A_904] {strides = array<i32>} : memref<64xi32, #tpu.memory_space<vmem>>, vector<16xi32>,
          %swap3A_906 = vector.shape_cast %swap3A_905 : vector<16xi32> to vector<16xi32>
          %swap3A_907 = vector.shape_cast %get3A_903 : vector<16xi32> to vector<16xi32>
          tpu.vector_store %arg13[%swap3A_904], %swap3A_907 {strides = array<i32>} : memref<64xi32, #tpu.memory_space<vmem>>, vector<16xi32>,
          %dma_start3A_908 = arith.constant 0 : i32
          %dma_start3A_909 = arith.constant 0 : i32
          %dma_start3A_910 = tpu.memref_slice %arg17[%dma_start3A_908, %dma_start3A_909] : memref<12552x128xf32, #tpu.memory_space<vmem_shared>> -> memref<12552x128xf32, #tpu.memory_space<vmem_shared>>
          tpu.enqueue_indirect_dma source(%arg15 : memref<64x128xf32, #tpu.memory_space<vmem>>) target(%dma_start3A_910 : memref<12552x128xf32, #tpu.memory_space<vmem_shared>>) offsets(%arg13 : memref<64xi32, #tpu.memory_space<vmem>>) semaphore(%arg22 : memref<!tpu.dma_semaphore, #tpu.memory_space<semaphore_mem>>) {add = true}
          %add3A_911 = arith.constant 1 : i32
          %add3A_912 = arith.addi %while3A_831, %add3A_911 : i32
          %lt3A = arith.cmpi slt, %add3A_912, %select_n3A_447 : i32
          %convert_element_type3A_913 = arith.extui %lt3A : i1 to i32
          %cond3A_914 = arith.constant 0 : i32
          %cond3A_915 = arith.cmpi ne, %convert_element_type3A_913, %cond3A_914 : i32
          scf.if %cond3A_915 {
            %dma_wait3A_990 = arith.constant 0 : i32
            %dma_wait3A_991 = arith.constant 0 : i32
            %dma_wait3A_992 = tpu.memref_slice %arg17[%dma_wait3A_990, %dma_wait3A_991] : memref<12552x128xf32, #tpu.memory_space<vmem_shared>> -> memref<12552x128xf32, #tpu.memory_space<vmem_shared>>
            tpu.wait_indirect_dma semaphore(%arg22 : memref<!tpu.dma_semaphore, #tpu.memory_space<semaphore_mem>>) src(%arg15 : memref<64x128xf32, #tpu.memory_space<vmem>>) dst(%dma_wait3A_992 : memref<12552x128xf32, #tpu.memory_space<vmem_shared>>)
            %mul3A_993 = arith.constant 2 : i32
            %mul3A_994 = arith.muli %mul3A_993, %while3A_831 : i32
            %mul3A_995 = arith.constant 64 : i32
            %mul3A_996 = arith.muli %mul3A_994, %mul3A_995 : i32
            %add3A_997 = arith.constant 128 : i32
            %add3A_998 = arith.addi %mul3A_996, %add3A_997 : i32
            %dma_start3A_999 = tpu.memref_slice %arg11[%add3A_998] : memref<1008xi32, #tpu.memory_space<vmem>> -> memref<64xi32, #tpu.memory_space<vmem>>
            %dma_start3A_1000 = arith.constant 0 : i32
            %dma_start3A_1001 = arith.constant 0 : i32
            %dma_start3A_1002 = tpu.memref_slice %arg2[%dma_start3A_1000, %dma_start3A_1001] : memref<400000x128xf32, #tpu.memory_space<hbm>> -> memref<400000x128xf32, #tpu.memory_space<hbm>>
            tpu.enqueue_indirect_dma source(%dma_start3A_1002 : memref<400000x128xf32, #tpu.memory_space<hbm>>) target(%arg15 : memref<64x128xf32, #tpu.memory_space<vmem>>) offsets(%dma_start3A_999 : memref<64xi32, #tpu.memory_space<vmem>>) semaphore(%arg20 : memref<!tpu.dma_semaphore, #tpu.memory_space<semaphore_mem>>)
          } else {
          }
          %mul3A_916 = arith.constant 2 : i32
          %mul3A_917 = arith.muli %mul3A_916, %while3A_831 : i32
          %mul3A_918 = arith.constant 64 : i32
          %mul3A_919 = arith.muli %mul3A_917, %mul3A_918 : i32
          %add3A_920 = arith.constant 64 : i32
          %add3A_921 = arith.addi %mul3A_919, %add3A_920 : i32
          %dma_wait3A_922 = tpu.memref_slice %arg11[%add3A_921] : memref<1008xi32, #tpu.memory_space<vmem>> -> memref<64xi32, #tpu.memory_space<vmem>>
          %dma_wait3A_923 = arith.constant 0 : i32
          %dma_wait3A_924 = arith.constant 0 : i32
          %dma_wait3A_925 = tpu.memref_slice %arg2[%dma_wait3A_923, %dma_wait3A_924] : memref<400000x128xf32, #tpu.memory_space<hbm>> -> memref<400000x128xf32, #tpu.memory_space<hbm>>
          tpu.wait_indirect_dma semaphore(%arg21 : memref<!tpu.dma_semaphore, #tpu.memory_space<semaphore_mem>>) src(%dma_wait3A_925 : memref<400000x128xf32, #tpu.memory_space<hbm>>) dst(%arg16 : memref<64x128xf32, #tpu.memory_space<vmem>>)
          %mul3A_926 = arith.constant 2 : i32
          %mul3A_927 = arith.muli %mul3A_926, %while3A_831 : i32
          %mul3A_928 = arith.constant 64 : i32
          %mul3A_929 = arith.muli %mul3A_927, %mul3A_928 : i32
          %add3A_930 = arith.constant 64 : i32
          %add3A_931 = arith.addi %mul3A_929, %add3A_930 : i32
          %add3A_932 = arith.constant 0 : i32
          %add3A_933 = arith.addi %add3A_931, %add3A_932 : i32
          %get3A_934 = arith.index_cast %add3A_933 : i32 to index
          %get3A_935 = tpu.vector_load %arg12[%get3A_934] {strides = array<i32>} : memref<1008xi32, #tpu.memory_space<vmem>>, vector<16xi32>,
          %get3A_936 = vector.shape_cast %get3A_935 : vector<16xi32> to vector<16xi32>
          %swap3A_937 = arith.constant 0 : index
          %swap3A_938 = tpu.vector_load %arg14[%swap3A_937] {strides = array<i32>} : memref<64xi32, #tpu.memory_space<vmem>>, vector<16xi32>,
          %swap3A_939 = vector.shape_cast %swap3A_938 : vector<16xi32> to vector<16xi32>
          %swap3A_940 = vector.shape_cast %get3A_936 : vector<16xi32> to vector<16xi32>
          tpu.vector_store %arg14[%swap3A_937], %swap3A_940 {strides = array<i32>} : memref<64xi32, #tpu.memory_space<vmem>>, vector<16xi32>,
          %mul3A_941 = arith.constant 2 : i32
          %mul3A_942 = arith.muli %mul3A_941, %while3A_831 : i32
          %mul3A_943 = arith.constant 64 : i32
          %mul3A_944 = arith.muli %mul3A_942, %mul3A_943 : i32
          %add3A_945 = arith.constant 64 : i32
          %add3A_946 = arith.addi %mul3A_944, %add3A_945 : i32
          %add3A_947 = arith.constant 16 : i32
          %add3A_948 = arith.addi %add3A_946, %add3A_947 : i32
          %get3A_949 = arith.index_cast %add3A_948 : i32 to index
          %get3A_950 = tpu.vector_load %arg12[%get3A_949] {strides = array<i32>} : memref<1008xi32, #tpu.memory_space<vmem>>, vector<16xi32>,
          %get3A_951 = vector.shape_cast %get3A_950 : vector<16xi32> to vector<16xi32>
          %swap3A_952 = arith.constant 16 : index
          %swap3A_953 = tpu.vector_load %arg14[%swap3A_952] {strides = array<i32>} : memref<64xi32, #tpu.memory_space<vmem>>, vector<16xi32>,
          %swap3A_954 = vector.shape_cast %swap3A_953 : vector<16xi32> to vector<16xi32>
          %swap3A_955 = vector.shape_cast %get3A_951 : vector<16xi32> to vector<16xi32>
          tpu.vector_store %arg14[%swap3A_952], %swap3A_955 {strides = array<i32>} : memref<64xi32, #tpu.memory_space<vmem>>, vector<16xi32>,
          %mul3A_956 = arith.constant 2 : i32
          %mul3A_957 = arith.muli %mul3A_956, %while3A_831 : i32
          %mul3A_958 = arith.constant 64 : i32
          %mul3A_959 = arith.muli %mul3A_957, %mul3A_958 : i32
          %add3A_960 = arith.constant 64 : i32
          %add3A_961 = arith.addi %mul3A_959, %add3A_960 : i32
          %add3A_962 = arith.constant 32 : i32
          %add3A_963 = arith.addi %add3A_961, %add3A_962 : i32
          %get3A_964 = arith.index_cast %add3A_963 : i32 to index
          %get3A_965 = tpu.vector_load %arg12[%get3A_964] {strides = array<i32>} : memref<1008xi32, #tpu.memory_space<vmem>>, vector<16xi32>,
          %get3A_966 = vector.shape_cast %get3A_965 : vector<16xi32> to vector<16xi32>
          %swap3A_967 = arith.constant 32 : index
          %swap3A_968 = tpu.vector_load %arg14[%swap3A_967] {strides = array<i32>} : memref<64xi32, #tpu.memory_space<vmem>>, vector<16xi32>,
          %swap3A_969 = vector.shape_cast %swap3A_968 : vector<16xi32> to vector<16xi32>
          %swap3A_970 = vector.shape_cast %get3A_966 : vector<16xi32> to vector<16xi32>
          tpu.vector_store %arg14[%swap3A_967], %swap3A_970 {strides = array<i32>} : memref<64xi32, #tpu.memory_space<vmem>>, vector<16xi32>,
          %mul3A_971 = arith.constant 2 : i32
          %mul3A_972 = arith.muli %mul3A_971, %while3A_831 : i32
          %mul3A_973 = arith.constant 64 : i32
          %mul3A_974 = arith.muli %mul3A_972, %mul3A_973 : i32
          %add3A_975 = arith.constant 64 : i32
          %add3A_976 = arith.addi %mul3A_974, %add3A_975 : i32
          %add3A_977 = arith.constant 48 : i32
          %add3A_978 = arith.addi %add3A_976, %add3A_977 : i32
          %get3A_979 = arith.index_cast %add3A_978 : i32 to index
          %get3A_980 = tpu.vector_load %arg12[%get3A_979] {strides = array<i32>} : memref<1008xi32, #tpu.memory_space<vmem>>, vector<16xi32>,
          %get3A_981 = vector.shape_cast %get3A_980 : vector<16xi32> to vector<16xi32>
          %swap3A_982 = arith.constant 48 : index
          %swap3A_983 = tpu.vector_load %arg14[%swap3A_982] {strides = array<i32>} : memref<64xi32, #tpu.memory_space<vmem>>, vector<16xi32>,
          %swap3A_984 = vector.shape_cast %swap3A_983 : vector<16xi32> to vector<16xi32>
          %swap3A_985 = vector.shape_cast %get3A_981 : vector<16xi32> to vector<16xi32>
          tpu.vector_store %arg14[%swap3A_982], %swap3A_985 {strides = array<i32>} : memref<64xi32, #tpu.memory_space<vmem>>, vector<16xi32>,
          %dma_start3A_986 = arith.constant 0 : i32
          %dma_start3A_987 = arith.constant 0 : i32
          %dma_start3A_988 = tpu.memref_slice %arg17[%dma_start3A_986, %dma_start3A_987] : memref<12552x128xf32, #tpu.memory_space<vmem_shared>> -> memref<12552x128xf32, #tpu.memory_space<vmem_shared>>
          tpu.enqueue_indirect_dma source(%arg16 : memref<64x128xf32, #tpu.memory_space<vmem>>) target(%dma_start3A_988 : memref<12552x128xf32, #tpu.memory_space<vmem_shared>>) offsets(%arg14 : memref<64xi32, #tpu.memory_space<vmem>>) semaphore(%arg23 : memref<!tpu.dma_semaphore, #tpu.memory_space<semaphore_mem>>) {add = true}
          %while3A_989 = arith.constant 0 : i32
          scf.yield %while3A_989 : i32
        }
        %while3A_465 = arith.constant 1 : i32
        %while3A_466 = scf.for %while3A_831 = %while3A_462 to %while3A_458 step %while3A_465 iter_args(%while3A_832 = %while3A_464) -> (i32)  : i32 {
          %ge3A_833 = arith.constant 1 : i32
          %ge3A_834 = arith.cmpi sge, %while3A_831, %ge3A_833 : i32
          %convert_element_type3A_835 = arith.extui %ge3A_834 : i1 to i32
          %cond3A_836 = arith.constant 0 : i32
          %cond3A_837 = arith.cmpi ne, %convert_element_type3A_835, %cond3A_836 : i32
          scf.if %cond3A_837 {
            %dma_wait3A_990 = arith.constant 0 : i32
            %dma_wait3A_991 = arith.constant 0 : i32
            %dma_wait3A_992 = tpu.memref_slice %arg17[%dma_wait3A_990, %dma_wait3A_991] : memref<12552x128xf32, #tpu.memory_space<vmem_shared>> -> memref<12552x128xf32, #tpu.memory_space<vmem_shared>>
            tpu.wait_indirect_dma semaphore(%arg23 : memref<!tpu.dma_semaphore, #tpu.memory_space<semaphore_mem>>) src(%arg16 : memref<64x128xf32, #tpu.memory_space<vmem>>) dst(%dma_wait3A_992 : memref<12552x128xf32, #tpu.memory_space<vmem_shared>>)
          } else {
          }
          %mul3A_838 = arith.constant 2 : i32
          %mul3A_839 = arith.muli %mul3A_838, %while3A_831 : i32
          %mul3A_840 = arith.constant 64 : i32
          %mul3A_841 = arith.muli %mul3A_839, %mul3A_840 : i32
          %add3A_842 = arith.constant 64 : i32
          %add3A_843 = arith.addi %mul3A_841, %add3A_842 : i32
          %dma_start3A_844 = tpu.memref_slice %arg11[%add3A_843] : memref<1008xi32, #tpu.memory_space<vmem>> -> memref<64xi32, #tpu.memory_space<vmem>>
          %dma_start3A_845 = arith.constant 0 : i32
          %dma_start3A_846 = arith.constant 0 : i32
          %dma_start3A_847 = tpu.memref_slice %arg2[%dma_start3A_845, %dma_start3A_846] : memref<400000x128xf32, #tpu.memory_space<hbm>> -> memref<400000x128xf32, #tpu.memory_space<hbm>>
          tpu.enqueue_indirect_dma source(%dma_start3A_847 : memref<400000x128xf32, #tpu.memory_space<hbm>>) target(%arg16 : memref<64x128xf32, #tpu.memory_space<vmem>>) offsets(%dma_start3A_844 : memref<64xi32, #tpu.memory_space<vmem>>) semaphore(%arg21 : memref<!tpu.dma_semaphore, #tpu.memory_space<semaphore_mem>>)
          %mul3A_848 = arith.constant 2 : i32
          %mul3A_849 = arith.muli %mul3A_848, %while3A_831 : i32
          %mul3A_850 = arith.constant 64 : i32
          %mul3A_851 = arith.muli %mul3A_849, %mul3A_850 : i32
          %dma_wait3A_852 = tpu.memref_slice %arg11[%mul3A_851] : memref<1008xi32, #tpu.memory_space<vmem>> -> memref<64xi32, #tpu.memory_space<vmem>>
          %dma_wait3A_853 = arith.constant 0 : i32
          %dma_wait3A_854 = arith.constant 0 : i32
          %dma_wait3A_855 = tpu.memref_slice %arg2[%dma_wait3A_853, %dma_wait3A_854] : memref<400000x128xf32, #tpu.memory_space<hbm>> -> memref<400000x128xf32, #tpu.memory_space<hbm>>
          tpu.wait_indirect_dma semaphore(%arg20 : memref<!tpu.dma_semaphore, #tpu.memory_space<semaphore_mem>>) src(%dma_wait3A_855 : memref<400000x128xf32, #tpu.memory_space<hbm>>) dst(%arg15 : memref<64x128xf32, #tpu.memory_space<vmem>>)
          %mul3A_856 = arith.constant 2 : i32
          %mul3A_857 = arith.muli %mul3A_856, %while3A_831 : i32
          %mul3A_858 = arith.constant 64 : i32
          %mul3A_859 = arith.muli %mul3A_857, %mul3A_858 : i32
          %add3A_860 = arith.constant 0 : i32
          %add3A_861 = arith.addi %mul3A_859, %add3A_860 : i32
          %get3A_862 = arith.index_cast %add3A_861 : i32 to index
          %get3A_863 = tpu.vector_load %arg12[%get3A_862] {strides = array<i32>} : memref<1008xi32, #tpu.memory_space<vmem>>, vector<16xi32>,
          %get3A_864 = vector.shape_cast %get3A_863 : vector<16xi32> to vector<16xi32>
          %swap3A_865 = arith.constant 0 : index
          %swap3A_866 = tpu.vector_load %arg13[%swap3A_865] {strides = array<i32>} : memref<64xi32, #tpu.memory_space<vmem>>, vector<16xi32>,
          %swap3A_867 = vector.shape_cast %swap3A_866 : vector<16xi32> to vector<16xi32>
          %swap3A_868 = vector.shape_cast %get3A_864 : vector<16xi32> to vector<16xi32>
          tpu.vector_store %arg13[%swap3A_865], %swap3A_868 {strides = array<i32>} : memref<64xi32, #tpu.memory_space<vmem>>, vector<16xi32>,
          %mul3A_869 = arith.constant 2 : i32
          %mul3A_870 = arith.muli %mul3A_869, %while3A_831 : i32
          %mul3A_871 = arith.constant 64 : i32
          %mul3A_872 = arith.muli %mul3A_870, %mul3A_871 : i32
          %add3A_873 = arith.constant 16 : i32
          %add3A_874 = arith.addi %mul3A_872, %add3A_873 : i32
          %get3A_875 = arith.index_cast %add3A_874 : i32 to index
          %get3A_876 = tpu.vector_load %arg12[%get3A_875] {strides = array<i32>} : memref<1008xi32, #tpu.memory_space<vmem>>, vector<16xi32>,
          %get3A_877 = vector.shape_cast %get3A_876 : vector<16xi32> to vector<16xi32>
          %swap3A_878 = arith.constant 16 : index
          %swap3A_879 = tpu.vector_load %arg13[%swap3A_878] {strides = array<i32>} : memref<64xi32, #tpu.memory_space<vmem>>, vector<16xi32>,
          %swap3A_880 = vector.shape_cast %swap3A_879 : vector<16xi32> to vector<16xi32>
          %swap3A_881 = vector.shape_cast %get3A_877 : vector<16xi32> to vector<16xi32>
          tpu.vector_store %arg13[%swap3A_878], %swap3A_881 {strides = array<i32>} : memref<64xi32, #tpu.memory_space<vmem>>, vector<16xi32>,
          %mul3A_882 = arith.constant 2 : i32
          %mul3A_883 = arith.muli %mul3A_882, %while3A_831 : i32
          %mul3A_884 = arith.constant 64 : i32
          %mul3A_885 = arith.muli %mul3A_883, %mul3A_884 : i32
          %add3A_886 = arith.constant 32 : i32
          %add3A_887 = arith.addi %mul3A_885, %add3A_886 : i32
          %get3A_888 = arith.index_cast %add3A_887 : i32 to index
          %get3A_889 = tpu.vector_load %arg12[%get3A_888] {strides = array<i32>} : memref<1008xi32, #tpu.memory_space<vmem>>, vector<16xi32>,
          %get3A_890 = vector.shape_cast %get3A_889 : vector<16xi32> to vector<16xi32>
          %swap3A_891 = arith.constant 32 : index
          %swap3A_892 = tpu.vector_load %arg13[%swap3A_891] {strides = array<i32>} : memref<64xi32, #tpu.memory_space<vmem>>, vector<16xi32>,
          %swap3A_893 = vector.shape_cast %swap3A_892 : vector<16xi32> to vector<16xi32>
          %swap3A_894 = vector.shape_cast %get3A_890 : vector<16xi32> to vector<16xi32>
          tpu.vector_store %arg13[%swap3A_891], %swap3A_894 {strides = array<i32>} : memref<64xi32, #tpu.memory_space<vmem>>, vector<16xi32>,
          %mul3A_895 = arith.constant 2 : i32
          %mul3A_896 = arith.muli %mul3A_895, %while3A_831 : i32
          %mul3A_897 = arith.constant 64 : i32
          %mul3A_898 = arith.muli %mul3A_896, %mul3A_897 : i32
          %add3A_899 = arith.constant 48 : i32
          %add3A_900 = arith.addi %mul3A_898, %add3A_899 : i32
          %get3A_901 = arith.index_cast %add3A_900 : i32 to index
          %get3A_902 = tpu.vector_load %arg12[%get3A_901] {strides = array<i32>} : memref<1008xi32, #tpu.memory_space<vmem>>, vector<16xi32>,
          %get3A_903 = vector.shape_cast %get3A_902 : vector<16xi32> to vector<16xi32>
          %swap3A_904 = arith.constant 48 : index
          %swap3A_905 = tpu.vector_load %arg13[%swap3A_904] {strides = array<i32>} : memref<64xi32, #tpu.memory_space<vmem>>, vector<16xi32>,
          %swap3A_906 = vector.shape_cast %swap3A_905 : vector<16xi32> to vector<16xi32>
          %swap3A_907 = vector.shape_cast %get3A_903 : vector<16xi32> to vector<16xi32>
          tpu.vector_store %arg13[%swap3A_904], %swap3A_907 {strides = array<i32>} : memref<64xi32, #tpu.memory_space<vmem>>, vector<16xi32>,
          %dma_start3A_908 = arith.constant 0 : i32
          %dma_start3A_909 = arith.constant 0 : i32
          %dma_start3A_910 = tpu.memref_slice %arg17[%dma_start3A_908, %dma_start3A_909] : memref<12552x128xf32, #tpu.memory_space<vmem_shared>> -> memref<12552x128xf32, #tpu.memory_space<vmem_shared>>
          tpu.enqueue_indirect_dma source(%arg15 : memref<64x128xf32, #tpu.memory_space<vmem>>) target(%dma_start3A_910 : memref<12552x128xf32, #tpu.memory_space<vmem_shared>>) offsets(%arg13 : memref<64xi32, #tpu.memory_space<vmem>>) semaphore(%arg22 : memref<!tpu.dma_semaphore, #tpu.memory_space<semaphore_mem>>) {add = true}
          %add3A_911 = arith.constant 1 : i32
          %add3A_912 = arith.addi %while3A_831, %add3A_911 : i32
          %lt3A = arith.cmpi slt, %add3A_912, %select_n3A_447 : i32
          %convert_element_type3A_913 = arith.extui %lt3A : i1 to i32
          %cond3A_914 = arith.constant 0 : i32
          %cond3A_915 = arith.cmpi ne, %convert_element_type3A_913, %cond3A_914 : i32
          scf.if %cond3A_915 {
            %dma_wait3A_990 = arith.constant 0 : i32
            %dma_wait3A_991 = arith.constant 0 : i32
            %dma_wait3A_992 = tpu.memref_slice %arg17[%dma_wait3A_990, %dma_wait3A_991] : memref<12552x128xf32, #tpu.memory_space<vmem_shared>> -> memref<12552x128xf32, #tpu.memory_space<vmem_shared>>
            tpu.wait_indirect_dma semaphore(%arg22 : memref<!tpu.dma_semaphore, #tpu.memory_space<semaphore_mem>>) src(%arg15 : memref<64x128xf32, #tpu.memory_space<vmem>>) dst(%dma_wait3A_992 : memref<12552x128xf32, #tpu.memory_space<vmem_shared>>)
            %mul3A_993 = arith.constant 2 : i32
            %mul3A_994 = arith.muli %mul3A_993, %while3A_831 : i32
            %mul3A_995 = arith.constant 64 : i32
            %mul3A_996 = arith.muli %mul3A_994, %mul3A_995 : i32
            %add3A_997 = arith.constant 128 : i32
            %add3A_998 = arith.addi %mul3A_996, %add3A_997 : i32
            %dma_start3A_999 = tpu.memref_slice %arg11[%add3A_998] : memref<1008xi32, #tpu.memory_space<vmem>> -> memref<64xi32, #tpu.memory_space<vmem>>
            %dma_start3A_1000 = arith.constant 0 : i32
            %dma_start3A_1001 = arith.constant 0 : i32
            %dma_start3A_1002 = tpu.memref_slice %arg2[%dma_start3A_1000, %dma_start3A_1001] : memref<400000x128xf32, #tpu.memory_space<hbm>> -> memref<400000x128xf32, #tpu.memory_space<hbm>>
            tpu.enqueue_indirect_dma source(%dma_start3A_1002 : memref<400000x128xf32, #tpu.memory_space<hbm>>) target(%arg15 : memref<64x128xf32, #tpu.memory_space<vmem>>) offsets(%dma_start3A_999 : memref<64xi32, #tpu.memory_space<vmem>>) semaphore(%arg20 : memref<!tpu.dma_semaphore, #tpu.memory_space<semaphore_mem>>)
          } else {
          }
          %mul3A_916 = arith.constant 2 : i32
          %mul3A_917 = arith.muli %mul3A_916, %while3A_831 : i32
          %mul3A_918 = arith.constant 64 : i32
          %mul3A_919 = arith.muli %mul3A_917, %mul3A_918 : i32
          %add3A_920 = arith.constant 64 : i32
          %add3A_921 = arith.addi %mul3A_919, %add3A_920 : i32
          %dma_wait3A_922 = tpu.memref_slice %arg11[%add3A_921] : memref<1008xi32, #tpu.memory_space<vmem>> -> memref<64xi32, #tpu.memory_space<vmem>>
          %dma_wait3A_923 = arith.constant 0 : i32
          %dma_wait3A_924 = arith.constant 0 : i32
          %dma_wait3A_925 = tpu.memref_slice %arg2[%dma_wait3A_923, %dma_wait3A_924] : memref<400000x128xf32, #tpu.memory_space<hbm>> -> memref<400000x128xf32, #tpu.memory_space<hbm>>
          tpu.wait_indirect_dma semaphore(%arg21 : memref<!tpu.dma_semaphore, #tpu.memory_space<semaphore_mem>>) src(%dma_wait3A_925 : memref<400000x128xf32, #tpu.memory_space<hbm>>) dst(%arg16 : memref<64x128xf32, #tpu.memory_space<vmem>>)
          %mul3A_926 = arith.constant 2 : i32
          %mul3A_927 = arith.muli %mul3A_926, %while3A_831 : i32
          %mul3A_928 = arith.constant 64 : i32
          %mul3A_929 = arith.muli %mul3A_927, %mul3A_928 : i32
          %add3A_930 = arith.constant 64 : i32
          %add3A_931 = arith.addi %mul3A_929, %add3A_930 : i32
          %add3A_932 = arith.constant 0 : i32
          %add3A_933 = arith.addi %add3A_931, %add3A_932 : i32
          %get3A_934 = arith.index_cast %add3A_933 : i32 to index
          %get3A_935 = tpu.vector_load %arg12[%get3A_934] {strides = array<i32>} : memref<1008xi32, #tpu.memory_space<vmem>>, vector<16xi32>,
          %get3A_936 = vector.shape_cast %get3A_935 : vector<16xi32> to vector<16xi32>
          %swap3A_937 = arith.constant 0 : index
          %swap3A_938 = tpu.vector_load %arg14[%swap3A_937] {strides = array<i32>} : memref<64xi32, #tpu.memory_space<vmem>>, vector<16xi32>,
          %swap3A_939 = vector.shape_cast %swap3A_938 : vector<16xi32> to vector<16xi32>
          %swap3A_940 = vector.shape_cast %get3A_936 : vector<16xi32> to vector<16xi32>
          tpu.vector_store %arg14[%swap3A_937], %swap3A_940 {strides = array<i32>} : memref<64xi32, #tpu.memory_space<vmem>>, vector<16xi32>,
          %mul3A_941 = arith.constant 2 : i32
          %mul3A_942 = arith.muli %mul3A_941, %while3A_831 : i32
          %mul3A_943 = arith.constant 64 : i32
          %mul3A_944 = arith.muli %mul3A_942, %mul3A_943 : i32
          %add3A_945 = arith.constant 64 : i32
          %add3A_946 = arith.addi %mul3A_944, %add3A_945 : i32
          %add3A_947 = arith.constant 16 : i32
          %add3A_948 = arith.addi %add3A_946, %add3A_947 : i32
          %get3A_949 = arith.index_cast %add3A_948 : i32 to index
          %get3A_950 = tpu.vector_load %arg12[%get3A_949] {strides = array<i32>} : memref<1008xi32, #tpu.memory_space<vmem>>, vector<16xi32>,
          %get3A_951 = vector.shape_cast %get3A_950 : vector<16xi32> to vector<16xi32>
          %swap3A_952 = arith.constant 16 : index
          %swap3A_953 = tpu.vector_load %arg14[%swap3A_952] {strides = array<i32>} : memref<64xi32, #tpu.memory_space<vmem>>, vector<16xi32>,
          %swap3A_954 = vector.shape_cast %swap3A_953 : vector<16xi32> to vector<16xi32>
          %swap3A_955 = vector.shape_cast %get3A_951 : vector<16xi32> to vector<16xi32>
          tpu.vector_store %arg14[%swap3A_952], %swap3A_955 {strides = array<i32>} : memref<64xi32, #tpu.memory_space<vmem>>, vector<16xi32>,
          %mul3A_956 = arith.constant 2 : i32
          %mul3A_957 = arith.muli %mul3A_956, %while3A_831 : i32
          %mul3A_958 = arith.constant 64 : i32
          %mul3A_959 = arith.muli %mul3A_957, %mul3A_958 : i32
          %add3A_960 = arith.constant 64 : i32
          %add3A_961 = arith.addi %mul3A_959, %add3A_960 : i32
          %add3A_962 = arith.constant 32 : i32
          %add3A_963 = arith.addi %add3A_961, %add3A_962 : i32
          %get3A_964 = arith.index_cast %add3A_963 : i32 to index
          %get3A_965 = tpu.vector_load %arg12[%get3A_964] {strides = array<i32>} : memref<1008xi32, #tpu.memory_space<vmem>>, vector<16xi32>,
          %get3A_966 = vector.shape_cast %get3A_965 : vector<16xi32> to vector<16xi32>
          %swap3A_967 = arith.constant 32 : index
          %swap3A_968 = tpu.vector_load %arg14[%swap3A_967] {strides = array<i32>} : memref<64xi32, #tpu.memory_space<vmem>>, vector<16xi32>,
          %swap3A_969 = vector.shape_cast %swap3A_968 : vector<16xi32> to vector<16xi32>
          %swap3A_970 = vector.shape_cast %get3A_966 : vector<16xi32> to vector<16xi32>
          tpu.vector_store %arg14[%swap3A_967], %swap3A_970 {strides = array<i32>} : memref<64xi32, #tpu.memory_space<vmem>>, vector<16xi32>,
          %mul3A_971 = arith.constant 2 : i32
          %mul3A_972 = arith.muli %mul3A_971, %while3A_831 : i32
          %mul3A_973 = arith.constant 64 : i32
          %mul3A_974 = arith.muli %mul3A_972, %mul3A_973 : i32
          %add3A_975 = arith.constant 64 : i32
          %add3A_976 = arith.addi %mul3A_974, %add3A_975 : i32
          %add3A_977 = arith.constant 48 : i32
          %add3A_978 = arith.addi %add3A_976, %add3A_977 : i32
          %get3A_979 = arith.index_cast %add3A_978 : i32 to index
          %get3A_980 = tpu.vector_load %arg12[%get3A_979] {strides = array<i32>} : memref<1008xi32, #tpu.memory_space<vmem>>, vector<16xi32>,
          %get3A_981 = vector.shape_cast %get3A_980 : vector<16xi32> to vector<16xi32>
          %swap3A_982 = arith.constant 48 : index
          %swap3A_983 = tpu.vector_load %arg14[%swap3A_982] {strides = array<i32>} : memref<64xi32, #tpu.memory_space<vmem>>, vector<16xi32>,
          %swap3A_984 = vector.shape_cast %swap3A_983 : vector<16xi32> to vector<16xi32>
          %swap3A_985 = vector.shape_cast %get3A_981 : vector<16xi32> to vector<16xi32>
          tpu.vector_store %arg14[%swap3A_982], %swap3A_985 {strides = array<i32>} : memref<64xi32, #tpu.memory_space<vmem>>, vector<16xi32>,
          %dma_start3A_986 = arith.constant 0 : i32
          %dma_start3A_987 = arith.constant 0 : i32
          %dma_start3A_988 = tpu.memref_slice %arg17[%dma_start3A_986, %dma_start3A_987] : memref<12552x128xf32, #tpu.memory_space<vmem_shared>> -> memref<12552x128xf32, #tpu.memory_space<vmem_shared>>
          tpu.enqueue_indirect_dma source(%arg16 : memref<64x128xf32, #tpu.memory_space<vmem>>) target(%dma_start3A_988 : memref<12552x128xf32, #tpu.memory_space<vmem_shared>>) offsets(%arg14 : memref<64xi32, #tpu.memory_space<vmem>>) semaphore(%arg23 : memref<!tpu.dma_semaphore, #tpu.memory_space<semaphore_mem>>) {add = true}
          %while3A_989 = arith.constant 0 : i32
          scf.yield %while3A_989 : i32
        }
        %ge3A_467 = arith.constant 1 : i32
        %ge3A_468 = arith.cmpi sge, %select_n3A_447, %ge3A_467 : i32
        %convert_element_type3A_469 = arith.extui %ge3A_468 : i1 to i32
        %cond3A_470 = arith.constant 0 : i32
        %cond3A_471 = arith.cmpi ne, %convert_element_type3A_469, %cond3A_470 : i32
        scf.if %cond3A_471 {
          %dma_wait3A_831 = arith.constant 0 : i32
          %dma_wait3A_832 = arith.constant 0 : i32
          %dma_wait3A_833 = tpu.memref_slice %arg17[%dma_wait3A_831, %dma_wait3A_832] : memref<12552x128xf32, #tpu.memory_space<vmem_shared>> -> memref<12552x128xf32, #tpu.memory_space<vmem_shared>>
          tpu.wait_indirect_dma semaphore(%arg22 : memref<!tpu.dma_semaphore, #tpu.memory_space<semaphore_mem>>) src(%arg15 : memref<64x128xf32, #tpu.memory_space<vmem>>) dst(%dma_wait3A_833 : memref<12552x128xf32, #tpu.memory_space<vmem_shared>>)
          %dma_wait3A_834 = arith.constant 0 : i32
          %dma_wait3A_835 = arith.constant 0 : i32
          %dma_wait3A_836 = tpu.memref_slice %arg17[%dma_wait3A_834, %dma_wait3A_835] : memref<12552x128xf32, #tpu.memory_space<vmem_shared>> -> memref<12552x128xf32, #tpu.memory_space<vmem_shared>>
          tpu.wait_indirect_dma semaphore(%arg23 : memref<!tpu.dma_semaphore, #tpu.memory_space<semaphore_mem>>) src(%arg16 : memref<64x128xf32, #tpu.memory_space<vmem>>) dst(%dma_wait3A_836 : memref<12552x128xf32, #tpu.memory_space<vmem_shared>>)
        } else {
        }
        %mul3A_472 = arith.constant 128 : i32
        %mul3A_473 = arith.muli %select_n3A_447, %mul3A_472 : i32
        %add3A_474 = arith.constant 0 : i32
        %add3A_475 = arith.addi %mul3A_473, %add3A_474 : i32
        %get3A_476 = arith.index_cast %add3A_475 : i32 to index
        %get3A_477 = tpu.vector_load %arg11[%get3A_476] {strides = array<i32>} : memref<1008xi32, #tpu.memory_space<vmem>>, vector<16xi32>,
        %get3A_478 = vector.shape_cast %get3A_477 : vector<16xi32> to vector<16xi32>
        %add3A_479 = arith.constant 0 : i32
        %add3A_480 = arith.addi %mul3A_473, %add3A_479 : i32
        %get3A_481 = arith.index_cast %add3A_480 : i32 to index
        %get3A_482 = tpu.vector_load %arg12[%get3A_481] {strides = array<i32>} : memref<1008xi32, #tpu.memory_space<vmem>>, vector<16xi32>,
        %get3A_483 = vector.shape_cast %get3A_482 : vector<16xi32> to vector<16xi32>
        %swap3A_484 = arith.constant 0 : index
        %swap3A_485 = tpu.vector_load %arg11[%swap3A_484] {strides = array<i32>} : memref<1008xi32, #tpu.memory_space<vmem>>, vector<16xi32>,
        %swap3A_486 = vector.shape_cast %swap3A_485 : vector<16xi32> to vector<16xi32>
        %swap3A_487 = vector.shape_cast %get3A_478 : vector<16xi32> to vector<16xi32>
        tpu.vector_store %arg11[%swap3A_484], %swap3A_487 {strides = array<i32>} : memref<1008xi32, #tpu.memory_space<vmem>>, vector<16xi32>,
        %swap3A_488 = arith.constant 0 : index
        %swap3A_489 = tpu.vector_load %arg12[%swap3A_488] {strides = array<i32>} : memref<1008xi32, #tpu.memory_space<vmem>>, vector<16xi32>,
        %swap3A_490 = vector.shape_cast %swap3A_489 : vector<16xi32> to vector<16xi32>
        %swap3A_491 = vector.shape_cast %get3A_483 : vector<16xi32> to vector<16xi32>
        tpu.vector_store %arg12[%swap3A_488], %swap3A_491 {strides = array<i32>} : memref<1008xi32, #tpu.memory_space<vmem>>, vector<16xi32>,
        %add3A_492 = arith.constant 16 : i32
        %add3A_493 = arith.addi %mul3A_473, %add3A_492 : i32
        %get3A_494 = arith.index_cast %add3A_493 : i32 to index
        %get3A_495 = tpu.vector_load %arg11[%get3A_494] {strides = array<i32>} : memref<1008xi32, #tpu.memory_space<vmem>>, vector<16xi32>,
        %get3A_496 = vector.shape_cast %get3A_495 : vector<16xi32> to vector<16xi32>
        %add3A_497 = arith.constant 16 : i32
        %add3A_498 = arith.addi %mul3A_473, %add3A_497 : i32
        %get3A_499 = arith.index_cast %add3A_498 : i32 to index
        %get3A_500 = tpu.vector_load %arg12[%get3A_499] {strides = array<i32>} : memref<1008xi32, #tpu.memory_space<vmem>>, vector<16xi32>,
        %get3A_501 = vector.shape_cast %get3A_500 : vector<16xi32> to vector<16xi32>
        %swap3A_502 = arith.constant 16 : index
        %swap3A_503 = tpu.vector_load %arg11[%swap3A_502] {strides = array<i32>} : memref<1008xi32, #tpu.memory_space<vmem>>, vector<16xi32>,
        %swap3A_504 = vector.shape_cast %swap3A_503 : vector<16xi32> to vector<16xi32>
        %swap3A_505 = vector.shape_cast %get3A_496 : vector<16xi32> to vector<16xi32>
        tpu.vector_store %arg11[%swap3A_502], %swap3A_505 {strides = array<i32>} : memref<1008xi32, #tpu.memory_space<vmem>>, vector<16xi32>,
        %swap3A_506 = arith.constant 16 : index
        %swap3A_507 = tpu.vector_load %arg12[%swap3A_506] {strides = array<i32>} : memref<1008xi32, #tpu.memory_space<vmem>>, vector<16xi32>,
        %swap3A_508 = vector.shape_cast %swap3A_507 : vector<16xi32> to vector<16xi32>
        %swap3A_509 = vector.shape_cast %get3A_501 : vector<16xi32> to vector<16xi32>
        tpu.vector_store %arg12[%swap3A_506], %swap3A_509 {strides = array<i32>} : memref<1008xi32, #tpu.memory_space<vmem>>, vector<16xi32>,
        %add3A_510 = arith.constant 32 : i32
        %add3A_511 = arith.addi %mul3A_473, %add3A_510 : i32
        %get3A_512 = arith.index_cast %add3A_511 : i32 to index
        %get3A_513 = tpu.vector_load %arg11[%get3A_512] {strides = array<i32>} : memref<1008xi32, #tpu.memory_space<vmem>>, vector<16xi32>,
        %get3A_514 = vector.shape_cast %get3A_513 : vector<16xi32> to vector<16xi32>
        %add3A_515 = arith.constant 32 : i32
        %add3A_516 = arith.addi %mul3A_473, %add3A_515 : i32
        %get3A_517 = arith.index_cast %add3A_516 : i32 to index
        %get3A_518 = tpu.vector_load %arg12[%get3A_517] {strides = array<i32>} : memref<1008xi32, #tpu.memory_space<vmem>>, vector<16xi32>,
        %get3A_519 = vector.shape_cast %get3A_518 : vector<16xi32> to vector<16xi32>
        %swap3A_520 = arith.constant 32 : index
        %swap3A_521 = tpu.vector_load %arg11[%swap3A_520] {strides = array<i32>} : memref<1008xi32, #tpu.memory_space<vmem>>, vector<16xi32>,
        %swap3A_522 = vector.shape_cast %swap3A_521 : vector<16xi32> to vector<16xi32>
        %swap3A_523 = vector.shape_cast %get3A_514 : vector<16xi32> to vector<16xi32>
        tpu.vector_store %arg11[%swap3A_520], %swap3A_523 {strides = array<i32>} : memref<1008xi32, #tpu.memory_space<vmem>>, vector<16xi32>,
        %swap3A_524 = arith.constant 32 : index
        %swap3A_525 = tpu.vector_load %arg12[%swap3A_524] {strides = array<i32>} : memref<1008xi32, #tpu.memory_space<vmem>>, vector<16xi32>,
        %swap3A_526 = vector.shape_cast %swap3A_525 : vector<16xi32> to vector<16xi32>
        %swap3A_527 = vector.shape_cast %get3A_519 : vector<16xi32> to vector<16xi32>
        tpu.vector_store %arg12[%swap3A_524], %swap3A_527 {strides = array<i32>} : memref<1008xi32, #tpu.memory_space<vmem>>, vector<16xi32>,
        %add3A_528 = arith.constant 48 : i32
        %add3A_529 = arith.addi %mul3A_473, %add3A_528 : i32
        %get3A_530 = arith.index_cast %add3A_529 : i32 to index
        %get3A_531 = tpu.vector_load %arg11[%get3A_530] {strides = array<i32>} : memref<1008xi32, #tpu.memory_space<vmem>>, vector<16xi32>,
        %get3A_532 = vector.shape_cast %get3A_531 : vector<16xi32> to vector<16xi32>
        %add3A_533 = arith.constant 48 : i32
        %add3A_534 = arith.addi %mul3A_473, %add3A_533 : i32
        %get3A_535 = arith.index_cast %add3A_534 : i32 to index
        %get3A_536 = tpu.vector_load %arg12[%get3A_535] {strides = array<i32>} : memref<1008xi32, #tpu.memory_space<vmem>>, vector<16xi32>,
        %get3A_537 = vector.shape_cast %get3A_536 : vector<16xi32> to vector<16xi32>
        %swap3A_538 = arith.constant 48 : index
        %swap3A_539 = tpu.vector_load %arg11[%swap3A_538] {strides = array<i32>} : memref<1008xi32, #tpu.memory_space<vmem>>, vector<16xi32>,
        %swap3A_540 = vector.shape_cast %swap3A_539 : vector<16xi32> to vector<16xi32>
        %swap3A_541 = vector.shape_cast %get3A_532 : vector<16xi32> to vector<16xi32>
        tpu.vector_store %arg11[%swap3A_538], %swap3A_541 {strides = array<i32>} : memref<1008xi32, #tpu.memory_space<vmem>>, vector<16xi32>,
        %swap3A_542 = arith.constant 48 : index
        %swap3A_543 = tpu.vector_load %arg12[%swap3A_542] {strides = array<i32>} : memref<1008xi32, #tpu.memory_space<vmem>>, vector<16xi32>,
        %swap3A_544 = vector.shape_cast %swap3A_543 : vector<16xi32> to vector<16xi32>
        %swap3A_545 = vector.shape_cast %get3A_537 : vector<16xi32> to vector<16xi32>
        tpu.vector_store %arg12[%swap3A_542], %swap3A_545 {strides = array<i32>} : memref<1008xi32, #tpu.memory_space<vmem>>, vector<16xi32>,
        %add3A_546 = arith.constant 64 : i32
        %add3A_547 = arith.addi %mul3A_473, %add3A_546 : i32
        %get3A_548 = arith.index_cast %add3A_547 : i32 to index
        %get3A_549 = tpu.vector_load %arg11[%get3A_548] {strides = array<i32>} : memref<1008xi32, #tpu.memory_space<vmem>>, vector<16xi32>,
        %get3A_550 = vector.shape_cast %get3A_549 : vector<16xi32> to vector<16xi32>
        %add3A_551 = arith.constant 64 : i32
        %add3A_552 = arith.addi %mul3A_473, %add3A_551 : i32
        %get3A_553 = arith.index_cast %add3A_552 : i32 to index
        %get3A_554 = tpu.vector_load %arg12[%get3A_553] {strides = array<i32>} : memref<1008xi32, #tpu.memory_space<vmem>>, vector<16xi32>,
        %get3A_555 = vector.shape_cast %get3A_554 : vector<16xi32> to vector<16xi32>
        %swap3A_556 = arith.constant 64 : index
        %swap3A_557 = tpu.vector_load %arg11[%swap3A_556] {strides = array<i32>} : memref<1008xi32, #tpu.memory_space<vmem>>, vector<16xi32>,
        %swap3A_558 = vector.shape_cast %swap3A_557 : vector<16xi32> to vector<16xi32>
        %swap3A_559 = vector.shape_cast %get3A_550 : vector<16xi32> to vector<16xi32>
        tpu.vector_store %arg11[%swap3A_556], %swap3A_559 {strides = array<i32>} : memref<1008xi32, #tpu.memory_space<vmem>>, vector<16xi32>,
        %swap3A_560 = arith.constant 64 : index
        %swap3A_561 = tpu.vector_load %arg12[%swap3A_560] {strides = array<i32>} : memref<1008xi32, #tpu.memory_space<vmem>>, vector<16xi32>,
        %swap3A_562 = vector.shape_cast %swap3A_561 : vector<16xi32> to vector<16xi32>
        %swap3A_563 = vector.shape_cast %get3A_555 : vector<16xi32> to vector<16xi32>
        tpu.vector_store %arg12[%swap3A_560], %swap3A_563 {strides = array<i32>} : memref<1008xi32, #tpu.memory_space<vmem>>, vector<16xi32>,
        %add3A_564 = arith.constant 80 : i32
        %add3A_565 = arith.addi %mul3A_473, %add3A_564 : i32
        %get3A_566 = arith.index_cast %add3A_565 : i32 to index
        %get3A_567 = tpu.vector_load %arg11[%get3A_566] {strides = array<i32>} : memref<1008xi32, #tpu.memory_space<vmem>>, vector<16xi32>,
        %get3A_568 = vector.shape_cast %get3A_567 : vector<16xi32> to vector<16xi32>
        %add3A_569 = arith.constant 80 : i32
        %add3A_570 = arith.addi %mul3A_473, %add3A_569 : i32
        %get3A_571 = arith.index_cast %add3A_570 : i32 to index
        %get3A_572 = tpu.vector_load %arg12[%get3A_571] {strides = array<i32>} : memref<1008xi32, #tpu.memory_space<vmem>>, vector<16xi32>,
        %get3A_573 = vector.shape_cast %get3A_572 : vector<16xi32> to vector<16xi32>
        %swap3A_574 = arith.constant 80 : index
        %swap3A_575 = tpu.vector_load %arg11[%swap3A_574] {strides = array<i32>} : memref<1008xi32, #tpu.memory_space<vmem>>, vector<16xi32>,
        %swap3A_576 = vector.shape_cast %swap3A_575 : vector<16xi32> to vector<16xi32>
        %swap3A_577 = vector.shape_cast %get3A_568 : vector<16xi32> to vector<16xi32>
        tpu.vector_store %arg11[%swap3A_574], %swap3A_577 {strides = array<i32>} : memref<1008xi32, #tpu.memory_space<vmem>>, vector<16xi32>,
        %swap3A_578 = arith.constant 80 : index
        %swap3A_579 = tpu.vector_load %arg12[%swap3A_578] {strides = array<i32>} : memref<1008xi32, #tpu.memory_space<vmem>>, vector<16xi32>,
        %swap3A_580 = vector.shape_cast %swap3A_579 : vector<16xi32> to vector<16xi32>
        %swap3A_581 = vector.shape_cast %get3A_573 : vector<16xi32> to vector<16xi32>
        tpu.vector_store %arg12[%swap3A_578], %swap3A_581 {strides = array<i32>} : memref<1008xi32, #tpu.memory_space<vmem>>, vector<16xi32>,
        %add3A_582 = arith.constant 96 : i32
        %add3A_583 = arith.addi %mul3A_473, %add3A_582 : i32
        %get3A_584 = arith.index_cast %add3A_583 : i32 to index
        %get3A_585 = tpu.vector_load %arg11[%get3A_584] {strides = array<i32>} : memref<1008xi32, #tpu.memory_space<vmem>>, vector<16xi32>,
        %get3A_586 = vector.shape_cast %get3A_585 : vector<16xi32> to vector<16xi32>
        %add3A_587 = arith.constant 96 : i32
        %add3A_588 = arith.addi %mul3A_473, %add3A_587 : i32
        %get3A_589 = arith.index_cast %add3A_588 : i32 to index
        %get3A_590 = tpu.vector_load %arg12[%get3A_589] {strides = array<i32>} : memref<1008xi32, #tpu.memory_space<vmem>>, vector<16xi32>,
        %get3A_591 = vector.shape_cast %get3A_590 : vector<16xi32> to vector<16xi32>
        %swap3A_592 = arith.constant 96 : index
        %swap3A_593 = tpu.vector_load %arg11[%swap3A_592] {strides = array<i32>} : memref<1008xi32, #tpu.memory_space<vmem>>, vector<16xi32>,
        %swap3A_594 = vector.shape_cast %swap3A_593 : vector<16xi32> to vector<16xi32>
        %swap3A_595 = vector.shape_cast %get3A_586 : vector<16xi32> to vector<16xi32>
        tpu.vector_store %arg11[%swap3A_592], %swap3A_595 {strides = array<i32>} : memref<1008xi32, #tpu.memory_space<vmem>>, vector<16xi32>,
        %swap3A_596 = arith.constant 96 : index
        %swap3A_597 = tpu.vector_load %arg12[%swap3A_596] {strides = array<i32>} : memref<1008xi32, #tpu.memory_space<vmem>>, vector<16xi32>,
        %swap3A_598 = vector.shape_cast %swap3A_597 : vector<16xi32> to vector<16xi32>
        %swap3A_599 = vector.shape_cast %get3A_591 : vector<16xi32> to vector<16xi32>
        tpu.vector_store %arg12[%swap3A_596], %swap3A_599 {strides = array<i32>} : memref<1008xi32, #tpu.memory_space<vmem>>, vector<16xi32>,
        %add3A_600 = arith.constant 112 : i32
        %add3A_601 = arith.addi %mul3A_473, %add3A_600 : i32
        %get3A_602 = arith.index_cast %add3A_601 : i32 to index
        %get3A_603 = tpu.vector_load %arg11[%get3A_602] {strides = array<i32>} : memref<1008xi32, #tpu.memory_space<vmem>>, vector<16xi32>,
        %get3A_604 = vector.shape_cast %get3A_603 : vector<16xi32> to vector<16xi32>
        %add3A_605 = arith.constant 112 : i32
        %add3A_606 = arith.addi %mul3A_473, %add3A_605 : i32
        %get3A_607 = arith.index_cast %add3A_606 : i32 to index
        %get3A_608 = tpu.vector_load %arg12[%get3A_607] {strides = array<i32>} : memref<1008xi32, #tpu.memory_space<vmem>>, vector<16xi32>,
        %get3A_609 = vector.shape_cast %get3A_608 : vector<16xi32> to vector<16xi32>
        %swap3A_610 = arith.constant 112 : index
        %swap3A_611 = tpu.vector_load %arg11[%swap3A_610] {strides = array<i32>} : memref<1008xi32, #tpu.memory_space<vmem>>, vector<16xi32>,
        %swap3A_612 = vector.shape_cast %swap3A_611 : vector<16xi32> to vector<16xi32>
        %swap3A_613 = vector.shape_cast %get3A_604 : vector<16xi32> to vector<16xi32>
        tpu.vector_store %arg11[%swap3A_610], %swap3A_613 {strides = array<i32>} : memref<1008xi32, #tpu.memory_space<vmem>>, vector<16xi32>,
        %swap3A_614 = arith.constant 112 : index
        %swap3A_615 = tpu.vector_load %arg12[%swap3A_614] {strides = array<i32>} : memref<1008xi32, #tpu.memory_space<vmem>>, vector<16xi32>,
        %swap3A_616 = vector.shape_cast %swap3A_615 : vector<16xi32> to vector<16xi32>
        %swap3A_617 = vector.shape_cast %get3A_609 : vector<16xi32> to vector<16xi32>
        tpu.vector_store %arg12[%swap3A_614], %swap3A_617 {strides = array<i32>} : memref<1008xi32, #tpu.memory_space<vmem>>, vector<16xi32>,
        %sub3A_618 = arith.subi %scan3A_422, %mul3A_473 : i32
        %dma_wait3A_619 = tpu.memref_slice %arg3[%add3A_408] : memref<1600000xi32, #tpu.memory_space<hbm>> -> memref<800xi32, #tpu.memory_space<hbm>>
        %dma_wait3A_620 = tpu.memref_slice %arg3[%add3A_408] : memref<1600000xi32, #tpu.memory_space<hbm>> -> memref<800xi32, #tpu.memory_space<hbm>>
        tpu.wait_dma2 semaphore(%arg19 : memref<!tpu.dma_semaphore, #tpu.memory_space<semaphore_mem>>) src(%dma_wait3A_620 : memref<800xi32, #tpu.memory_space<hbm>>) dst(%arg9 : memref<800xi32, #tpu.memory_space<vmem>>)
        %dma_wait3A_621 = tpu.memref_slice %arg4[%add3A_408] : memref<1600000xi32, #tpu.memory_space<hbm>> -> memref<800xi32, #tpu.memory_space<hbm>>
        %dma_wait3A_622 = tpu.memref_slice %arg4[%add3A_408] : memref<1600000xi32, #tpu.memory_space<hbm>> -> memref<800xi32, #tpu.memory_space<hbm>>
        tpu.wait_dma2 semaphore(%arg19 : memref<!tpu.dma_semaphore, #tpu.memory_space<semaphore_mem>>) src(%dma_wait3A_622 : memref<800xi32, #tpu.memory_space<hbm>>) dst(%arg10 : memref<800xi32, #tpu.memory_space<vmem>>)
        %add3A_623 = arith.constant 800 : i32
        %add3A_624 = arith.addi %add3A_408, %add3A_623 : i32
        %dma_start3A_625 = tpu.memref_slice %arg3[%add3A_624] : memref<1600000xi32, #tpu.memory_space<hbm>> -> memref<800xi32, #tpu.memory_space<hbm>>
        %dma_start3A_626 = tpu.memref_slice %arg3[%add3A_624] : memref<1600000xi32, #tpu.memory_space<hbm>> -> memref<800xi32, #tpu.memory_space<hbm>>
        tpu.enqueue_dma source(%dma_start3A_626 : memref<800xi32, #tpu.memory_space<hbm>>) target(%arg7 : memref<800xi32, #tpu.memory_space<vmem>>) target_semaphore(%arg18 : memref<!tpu.dma_semaphore, #tpu.memory_space<semaphore_mem>>)
        %dma_start3A_627 = tpu.memref_slice %arg4[%add3A_624] : memref<1600000xi32, #tpu.memory_space<hbm>> -> memref<800xi32, #tpu.memory_space<hbm>>
        %dma_start3A_628 = tpu.memref_slice %arg4[%add3A_624] : memref<1600000xi32, #tpu.memory_space<hbm>> -> memref<800xi32, #tpu.memory_space<hbm>>
        tpu.enqueue_dma source(%dma_start3A_628 : memref<800xi32, #tpu.memory_space<hbm>>) target(%arg8 : memref<800xi32, #tpu.memory_space<vmem>>) target_semaphore(%arg18 : memref<!tpu.dma_semaphore, #tpu.memory_space<semaphore_mem>>)
        %iota3A_629 = tpu.iota {dimensions = array<i32: 0>} : vector<16xi32>
        %scan3A_630 = arith.constant 0 : i32
        %scan3A_631 = arith.constant 25 : i32
        %scan3A_632 = arith.addi %scan3A_630, %scan3A_631 : i32
        %scan3A_633 = arith.constant 1 : i32
        %scan3A_634 = scf.for %scan3A_831 = %scan3A_630 to %scan3A_632 step %scan3A_633 iter_args(%scan3A_832 = %sub3A_618) -> (i32)  : i32 {
          %mul3A_833 = arith.constant 32 : i32
          %mul3A_834 = arith.muli %scan3A_831, %mul3A_833 : i32
          %get3A_835 = arith.index_cast %mul3A_834 : i32 to index
          %get3A_836 = tpu.vector_load %arg10[%get3A_835] {strides = array<i32>} : memref<800xi32, #tpu.memory_space<vmem>>, vector<16xi32>,
          %get3A_837 = vector.shape_cast %get3A_836 : vector<16xi32> to vector<16xi32>
          %mul3A_838 = arith.constant 32 : i32
          %mul3A_839 = arith.muli %scan3A_831, %mul3A_838 : i32
          %get3A_840 = arith.index_cast %mul3A_839 : i32 to index
          %get3A_841 = tpu.vector_load %arg9[%get3A_840] {strides = array<i32>} : memref<800xi32, #tpu.memory_space<vmem>>, vector<16xi32>,
          %get3A_842 = vector.shape_cast %get3A_841 : vector<16xi32> to vector<16xi32>
          %mul3A_843 = arith.constant 32 : i32
          %mul3A_844 = arith.muli %scan3A_831, %mul3A_843 : i32
          %add3A_845 = arith.constant 16 : i32
          %add3A_846 = arith.addi %mul3A_844, %add3A_845 : i32
          %get3A_847 = arith.index_cast %add3A_846 : i32 to index
          %get3A_848 = tpu.vector_load %arg10[%get3A_847] {strides = array<i32>} : memref<800xi32, #tpu.memory_space<vmem>>, vector<16xi32>,
          %get3A_849 = vector.shape_cast %get3A_848 : vector<16xi32> to vector<16xi32>
          %mul3A_850 = arith.constant 32 : i32
          %mul3A_851 = arith.muli %scan3A_831, %mul3A_850 : i32
          %add3A_852 = arith.constant 16 : i32
          %add3A_853 = arith.addi %mul3A_851, %add3A_852 : i32
          %get3A_854 = arith.index_cast %add3A_853 : i32 to index
          %get3A_855 = tpu.vector_load %arg9[%get3A_854] {strides = array<i32>} : memref<800xi32, #tpu.memory_space<vmem>>, vector<16xi32>,
          %get3A_856 = vector.shape_cast %get3A_855 : vector<16xi32> to vector<16xi32>
          %ge3A_857 = vector.broadcast %mul3A_28 : i32 to vector<16xi32>
          %ge3A_858 = arith.cmpi sge, %get3A_837, %ge3A_857 : vector<16xi32>
          %add3A_859 = arith.constant 12544 : i32
          %add3A_860 = arith.addi %mul3A_28, %add3A_859 : i32
          %lt3A = vector.broadcast %add3A_860 : i32 to vector<16xi32>
          %lt3A_861 = arith.cmpi slt, %get3A_837, %lt3A : vector<16xi32>
          %and3A_862 = arith.andi %ge3A_858, %lt3A_861 : vector<16xi1>
          %jit3A_863 = arith.constant 1 : i32
          %jit3A_864 = arith.constant 0 : i32
          %broadcast_in_dim3A_865 = vector.broadcast %jit3A_863 : i32 to vector<16xi32>
          %broadcast_in_dim3A_866 = vector.broadcast %jit3A_864 : i32 to vector<16xi32>
          %select_n3A_867 = arith.select %and3A_862, %broadcast_in_dim3A_865, %broadcast_in_dim3A_866 : vector<16xi1>, vector<16xi32>
          %sub3A_868 = arith.constant 1 : i32
          %sub3A_869 = vector.broadcast %sub3A_868 : i32 to vector<16xi32>
          %sub3A_870 = arith.subi %iota3A_629, %sub3A_869 : vector<16xi32>
          %max3A = arith.constant 0 : i32
          %max3A_871 = vector.broadcast %max3A : i32 to vector<16xi32>
          %max3A_872 = arith.maxsi %sub3A_870, %max3A_871 : vector<16xi32>
          %lt3A_873 = arith.constant 0 : i32
          %lt3A_874 = vector.broadcast %lt3A_873 : i32 to vector<16xi32>
          %lt3A_875 = arith.cmpi slt, %max3A_872, %lt3A_874 : vector<16xi32>
          %add3A_876 = arith.constant 16 : i32
          %add3A_877 = vector.broadcast %add3A_876 : i32 to vector<16xi32>
          %add3A_878 = arith.addi %max3A_872, %add3A_877 : vector<16xi32>
          %select_n3A_879 = arith.select %lt3A_875, %add3A_878, %max3A_872 : vector<16xi1>, vector<16xi32>
          %broadcast_in_dim3A_880 = vector.shape_cast %select_n3A_879 : vector<16xi32> to vector<16x1xi32>
          %gather3A = vector.shape_cast %broadcast_in_dim3A_880 : vector<16x1xi32> to vector<16xi32>
          %gather3A_881 = tpu.dynamic_gather %select_n3A_867[%gather3A] in [0] : vector<16xi32>, vector<16xi32> -> vector<16xi32>
          %ge3A_882 = arith.constant 1 : i32
          %ge3A_883 = vector.broadcast %ge3A_882 : i32 to vector<16xi32>
          %ge3A_884 = arith.cmpi sge, %iota3A_629, %ge3A_883 : vector<16xi32>
          %jit3A_885 = arith.constant 0 : i32
          %broadcast_in_dim3A_886 = vector.broadcast %jit3A_885 : i32 to vector<16xi32>
          %select_n3A_887 = arith.select %ge3A_884, %gather3A_881, %broadcast_in_dim3A_886 : vector<16xi1>, vector<16xi32>
          %add3A_888 = arith.addi %select_n3A_867, %select_n3A_887 : vector<16xi32>
          %sub3A_889 = arith.constant 2 : i32
          %sub3A_890 = vector.broadcast %sub3A_889 : i32 to vector<16xi32>
          %sub3A_891 = arith.subi %iota3A_629, %sub3A_890 : vector<16xi32>
          %max3A_892 = arith.constant 0 : i32
          %max3A_893 = vector.broadcast %max3A_892 : i32 to vector<16xi32>
          %max3A_894 = arith.maxsi %sub3A_891, %max3A_893 : vector<16xi32>
          %lt3A_895 = arith.constant 0 : i32
          %lt3A_896 = vector.broadcast %lt3A_895 : i32 to vector<16xi32>
          %lt3A_897 = arith.cmpi slt, %max3A_894, %lt3A_896 : vector<16xi32>
          %add3A_898 = arith.constant 16 : i32
          %add3A_899 = vector.broadcast %add3A_898 : i32 to vector<16xi32>
          %add3A_900 = arith.addi %max3A_894, %add3A_899 : vector<16xi32>
          %select_n3A_901 = arith.select %lt3A_897, %add3A_900, %max3A_894 : vector<16xi1>, vector<16xi32>
          %broadcast_in_dim3A_902 = vector.shape_cast %select_n3A_901 : vector<16xi32> to vector<16x1xi32>
          %gather3A_903 = vector.shape_cast %broadcast_in_dim3A_902 : vector<16x1xi32> to vector<16xi32>
          %gather3A_904 = tpu.dynamic_gather %add3A_888[%gather3A_903] in [0] : vector<16xi32>, vector<16xi32> -> vector<16xi32>
          %ge3A_905 = arith.constant 2 : i32
          %ge3A_906 = vector.broadcast %ge3A_905 : i32 to vector<16xi32>
          %ge3A_907 = arith.cmpi sge, %iota3A_629, %ge3A_906 : vector<16xi32>
          %jit3A_908 = arith.constant 0 : i32
          %broadcast_in_dim3A_909 = vector.broadcast %jit3A_908 : i32 to vector<16xi32>
          %select_n3A_910 = arith.select %ge3A_907, %gather3A_904, %broadcast_in_dim3A_909 : vector<16xi1>, vector<16xi32>
          %add3A_911 = arith.addi %add3A_888, %select_n3A_910 : vector<16xi32>
          %sub3A_912 = arith.constant 4 : i32
          %sub3A_913 = vector.broadcast %sub3A_912 : i32 to vector<16xi32>
          %sub3A_914 = arith.subi %iota3A_629, %sub3A_913 : vector<16xi32>
          %max3A_915 = arith.constant 0 : i32
          %max3A_916 = vector.broadcast %max3A_915 : i32 to vector<16xi32>
          %max3A_917 = arith.maxsi %sub3A_914, %max3A_916 : vector<16xi32>
          %lt3A_918 = arith.constant 0 : i32
          %lt3A_919 = vector.broadcast %lt3A_918 : i32 to vector<16xi32>
          %lt3A_920 = arith.cmpi slt, %max3A_917, %lt3A_919 : vector<16xi32>
          %add3A_921 = arith.constant 16 : i32
          %add3A_922 = vector.broadcast %add3A_921 : i32 to vector<16xi32>
          %add3A_923 = arith.addi %max3A_917, %add3A_922 : vector<16xi32>
          %select_n3A_924 = arith.select %lt3A_920, %add3A_923, %max3A_917 : vector<16xi1>, vector<16xi32>
          %broadcast_in_dim3A_925 = vector.shape_cast %select_n3A_924 : vector<16xi32> to vector<16x1xi32>
          %gather3A_926 = vector.shape_cast %broadcast_in_dim3A_925 : vector<16x1xi32> to vector<16xi32>
          %gather3A_927 = tpu.dynamic_gather %add3A_911[%gather3A_926] in [0] : vector<16xi32>, vector<16xi32> -> vector<16xi32>
          %ge3A_928 = arith.constant 4 : i32
          %ge3A_929 = vector.broadcast %ge3A_928 : i32 to vector<16xi32>
          %ge3A_930 = arith.cmpi sge, %iota3A_629, %ge3A_929 : vector<16xi32>
          %jit3A_931 = arith.constant 0 : i32
          %broadcast_in_dim3A_932 = vector.broadcast %jit3A_931 : i32 to vector<16xi32>
          %select_n3A_933 = arith.select %ge3A_930, %gather3A_927, %broadcast_in_dim3A_932 : vector<16xi1>, vector<16xi32>
          %add3A_934 = arith.addi %add3A_911, %select_n3A_933 : vector<16xi32>
          %sub3A_935 = arith.constant 8 : i32
          %sub3A_936 = vector.broadcast %sub3A_935 : i32 to vector<16xi32>
          %sub3A_937 = arith.subi %iota3A_629, %sub3A_936 : vector<16xi32>
          %max3A_938 = arith.constant 0 : i32
          %max3A_939 = vector.broadcast %max3A_938 : i32 to vector<16xi32>
          %max3A_940 = arith.maxsi %sub3A_937, %max3A_939 : vector<16xi32>
          %lt3A_941 = arith.constant 0 : i32
          %lt3A_942 = vector.broadcast %lt3A_941 : i32 to vector<16xi32>
          %lt3A_943 = arith.cmpi slt, %max3A_940, %lt3A_942 : vector<16xi32>
          %add3A_944 = arith.constant 16 : i32
          %add3A_945 = vector.broadcast %add3A_944 : i32 to vector<16xi32>
          %add3A_946 = arith.addi %max3A_940, %add3A_945 : vector<16xi32>
          %select_n3A_947 = arith.select %lt3A_943, %add3A_946, %max3A_940 : vector<16xi1>, vector<16xi32>
          %broadcast_in_dim3A_948 = vector.shape_cast %select_n3A_947 : vector<16xi32> to vector<16x1xi32>
          %gather3A_949 = vector.shape_cast %broadcast_in_dim3A_948 : vector<16x1xi32> to vector<16xi32>
          %gather3A_950 = tpu.dynamic_gather %add3A_934[%gather3A_949] in [0] : vector<16xi32>, vector<16xi32> -> vector<16xi32>
          %ge3A_951 = arith.constant 8 : i32
          %ge3A_952 = vector.broadcast %ge3A_951 : i32 to vector<16xi32>
          %ge3A_953 = arith.cmpi sge, %iota3A_629, %ge3A_952 : vector<16xi32>
          %jit3A_954 = arith.constant 0 : i32
          %broadcast_in_dim3A_955 = vector.broadcast %jit3A_954 : i32 to vector<16xi32>
          %select_n3A_956 = arith.select %ge3A_953, %gather3A_950, %broadcast_in_dim3A_955 : vector<16xi1>, vector<16xi32>
          %add3A_957 = arith.addi %add3A_934, %select_n3A_956 : vector<16xi32>
          %slice3A = vector.extract_strided_slice %add3A_957 {offsets = [15], sizes = [1], strides = [1]} : vector<16xi32> to vector<1xi32>
          %squeeze3A = vector.extract %slice3A[0] : i32 from vector<1xi32>
          %broadcast_in_dim3A_958 = arith.constant 0 : i32
          %broadcast_in_dim3A_959 = vector.broadcast %broadcast_in_dim3A_958 : i32 to vector<16xi32>
          %add3A_960 = arith.constant 1 : i32
          %add3A_961 = vector.broadcast %add3A_960 : i32 to vector<16xi32>
          %add3A_962 = arith.addi %iota3A_629, %add3A_961 : vector<16xi32>
          %add3A_963 = arith.constant 8 : i32
          %add3A_964 = vector.broadcast %add3A_963 : i32 to vector<16xi32>
          %add3A_965 = arith.addi %broadcast_in_dim3A_959, %add3A_964 : vector<16xi32>
          %sub3A_966 = arith.constant 1 : i32
          %sub3A_967 = vector.broadcast %sub3A_966 : i32 to vector<16xi32>
          %sub3A_968 = arith.subi %add3A_965, %sub3A_967 : vector<16xi32>
          %lt3A_969 = arith.constant 0 : i32
          %lt3A_970 = vector.broadcast %lt3A_969 : i32 to vector<16xi32>
          %lt3A_971 = arith.cmpi slt, %sub3A_968, %lt3A_970 : vector<16xi32>
          %add3A_972 = arith.constant 16 : i32
          %add3A_973 = vector.broadcast %add3A_972 : i32 to vector<16xi32>
          %add3A_974 = arith.addi %sub3A_968, %add3A_973 : vector<16xi32>
          %select_n3A_975 = arith.select %lt3A_971, %add3A_974, %sub3A_968 : vector<16xi1>, vector<16xi32>
          %broadcast_in_dim3A_976 = vector.shape_cast %select_n3A_975 : vector<16xi32> to vector<16x1xi32>
          %gather3A_977 = vector.shape_cast %broadcast_in_dim3A_976 : vector<16x1xi32> to vector<16xi32>
          %gather3A_978 = tpu.dynamic_gather %add3A_957[%gather3A_977] in [0] : vector<16xi32>, vector<16xi32> -> vector<16xi32>
          %lt3A_979 = arith.cmpi slt, %gather3A_978, %add3A_962 : vector<16xi32>
          %select_n3A_980 = arith.select %lt3A_979, %add3A_965, %broadcast_in_dim3A_959 : vector<16xi1>, vector<16xi32>
          %add3A_981 = arith.constant 4 : i32
          %add3A_982 = vector.broadcast %add3A_981 : i32 to vector<16xi32>
          %add3A_983 = arith.addi %select_n3A_980, %add3A_982 : vector<16xi32>
          %sub3A_984 = arith.constant 1 : i32
          %sub3A_985 = vector.broadcast %sub3A_984 : i32 to vector<16xi32>
          %sub3A_986 = arith.subi %add3A_983, %sub3A_985 : vector<16xi32>
          %lt3A_987 = arith.constant 0 : i32
          %lt3A_988 = vector.broadcast %lt3A_987 : i32 to vector<16xi32>
          %lt3A_989 = arith.cmpi slt, %sub3A_986, %lt3A_988 : vector<16xi32>
          %add3A_990 = arith.constant 16 : i32
          %add3A_991 = vector.broadcast %add3A_990 : i32 to vector<16xi32>
          %add3A_992 = arith.addi %sub3A_986, %add3A_991 : vector<16xi32>
          %select_n3A_993 = arith.select %lt3A_989, %add3A_992, %sub3A_986 : vector<16xi1>, vector<16xi32>
          %broadcast_in_dim3A_994 = vector.shape_cast %select_n3A_993 : vector<16xi32> to vector<16x1xi32>
          %gather3A_995 = vector.shape_cast %broadcast_in_dim3A_994 : vector<16x1xi32> to vector<16xi32>
          %gather3A_996 = tpu.dynamic_gather %add3A_957[%gather3A_995] in [0] : vector<16xi32>, vector<16xi32> -> vector<16xi32>
          %lt3A_997 = arith.cmpi slt, %gather3A_996, %add3A_962 : vector<16xi32>
          %select_n3A_998 = arith.select %lt3A_997, %add3A_983, %select_n3A_980 : vector<16xi1>, vector<16xi32>
          %add3A_999 = arith.constant 2 : i32
          %add3A_1000 = vector.broadcast %add3A_999 : i32 to vector<16xi32>
          %add3A_1001 = arith.addi %select_n3A_998, %add3A_1000 : vector<16xi32>
          %sub3A_1002 = arith.constant 1 : i32
          %sub3A_1003 = vector.broadcast %sub3A_1002 : i32 to vector<16xi32>
          %sub3A_1004 = arith.subi %add3A_1001, %sub3A_1003 : vector<16xi32>
          %lt3A_1005 = arith.constant 0 : i32
          %lt3A_1006 = vector.broadcast %lt3A_1005 : i32 to vector<16xi32>
          %lt3A_1007 = arith.cmpi slt, %sub3A_1004, %lt3A_1006 : vector<16xi32>
          %add3A_1008 = arith.constant 16 : i32
          %add3A_1009 = vector.broadcast %add3A_1008 : i32 to vector<16xi32>
          %add3A_1010 = arith.addi %sub3A_1004, %add3A_1009 : vector<16xi32>
          %select_n3A_1011 = arith.select %lt3A_1007, %add3A_1010, %sub3A_1004 : vector<16xi1>, vector<16xi32>
          %broadcast_in_dim3A_1012 = vector.shape_cast %select_n3A_1011 : vector<16xi32> to vector<16x1xi32>
          %gather3A_1013 = vector.shape_cast %broadcast_in_dim3A_1012 : vector<16x1xi32> to vector<16xi32>
          %gather3A_1014 = tpu.dynamic_gather %add3A_957[%gather3A_1013] in [0] : vector<16xi32>, vector<16xi32> -> vector<16xi32>
          %lt3A_1015 = arith.cmpi slt, %gather3A_1014, %add3A_962 : vector<16xi32>
          %select_n3A_1016 = arith.select %lt3A_1015, %add3A_1001, %select_n3A_998 : vector<16xi1>, vector<16xi32>
          %add3A_1017 = arith.constant 1 : i32
          %add3A_1018 = vector.broadcast %add3A_1017 : i32 to vector<16xi32>
          %add3A_1019 = arith.addi %select_n3A_1016, %add3A_1018 : vector<16xi32>
          %sub3A_1020 = arith.constant 1 : i32
          %sub3A_1021 = vector.broadcast %sub3A_1020 : i32 to vector<16xi32>
          %sub3A_1022 = arith.subi %add3A_1019, %sub3A_1021 : vector<16xi32>
          %lt3A_1023 = arith.constant 0 : i32
          %lt3A_1024 = vector.broadcast %lt3A_1023 : i32 to vector<16xi32>
          %lt3A_1025 = arith.cmpi slt, %sub3A_1022, %lt3A_1024 : vector<16xi32>
          %add3A_1026 = arith.constant 16 : i32
          %add3A_1027 = vector.broadcast %add3A_1026 : i32 to vector<16xi32>
          %add3A_1028 = arith.addi %sub3A_1022, %add3A_1027 : vector<16xi32>
          %select_n3A_1029 = arith.select %lt3A_1025, %add3A_1028, %sub3A_1022 : vector<16xi1>, vector<16xi32>
          %broadcast_in_dim3A_1030 = vector.shape_cast %select_n3A_1029 : vector<16xi32> to vector<16x1xi32>
          %gather3A_1031 = vector.shape_cast %broadcast_in_dim3A_1030 : vector<16x1xi32> to vector<16xi32>
          %gather3A_1032 = tpu.dynamic_gather %add3A_957[%gather3A_1031] in [0] : vector<16xi32>, vector<16xi32> -> vector<16xi32>
          %lt3A_1033 = arith.cmpi slt, %gather3A_1032, %add3A_962 : vector<16xi32>
          %select_n3A_1034 = arith.select %lt3A_1033, %add3A_1019, %select_n3A_1016 : vector<16xi1>, vector<16xi32>
          %min3A = arith.constant 15 : i32
          %min3A_1035 = vector.broadcast %min3A : i32 to vector<16xi32>
          %min3A_1036 = arith.minsi %select_n3A_1034, %min3A_1035 : vector<16xi32>
          %sub3A_1037 = vector.broadcast %mul3A_28 : i32 to vector<16xi32>
          %sub3A_1038 = arith.subi %get3A_837, %sub3A_1037 : vector<16xi32>
          %lt3A_1039 = arith.constant 0 : i32
          %lt3A_1040 = vector.broadcast %lt3A_1039 : i32 to vector<16xi32>
          %lt3A_1041 = arith.cmpi slt, %min3A_1036, %lt3A_1040 : vector<16xi32>
          %add3A_1042 = arith.constant 16 : i32
          %add3A_1043 = vector.broadcast %add3A_1042 : i32 to vector<16xi32>
          %add3A_1044 = arith.addi %min3A_1036, %add3A_1043 : vector<16xi32>
          %select_n3A_1045 = arith.select %lt3A_1041, %add3A_1044, %min3A_1036 : vector<16xi1>, vector<16xi32>
          %broadcast_in_dim3A_1046 = vector.shape_cast %select_n3A_1045 : vector<16xi32> to vector<16x1xi32>
          %gather3A_1047 = vector.shape_cast %broadcast_in_dim3A_1046 : vector<16x1xi32> to vector<16xi32>
          %gather3A_1048 = tpu.dynamic_gather %sub3A_1038[%gather3A_1047] in [0] : vector<16xi32>, vector<16xi32> -> vector<16xi32>
          %swap3A_1049 = arith.index_cast %scan3A_832 : i32 to index
          %swap3A_1050 = tpu.vector_load %arg12[%swap3A_1049] {strides = array<i32>} : memref<1008xi32, #tpu.memory_space<vmem>>, vector<16xi32>,
          %swap3A_1051 = vector.shape_cast %swap3A_1050 : vector<16xi32> to vector<16xi32>
          %swap3A_1052 = vector.shape_cast %gather3A_1048 : vector<16xi32> to vector<16xi32>
          tpu.vector_store %arg12[%swap3A_1049], %swap3A_1052 {strides = array<i32>} : memref<1008xi32, #tpu.memory_space<vmem>>, vector<16xi32>,
          %mul3A_1053 = arith.constant 4 : i32
          %mul3A_1054 = vector.broadcast %mul3A_1053 : i32 to vector<16xi32>
          %mul3A_1055 = arith.muli %get3A_842, %mul3A_1054 : vector<16xi32>
          %add3A_1056 = vector.broadcast %select_n3A : i32 to vector<16xi32>
          %add3A_1057 = arith.addi %mul3A_1055, %add3A_1056 : vector<16xi32>
          %lt3A_1058 = arith.constant 0 : i32
          %lt3A_1059 = vector.broadcast %lt3A_1058 : i32 to vector<16xi32>
          %lt3A_1060 = arith.cmpi slt, %min3A_1036, %lt3A_1059 : vector<16xi32>
          %add3A_1061 = arith.constant 16 : i32
          %add3A_1062 = vector.broadcast %add3A_1061 : i32 to vector<16xi32>
          %add3A_1063 = arith.addi %min3A_1036, %add3A_1062 : vector<16xi32>
          %select_n3A_1064 = arith.select %lt3A_1060, %add3A_1063, %min3A_1036 : vector<16xi1>, vector<16xi32>
          %broadcast_in_dim3A_1065 = vector.shape_cast %select_n3A_1064 : vector<16xi32> to vector<16x1xi32>
          %gather3A_1066 = vector.shape_cast %broadcast_in_dim3A_1065 : vector<16x1xi32> to vector<16xi32>
          %gather3A_1067 = tpu.dynamic_gather %add3A_1057[%gather3A_1066] in [0] : vector<16xi32>, vector<16xi32> -> vector<16xi32>
          %swap3A_1068 = arith.index_cast %scan3A_832 : i32 to index
          %swap3A_1069 = tpu.vector_load %arg11[%swap3A_1068] {strides = array<i32>} : memref<1008xi32, #tpu.memory_space<vmem>>, vector<16xi32>,
          %swap3A_1070 = vector.shape_cast %swap3A_1069 : vector<16xi32> to vector<16xi32>
          %swap3A_1071 = vector.shape_cast %gather3A_1067 : vector<16xi32> to vector<16xi32>
          tpu.vector_store %arg11[%swap3A_1068], %swap3A_1071 {strides = array<i32>} : memref<1008xi32, #tpu.memory_space<vmem>>, vector<16xi32>,
          %add3A_1072 = arith.addi %scan3A_832, %squeeze3A : i32
          %ge3A_1073 = vector.broadcast %mul3A_28 : i32 to vector<16xi32>
          %ge3A_1074 = arith.cmpi sge, %get3A_849, %ge3A_1073 : vector<16xi32>
          %add3A_1075 = arith.constant 12544 : i32
          %add3A_1076 = arith.addi %mul3A_28, %add3A_1075 : i32
          %lt3A_1077 = vector.broadcast %add3A_1076 : i32 to vector<16xi32>
          %lt3A_1078 = arith.cmpi slt, %get3A_849, %lt3A_1077 : vector<16xi32>
          %and3A_1079 = arith.andi %ge3A_1074, %lt3A_1078 : vector<16xi1>
          %jit3A_1080 = arith.constant 1 : i32
          %jit3A_1081 = arith.constant 0 : i32
          %broadcast_in_dim3A_1082 = vector.broadcast %jit3A_1080 : i32 to vector<16xi32>
          %broadcast_in_dim3A_1083 = vector.broadcast %jit3A_1081 : i32 to vector<16xi32>
          %select_n3A_1084 = arith.select %and3A_1079, %broadcast_in_dim3A_1082, %broadcast_in_dim3A_1083 : vector<16xi1>, vector<16xi32>
          %sub3A_1085 = arith.constant 1 : i32
          %sub3A_1086 = vector.broadcast %sub3A_1085 : i32 to vector<16xi32>
          %sub3A_1087 = arith.subi %iota3A_629, %sub3A_1086 : vector<16xi32>
          %max3A_1088 = arith.constant 0 : i32
          %max3A_1089 = vector.broadcast %max3A_1088 : i32 to vector<16xi32>
          %max3A_1090 = arith.maxsi %sub3A_1087, %max3A_1089 : vector<16xi32>
          %lt3A_1091 = arith.constant 0 : i32
          %lt3A_1092 = vector.broadcast %lt3A_1091 : i32 to vector<16xi32>
          %lt3A_1093 = arith.cmpi slt, %max3A_1090, %lt3A_1092 : vector<16xi32>
          %add3A_1094 = arith.constant 16 : i32
          %add3A_1095 = vector.broadcast %add3A_1094 : i32 to vector<16xi32>
          %add3A_1096 = arith.addi %max3A_1090, %add3A_1095 : vector<16xi32>
          %select_n3A_1097 = arith.select %lt3A_1093, %add3A_1096, %max3A_1090 : vector<16xi1>, vector<16xi32>
          %broadcast_in_dim3A_1098 = vector.shape_cast %select_n3A_1097 : vector<16xi32> to vector<16x1xi32>
          %gather3A_1099 = vector.shape_cast %broadcast_in_dim3A_1098 : vector<16x1xi32> to vector<16xi32>
          %gather3A_1100 = tpu.dynamic_gather %select_n3A_1084[%gather3A_1099] in [0] : vector<16xi32>, vector<16xi32> -> vector<16xi32>
          %ge3A_1101 = arith.constant 1 : i32
          %ge3A_1102 = vector.broadcast %ge3A_1101 : i32 to vector<16xi32>
          %ge3A_1103 = arith.cmpi sge, %iota3A_629, %ge3A_1102 : vector<16xi32>
          %jit3A_1104 = arith.constant 0 : i32
          %broadcast_in_dim3A_1105 = vector.broadcast %jit3A_1104 : i32 to vector<16xi32>
          %select_n3A_1106 = arith.select %ge3A_1103, %gather3A_1100, %broadcast_in_dim3A_1105 : vector<16xi1>, vector<16xi32>
          %add3A_1107 = arith.addi %select_n3A_1084, %select_n3A_1106 : vector<16xi32>
          %sub3A_1108 = arith.constant 2 : i32
          %sub3A_1109 = vector.broadcast %sub3A_1108 : i32 to vector<16xi32>
          %sub3A_1110 = arith.subi %iota3A_629, %sub3A_1109 : vector<16xi32>
          %max3A_1111 = arith.constant 0 : i32
          %max3A_1112 = vector.broadcast %max3A_1111 : i32 to vector<16xi32>
          %max3A_1113 = arith.maxsi %sub3A_1110, %max3A_1112 : vector<16xi32>
          %lt3A_1114 = arith.constant 0 : i32
          %lt3A_1115 = vector.broadcast %lt3A_1114 : i32 to vector<16xi32>
          %lt3A_1116 = arith.cmpi slt, %max3A_1113, %lt3A_1115 : vector<16xi32>
          %add3A_1117 = arith.constant 16 : i32
          %add3A_1118 = vector.broadcast %add3A_1117 : i32 to vector<16xi32>
          %add3A_1119 = arith.addi %max3A_1113, %add3A_1118 : vector<16xi32>
          %select_n3A_1120 = arith.select %lt3A_1116, %add3A_1119, %max3A_1113 : vector<16xi1>, vector<16xi32>
          %broadcast_in_dim3A_1121 = vector.shape_cast %select_n3A_1120 : vector<16xi32> to vector<16x1xi32>
          %gather3A_1122 = vector.shape_cast %broadcast_in_dim3A_1121 : vector<16x1xi32> to vector<16xi32>
          %gather3A_1123 = tpu.dynamic_gather %add3A_1107[%gather3A_1122] in [0] : vector<16xi32>, vector<16xi32> -> vector<16xi32>
          %ge3A_1124 = arith.constant 2 : i32
          %ge3A_1125 = vector.broadcast %ge3A_1124 : i32 to vector<16xi32>
          %ge3A_1126 = arith.cmpi sge, %iota3A_629, %ge3A_1125 : vector<16xi32>
          %jit3A_1127 = arith.constant 0 : i32
          %broadcast_in_dim3A_1128 = vector.broadcast %jit3A_1127 : i32 to vector<16xi32>
          %select_n3A_1129 = arith.select %ge3A_1126, %gather3A_1123, %broadcast_in_dim3A_1128 : vector<16xi1>, vector<16xi32>
          %add3A_1130 = arith.addi %add3A_1107, %select_n3A_1129 : vector<16xi32>
          %sub3A_1131 = arith.constant 4 : i32
          %sub3A_1132 = vector.broadcast %sub3A_1131 : i32 to vector<16xi32>
          %sub3A_1133 = arith.subi %iota3A_629, %sub3A_1132 : vector<16xi32>
          %max3A_1134 = arith.constant 0 : i32
          %max3A_1135 = vector.broadcast %max3A_1134 : i32 to vector<16xi32>
          %max3A_1136 = arith.maxsi %sub3A_1133, %max3A_1135 : vector<16xi32>
          %lt3A_1137 = arith.constant 0 : i32
          %lt3A_1138 = vector.broadcast %lt3A_1137 : i32 to vector<16xi32>
          %lt3A_1139 = arith.cmpi slt, %max3A_1136, %lt3A_1138 : vector<16xi32>
          %add3A_1140 = arith.constant 16 : i32
          %add3A_1141 = vector.broadcast %add3A_1140 : i32 to vector<16xi32>
          %add3A_1142 = arith.addi %max3A_1136, %add3A_1141 : vector<16xi32>
          %select_n3A_1143 = arith.select %lt3A_1139, %add3A_1142, %max3A_1136 : vector<16xi1>, vector<16xi32>
          %broadcast_in_dim3A_1144 = vector.shape_cast %select_n3A_1143 : vector<16xi32> to vector<16x1xi32>
          %gather3A_1145 = vector.shape_cast %broadcast_in_dim3A_1144 : vector<16x1xi32> to vector<16xi32>
          %gather3A_1146 = tpu.dynamic_gather %add3A_1130[%gather3A_1145] in [0] : vector<16xi32>, vector<16xi32> -> vector<16xi32>
          %ge3A_1147 = arith.constant 4 : i32
          %ge3A_1148 = vector.broadcast %ge3A_1147 : i32 to vector<16xi32>
          %ge3A_1149 = arith.cmpi sge, %iota3A_629, %ge3A_1148 : vector<16xi32>
          %jit3A_1150 = arith.constant 0 : i32
          %broadcast_in_dim3A_1151 = vector.broadcast %jit3A_1150 : i32 to vector<16xi32>
          %select_n3A_1152 = arith.select %ge3A_1149, %gather3A_1146, %broadcast_in_dim3A_1151 : vector<16xi1>, vector<16xi32>
          %add3A_1153 = arith.addi %add3A_1130, %select_n3A_1152 : vector<16xi32>
          %sub3A_1154 = arith.constant 8 : i32
          %sub3A_1155 = vector.broadcast %sub3A_1154 : i32 to vector<16xi32>
          %sub3A_1156 = arith.subi %iota3A_629, %sub3A_1155 : vector<16xi32>
          %max3A_1157 = arith.constant 0 : i32
          %max3A_1158 = vector.broadcast %max3A_1157 : i32 to vector<16xi32>
          %max3A_1159 = arith.maxsi %sub3A_1156, %max3A_1158 : vector<16xi32>
          %lt3A_1160 = arith.constant 0 : i32
          %lt3A_1161 = vector.broadcast %lt3A_1160 : i32 to vector<16xi32>
          %lt3A_1162 = arith.cmpi slt, %max3A_1159, %lt3A_1161 : vector<16xi32>
          %add3A_1163 = arith.constant 16 : i32
          %add3A_1164 = vector.broadcast %add3A_1163 : i32 to vector<16xi32>
          %add3A_1165 = arith.addi %max3A_1159, %add3A_1164 : vector<16xi32>
          %select_n3A_1166 = arith.select %lt3A_1162, %add3A_1165, %max3A_1159 : vector<16xi1>, vector<16xi32>
          %broadcast_in_dim3A_1167 = vector.shape_cast %select_n3A_1166 : vector<16xi32> to vector<16x1xi32>
          %gather3A_1168 = vector.shape_cast %broadcast_in_dim3A_1167 : vector<16x1xi32> to vector<16xi32>
          %gather3A_1169 = tpu.dynamic_gather %add3A_1153[%gather3A_1168] in [0] : vector<16xi32>, vector<16xi32> -> vector<16xi32>
          %ge3A_1170 = arith.constant 8 : i32
          %ge3A_1171 = vector.broadcast %ge3A_1170 : i32 to vector<16xi32>
          %ge3A_1172 = arith.cmpi sge, %iota3A_629, %ge3A_1171 : vector<16xi32>
          %jit3A_1173 = arith.constant 0 : i32
          %broadcast_in_dim3A_1174 = vector.broadcast %jit3A_1173 : i32 to vector<16xi32>
          %select_n3A_1175 = arith.select %ge3A_1172, %gather3A_1169, %broadcast_in_dim3A_1174 : vector<16xi1>, vector<16xi32>
          %add3A_1176 = arith.addi %add3A_1153, %select_n3A_1175 : vector<16xi32>
          %slice3A_1177 = vector.extract_strided_slice %add3A_1176 {offsets = [15], sizes = [1], strides = [1]} : vector<16xi32> to vector<1xi32>
          %squeeze3A_1178 = vector.extract %slice3A_1177[0] : i32 from vector<1xi32>
          %broadcast_in_dim3A_1179 = arith.constant 0 : i32
          %broadcast_in_dim3A_1180 = vector.broadcast %broadcast_in_dim3A_1179 : i32 to vector<16xi32>
          %add3A_1181 = arith.constant 1 : i32
          %add3A_1182 = vector.broadcast %add3A_1181 : i32 to vector<16xi32>
          %add3A_1183 = arith.addi %iota3A_629, %add3A_1182 : vector<16xi32>
          %add3A_1184 = arith.constant 8 : i32
          %add3A_1185 = vector.broadcast %add3A_1184 : i32 to vector<16xi32>
          %add3A_1186 = arith.addi %broadcast_in_dim3A_1180, %add3A_1185 : vector<16xi32>
          %sub3A_1187 = arith.constant 1 : i32
          %sub3A_1188 = vector.broadcast %sub3A_1187 : i32 to vector<16xi32>
          %sub3A_1189 = arith.subi %add3A_1186, %sub3A_1188 : vector<16xi32>
          %lt3A_1190 = arith.constant 0 : i32
          %lt3A_1191 = vector.broadcast %lt3A_1190 : i32 to vector<16xi32>
          %lt3A_1192 = arith.cmpi slt, %sub3A_1189, %lt3A_1191 : vector<16xi32>
          %add3A_1193 = arith.constant 16 : i32
          %add3A_1194 = vector.broadcast %add3A_1193 : i32 to vector<16xi32>
          %add3A_1195 = arith.addi %sub3A_1189, %add3A_1194 : vector<16xi32>
          %select_n3A_1196 = arith.select %lt3A_1192, %add3A_1195, %sub3A_1189 : vector<16xi1>, vector<16xi32>
          %broadcast_in_dim3A_1197 = vector.shape_cast %select_n3A_1196 : vector<16xi32> to vector<16x1xi32>
          %gather3A_1198 = vector.shape_cast %broadcast_in_dim3A_1197 : vector<16x1xi32> to vector<16xi32>
          %gather3A_1199 = tpu.dynamic_gather %add3A_1176[%gather3A_1198] in [0] : vector<16xi32>, vector<16xi32> -> vector<16xi32>
          %lt3A_1200 = arith.cmpi slt, %gather3A_1199, %add3A_1183 : vector<16xi32>
          %select_n3A_1201 = arith.select %lt3A_1200, %add3A_1186, %broadcast_in_dim3A_1180 : vector<16xi1>, vector<16xi32>
          %add3A_1202 = arith.constant 4 : i32
          %add3A_1203 = vector.broadcast %add3A_1202 : i32 to vector<16xi32>
          %add3A_1204 = arith.addi %select_n3A_1201, %add3A_1203 : vector<16xi32>
          %sub3A_1205 = arith.constant 1 : i32
          %sub3A_1206 = vector.broadcast %sub3A_1205 : i32 to vector<16xi32>
          %sub3A_1207 = arith.subi %add3A_1204, %sub3A_1206 : vector<16xi32>
          %lt3A_1208 = arith.constant 0 : i32
          %lt3A_1209 = vector.broadcast %lt3A_1208 : i32 to vector<16xi32>
          %lt3A_1210 = arith.cmpi slt, %sub3A_1207, %lt3A_1209 : vector<16xi32>
          %add3A_1211 = arith.constant 16 : i32
          %add3A_1212 = vector.broadcast %add3A_1211 : i32 to vector<16xi32>
          %add3A_1213 = arith.addi %sub3A_1207, %add3A_1212 : vector<16xi32>
          %select_n3A_1214 = arith.select %lt3A_1210, %add3A_1213, %sub3A_1207 : vector<16xi1>, vector<16xi32>
          %broadcast_in_dim3A_1215 = vector.shape_cast %select_n3A_1214 : vector<16xi32> to vector<16x1xi32>
          %gather3A_1216 = vector.shape_cast %broadcast_in_dim3A_1215 : vector<16x1xi32> to vector<16xi32>
          %gather3A_1217 = tpu.dynamic_gather %add3A_1176[%gather3A_1216] in [0] : vector<16xi32>, vector<16xi32> -> vector<16xi32>
          %lt3A_1218 = arith.cmpi slt, %gather3A_1217, %add3A_1183 : vector<16xi32>
          %select_n3A_1219 = arith.select %lt3A_1218, %add3A_1204, %select_n3A_1201 : vector<16xi1>, vector<16xi32>
          %add3A_1220 = arith.constant 2 : i32
          %add3A_1221 = vector.broadcast %add3A_1220 : i32 to vector<16xi32>
          %add3A_1222 = arith.addi %select_n3A_1219, %add3A_1221 : vector<16xi32>
          %sub3A_1223 = arith.constant 1 : i32
          %sub3A_1224 = vector.broadcast %sub3A_1223 : i32 to vector<16xi32>
          %sub3A_1225 = arith.subi %add3A_1222, %sub3A_1224 : vector<16xi32>
          %lt3A_1226 = arith.constant 0 : i32
          %lt3A_1227 = vector.broadcast %lt3A_1226 : i32 to vector<16xi32>
          %lt3A_1228 = arith.cmpi slt, %sub3A_1225, %lt3A_1227 : vector<16xi32>
          %add3A_1229 = arith.constant 16 : i32
          %add3A_1230 = vector.broadcast %add3A_1229 : i32 to vector<16xi32>
          %add3A_1231 = arith.addi %sub3A_1225, %add3A_1230 : vector<16xi32>
          %select_n3A_1232 = arith.select %lt3A_1228, %add3A_1231, %sub3A_1225 : vector<16xi1>, vector<16xi32>
          %broadcast_in_dim3A_1233 = vector.shape_cast %select_n3A_1232 : vector<16xi32> to vector<16x1xi32>
          %gather3A_1234 = vector.shape_cast %broadcast_in_dim3A_1233 : vector<16x1xi32> to vector<16xi32>
          %gather3A_1235 = tpu.dynamic_gather %add3A_1176[%gather3A_1234] in [0] : vector<16xi32>, vector<16xi32> -> vector<16xi32>
          %lt3A_1236 = arith.cmpi slt, %gather3A_1235, %add3A_1183 : vector<16xi32>
          %select_n3A_1237 = arith.select %lt3A_1236, %add3A_1222, %select_n3A_1219 : vector<16xi1>, vector<16xi32>
          %add3A_1238 = arith.constant 1 : i32
          %add3A_1239 = vector.broadcast %add3A_1238 : i32 to vector<16xi32>
          %add3A_1240 = arith.addi %select_n3A_1237, %add3A_1239 : vector<16xi32>
          %sub3A_1241 = arith.constant 1 : i32
          %sub3A_1242 = vector.broadcast %sub3A_1241 : i32 to vector<16xi32>
          %sub3A_1243 = arith.subi %add3A_1240, %sub3A_1242 : vector<16xi32>
          %lt3A_1244 = arith.constant 0 : i32
          %lt3A_1245 = vector.broadcast %lt3A_1244 : i32 to vector<16xi32>
          %lt3A_1246 = arith.cmpi slt, %sub3A_1243, %lt3A_1245 : vector<16xi32>
          %add3A_1247 = arith.constant 16 : i32
          %add3A_1248 = vector.broadcast %add3A_1247 : i32 to vector<16xi32>
          %add3A_1249 = arith.addi %sub3A_1243, %add3A_1248 : vector<16xi32>
          %select_n3A_1250 = arith.select %lt3A_1246, %add3A_1249, %sub3A_1243 : vector<16xi1>, vector<16xi32>
          %broadcast_in_dim3A_1251 = vector.shape_cast %select_n3A_1250 : vector<16xi32> to vector<16x1xi32>
          %gather3A_1252 = vector.shape_cast %broadcast_in_dim3A_1251 : vector<16x1xi32> to vector<16xi32>
          %gather3A_1253 = tpu.dynamic_gather %add3A_1176[%gather3A_1252] in [0] : vector<16xi32>, vector<16xi32> -> vector<16xi32>
          %lt3A_1254 = arith.cmpi slt, %gather3A_1253, %add3A_1183 : vector<16xi32>
          %select_n3A_1255 = arith.select %lt3A_1254, %add3A_1240, %select_n3A_1237 : vector<16xi1>, vector<16xi32>
          %min3A_1256 = arith.constant 15 : i32
          %min3A_1257 = vector.broadcast %min3A_1256 : i32 to vector<16xi32>
          %min3A_1258 = arith.minsi %select_n3A_1255, %min3A_1257 : vector<16xi32>
          %sub3A_1259 = vector.broadcast %mul3A_28 : i32 to vector<16xi32>
          %sub3A_1260 = arith.subi %get3A_849, %sub3A_1259 : vector<16xi32>
          %lt3A_1261 = arith.constant 0 : i32
          %lt3A_1262 = vector.broadcast %lt3A_1261 : i32 to vector<16xi32>
          %lt3A_1263 = arith.cmpi slt, %min3A_1258, %lt3A_1262 : vector<16xi32>
          %add3A_1264 = arith.constant 16 : i32
          %add3A_1265 = vector.broadcast %add3A_1264 : i32 to vector<16xi32>
          %add3A_1266 = arith.addi %min3A_1258, %add3A_1265 : vector<16xi32>
          %select_n3A_1267 = arith.select %lt3A_1263, %add3A_1266, %min3A_1258 : vector<16xi1>, vector<16xi32>
          %broadcast_in_dim3A_1268 = vector.shape_cast %select_n3A_1267 : vector<16xi32> to vector<16x1xi32>
          %gather3A_1269 = vector.shape_cast %broadcast_in_dim3A_1268 : vector<16x1xi32> to vector<16xi32>
          %gather3A_1270 = tpu.dynamic_gather %sub3A_1260[%gather3A_1269] in [0] : vector<16xi32>, vector<16xi32> -> vector<16xi32>
          %swap3A_1271 = arith.index_cast %add3A_1072 : i32 to index
          %swap3A_1272 = tpu.vector_load %arg12[%swap3A_1271] {strides = array<i32>} : memref<1008xi32, #tpu.memory_space<vmem>>, vector<16xi32>,
          %swap3A_1273 = vector.shape_cast %swap3A_1272 : vector<16xi32> to vector<16xi32>
          %swap3A_1274 = vector.shape_cast %gather3A_1270 : vector<16xi32> to vector<16xi32>
          tpu.vector_store %arg12[%swap3A_1271], %swap3A_1274 {strides = array<i32>} : memref<1008xi32, #tpu.memory_space<vmem>>, vector<16xi32>,
          %mul3A_1275 = arith.constant 4 : i32
          %mul3A_1276 = vector.broadcast %mul3A_1275 : i32 to vector<16xi32>
          %mul3A_1277 = arith.muli %get3A_856, %mul3A_1276 : vector<16xi32>
          %add3A_1278 = vector.broadcast %select_n3A : i32 to vector<16xi32>
          %add3A_1279 = arith.addi %mul3A_1277, %add3A_1278 : vector<16xi32>
          %lt3A_1280 = arith.constant 0 : i32
          %lt3A_1281 = vector.broadcast %lt3A_1280 : i32 to vector<16xi32>
          %lt3A_1282 = arith.cmpi slt, %min3A_1258, %lt3A_1281 : vector<16xi32>
          %add3A_1283 = arith.constant 16 : i32
          %add3A_1284 = vector.broadcast %add3A_1283 : i32 to vector<16xi32>
          %add3A_1285 = arith.addi %min3A_1258, %add3A_1284 : vector<16xi32>
          %select_n3A_1286 = arith.select %lt3A_1282, %add3A_1285, %min3A_1258 : vector<16xi1>, vector<16xi32>
          %broadcast_in_dim3A_1287 = vector.shape_cast %select_n3A_1286 : vector<16xi32> to vector<16x1xi32>
          %gather3A_1288 = vector.shape_cast %broadcast_in_dim3A_1287 : vector<16x1xi32> to vector<16xi32>
          %gather3A_1289 = tpu.dynamic_gather %add3A_1279[%gather3A_1288] in [0] : vector<16xi32>, vector<16xi32> -> vector<16xi32>
          %swap3A_1290 = arith.index_cast %add3A_1072 : i32 to index
          %swap3A_1291 = tpu.vector_load %arg11[%swap3A_1290] {strides = array<i32>} : memref<1008xi32, #tpu.memory_space<vmem>>, vector<16xi32>,
          %swap3A_1292 = vector.shape_cast %swap3A_1291 : vector<16xi32> to vector<16xi32>
          %swap3A_1293 = vector.shape_cast %gather3A_1289 : vector<16xi32> to vector<16xi32>
          tpu.vector_store %arg11[%swap3A_1290], %swap3A_1293 {strides = array<i32>} : memref<1008xi32, #tpu.memory_space<vmem>>, vector<16xi32>,
          %add3A_1294 = arith.addi %add3A_1072, %squeeze3A_1178 : i32
          scf.yield %add3A_1294 : i32
        }
        %scan3A_635 = arith.constant 25 : i32
        %jit3A_636 = arith.constant 128 : i32
        %div3A_637 = arith.divsi %scan3A_634, %jit3A_636 : i32
        %sign3A_638 = arith.constant 0 : i32
        %sign3A_639 = arith.cmpi sgt, %scan3A_634, %sign3A_638 : i32
        %sign3A_640 = arith.extui %sign3A_639 : i1 to i32
        %sign3A_641 = arith.constant 0 : i32
        %sign3A_642 = arith.cmpi slt, %scan3A_634, %sign3A_641 : i32
        %sign3A_643 = arith.extui %sign3A_642 : i1 to i32
        %sign3A_644 = arith.subi %sign3A_640, %sign3A_643 : i32
        %sign3A_645 = arith.constant 0 : i32
        %sign3A_646 = arith.cmpi sgt, %jit3A_636, %sign3A_645 : i32
        %sign3A_647 = arith.extui %sign3A_646 : i1 to i32
        %sign3A_648 = arith.constant 0 : i32
        %sign3A_649 = arith.cmpi slt, %jit3A_636, %sign3A_648 : i32
        %sign3A_650 = arith.extui %sign3A_649 : i1 to i32
        %sign3A_651 = arith.subi %sign3A_647, %sign3A_650 : i32
        %ne3A_652 = arith.cmpi ne, %sign3A_644, %sign3A_651 : i32
        %rem3A_653 = arith.remsi %scan3A_634, %jit3A_636 : i32
        %ne3A_654 = arith.constant 0 : i32
        %ne3A_655 = arith.cmpi ne, %rem3A_653, %ne3A_654 : i32
        %and3A_656 = arith.andi %ne3A_652, %ne3A_655 : i1
        %sub3A_657 = arith.constant 1 : i32
        %sub3A_658 = arith.subi %div3A_637, %sub3A_657 : i32
        %select_n3A_659 = arith.select %and3A_656, %sub3A_658, %div3A_637 : i32
        %mul3A_660 = arith.constant 2 : i32
        %mul3A_661 = arith.muli %mul3A_660, %select_n3A_659 : i32
        %ge3A_662 = arith.constant 1 : i32
        %ge3A_663 = arith.cmpi sge, %select_n3A_659, %ge3A_662 : i32
        %convert_element_type3A_664 = arith.extui %ge3A_663 : i1 to i32
        %cond3A_665 = arith.constant 0 : i32
        %cond3A_666 = arith.cmpi ne, %convert_element_type3A_664, %cond3A_665 : i32
        scf.if %cond3A_666 {
          %dma_start3A_831 = arith.constant 0 : i32
          %dma_start3A_832 = tpu.memref_slice %arg11[%dma_start3A_831] : memref<1008xi32, #tpu.memory_space<vmem>> -> memref<64xi32, #tpu.memory_space<vmem>>
          %dma_start3A_833 = arith.constant 0 : i32
          %dma_start3A_834 = arith.constant 0 : i32
          %dma_start3A_835 = tpu.memref_slice %arg2[%dma_start3A_833, %dma_start3A_834] : memref<400000x128xf32, #tpu.memory_space<hbm>> -> memref<400000x128xf32, #tpu.memory_space<hbm>>
          tpu.enqueue_indirect_dma source(%dma_start3A_835 : memref<400000x128xf32, #tpu.memory_space<hbm>>) target(%arg15 : memref<64x128xf32, #tpu.memory_space<vmem>>) offsets(%dma_start3A_832 : memref<64xi32, #tpu.memory_space<vmem>>) semaphore(%arg20 : memref<!tpu.dma_semaphore, #tpu.memory_space<semaphore_mem>>)
        } else {
        }
        %while3A_667 = arith.constant 0 : i32
        %while3A_668 = arith.constant 0 : i32
        %while3A_669 = arith.subi %select_n3A_659, %while3A_667 : i32
        %while3A_670 = arith.addi %while3A_667, %while3A_669 : i32
        %while3A_671 = arith.constant 1 : i32
        %while3A_672 = arith.divsi %while3A_669, %while3A_671 : i32
        %while3A_673 = arith.muli %while3A_672, %while3A_671 : i32
        %while3A_674 = arith.addi %while3A_667, %while3A_673 : i32
        %while3A_675 = arith.constant 1 : i32
        %while3A_676 = scf.for %while3A_831 = %while3A_667 to %while3A_674 step %while3A_675 iter_args(%while3A_832 = %while3A_668) -> (i32)  : i32 {
          %ge3A_833 = arith.constant 1 : i32
          %ge3A_834 = arith.cmpi sge, %while3A_831, %ge3A_833 : i32
          %convert_element_type3A_835 = arith.extui %ge3A_834 : i1 to i32
          %cond3A_836 = arith.constant 0 : i32
          %cond3A_837 = arith.cmpi ne, %convert_element_type3A_835, %cond3A_836 : i32
          scf.if %cond3A_837 {
            %dma_wait3A_990 = arith.constant 0 : i32
            %dma_wait3A_991 = arith.constant 0 : i32
            %dma_wait3A_992 = tpu.memref_slice %arg17[%dma_wait3A_990, %dma_wait3A_991] : memref<12552x128xf32, #tpu.memory_space<vmem_shared>> -> memref<12552x128xf32, #tpu.memory_space<vmem_shared>>
            tpu.wait_indirect_dma semaphore(%arg23 : memref<!tpu.dma_semaphore, #tpu.memory_space<semaphore_mem>>) src(%arg16 : memref<64x128xf32, #tpu.memory_space<vmem>>) dst(%dma_wait3A_992 : memref<12552x128xf32, #tpu.memory_space<vmem_shared>>)
          } else {
          }
          %mul3A_838 = arith.constant 2 : i32
          %mul3A_839 = arith.muli %mul3A_838, %while3A_831 : i32
          %mul3A_840 = arith.constant 64 : i32
          %mul3A_841 = arith.muli %mul3A_839, %mul3A_840 : i32
          %add3A_842 = arith.constant 64 : i32
          %add3A_843 = arith.addi %mul3A_841, %add3A_842 : i32
          %dma_start3A_844 = tpu.memref_slice %arg11[%add3A_843] : memref<1008xi32, #tpu.memory_space<vmem>> -> memref<64xi32, #tpu.memory_space<vmem>>
          %dma_start3A_845 = arith.constant 0 : i32
          %dma_start3A_846 = arith.constant 0 : i32
          %dma_start3A_847 = tpu.memref_slice %arg2[%dma_start3A_845, %dma_start3A_846] : memref<400000x128xf32, #tpu.memory_space<hbm>> -> memref<400000x128xf32, #tpu.memory_space<hbm>>
          tpu.enqueue_indirect_dma source(%dma_start3A_847 : memref<400000x128xf32, #tpu.memory_space<hbm>>) target(%arg16 : memref<64x128xf32, #tpu.memory_space<vmem>>) offsets(%dma_start3A_844 : memref<64xi32, #tpu.memory_space<vmem>>) semaphore(%arg21 : memref<!tpu.dma_semaphore, #tpu.memory_space<semaphore_mem>>)
          %mul3A_848 = arith.constant 2 : i32
          %mul3A_849 = arith.muli %mul3A_848, %while3A_831 : i32
          %mul3A_850 = arith.constant 64 : i32
          %mul3A_851 = arith.muli %mul3A_849, %mul3A_850 : i32
          %dma_wait3A_852 = tpu.memref_slice %arg11[%mul3A_851] : memref<1008xi32, #tpu.memory_space<vmem>> -> memref<64xi32, #tpu.memory_space<vmem>>
          %dma_wait3A_853 = arith.constant 0 : i32
          %dma_wait3A_854 = arith.constant 0 : i32
          %dma_wait3A_855 = tpu.memref_slice %arg2[%dma_wait3A_853, %dma_wait3A_854] : memref<400000x128xf32, #tpu.memory_space<hbm>> -> memref<400000x128xf32, #tpu.memory_space<hbm>>
          tpu.wait_indirect_dma semaphore(%arg20 : memref<!tpu.dma_semaphore, #tpu.memory_space<semaphore_mem>>) src(%dma_wait3A_855 : memref<400000x128xf32, #tpu.memory_space<hbm>>) dst(%arg15 : memref<64x128xf32, #tpu.memory_space<vmem>>)
          %mul3A_856 = arith.constant 2 : i32
          %mul3A_857 = arith.muli %mul3A_856, %while3A_831 : i32
          %mul3A_858 = arith.constant 64 : i32
          %mul3A_859 = arith.muli %mul3A_857, %mul3A_858 : i32
          %add3A_860 = arith.constant 0 : i32
          %add3A_861 = arith.addi %mul3A_859, %add3A_860 : i32
          %get3A_862 = arith.index_cast %add3A_861 : i32 to index
          %get3A_863 = tpu.vector_load %arg12[%get3A_862] {strides = array<i32>} : memref<1008xi32, #tpu.memory_space<vmem>>, vector<16xi32>,
          %get3A_864 = vector.shape_cast %get3A_863 : vector<16xi32> to vector<16xi32>
          %swap3A_865 = arith.constant 0 : index
          %swap3A_866 = tpu.vector_load %arg13[%swap3A_865] {strides = array<i32>} : memref<64xi32, #tpu.memory_space<vmem>>, vector<16xi32>,
          %swap3A_867 = vector.shape_cast %swap3A_866 : vector<16xi32> to vector<16xi32>
          %swap3A_868 = vector.shape_cast %get3A_864 : vector<16xi32> to vector<16xi32>
          tpu.vector_store %arg13[%swap3A_865], %swap3A_868 {strides = array<i32>} : memref<64xi32, #tpu.memory_space<vmem>>, vector<16xi32>,
          %mul3A_869 = arith.constant 2 : i32
          %mul3A_870 = arith.muli %mul3A_869, %while3A_831 : i32
          %mul3A_871 = arith.constant 64 : i32
          %mul3A_872 = arith.muli %mul3A_870, %mul3A_871 : i32
          %add3A_873 = arith.constant 16 : i32
          %add3A_874 = arith.addi %mul3A_872, %add3A_873 : i32
          %get3A_875 = arith.index_cast %add3A_874 : i32 to index
          %get3A_876 = tpu.vector_load %arg12[%get3A_875] {strides = array<i32>} : memref<1008xi32, #tpu.memory_space<vmem>>, vector<16xi32>,
          %get3A_877 = vector.shape_cast %get3A_876 : vector<16xi32> to vector<16xi32>
          %swap3A_878 = arith.constant 16 : index
          %swap3A_879 = tpu.vector_load %arg13[%swap3A_878] {strides = array<i32>} : memref<64xi32, #tpu.memory_space<vmem>>, vector<16xi32>,
          %swap3A_880 = vector.shape_cast %swap3A_879 : vector<16xi32> to vector<16xi32>
          %swap3A_881 = vector.shape_cast %get3A_877 : vector<16xi32> to vector<16xi32>
          tpu.vector_store %arg13[%swap3A_878], %swap3A_881 {strides = array<i32>} : memref<64xi32, #tpu.memory_space<vmem>>, vector<16xi32>,
          %mul3A_882 = arith.constant 2 : i32
          %mul3A_883 = arith.muli %mul3A_882, %while3A_831 : i32
          %mul3A_884 = arith.constant 64 : i32
          %mul3A_885 = arith.muli %mul3A_883, %mul3A_884 : i32
          %add3A_886 = arith.constant 32 : i32
          %add3A_887 = arith.addi %mul3A_885, %add3A_886 : i32
          %get3A_888 = arith.index_cast %add3A_887 : i32 to index
          %get3A_889 = tpu.vector_load %arg12[%get3A_888] {strides = array<i32>} : memref<1008xi32, #tpu.memory_space<vmem>>, vector<16xi32>,
          %get3A_890 = vector.shape_cast %get3A_889 : vector<16xi32> to vector<16xi32>
          %swap3A_891 = arith.constant 32 : index
          %swap3A_892 = tpu.vector_load %arg13[%swap3A_891] {strides = array<i32>} : memref<64xi32, #tpu.memory_space<vmem>>, vector<16xi32>,
          %swap3A_893 = vector.shape_cast %swap3A_892 : vector<16xi32> to vector<16xi32>
          %swap3A_894 = vector.shape_cast %get3A_890 : vector<16xi32> to vector<16xi32>
          tpu.vector_store %arg13[%swap3A_891], %swap3A_894 {strides = array<i32>} : memref<64xi32, #tpu.memory_space<vmem>>, vector<16xi32>,
          %mul3A_895 = arith.constant 2 : i32
          %mul3A_896 = arith.muli %mul3A_895, %while3A_831 : i32
          %mul3A_897 = arith.constant 64 : i32
          %mul3A_898 = arith.muli %mul3A_896, %mul3A_897 : i32
          %add3A_899 = arith.constant 48 : i32
          %add3A_900 = arith.addi %mul3A_898, %add3A_899 : i32
          %get3A_901 = arith.index_cast %add3A_900 : i32 to index
          %get3A_902 = tpu.vector_load %arg12[%get3A_901] {strides = array<i32>} : memref<1008xi32, #tpu.memory_space<vmem>>, vector<16xi32>,
          %get3A_903 = vector.shape_cast %get3A_902 : vector<16xi32> to vector<16xi32>
          %swap3A_904 = arith.constant 48 : index
          %swap3A_905 = tpu.vector_load %arg13[%swap3A_904] {strides = array<i32>} : memref<64xi32, #tpu.memory_space<vmem>>, vector<16xi32>,
          %swap3A_906 = vector.shape_cast %swap3A_905 : vector<16xi32> to vector<16xi32>
          %swap3A_907 = vector.shape_cast %get3A_903 : vector<16xi32> to vector<16xi32>
          tpu.vector_store %arg13[%swap3A_904], %swap3A_907 {strides = array<i32>} : memref<64xi32, #tpu.memory_space<vmem>>, vector<16xi32>,
          %dma_start3A_908 = arith.constant 0 : i32
          %dma_start3A_909 = arith.constant 0 : i32
          %dma_start3A_910 = tpu.memref_slice %arg17[%dma_start3A_908, %dma_start3A_909] : memref<12552x128xf32, #tpu.memory_space<vmem_shared>> -> memref<12552x128xf32, #tpu.memory_space<vmem_shared>>
          tpu.enqueue_indirect_dma source(%arg15 : memref<64x128xf32, #tpu.memory_space<vmem>>) target(%dma_start3A_910 : memref<12552x128xf32, #tpu.memory_space<vmem_shared>>) offsets(%arg13 : memref<64xi32, #tpu.memory_space<vmem>>) semaphore(%arg22 : memref<!tpu.dma_semaphore, #tpu.memory_space<semaphore_mem>>) {add = true}
          %add3A_911 = arith.constant 1 : i32
          %add3A_912 = arith.addi %while3A_831, %add3A_911 : i32
          %lt3A = arith.cmpi slt, %add3A_912, %select_n3A_659 : i32
          %convert_element_type3A_913 = arith.extui %lt3A : i1 to i32
          %cond3A_914 = arith.constant 0 : i32
          %cond3A_915 = arith.cmpi ne, %convert_element_type3A_913, %cond3A_914 : i32
          scf.if %cond3A_915 {
            %dma_wait3A_990 = arith.constant 0 : i32
            %dma_wait3A_991 = arith.constant 0 : i32
            %dma_wait3A_992 = tpu.memref_slice %arg17[%dma_wait3A_990, %dma_wait3A_991] : memref<12552x128xf32, #tpu.memory_space<vmem_shared>> -> memref<12552x128xf32, #tpu.memory_space<vmem_shared>>
            tpu.wait_indirect_dma semaphore(%arg22 : memref<!tpu.dma_semaphore, #tpu.memory_space<semaphore_mem>>) src(%arg15 : memref<64x128xf32, #tpu.memory_space<vmem>>) dst(%dma_wait3A_992 : memref<12552x128xf32, #tpu.memory_space<vmem_shared>>)
            %mul3A_993 = arith.constant 2 : i32
            %mul3A_994 = arith.muli %mul3A_993, %while3A_831 : i32
            %mul3A_995 = arith.constant 64 : i32
            %mul3A_996 = arith.muli %mul3A_994, %mul3A_995 : i32
            %add3A_997 = arith.constant 128 : i32
            %add3A_998 = arith.addi %mul3A_996, %add3A_997 : i32
            %dma_start3A_999 = tpu.memref_slice %arg11[%add3A_998] : memref<1008xi32, #tpu.memory_space<vmem>> -> memref<64xi32, #tpu.memory_space<vmem>>
            %dma_start3A_1000 = arith.constant 0 : i32
            %dma_start3A_1001 = arith.constant 0 : i32
            %dma_start3A_1002 = tpu.memref_slice %arg2[%dma_start3A_1000, %dma_start3A_1001] : memref<400000x128xf32, #tpu.memory_space<hbm>> -> memref<400000x128xf32, #tpu.memory_space<hbm>>
            tpu.enqueue_indirect_dma source(%dma_start3A_1002 : memref<400000x128xf32, #tpu.memory_space<hbm>>) target(%arg15 : memref<64x128xf32, #tpu.memory_space<vmem>>) offsets(%dma_start3A_999 : memref<64xi32, #tpu.memory_space<vmem>>) semaphore(%arg20 : memref<!tpu.dma_semaphore, #tpu.memory_space<semaphore_mem>>)
          } else {
          }
          %mul3A_916 = arith.constant 2 : i32
          %mul3A_917 = arith.muli %mul3A_916, %while3A_831 : i32
          %mul3A_918 = arith.constant 64 : i32
          %mul3A_919 = arith.muli %mul3A_917, %mul3A_918 : i32
          %add3A_920 = arith.constant 64 : i32
          %add3A_921 = arith.addi %mul3A_919, %add3A_920 : i32
          %dma_wait3A_922 = tpu.memref_slice %arg11[%add3A_921] : memref<1008xi32, #tpu.memory_space<vmem>> -> memref<64xi32, #tpu.memory_space<vmem>>
          %dma_wait3A_923 = arith.constant 0 : i32
          %dma_wait3A_924 = arith.constant 0 : i32
          %dma_wait3A_925 = tpu.memref_slice %arg2[%dma_wait3A_923, %dma_wait3A_924] : memref<400000x128xf32, #tpu.memory_space<hbm>> -> memref<400000x128xf32, #tpu.memory_space<hbm>>
          tpu.wait_indirect_dma semaphore(%arg21 : memref<!tpu.dma_semaphore, #tpu.memory_space<semaphore_mem>>) src(%dma_wait3A_925 : memref<400000x128xf32, #tpu.memory_space<hbm>>) dst(%arg16 : memref<64x128xf32, #tpu.memory_space<vmem>>)
          %mul3A_926 = arith.constant 2 : i32
          %mul3A_927 = arith.muli %mul3A_926, %while3A_831 : i32
          %mul3A_928 = arith.constant 64 : i32
          %mul3A_929 = arith.muli %mul3A_927, %mul3A_928 : i32
          %add3A_930 = arith.constant 64 : i32
          %add3A_931 = arith.addi %mul3A_929, %add3A_930 : i32
          %add3A_932 = arith.constant 0 : i32
          %add3A_933 = arith.addi %add3A_931, %add3A_932 : i32
          %get3A_934 = arith.index_cast %add3A_933 : i32 to index
          %get3A_935 = tpu.vector_load %arg12[%get3A_934] {strides = array<i32>} : memref<1008xi32, #tpu.memory_space<vmem>>, vector<16xi32>,
          %get3A_936 = vector.shape_cast %get3A_935 : vector<16xi32> to vector<16xi32>
          %swap3A_937 = arith.constant 0 : index
          %swap3A_938 = tpu.vector_load %arg14[%swap3A_937] {strides = array<i32>} : memref<64xi32, #tpu.memory_space<vmem>>, vector<16xi32>,
          %swap3A_939 = vector.shape_cast %swap3A_938 : vector<16xi32> to vector<16xi32>
          %swap3A_940 = vector.shape_cast %get3A_936 : vector<16xi32> to vector<16xi32>
          tpu.vector_store %arg14[%swap3A_937], %swap3A_940 {strides = array<i32>} : memref<64xi32, #tpu.memory_space<vmem>>, vector<16xi32>,
          %mul3A_941 = arith.constant 2 : i32
          %mul3A_942 = arith.muli %mul3A_941, %while3A_831 : i32
          %mul3A_943 = arith.constant 64 : i32
          %mul3A_944 = arith.muli %mul3A_942, %mul3A_943 : i32
          %add3A_945 = arith.constant 64 : i32
          %add3A_946 = arith.addi %mul3A_944, %add3A_945 : i32
          %add3A_947 = arith.constant 16 : i32
          %add3A_948 = arith.addi %add3A_946, %add3A_947 : i32
          %get3A_949 = arith.index_cast %add3A_948 : i32 to index
          %get3A_950 = tpu.vector_load %arg12[%get3A_949] {strides = array<i32>} : memref<1008xi32, #tpu.memory_space<vmem>>, vector<16xi32>,
          %get3A_951 = vector.shape_cast %get3A_950 : vector<16xi32> to vector<16xi32>
          %swap3A_952 = arith.constant 16 : index
          %swap3A_953 = tpu.vector_load %arg14[%swap3A_952] {strides = array<i32>} : memref<64xi32, #tpu.memory_space<vmem>>, vector<16xi32>,
          %swap3A_954 = vector.shape_cast %swap3A_953 : vector<16xi32> to vector<16xi32>
          %swap3A_955 = vector.shape_cast %get3A_951 : vector<16xi32> to vector<16xi32>
          tpu.vector_store %arg14[%swap3A_952], %swap3A_955 {strides = array<i32>} : memref<64xi32, #tpu.memory_space<vmem>>, vector<16xi32>,
          %mul3A_956 = arith.constant 2 : i32
          %mul3A_957 = arith.muli %mul3A_956, %while3A_831 : i32
          %mul3A_958 = arith.constant 64 : i32
          %mul3A_959 = arith.muli %mul3A_957, %mul3A_958 : i32
          %add3A_960 = arith.constant 64 : i32
          %add3A_961 = arith.addi %mul3A_959, %add3A_960 : i32
          %add3A_962 = arith.constant 32 : i32
          %add3A_963 = arith.addi %add3A_961, %add3A_962 : i32
          %get3A_964 = arith.index_cast %add3A_963 : i32 to index
          %get3A_965 = tpu.vector_load %arg12[%get3A_964] {strides = array<i32>} : memref<1008xi32, #tpu.memory_space<vmem>>, vector<16xi32>,
          %get3A_966 = vector.shape_cast %get3A_965 : vector<16xi32> to vector<16xi32>
          %swap3A_967 = arith.constant 32 : index
          %swap3A_968 = tpu.vector_load %arg14[%swap3A_967] {strides = array<i32>} : memref<64xi32, #tpu.memory_space<vmem>>, vector<16xi32>,
          %swap3A_969 = vector.shape_cast %swap3A_968 : vector<16xi32> to vector<16xi32>
          %swap3A_970 = vector.shape_cast %get3A_966 : vector<16xi32> to vector<16xi32>
          tpu.vector_store %arg14[%swap3A_967], %swap3A_970 {strides = array<i32>} : memref<64xi32, #tpu.memory_space<vmem>>, vector<16xi32>,
          %mul3A_971 = arith.constant 2 : i32
          %mul3A_972 = arith.muli %mul3A_971, %while3A_831 : i32
          %mul3A_973 = arith.constant 64 : i32
          %mul3A_974 = arith.muli %mul3A_972, %mul3A_973 : i32
          %add3A_975 = arith.constant 64 : i32
          %add3A_976 = arith.addi %mul3A_974, %add3A_975 : i32
          %add3A_977 = arith.constant 48 : i32
          %add3A_978 = arith.addi %add3A_976, %add3A_977 : i32
          %get3A_979 = arith.index_cast %add3A_978 : i32 to index
          %get3A_980 = tpu.vector_load %arg12[%get3A_979] {strides = array<i32>} : memref<1008xi32, #tpu.memory_space<vmem>>, vector<16xi32>,
          %get3A_981 = vector.shape_cast %get3A_980 : vector<16xi32> to vector<16xi32>
          %swap3A_982 = arith.constant 48 : index
          %swap3A_983 = tpu.vector_load %arg14[%swap3A_982] {strides = array<i32>} : memref<64xi32, #tpu.memory_space<vmem>>, vector<16xi32>,
          %swap3A_984 = vector.shape_cast %swap3A_983 : vector<16xi32> to vector<16xi32>
          %swap3A_985 = vector.shape_cast %get3A_981 : vector<16xi32> to vector<16xi32>
          tpu.vector_store %arg14[%swap3A_982], %swap3A_985 {strides = array<i32>} : memref<64xi32, #tpu.memory_space<vmem>>, vector<16xi32>,
          %dma_start3A_986 = arith.constant 0 : i32
          %dma_start3A_987 = arith.constant 0 : i32
          %dma_start3A_988 = tpu.memref_slice %arg17[%dma_start3A_986, %dma_start3A_987] : memref<12552x128xf32, #tpu.memory_space<vmem_shared>> -> memref<12552x128xf32, #tpu.memory_space<vmem_shared>>
          tpu.enqueue_indirect_dma source(%arg16 : memref<64x128xf32, #tpu.memory_space<vmem>>) target(%dma_start3A_988 : memref<12552x128xf32, #tpu.memory_space<vmem_shared>>) offsets(%arg14 : memref<64xi32, #tpu.memory_space<vmem>>) semaphore(%arg23 : memref<!tpu.dma_semaphore, #tpu.memory_space<semaphore_mem>>) {add = true}
          %while3A_989 = arith.constant 0 : i32
          scf.yield %while3A_989 : i32
        }
        %while3A_677 = arith.constant 1 : i32
        %while3A_678 = scf.for %while3A_831 = %while3A_674 to %while3A_670 step %while3A_677 iter_args(%while3A_832 = %while3A_676) -> (i32)  : i32 {
          %ge3A_833 = arith.constant 1 : i32
          %ge3A_834 = arith.cmpi sge, %while3A_831, %ge3A_833 : i32
          %convert_element_type3A_835 = arith.extui %ge3A_834 : i1 to i32
          %cond3A_836 = arith.constant 0 : i32
          %cond3A_837 = arith.cmpi ne, %convert_element_type3A_835, %cond3A_836 : i32
          scf.if %cond3A_837 {
            %dma_wait3A_990 = arith.constant 0 : i32
            %dma_wait3A_991 = arith.constant 0 : i32
            %dma_wait3A_992 = tpu.memref_slice %arg17[%dma_wait3A_990, %dma_wait3A_991] : memref<12552x128xf32, #tpu.memory_space<vmem_shared>> -> memref<12552x128xf32, #tpu.memory_space<vmem_shared>>
            tpu.wait_indirect_dma semaphore(%arg23 : memref<!tpu.dma_semaphore, #tpu.memory_space<semaphore_mem>>) src(%arg16 : memref<64x128xf32, #tpu.memory_space<vmem>>) dst(%dma_wait3A_992 : memref<12552x128xf32, #tpu.memory_space<vmem_shared>>)
          } else {
          }
          %mul3A_838 = arith.constant 2 : i32
          %mul3A_839 = arith.muli %mul3A_838, %while3A_831 : i32
          %mul3A_840 = arith.constant 64 : i32
          %mul3A_841 = arith.muli %mul3A_839, %mul3A_840 : i32
          %add3A_842 = arith.constant 64 : i32
          %add3A_843 = arith.addi %mul3A_841, %add3A_842 : i32
          %dma_start3A_844 = tpu.memref_slice %arg11[%add3A_843] : memref<1008xi32, #tpu.memory_space<vmem>> -> memref<64xi32, #tpu.memory_space<vmem>>
          %dma_start3A_845 = arith.constant 0 : i32
          %dma_start3A_846 = arith.constant 0 : i32
          %dma_start3A_847 = tpu.memref_slice %arg2[%dma_start3A_845, %dma_start3A_846] : memref<400000x128xf32, #tpu.memory_space<hbm>> -> memref<400000x128xf32, #tpu.memory_space<hbm>>
          tpu.enqueue_indirect_dma source(%dma_start3A_847 : memref<400000x128xf32, #tpu.memory_space<hbm>>) target(%arg16 : memref<64x128xf32, #tpu.memory_space<vmem>>) offsets(%dma_start3A_844 : memref<64xi32, #tpu.memory_space<vmem>>) semaphore(%arg21 : memref<!tpu.dma_semaphore, #tpu.memory_space<semaphore_mem>>)
          %mul3A_848 = arith.constant 2 : i32
          %mul3A_849 = arith.muli %mul3A_848, %while3A_831 : i32
          %mul3A_850 = arith.constant 64 : i32
          %mul3A_851 = arith.muli %mul3A_849, %mul3A_850 : i32
          %dma_wait3A_852 = tpu.memref_slice %arg11[%mul3A_851] : memref<1008xi32, #tpu.memory_space<vmem>> -> memref<64xi32, #tpu.memory_space<vmem>>
          %dma_wait3A_853 = arith.constant 0 : i32
          %dma_wait3A_854 = arith.constant 0 : i32
          %dma_wait3A_855 = tpu.memref_slice %arg2[%dma_wait3A_853, %dma_wait3A_854] : memref<400000x128xf32, #tpu.memory_space<hbm>> -> memref<400000x128xf32, #tpu.memory_space<hbm>>
          tpu.wait_indirect_dma semaphore(%arg20 : memref<!tpu.dma_semaphore, #tpu.memory_space<semaphore_mem>>) src(%dma_wait3A_855 : memref<400000x128xf32, #tpu.memory_space<hbm>>) dst(%arg15 : memref<64x128xf32, #tpu.memory_space<vmem>>)
          %mul3A_856 = arith.constant 2 : i32
          %mul3A_857 = arith.muli %mul3A_856, %while3A_831 : i32
          %mul3A_858 = arith.constant 64 : i32
          %mul3A_859 = arith.muli %mul3A_857, %mul3A_858 : i32
          %add3A_860 = arith.constant 0 : i32
          %add3A_861 = arith.addi %mul3A_859, %add3A_860 : i32
          %get3A_862 = arith.index_cast %add3A_861 : i32 to index
          %get3A_863 = tpu.vector_load %arg12[%get3A_862] {strides = array<i32>} : memref<1008xi32, #tpu.memory_space<vmem>>, vector<16xi32>,
          %get3A_864 = vector.shape_cast %get3A_863 : vector<16xi32> to vector<16xi32>
          %swap3A_865 = arith.constant 0 : index
          %swap3A_866 = tpu.vector_load %arg13[%swap3A_865] {strides = array<i32>} : memref<64xi32, #tpu.memory_space<vmem>>, vector<16xi32>,
          %swap3A_867 = vector.shape_cast %swap3A_866 : vector<16xi32> to vector<16xi32>
          %swap3A_868 = vector.shape_cast %get3A_864 : vector<16xi32> to vector<16xi32>
          tpu.vector_store %arg13[%swap3A_865], %swap3A_868 {strides = array<i32>} : memref<64xi32, #tpu.memory_space<vmem>>, vector<16xi32>,
          %mul3A_869 = arith.constant 2 : i32
          %mul3A_870 = arith.muli %mul3A_869, %while3A_831 : i32
          %mul3A_871 = arith.constant 64 : i32
          %mul3A_872 = arith.muli %mul3A_870, %mul3A_871 : i32
          %add3A_873 = arith.constant 16 : i32
          %add3A_874 = arith.addi %mul3A_872, %add3A_873 : i32
          %get3A_875 = arith.index_cast %add3A_874 : i32 to index
          %get3A_876 = tpu.vector_load %arg12[%get3A_875] {strides = array<i32>} : memref<1008xi32, #tpu.memory_space<vmem>>, vector<16xi32>,
          %get3A_877 = vector.shape_cast %get3A_876 : vector<16xi32> to vector<16xi32>
          %swap3A_878 = arith.constant 16 : index
          %swap3A_879 = tpu.vector_load %arg13[%swap3A_878] {strides = array<i32>} : memref<64xi32, #tpu.memory_space<vmem>>, vector<16xi32>,
          %swap3A_880 = vector.shape_cast %swap3A_879 : vector<16xi32> to vector<16xi32>
          %swap3A_881 = vector.shape_cast %get3A_877 : vector<16xi32> to vector<16xi32>
          tpu.vector_store %arg13[%swap3A_878], %swap3A_881 {strides = array<i32>} : memref<64xi32, #tpu.memory_space<vmem>>, vector<16xi32>,
          %mul3A_882 = arith.constant 2 : i32
          %mul3A_883 = arith.muli %mul3A_882, %while3A_831 : i32
          %mul3A_884 = arith.constant 64 : i32
          %mul3A_885 = arith.muli %mul3A_883, %mul3A_884 : i32
          %add3A_886 = arith.constant 32 : i32
          %add3A_887 = arith.addi %mul3A_885, %add3A_886 : i32
          %get3A_888 = arith.index_cast %add3A_887 : i32 to index
          %get3A_889 = tpu.vector_load %arg12[%get3A_888] {strides = array<i32>} : memref<1008xi32, #tpu.memory_space<vmem>>, vector<16xi32>,
          %get3A_890 = vector.shape_cast %get3A_889 : vector<16xi32> to vector<16xi32>
          %swap3A_891 = arith.constant 32 : index
          %swap3A_892 = tpu.vector_load %arg13[%swap3A_891] {strides = array<i32>} : memref<64xi32, #tpu.memory_space<vmem>>, vector<16xi32>,
          %swap3A_893 = vector.shape_cast %swap3A_892 : vector<16xi32> to vector<16xi32>
          %swap3A_894 = vector.shape_cast %get3A_890 : vector<16xi32> to vector<16xi32>
          tpu.vector_store %arg13[%swap3A_891], %swap3A_894 {strides = array<i32>} : memref<64xi32, #tpu.memory_space<vmem>>, vector<16xi32>,
          %mul3A_895 = arith.constant 2 : i32
          %mul3A_896 = arith.muli %mul3A_895, %while3A_831 : i32
          %mul3A_897 = arith.constant 64 : i32
          %mul3A_898 = arith.muli %mul3A_896, %mul3A_897 : i32
          %add3A_899 = arith.constant 48 : i32
          %add3A_900 = arith.addi %mul3A_898, %add3A_899 : i32
          %get3A_901 = arith.index_cast %add3A_900 : i32 to index
          %get3A_902 = tpu.vector_load %arg12[%get3A_901] {strides = array<i32>} : memref<1008xi32, #tpu.memory_space<vmem>>, vector<16xi32>,
          %get3A_903 = vector.shape_cast %get3A_902 : vector<16xi32> to vector<16xi32>
          %swap3A_904 = arith.constant 48 : index
          %swap3A_905 = tpu.vector_load %arg13[%swap3A_904] {strides = array<i32>} : memref<64xi32, #tpu.memory_space<vmem>>, vector<16xi32>,
          %swap3A_906 = vector.shape_cast %swap3A_905 : vector<16xi32> to vector<16xi32>
          %swap3A_907 = vector.shape_cast %get3A_903 : vector<16xi32> to vector<16xi32>
          tpu.vector_store %arg13[%swap3A_904], %swap3A_907 {strides = array<i32>} : memref<64xi32, #tpu.memory_space<vmem>>, vector<16xi32>,
          %dma_start3A_908 = arith.constant 0 : i32
          %dma_start3A_909 = arith.constant 0 : i32
          %dma_start3A_910 = tpu.memref_slice %arg17[%dma_start3A_908, %dma_start3A_909] : memref<12552x128xf32, #tpu.memory_space<vmem_shared>> -> memref<12552x128xf32, #tpu.memory_space<vmem_shared>>
          tpu.enqueue_indirect_dma source(%arg15 : memref<64x128xf32, #tpu.memory_space<vmem>>) target(%dma_start3A_910 : memref<12552x128xf32, #tpu.memory_space<vmem_shared>>) offsets(%arg13 : memref<64xi32, #tpu.memory_space<vmem>>) semaphore(%arg22 : memref<!tpu.dma_semaphore, #tpu.memory_space<semaphore_mem>>) {add = true}
          %add3A_911 = arith.constant 1 : i32
          %add3A_912 = arith.addi %while3A_831, %add3A_911 : i32
          %lt3A = arith.cmpi slt, %add3A_912, %select_n3A_659 : i32
          %convert_element_type3A_913 = arith.extui %lt3A : i1 to i32
          %cond3A_914 = arith.constant 0 : i32
          %cond3A_915 = arith.cmpi ne, %convert_element_type3A_913, %cond3A_914 : i32
          scf.if %cond3A_915 {
            %dma_wait3A_990 = arith.constant 0 : i32
            %dma_wait3A_991 = arith.constant 0 : i32
            %dma_wait3A_992 = tpu.memref_slice %arg17[%dma_wait3A_990, %dma_wait3A_991] : memref<12552x128xf32, #tpu.memory_space<vmem_shared>> -> memref<12552x128xf32, #tpu.memory_space<vmem_shared>>
            tpu.wait_indirect_dma semaphore(%arg22 : memref<!tpu.dma_semaphore, #tpu.memory_space<semaphore_mem>>) src(%arg15 : memref<64x128xf32, #tpu.memory_space<vmem>>) dst(%dma_wait3A_992 : memref<12552x128xf32, #tpu.memory_space<vmem_shared>>)
            %mul3A_993 = arith.constant 2 : i32
            %mul3A_994 = arith.muli %mul3A_993, %while3A_831 : i32
            %mul3A_995 = arith.constant 64 : i32
            %mul3A_996 = arith.muli %mul3A_994, %mul3A_995 : i32
            %add3A_997 = arith.constant 128 : i32
            %add3A_998 = arith.addi %mul3A_996, %add3A_997 : i32
            %dma_start3A_999 = tpu.memref_slice %arg11[%add3A_998] : memref<1008xi32, #tpu.memory_space<vmem>> -> memref<64xi32, #tpu.memory_space<vmem>>
            %dma_start3A_1000 = arith.constant 0 : i32
            %dma_start3A_1001 = arith.constant 0 : i32
            %dma_start3A_1002 = tpu.memref_slice %arg2[%dma_start3A_1000, %dma_start3A_1001] : memref<400000x128xf32, #tpu.memory_space<hbm>> -> memref<400000x128xf32, #tpu.memory_space<hbm>>
            tpu.enqueue_indirect_dma source(%dma_start3A_1002 : memref<400000x128xf32, #tpu.memory_space<hbm>>) target(%arg15 : memref<64x128xf32, #tpu.memory_space<vmem>>) offsets(%dma_start3A_999 : memref<64xi32, #tpu.memory_space<vmem>>) semaphore(%arg20 : memref<!tpu.dma_semaphore, #tpu.memory_space<semaphore_mem>>)
          } else {
          }
          %mul3A_916 = arith.constant 2 : i32
          %mul3A_917 = arith.muli %mul3A_916, %while3A_831 : i32
          %mul3A_918 = arith.constant 64 : i32
          %mul3A_919 = arith.muli %mul3A_917, %mul3A_918 : i32
          %add3A_920 = arith.constant 64 : i32
          %add3A_921 = arith.addi %mul3A_919, %add3A_920 : i32
          %dma_wait3A_922 = tpu.memref_slice %arg11[%add3A_921] : memref<1008xi32, #tpu.memory_space<vmem>> -> memref<64xi32, #tpu.memory_space<vmem>>
          %dma_wait3A_923 = arith.constant 0 : i32
          %dma_wait3A_924 = arith.constant 0 : i32
          %dma_wait3A_925 = tpu.memref_slice %arg2[%dma_wait3A_923, %dma_wait3A_924] : memref<400000x128xf32, #tpu.memory_space<hbm>> -> memref<400000x128xf32, #tpu.memory_space<hbm>>
          tpu.wait_indirect_dma semaphore(%arg21 : memref<!tpu.dma_semaphore, #tpu.memory_space<semaphore_mem>>) src(%dma_wait3A_925 : memref<400000x128xf32, #tpu.memory_space<hbm>>) dst(%arg16 : memref<64x128xf32, #tpu.memory_space<vmem>>)
          %mul3A_926 = arith.constant 2 : i32
          %mul3A_927 = arith.muli %mul3A_926, %while3A_831 : i32
          %mul3A_928 = arith.constant 64 : i32
          %mul3A_929 = arith.muli %mul3A_927, %mul3A_928 : i32
          %add3A_930 = arith.constant 64 : i32
          %add3A_931 = arith.addi %mul3A_929, %add3A_930 : i32
          %add3A_932 = arith.constant 0 : i32
          %add3A_933 = arith.addi %add3A_931, %add3A_932 : i32
          %get3A_934 = arith.index_cast %add3A_933 : i32 to index
          %get3A_935 = tpu.vector_load %arg12[%get3A_934] {strides = array<i32>} : memref<1008xi32, #tpu.memory_space<vmem>>, vector<16xi32>,
          %get3A_936 = vector.shape_cast %get3A_935 : vector<16xi32> to vector<16xi32>
          %swap3A_937 = arith.constant 0 : index
          %swap3A_938 = tpu.vector_load %arg14[%swap3A_937] {strides = array<i32>} : memref<64xi32, #tpu.memory_space<vmem>>, vector<16xi32>,
          %swap3A_939 = vector.shape_cast %swap3A_938 : vector<16xi32> to vector<16xi32>
          %swap3A_940 = vector.shape_cast %get3A_936 : vector<16xi32> to vector<16xi32>
          tpu.vector_store %arg14[%swap3A_937], %swap3A_940 {strides = array<i32>} : memref<64xi32, #tpu.memory_space<vmem>>, vector<16xi32>,
          %mul3A_941 = arith.constant 2 : i32
          %mul3A_942 = arith.muli %mul3A_941, %while3A_831 : i32
          %mul3A_943 = arith.constant 64 : i32
          %mul3A_944 = arith.muli %mul3A_942, %mul3A_943 : i32
          %add3A_945 = arith.constant 64 : i32
          %add3A_946 = arith.addi %mul3A_944, %add3A_945 : i32
          %add3A_947 = arith.constant 16 : i32
          %add3A_948 = arith.addi %add3A_946, %add3A_947 : i32
          %get3A_949 = arith.index_cast %add3A_948 : i32 to index
          %get3A_950 = tpu.vector_load %arg12[%get3A_949] {strides = array<i32>} : memref<1008xi32, #tpu.memory_space<vmem>>, vector<16xi32>,
          %get3A_951 = vector.shape_cast %get3A_950 : vector<16xi32> to vector<16xi32>
          %swap3A_952 = arith.constant 16 : index
          %swap3A_953 = tpu.vector_load %arg14[%swap3A_952] {strides = array<i32>} : memref<64xi32, #tpu.memory_space<vmem>>, vector<16xi32>,
          %swap3A_954 = vector.shape_cast %swap3A_953 : vector<16xi32> to vector<16xi32>
          %swap3A_955 = vector.shape_cast %get3A_951 : vector<16xi32> to vector<16xi32>
          tpu.vector_store %arg14[%swap3A_952], %swap3A_955 {strides = array<i32>} : memref<64xi32, #tpu.memory_space<vmem>>, vector<16xi32>,
          %mul3A_956 = arith.constant 2 : i32
          %mul3A_957 = arith.muli %mul3A_956, %while3A_831 : i32
          %mul3A_958 = arith.constant 64 : i32
          %mul3A_959 = arith.muli %mul3A_957, %mul3A_958 : i32
          %add3A_960 = arith.constant 64 : i32
          %add3A_961 = arith.addi %mul3A_959, %add3A_960 : i32
          %add3A_962 = arith.constant 32 : i32
          %add3A_963 = arith.addi %add3A_961, %add3A_962 : i32
          %get3A_964 = arith.index_cast %add3A_963 : i32 to index
          %get3A_965 = tpu.vector_load %arg12[%get3A_964] {strides = array<i32>} : memref<1008xi32, #tpu.memory_space<vmem>>, vector<16xi32>,
          %get3A_966 = vector.shape_cast %get3A_965 : vector<16xi32> to vector<16xi32>
          %swap3A_967 = arith.constant 32 : index
          %swap3A_968 = tpu.vector_load %arg14[%swap3A_967] {strides = array<i32>} : memref<64xi32, #tpu.memory_space<vmem>>, vector<16xi32>,
          %swap3A_969 = vector.shape_cast %swap3A_968 : vector<16xi32> to vector<16xi32>
          %swap3A_970 = vector.shape_cast %get3A_966 : vector<16xi32> to vector<16xi32>
          tpu.vector_store %arg14[%swap3A_967], %swap3A_970 {strides = array<i32>} : memref<64xi32, #tpu.memory_space<vmem>>, vector<16xi32>,
          %mul3A_971 = arith.constant 2 : i32
          %mul3A_972 = arith.muli %mul3A_971, %while3A_831 : i32
          %mul3A_973 = arith.constant 64 : i32
          %mul3A_974 = arith.muli %mul3A_972, %mul3A_973 : i32
          %add3A_975 = arith.constant 64 : i32
          %add3A_976 = arith.addi %mul3A_974, %add3A_975 : i32
          %add3A_977 = arith.constant 48 : i32
          %add3A_978 = arith.addi %add3A_976, %add3A_977 : i32
          %get3A_979 = arith.index_cast %add3A_978 : i32 to index
          %get3A_980 = tpu.vector_load %arg12[%get3A_979] {strides = array<i32>} : memref<1008xi32, #tpu.memory_space<vmem>>, vector<16xi32>,
          %get3A_981 = vector.shape_cast %get3A_980 : vector<16xi32> to vector<16xi32>
          %swap3A_982 = arith.constant 48 : index
          %swap3A_983 = tpu.vector_load %arg14[%swap3A_982] {strides = array<i32>} : memref<64xi32, #tpu.memory_space<vmem>>, vector<16xi32>,
          %swap3A_984 = vector.shape_cast %swap3A_983 : vector<16xi32> to vector<16xi32>
          %swap3A_985 = vector.shape_cast %get3A_981 : vector<16xi32> to vector<16xi32>
          tpu.vector_store %arg14[%swap3A_982], %swap3A_985 {strides = array<i32>} : memref<64xi32, #tpu.memory_space<vmem>>, vector<16xi32>,
          %dma_start3A_986 = arith.constant 0 : i32
          %dma_start3A_987 = arith.constant 0 : i32
          %dma_start3A_988 = tpu.memref_slice %arg17[%dma_start3A_986, %dma_start3A_987] : memref<12552x128xf32, #tpu.memory_space<vmem_shared>> -> memref<12552x128xf32, #tpu.memory_space<vmem_shared>>
          tpu.enqueue_indirect_dma source(%arg16 : memref<64x128xf32, #tpu.memory_space<vmem>>) target(%dma_start3A_988 : memref<12552x128xf32, #tpu.memory_space<vmem_shared>>) offsets(%arg14 : memref<64xi32, #tpu.memory_space<vmem>>) semaphore(%arg23 : memref<!tpu.dma_semaphore, #tpu.memory_space<semaphore_mem>>) {add = true}
          %while3A_989 = arith.constant 0 : i32
          scf.yield %while3A_989 : i32
        }
        %ge3A_679 = arith.constant 1 : i32
        %ge3A_680 = arith.cmpi sge, %select_n3A_659, %ge3A_679 : i32
        %convert_element_type3A_681 = arith.extui %ge3A_680 : i1 to i32
        %cond3A_682 = arith.constant 0 : i32
        %cond3A_683 = arith.cmpi ne, %convert_element_type3A_681, %cond3A_682 : i32
        scf.if %cond3A_683 {
          %dma_wait3A_831 = arith.constant 0 : i32
          %dma_wait3A_832 = arith.constant 0 : i32
          %dma_wait3A_833 = tpu.memref_slice %arg17[%dma_wait3A_831, %dma_wait3A_832] : memref<12552x128xf32, #tpu.memory_space<vmem_shared>> -> memref<12552x128xf32, #tpu.memory_space<vmem_shared>>
          tpu.wait_indirect_dma semaphore(%arg22 : memref<!tpu.dma_semaphore, #tpu.memory_space<semaphore_mem>>) src(%arg15 : memref<64x128xf32, #tpu.memory_space<vmem>>) dst(%dma_wait3A_833 : memref<12552x128xf32, #tpu.memory_space<vmem_shared>>)
          %dma_wait3A_834 = arith.constant 0 : i32
          %dma_wait3A_835 = arith.constant 0 : i32
          %dma_wait3A_836 = tpu.memref_slice %arg17[%dma_wait3A_834, %dma_wait3A_835] : memref<12552x128xf32, #tpu.memory_space<vmem_shared>> -> memref<12552x128xf32, #tpu.memory_space<vmem_shared>>
          tpu.wait_indirect_dma semaphore(%arg23 : memref<!tpu.dma_semaphore, #tpu.memory_space<semaphore_mem>>) src(%arg16 : memref<64x128xf32, #tpu.memory_space<vmem>>) dst(%dma_wait3A_836 : memref<12552x128xf32, #tpu.memory_space<vmem_shared>>)
        } else {
        }
        %mul3A_684 = arith.constant 128 : i32
        %mul3A_685 = arith.muli %select_n3A_659, %mul3A_684 : i32
        %add3A_686 = arith.constant 0 : i32
        %add3A_687 = arith.addi %mul3A_685, %add3A_686 : i32
        %get3A_688 = arith.index_cast %add3A_687 : i32 to index
        %get3A_689 = tpu.vector_load %arg11[%get3A_688] {strides = array<i32>} : memref<1008xi32, #tpu.memory_space<vmem>>, vector<16xi32>,
        %get3A_690 = vector.shape_cast %get3A_689 : vector<16xi32> to vector<16xi32>
        %add3A_691 = arith.constant 0 : i32
        %add3A_692 = arith.addi %mul3A_685, %add3A_691 : i32
        %get3A_693 = arith.index_cast %add3A_692 : i32 to index
        %get3A_694 = tpu.vector_load %arg12[%get3A_693] {strides = array<i32>} : memref<1008xi32, #tpu.memory_space<vmem>>, vector<16xi32>,
        %get3A_695 = vector.shape_cast %get3A_694 : vector<16xi32> to vector<16xi32>
        %swap3A_696 = arith.constant 0 : index
        %swap3A_697 = tpu.vector_load %arg11[%swap3A_696] {strides = array<i32>} : memref<1008xi32, #tpu.memory_space<vmem>>, vector<16xi32>,
        %swap3A_698 = vector.shape_cast %swap3A_697 : vector<16xi32> to vector<16xi32>
        %swap3A_699 = vector.shape_cast %get3A_690 : vector<16xi32> to vector<16xi32>
        tpu.vector_store %arg11[%swap3A_696], %swap3A_699 {strides = array<i32>} : memref<1008xi32, #tpu.memory_space<vmem>>, vector<16xi32>,
        %swap3A_700 = arith.constant 0 : index
        %swap3A_701 = tpu.vector_load %arg12[%swap3A_700] {strides = array<i32>} : memref<1008xi32, #tpu.memory_space<vmem>>, vector<16xi32>,
        %swap3A_702 = vector.shape_cast %swap3A_701 : vector<16xi32> to vector<16xi32>
        %swap3A_703 = vector.shape_cast %get3A_695 : vector<16xi32> to vector<16xi32>
        tpu.vector_store %arg12[%swap3A_700], %swap3A_703 {strides = array<i32>} : memref<1008xi32, #tpu.memory_space<vmem>>, vector<16xi32>,
        %add3A_704 = arith.constant 16 : i32
        %add3A_705 = arith.addi %mul3A_685, %add3A_704 : i32
        %get3A_706 = arith.index_cast %add3A_705 : i32 to index
        %get3A_707 = tpu.vector_load %arg11[%get3A_706] {strides = array<i32>} : memref<1008xi32, #tpu.memory_space<vmem>>, vector<16xi32>,
        %get3A_708 = vector.shape_cast %get3A_707 : vector<16xi32> to vector<16xi32>
        %add3A_709 = arith.constant 16 : i32
        %add3A_710 = arith.addi %mul3A_685, %add3A_709 : i32
        %get3A_711 = arith.index_cast %add3A_710 : i32 to index
        %get3A_712 = tpu.vector_load %arg12[%get3A_711] {strides = array<i32>} : memref<1008xi32, #tpu.memory_space<vmem>>, vector<16xi32>,
        %get3A_713 = vector.shape_cast %get3A_712 : vector<16xi32> to vector<16xi32>
        %swap3A_714 = arith.constant 16 : index
        %swap3A_715 = tpu.vector_load %arg11[%swap3A_714] {strides = array<i32>} : memref<1008xi32, #tpu.memory_space<vmem>>, vector<16xi32>,
        %swap3A_716 = vector.shape_cast %swap3A_715 : vector<16xi32> to vector<16xi32>
        %swap3A_717 = vector.shape_cast %get3A_708 : vector<16xi32> to vector<16xi32>
        tpu.vector_store %arg11[%swap3A_714], %swap3A_717 {strides = array<i32>} : memref<1008xi32, #tpu.memory_space<vmem>>, vector<16xi32>,
        %swap3A_718 = arith.constant 16 : index
        %swap3A_719 = tpu.vector_load %arg12[%swap3A_718] {strides = array<i32>} : memref<1008xi32, #tpu.memory_space<vmem>>, vector<16xi32>,
        %swap3A_720 = vector.shape_cast %swap3A_719 : vector<16xi32> to vector<16xi32>
        %swap3A_721 = vector.shape_cast %get3A_713 : vector<16xi32> to vector<16xi32>
        tpu.vector_store %arg12[%swap3A_718], %swap3A_721 {strides = array<i32>} : memref<1008xi32, #tpu.memory_space<vmem>>, vector<16xi32>,
        %add3A_722 = arith.constant 32 : i32
        %add3A_723 = arith.addi %mul3A_685, %add3A_722 : i32
        %get3A_724 = arith.index_cast %add3A_723 : i32 to index
        %get3A_725 = tpu.vector_load %arg11[%get3A_724] {strides = array<i32>} : memref<1008xi32, #tpu.memory_space<vmem>>, vector<16xi32>,
        %get3A_726 = vector.shape_cast %get3A_725 : vector<16xi32> to vector<16xi32>
        %add3A_727 = arith.constant 32 : i32
        %add3A_728 = arith.addi %mul3A_685, %add3A_727 : i32
        %get3A_729 = arith.index_cast %add3A_728 : i32 to index
        %get3A_730 = tpu.vector_load %arg12[%get3A_729] {strides = array<i32>} : memref<1008xi32, #tpu.memory_space<vmem>>, vector<16xi32>,
        %get3A_731 = vector.shape_cast %get3A_730 : vector<16xi32> to vector<16xi32>
        %swap3A_732 = arith.constant 32 : index
        %swap3A_733 = tpu.vector_load %arg11[%swap3A_732] {strides = array<i32>} : memref<1008xi32, #tpu.memory_space<vmem>>, vector<16xi32>,
        %swap3A_734 = vector.shape_cast %swap3A_733 : vector<16xi32> to vector<16xi32>
        %swap3A_735 = vector.shape_cast %get3A_726 : vector<16xi32> to vector<16xi32>
        tpu.vector_store %arg11[%swap3A_732], %swap3A_735 {strides = array<i32>} : memref<1008xi32, #tpu.memory_space<vmem>>, vector<16xi32>,
        %swap3A_736 = arith.constant 32 : index
        %swap3A_737 = tpu.vector_load %arg12[%swap3A_736] {strides = array<i32>} : memref<1008xi32, #tpu.memory_space<vmem>>, vector<16xi32>,
        %swap3A_738 = vector.shape_cast %swap3A_737 : vector<16xi32> to vector<16xi32>
        %swap3A_739 = vector.shape_cast %get3A_731 : vector<16xi32> to vector<16xi32>
        tpu.vector_store %arg12[%swap3A_736], %swap3A_739 {strides = array<i32>} : memref<1008xi32, #tpu.memory_space<vmem>>, vector<16xi32>,
        %add3A_740 = arith.constant 48 : i32
        %add3A_741 = arith.addi %mul3A_685, %add3A_740 : i32
        %get3A_742 = arith.index_cast %add3A_741 : i32 to index
        %get3A_743 = tpu.vector_load %arg11[%get3A_742] {strides = array<i32>} : memref<1008xi32, #tpu.memory_space<vmem>>, vector<16xi32>,
        %get3A_744 = vector.shape_cast %get3A_743 : vector<16xi32> to vector<16xi32>
        %add3A_745 = arith.constant 48 : i32
        %add3A_746 = arith.addi %mul3A_685, %add3A_745 : i32
        %get3A_747 = arith.index_cast %add3A_746 : i32 to index
        %get3A_748 = tpu.vector_load %arg12[%get3A_747] {strides = array<i32>} : memref<1008xi32, #tpu.memory_space<vmem>>, vector<16xi32>,
        %get3A_749 = vector.shape_cast %get3A_748 : vector<16xi32> to vector<16xi32>
        %swap3A_750 = arith.constant 48 : index
        %swap3A_751 = tpu.vector_load %arg11[%swap3A_750] {strides = array<i32>} : memref<1008xi32, #tpu.memory_space<vmem>>, vector<16xi32>,
        %swap3A_752 = vector.shape_cast %swap3A_751 : vector<16xi32> to vector<16xi32>
        %swap3A_753 = vector.shape_cast %get3A_744 : vector<16xi32> to vector<16xi32>
        tpu.vector_store %arg11[%swap3A_750], %swap3A_753 {strides = array<i32>} : memref<1008xi32, #tpu.memory_space<vmem>>, vector<16xi32>,
        %swap3A_754 = arith.constant 48 : index
        %swap3A_755 = tpu.vector_load %arg12[%swap3A_754] {strides = array<i32>} : memref<1008xi32, #tpu.memory_space<vmem>>, vector<16xi32>,
        %swap3A_756 = vector.shape_cast %swap3A_755 : vector<16xi32> to vector<16xi32>
        %swap3A_757 = vector.shape_cast %get3A_749 : vector<16xi32> to vector<16xi32>
        tpu.vector_store %arg12[%swap3A_754], %swap3A_757 {strides = array<i32>} : memref<1008xi32, #tpu.memory_space<vmem>>, vector<16xi32>,
        %add3A_758 = arith.constant 64 : i32
        %add3A_759 = arith.addi %mul3A_685, %add3A_758 : i32
        %get3A_760 = arith.index_cast %add3A_759 : i32 to index
        %get3A_761 = tpu.vector_load %arg11[%get3A_760] {strides = array<i32>} : memref<1008xi32, #tpu.memory_space<vmem>>, vector<16xi32>,
        %get3A_762 = vector.shape_cast %get3A_761 : vector<16xi32> to vector<16xi32>
        %add3A_763 = arith.constant 64 : i32
        %add3A_764 = arith.addi %mul3A_685, %add3A_763 : i32
        %get3A_765 = arith.index_cast %add3A_764 : i32 to index
        %get3A_766 = tpu.vector_load %arg12[%get3A_765] {strides = array<i32>} : memref<1008xi32, #tpu.memory_space<vmem>>, vector<16xi32>,
        %get3A_767 = vector.shape_cast %get3A_766 : vector<16xi32> to vector<16xi32>
        %swap3A_768 = arith.constant 64 : index
        %swap3A_769 = tpu.vector_load %arg11[%swap3A_768] {strides = array<i32>} : memref<1008xi32, #tpu.memory_space<vmem>>, vector<16xi32>,
        %swap3A_770 = vector.shape_cast %swap3A_769 : vector<16xi32> to vector<16xi32>
        %swap3A_771 = vector.shape_cast %get3A_762 : vector<16xi32> to vector<16xi32>
        tpu.vector_store %arg11[%swap3A_768], %swap3A_771 {strides = array<i32>} : memref<1008xi32, #tpu.memory_space<vmem>>, vector<16xi32>,
        %swap3A_772 = arith.constant 64 : index
        %swap3A_773 = tpu.vector_load %arg12[%swap3A_772] {strides = array<i32>} : memref<1008xi32, #tpu.memory_space<vmem>>, vector<16xi32>,
        %swap3A_774 = vector.shape_cast %swap3A_773 : vector<16xi32> to vector<16xi32>
        %swap3A_775 = vector.shape_cast %get3A_767 : vector<16xi32> to vector<16xi32>
        tpu.vector_store %arg12[%swap3A_772], %swap3A_775 {strides = array<i32>} : memref<1008xi32, #tpu.memory_space<vmem>>, vector<16xi32>,
        %add3A_776 = arith.constant 80 : i32
        %add3A_777 = arith.addi %mul3A_685, %add3A_776 : i32
        %get3A_778 = arith.index_cast %add3A_777 : i32 to index
        %get3A_779 = tpu.vector_load %arg11[%get3A_778] {strides = array<i32>} : memref<1008xi32, #tpu.memory_space<vmem>>, vector<16xi32>,
        %get3A_780 = vector.shape_cast %get3A_779 : vector<16xi32> to vector<16xi32>
        %add3A_781 = arith.constant 80 : i32
        %add3A_782 = arith.addi %mul3A_685, %add3A_781 : i32
        %get3A_783 = arith.index_cast %add3A_782 : i32 to index
        %get3A_784 = tpu.vector_load %arg12[%get3A_783] {strides = array<i32>} : memref<1008xi32, #tpu.memory_space<vmem>>, vector<16xi32>,
        %get3A_785 = vector.shape_cast %get3A_784 : vector<16xi32> to vector<16xi32>
        %swap3A_786 = arith.constant 80 : index
        %swap3A_787 = tpu.vector_load %arg11[%swap3A_786] {strides = array<i32>} : memref<1008xi32, #tpu.memory_space<vmem>>, vector<16xi32>,
        %swap3A_788 = vector.shape_cast %swap3A_787 : vector<16xi32> to vector<16xi32>
        %swap3A_789 = vector.shape_cast %get3A_780 : vector<16xi32> to vector<16xi32>
        tpu.vector_store %arg11[%swap3A_786], %swap3A_789 {strides = array<i32>} : memref<1008xi32, #tpu.memory_space<vmem>>, vector<16xi32>,
        %swap3A_790 = arith.constant 80 : index
        %swap3A_791 = tpu.vector_load %arg12[%swap3A_790] {strides = array<i32>} : memref<1008xi32, #tpu.memory_space<vmem>>, vector<16xi32>,
        %swap3A_792 = vector.shape_cast %swap3A_791 : vector<16xi32> to vector<16xi32>
        %swap3A_793 = vector.shape_cast %get3A_785 : vector<16xi32> to vector<16xi32>
        tpu.vector_store %arg12[%swap3A_790], %swap3A_793 {strides = array<i32>} : memref<1008xi32, #tpu.memory_space<vmem>>, vector<16xi32>,
        %add3A_794 = arith.constant 96 : i32
        %add3A_795 = arith.addi %mul3A_685, %add3A_794 : i32
        %get3A_796 = arith.index_cast %add3A_795 : i32 to index
        %get3A_797 = tpu.vector_load %arg11[%get3A_796] {strides = array<i32>} : memref<1008xi32, #tpu.memory_space<vmem>>, vector<16xi32>,
        %get3A_798 = vector.shape_cast %get3A_797 : vector<16xi32> to vector<16xi32>
        %add3A_799 = arith.constant 96 : i32
        %add3A_800 = arith.addi %mul3A_685, %add3A_799 : i32
        %get3A_801 = arith.index_cast %add3A_800 : i32 to index
        %get3A_802 = tpu.vector_load %arg12[%get3A_801] {strides = array<i32>} : memref<1008xi32, #tpu.memory_space<vmem>>, vector<16xi32>,
        %get3A_803 = vector.shape_cast %get3A_802 : vector<16xi32> to vector<16xi32>
        %swap3A_804 = arith.constant 96 : index
        %swap3A_805 = tpu.vector_load %arg11[%swap3A_804] {strides = array<i32>} : memref<1008xi32, #tpu.memory_space<vmem>>, vector<16xi32>,
        %swap3A_806 = vector.shape_cast %swap3A_805 : vector<16xi32> to vector<16xi32>
        %swap3A_807 = vector.shape_cast %get3A_798 : vector<16xi32> to vector<16xi32>
        tpu.vector_store %arg11[%swap3A_804], %swap3A_807 {strides = array<i32>} : memref<1008xi32, #tpu.memory_space<vmem>>, vector<16xi32>,
        %swap3A_808 = arith.constant 96 : index
        %swap3A_809 = tpu.vector_load %arg12[%swap3A_808] {strides = array<i32>} : memref<1008xi32, #tpu.memory_space<vmem>>, vector<16xi32>,
        %swap3A_810 = vector.shape_cast %swap3A_809 : vector<16xi32> to vector<16xi32>
        %swap3A_811 = vector.shape_cast %get3A_803 : vector<16xi32> to vector<16xi32>
        tpu.vector_store %arg12[%swap3A_808], %swap3A_811 {strides = array<i32>} : memref<1008xi32, #tpu.memory_space<vmem>>, vector<16xi32>,
        %add3A_812 = arith.constant 112 : i32
        %add3A_813 = arith.addi %mul3A_685, %add3A_812 : i32
        %get3A_814 = arith.index_cast %add3A_813 : i32 to index
        %get3A_815 = tpu.vector_load %arg11[%get3A_814] {strides = array<i32>} : memref<1008xi32, #tpu.memory_space<vmem>>, vector<16xi32>,
        %get3A_816 = vector.shape_cast %get3A_815 : vector<16xi32> to vector<16xi32>
        %add3A_817 = arith.constant 112 : i32
        %add3A_818 = arith.addi %mul3A_685, %add3A_817 : i32
        %get3A_819 = arith.index_cast %add3A_818 : i32 to index
        %get3A_820 = tpu.vector_load %arg12[%get3A_819] {strides = array<i32>} : memref<1008xi32, #tpu.memory_space<vmem>>, vector<16xi32>,
        %get3A_821 = vector.shape_cast %get3A_820 : vector<16xi32> to vector<16xi32>
        %swap3A_822 = arith.constant 112 : index
        %swap3A_823 = tpu.vector_load %arg11[%swap3A_822] {strides = array<i32>} : memref<1008xi32, #tpu.memory_space<vmem>>, vector<16xi32>,
        %swap3A_824 = vector.shape_cast %swap3A_823 : vector<16xi32> to vector<16xi32>
        %swap3A_825 = vector.shape_cast %get3A_816 : vector<16xi32> to vector<16xi32>
        tpu.vector_store %arg11[%swap3A_822], %swap3A_825 {strides = array<i32>} : memref<1008xi32, #tpu.memory_space<vmem>>, vector<16xi32>,
        %swap3A_826 = arith.constant 112 : index
        %swap3A_827 = tpu.vector_load %arg12[%swap3A_826] {strides = array<i32>} : memref<1008xi32, #tpu.memory_space<vmem>>, vector<16xi32>,
        %swap3A_828 = vector.shape_cast %swap3A_827 : vector<16xi32> to vector<16xi32>
        %swap3A_829 = vector.shape_cast %get3A_821 : vector<16xi32> to vector<16xi32>
        tpu.vector_store %arg12[%swap3A_826], %swap3A_829 {strides = array<i32>} : memref<1008xi32, #tpu.memory_space<vmem>>, vector<16xi32>,
        %sub3A_830 = arith.subi %scan3A_634, %mul3A_685 : i32
        scf.yield %sub3A_830 : i32
      }
      %scan3A_42 = arith.constant 62 : i32
      %add3A_43 = arith.constant 99200 : i32
      %add3A_44 = arith.addi %mul3A_16, %add3A_43 : i32
      %dma_wait3A = tpu.memref_slice %arg3[%add3A_44] : memref<1600000xi32, #tpu.memory_space<hbm>> -> memref<800xi32, #tpu.memory_space<hbm>>
      %dma_wait3A_45 = tpu.memref_slice %arg3[%add3A_44] : memref<1600000xi32, #tpu.memory_space<hbm>> -> memref<800xi32, #tpu.memory_space<hbm>>
      tpu.wait_dma2 semaphore(%arg18 : memref<!tpu.dma_semaphore, #tpu.memory_space<semaphore_mem>>) src(%dma_wait3A_45 : memref<800xi32, #tpu.memory_space<hbm>>) dst(%arg7 : memref<800xi32, #tpu.memory_space<vmem>>)
      %dma_wait3A_46 = tpu.memref_slice %arg4[%add3A_44] : memref<1600000xi32, #tpu.memory_space<hbm>> -> memref<800xi32, #tpu.memory_space<hbm>>
      %dma_wait3A_47 = tpu.memref_slice %arg4[%add3A_44] : memref<1600000xi32, #tpu.memory_space<hbm>> -> memref<800xi32, #tpu.memory_space<hbm>>
      tpu.wait_dma2 semaphore(%arg18 : memref<!tpu.dma_semaphore, #tpu.memory_space<semaphore_mem>>) src(%dma_wait3A_47 : memref<800xi32, #tpu.memory_space<hbm>>) dst(%arg8 : memref<800xi32, #tpu.memory_space<vmem>>)
      %iota3A = tpu.iota {dimensions = array<i32: 0>} : vector<16xi32>
      %scan3A_48 = arith.constant 0 : i32
      %scan3A_49 = arith.constant 25 : i32
      %scan3A_50 = arith.addi %scan3A_48, %scan3A_49 : i32
      %scan3A_51 = arith.constant 1 : i32
      %scan3A_52 = scf.for %scan3A_400 = %scan3A_48 to %scan3A_50 step %scan3A_51 iter_args(%scan3A_401 = %scan3A_41) -> (i32)  : i32 {
        %mul3A_402 = arith.constant 32 : i32
        %mul3A_403 = arith.muli %scan3A_400, %mul3A_402 : i32
        %get3A_404 = arith.index_cast %mul3A_403 : i32 to index
        %get3A_405 = tpu.vector_load %arg8[%get3A_404] {strides = array<i32>} : memref<800xi32, #tpu.memory_space<vmem>>, vector<16xi32>,
        %get3A_406 = vector.shape_cast %get3A_405 : vector<16xi32> to vector<16xi32>
        %mul3A_407 = arith.constant 32 : i32
        %mul3A_408 = arith.muli %scan3A_400, %mul3A_407 : i32
        %get3A_409 = arith.index_cast %mul3A_408 : i32 to index
        %get3A_410 = tpu.vector_load %arg7[%get3A_409] {strides = array<i32>} : memref<800xi32, #tpu.memory_space<vmem>>, vector<16xi32>,
        %get3A_411 = vector.shape_cast %get3A_410 : vector<16xi32> to vector<16xi32>
        %mul3A_412 = arith.constant 32 : i32
        %mul3A_413 = arith.muli %scan3A_400, %mul3A_412 : i32
        %add3A_414 = arith.constant 16 : i32
        %add3A_415 = arith.addi %mul3A_413, %add3A_414 : i32
        %get3A_416 = arith.index_cast %add3A_415 : i32 to index
        %get3A_417 = tpu.vector_load %arg8[%get3A_416] {strides = array<i32>} : memref<800xi32, #tpu.memory_space<vmem>>, vector<16xi32>,
        %get3A_418 = vector.shape_cast %get3A_417 : vector<16xi32> to vector<16xi32>
        %mul3A_419 = arith.constant 32 : i32
        %mul3A_420 = arith.muli %scan3A_400, %mul3A_419 : i32
        %add3A_421 = arith.constant 16 : i32
        %add3A_422 = arith.addi %mul3A_420, %add3A_421 : i32
        %get3A_423 = arith.index_cast %add3A_422 : i32 to index
        %get3A_424 = tpu.vector_load %arg7[%get3A_423] {strides = array<i32>} : memref<800xi32, #tpu.memory_space<vmem>>, vector<16xi32>,
        %get3A_425 = vector.shape_cast %get3A_424 : vector<16xi32> to vector<16xi32>
        %ge3A_426 = vector.broadcast %mul3A_28 : i32 to vector<16xi32>
        %ge3A_427 = arith.cmpi sge, %get3A_406, %ge3A_426 : vector<16xi32>
        %add3A_428 = arith.constant 12544 : i32
        %add3A_429 = arith.addi %mul3A_28, %add3A_428 : i32
        %lt3A = vector.broadcast %add3A_429 : i32 to vector<16xi32>
        %lt3A_430 = arith.cmpi slt, %get3A_406, %lt3A : vector<16xi32>
        %and3A_431 = arith.andi %ge3A_427, %lt3A_430 : vector<16xi1>
        %jit3A_432 = arith.constant 1 : i32
        %jit3A_433 = arith.constant 0 : i32
        %broadcast_in_dim3A_434 = vector.broadcast %jit3A_432 : i32 to vector<16xi32>
        %broadcast_in_dim3A_435 = vector.broadcast %jit3A_433 : i32 to vector<16xi32>
        %select_n3A_436 = arith.select %and3A_431, %broadcast_in_dim3A_434, %broadcast_in_dim3A_435 : vector<16xi1>, vector<16xi32>
        %sub3A_437 = arith.constant 1 : i32
        %sub3A_438 = vector.broadcast %sub3A_437 : i32 to vector<16xi32>
        %sub3A_439 = arith.subi %iota3A, %sub3A_438 : vector<16xi32>
        %max3A = arith.constant 0 : i32
        %max3A_440 = vector.broadcast %max3A : i32 to vector<16xi32>
        %max3A_441 = arith.maxsi %sub3A_439, %max3A_440 : vector<16xi32>
        %lt3A_442 = arith.constant 0 : i32
        %lt3A_443 = vector.broadcast %lt3A_442 : i32 to vector<16xi32>
        %lt3A_444 = arith.cmpi slt, %max3A_441, %lt3A_443 : vector<16xi32>
        %add3A_445 = arith.constant 16 : i32
        %add3A_446 = vector.broadcast %add3A_445 : i32 to vector<16xi32>
        %add3A_447 = arith.addi %max3A_441, %add3A_446 : vector<16xi32>
        %select_n3A_448 = arith.select %lt3A_444, %add3A_447, %max3A_441 : vector<16xi1>, vector<16xi32>
        %broadcast_in_dim3A_449 = vector.shape_cast %select_n3A_448 : vector<16xi32> to vector<16x1xi32>
        %gather3A = vector.shape_cast %broadcast_in_dim3A_449 : vector<16x1xi32> to vector<16xi32>
        %gather3A_450 = tpu.dynamic_gather %select_n3A_436[%gather3A] in [0] : vector<16xi32>, vector<16xi32> -> vector<16xi32>
        %ge3A_451 = arith.constant 1 : i32
        %ge3A_452 = vector.broadcast %ge3A_451 : i32 to vector<16xi32>
        %ge3A_453 = arith.cmpi sge, %iota3A, %ge3A_452 : vector<16xi32>
        %jit3A_454 = arith.constant 0 : i32
        %broadcast_in_dim3A_455 = vector.broadcast %jit3A_454 : i32 to vector<16xi32>
        %select_n3A_456 = arith.select %ge3A_453, %gather3A_450, %broadcast_in_dim3A_455 : vector<16xi1>, vector<16xi32>
        %add3A_457 = arith.addi %select_n3A_436, %select_n3A_456 : vector<16xi32>
        %sub3A_458 = arith.constant 2 : i32
        %sub3A_459 = vector.broadcast %sub3A_458 : i32 to vector<16xi32>
        %sub3A_460 = arith.subi %iota3A, %sub3A_459 : vector<16xi32>
        %max3A_461 = arith.constant 0 : i32
        %max3A_462 = vector.broadcast %max3A_461 : i32 to vector<16xi32>
        %max3A_463 = arith.maxsi %sub3A_460, %max3A_462 : vector<16xi32>
        %lt3A_464 = arith.constant 0 : i32
        %lt3A_465 = vector.broadcast %lt3A_464 : i32 to vector<16xi32>
        %lt3A_466 = arith.cmpi slt, %max3A_463, %lt3A_465 : vector<16xi32>
        %add3A_467 = arith.constant 16 : i32
        %add3A_468 = vector.broadcast %add3A_467 : i32 to vector<16xi32>
        %add3A_469 = arith.addi %max3A_463, %add3A_468 : vector<16xi32>
        %select_n3A_470 = arith.select %lt3A_466, %add3A_469, %max3A_463 : vector<16xi1>, vector<16xi32>
        %broadcast_in_dim3A_471 = vector.shape_cast %select_n3A_470 : vector<16xi32> to vector<16x1xi32>
        %gather3A_472 = vector.shape_cast %broadcast_in_dim3A_471 : vector<16x1xi32> to vector<16xi32>
        %gather3A_473 = tpu.dynamic_gather %add3A_457[%gather3A_472] in [0] : vector<16xi32>, vector<16xi32> -> vector<16xi32>
        %ge3A_474 = arith.constant 2 : i32
        %ge3A_475 = vector.broadcast %ge3A_474 : i32 to vector<16xi32>
        %ge3A_476 = arith.cmpi sge, %iota3A, %ge3A_475 : vector<16xi32>
        %jit3A_477 = arith.constant 0 : i32
        %broadcast_in_dim3A_478 = vector.broadcast %jit3A_477 : i32 to vector<16xi32>
        %select_n3A_479 = arith.select %ge3A_476, %gather3A_473, %broadcast_in_dim3A_478 : vector<16xi1>, vector<16xi32>
        %add3A_480 = arith.addi %add3A_457, %select_n3A_479 : vector<16xi32>
        %sub3A_481 = arith.constant 4 : i32
        %sub3A_482 = vector.broadcast %sub3A_481 : i32 to vector<16xi32>
        %sub3A_483 = arith.subi %iota3A, %sub3A_482 : vector<16xi32>
        %max3A_484 = arith.constant 0 : i32
        %max3A_485 = vector.broadcast %max3A_484 : i32 to vector<16xi32>
        %max3A_486 = arith.maxsi %sub3A_483, %max3A_485 : vector<16xi32>
        %lt3A_487 = arith.constant 0 : i32
        %lt3A_488 = vector.broadcast %lt3A_487 : i32 to vector<16xi32>
        %lt3A_489 = arith.cmpi slt, %max3A_486, %lt3A_488 : vector<16xi32>
        %add3A_490 = arith.constant 16 : i32
        %add3A_491 = vector.broadcast %add3A_490 : i32 to vector<16xi32>
        %add3A_492 = arith.addi %max3A_486, %add3A_491 : vector<16xi32>
        %select_n3A_493 = arith.select %lt3A_489, %add3A_492, %max3A_486 : vector<16xi1>, vector<16xi32>
        %broadcast_in_dim3A_494 = vector.shape_cast %select_n3A_493 : vector<16xi32> to vector<16x1xi32>
        %gather3A_495 = vector.shape_cast %broadcast_in_dim3A_494 : vector<16x1xi32> to vector<16xi32>
        %gather3A_496 = tpu.dynamic_gather %add3A_480[%gather3A_495] in [0] : vector<16xi32>, vector<16xi32> -> vector<16xi32>
        %ge3A_497 = arith.constant 4 : i32
        %ge3A_498 = vector.broadcast %ge3A_497 : i32 to vector<16xi32>
        %ge3A_499 = arith.cmpi sge, %iota3A, %ge3A_498 : vector<16xi32>
        %jit3A_500 = arith.constant 0 : i32
        %broadcast_in_dim3A_501 = vector.broadcast %jit3A_500 : i32 to vector<16xi32>
        %select_n3A_502 = arith.select %ge3A_499, %gather3A_496, %broadcast_in_dim3A_501 : vector<16xi1>, vector<16xi32>
        %add3A_503 = arith.addi %add3A_480, %select_n3A_502 : vector<16xi32>
        %sub3A_504 = arith.constant 8 : i32
        %sub3A_505 = vector.broadcast %sub3A_504 : i32 to vector<16xi32>
        %sub3A_506 = arith.subi %iota3A, %sub3A_505 : vector<16xi32>
        %max3A_507 = arith.constant 0 : i32
        %max3A_508 = vector.broadcast %max3A_507 : i32 to vector<16xi32>
        %max3A_509 = arith.maxsi %sub3A_506, %max3A_508 : vector<16xi32>
        %lt3A_510 = arith.constant 0 : i32
        %lt3A_511 = vector.broadcast %lt3A_510 : i32 to vector<16xi32>
        %lt3A_512 = arith.cmpi slt, %max3A_509, %lt3A_511 : vector<16xi32>
        %add3A_513 = arith.constant 16 : i32
        %add3A_514 = vector.broadcast %add3A_513 : i32 to vector<16xi32>
        %add3A_515 = arith.addi %max3A_509, %add3A_514 : vector<16xi32>
        %select_n3A_516 = arith.select %lt3A_512, %add3A_515, %max3A_509 : vector<16xi1>, vector<16xi32>
        %broadcast_in_dim3A_517 = vector.shape_cast %select_n3A_516 : vector<16xi32> to vector<16x1xi32>
        %gather3A_518 = vector.shape_cast %broadcast_in_dim3A_517 : vector<16x1xi32> to vector<16xi32>
        %gather3A_519 = tpu.dynamic_gather %add3A_503[%gather3A_518] in [0] : vector<16xi32>, vector<16xi32> -> vector<16xi32>
        %ge3A_520 = arith.constant 8 : i32
        %ge3A_521 = vector.broadcast %ge3A_520 : i32 to vector<16xi32>
        %ge3A_522 = arith.cmpi sge, %iota3A, %ge3A_521 : vector<16xi32>
        %jit3A_523 = arith.constant 0 : i32
        %broadcast_in_dim3A_524 = vector.broadcast %jit3A_523 : i32 to vector<16xi32>
        %select_n3A_525 = arith.select %ge3A_522, %gather3A_519, %broadcast_in_dim3A_524 : vector<16xi1>, vector<16xi32>
        %add3A_526 = arith.addi %add3A_503, %select_n3A_525 : vector<16xi32>
        %slice3A = vector.extract_strided_slice %add3A_526 {offsets = [15], sizes = [1], strides = [1]} : vector<16xi32> to vector<1xi32>
        %squeeze3A = vector.extract %slice3A[0] : i32 from vector<1xi32>
        %broadcast_in_dim3A_527 = arith.constant 0 : i32
        %broadcast_in_dim3A_528 = vector.broadcast %broadcast_in_dim3A_527 : i32 to vector<16xi32>
        %add3A_529 = arith.constant 1 : i32
        %add3A_530 = vector.broadcast %add3A_529 : i32 to vector<16xi32>
        %add3A_531 = arith.addi %iota3A, %add3A_530 : vector<16xi32>
        %add3A_532 = arith.constant 8 : i32
        %add3A_533 = vector.broadcast %add3A_532 : i32 to vector<16xi32>
        %add3A_534 = arith.addi %broadcast_in_dim3A_528, %add3A_533 : vector<16xi32>
        %sub3A_535 = arith.constant 1 : i32
        %sub3A_536 = vector.broadcast %sub3A_535 : i32 to vector<16xi32>
        %sub3A_537 = arith.subi %add3A_534, %sub3A_536 : vector<16xi32>
        %lt3A_538 = arith.constant 0 : i32
        %lt3A_539 = vector.broadcast %lt3A_538 : i32 to vector<16xi32>
        %lt3A_540 = arith.cmpi slt, %sub3A_537, %lt3A_539 : vector<16xi32>
        %add3A_541 = arith.constant 16 : i32
        %add3A_542 = vector.broadcast %add3A_541 : i32 to vector<16xi32>
        %add3A_543 = arith.addi %sub3A_537, %add3A_542 : vector<16xi32>
        %select_n3A_544 = arith.select %lt3A_540, %add3A_543, %sub3A_537 : vector<16xi1>, vector<16xi32>
        %broadcast_in_dim3A_545 = vector.shape_cast %select_n3A_544 : vector<16xi32> to vector<16x1xi32>
        %gather3A_546 = vector.shape_cast %broadcast_in_dim3A_545 : vector<16x1xi32> to vector<16xi32>
        %gather3A_547 = tpu.dynamic_gather %add3A_526[%gather3A_546] in [0] : vector<16xi32>, vector<16xi32> -> vector<16xi32>
        %lt3A_548 = arith.cmpi slt, %gather3A_547, %add3A_531 : vector<16xi32>
        %select_n3A_549 = arith.select %lt3A_548, %add3A_534, %broadcast_in_dim3A_528 : vector<16xi1>, vector<16xi32>
        %add3A_550 = arith.constant 4 : i32
        %add3A_551 = vector.broadcast %add3A_550 : i32 to vector<16xi32>
        %add3A_552 = arith.addi %select_n3A_549, %add3A_551 : vector<16xi32>
        %sub3A_553 = arith.constant 1 : i32
        %sub3A_554 = vector.broadcast %sub3A_553 : i32 to vector<16xi32>
        %sub3A_555 = arith.subi %add3A_552, %sub3A_554 : vector<16xi32>
        %lt3A_556 = arith.constant 0 : i32
        %lt3A_557 = vector.broadcast %lt3A_556 : i32 to vector<16xi32>
        %lt3A_558 = arith.cmpi slt, %sub3A_555, %lt3A_557 : vector<16xi32>
        %add3A_559 = arith.constant 16 : i32
        %add3A_560 = vector.broadcast %add3A_559 : i32 to vector<16xi32>
        %add3A_561 = arith.addi %sub3A_555, %add3A_560 : vector<16xi32>
        %select_n3A_562 = arith.select %lt3A_558, %add3A_561, %sub3A_555 : vector<16xi1>, vector<16xi32>
        %broadcast_in_dim3A_563 = vector.shape_cast %select_n3A_562 : vector<16xi32> to vector<16x1xi32>
        %gather3A_564 = vector.shape_cast %broadcast_in_dim3A_563 : vector<16x1xi32> to vector<16xi32>
        %gather3A_565 = tpu.dynamic_gather %add3A_526[%gather3A_564] in [0] : vector<16xi32>, vector<16xi32> -> vector<16xi32>
        %lt3A_566 = arith.cmpi slt, %gather3A_565, %add3A_531 : vector<16xi32>
        %select_n3A_567 = arith.select %lt3A_566, %add3A_552, %select_n3A_549 : vector<16xi1>, vector<16xi32>
        %add3A_568 = arith.constant 2 : i32
        %add3A_569 = vector.broadcast %add3A_568 : i32 to vector<16xi32>
        %add3A_570 = arith.addi %select_n3A_567, %add3A_569 : vector<16xi32>
        %sub3A_571 = arith.constant 1 : i32
        %sub3A_572 = vector.broadcast %sub3A_571 : i32 to vector<16xi32>
        %sub3A_573 = arith.subi %add3A_570, %sub3A_572 : vector<16xi32>
        %lt3A_574 = arith.constant 0 : i32
        %lt3A_575 = vector.broadcast %lt3A_574 : i32 to vector<16xi32>
        %lt3A_576 = arith.cmpi slt, %sub3A_573, %lt3A_575 : vector<16xi32>
        %add3A_577 = arith.constant 16 : i32
        %add3A_578 = vector.broadcast %add3A_577 : i32 to vector<16xi32>
        %add3A_579 = arith.addi %sub3A_573, %add3A_578 : vector<16xi32>
        %select_n3A_580 = arith.select %lt3A_576, %add3A_579, %sub3A_573 : vector<16xi1>, vector<16xi32>
        %broadcast_in_dim3A_581 = vector.shape_cast %select_n3A_580 : vector<16xi32> to vector<16x1xi32>
        %gather3A_582 = vector.shape_cast %broadcast_in_dim3A_581 : vector<16x1xi32> to vector<16xi32>
        %gather3A_583 = tpu.dynamic_gather %add3A_526[%gather3A_582] in [0] : vector<16xi32>, vector<16xi32> -> vector<16xi32>
        %lt3A_584 = arith.cmpi slt, %gather3A_583, %add3A_531 : vector<16xi32>
        %select_n3A_585 = arith.select %lt3A_584, %add3A_570, %select_n3A_567 : vector<16xi1>, vector<16xi32>
        %add3A_586 = arith.constant 1 : i32
        %add3A_587 = vector.broadcast %add3A_586 : i32 to vector<16xi32>
        %add3A_588 = arith.addi %select_n3A_585, %add3A_587 : vector<16xi32>
        %sub3A_589 = arith.constant 1 : i32
        %sub3A_590 = vector.broadcast %sub3A_589 : i32 to vector<16xi32>
        %sub3A_591 = arith.subi %add3A_588, %sub3A_590 : vector<16xi32>
        %lt3A_592 = arith.constant 0 : i32
        %lt3A_593 = vector.broadcast %lt3A_592 : i32 to vector<16xi32>
        %lt3A_594 = arith.cmpi slt, %sub3A_591, %lt3A_593 : vector<16xi32>
        %add3A_595 = arith.constant 16 : i32
        %add3A_596 = vector.broadcast %add3A_595 : i32 to vector<16xi32>
        %add3A_597 = arith.addi %sub3A_591, %add3A_596 : vector<16xi32>
        %select_n3A_598 = arith.select %lt3A_594, %add3A_597, %sub3A_591 : vector<16xi1>, vector<16xi32>
        %broadcast_in_dim3A_599 = vector.shape_cast %select_n3A_598 : vector<16xi32> to vector<16x1xi32>
        %gather3A_600 = vector.shape_cast %broadcast_in_dim3A_599 : vector<16x1xi32> to vector<16xi32>
        %gather3A_601 = tpu.dynamic_gather %add3A_526[%gather3A_600] in [0] : vector<16xi32>, vector<16xi32> -> vector<16xi32>
        %lt3A_602 = arith.cmpi slt, %gather3A_601, %add3A_531 : vector<16xi32>
        %select_n3A_603 = arith.select %lt3A_602, %add3A_588, %select_n3A_585 : vector<16xi1>, vector<16xi32>
        %min3A = arith.constant 15 : i32
        %min3A_604 = vector.broadcast %min3A : i32 to vector<16xi32>
        %min3A_605 = arith.minsi %select_n3A_603, %min3A_604 : vector<16xi32>
        %sub3A_606 = vector.broadcast %mul3A_28 : i32 to vector<16xi32>
        %sub3A_607 = arith.subi %get3A_406, %sub3A_606 : vector<16xi32>
        %lt3A_608 = arith.constant 0 : i32
        %lt3A_609 = vector.broadcast %lt3A_608 : i32 to vector<16xi32>
        %lt3A_610 = arith.cmpi slt, %min3A_605, %lt3A_609 : vector<16xi32>
        %add3A_611 = arith.constant 16 : i32
        %add3A_612 = vector.broadcast %add3A_611 : i32 to vector<16xi32>
        %add3A_613 = arith.addi %min3A_605, %add3A_612 : vector<16xi32>
        %select_n3A_614 = arith.select %lt3A_610, %add3A_613, %min3A_605 : vector<16xi1>, vector<16xi32>
        %broadcast_in_dim3A_615 = vector.shape_cast %select_n3A_614 : vector<16xi32> to vector<16x1xi32>
        %gather3A_616 = vector.shape_cast %broadcast_in_dim3A_615 : vector<16x1xi32> to vector<16xi32>
        %gather3A_617 = tpu.dynamic_gather %sub3A_607[%gather3A_616] in [0] : vector<16xi32>, vector<16xi32> -> vector<16xi32>
        %swap3A_618 = arith.index_cast %scan3A_401 : i32 to index
        %swap3A_619 = tpu.vector_load %arg12[%swap3A_618] {strides = array<i32>} : memref<1008xi32, #tpu.memory_space<vmem>>, vector<16xi32>,
        %swap3A_620 = vector.shape_cast %swap3A_619 : vector<16xi32> to vector<16xi32>
        %swap3A_621 = vector.shape_cast %gather3A_617 : vector<16xi32> to vector<16xi32>
        tpu.vector_store %arg12[%swap3A_618], %swap3A_621 {strides = array<i32>} : memref<1008xi32, #tpu.memory_space<vmem>>, vector<16xi32>,
        %mul3A_622 = arith.constant 4 : i32
        %mul3A_623 = vector.broadcast %mul3A_622 : i32 to vector<16xi32>
        %mul3A_624 = arith.muli %get3A_411, %mul3A_623 : vector<16xi32>
        %add3A_625 = vector.broadcast %select_n3A : i32 to vector<16xi32>
        %add3A_626 = arith.addi %mul3A_624, %add3A_625 : vector<16xi32>
        %lt3A_627 = arith.constant 0 : i32
        %lt3A_628 = vector.broadcast %lt3A_627 : i32 to vector<16xi32>
        %lt3A_629 = arith.cmpi slt, %min3A_605, %lt3A_628 : vector<16xi32>
        %add3A_630 = arith.constant 16 : i32
        %add3A_631 = vector.broadcast %add3A_630 : i32 to vector<16xi32>
        %add3A_632 = arith.addi %min3A_605, %add3A_631 : vector<16xi32>
        %select_n3A_633 = arith.select %lt3A_629, %add3A_632, %min3A_605 : vector<16xi1>, vector<16xi32>
        %broadcast_in_dim3A_634 = vector.shape_cast %select_n3A_633 : vector<16xi32> to vector<16x1xi32>
        %gather3A_635 = vector.shape_cast %broadcast_in_dim3A_634 : vector<16x1xi32> to vector<16xi32>
        %gather3A_636 = tpu.dynamic_gather %add3A_626[%gather3A_635] in [0] : vector<16xi32>, vector<16xi32> -> vector<16xi32>
        %swap3A_637 = arith.index_cast %scan3A_401 : i32 to index
        %swap3A_638 = tpu.vector_load %arg11[%swap3A_637] {strides = array<i32>} : memref<1008xi32, #tpu.memory_space<vmem>>, vector<16xi32>,
        %swap3A_639 = vector.shape_cast %swap3A_638 : vector<16xi32> to vector<16xi32>
        %swap3A_640 = vector.shape_cast %gather3A_636 : vector<16xi32> to vector<16xi32>
        tpu.vector_store %arg11[%swap3A_637], %swap3A_640 {strides = array<i32>} : memref<1008xi32, #tpu.memory_space<vmem>>, vector<16xi32>,
        %add3A_641 = arith.addi %scan3A_401, %squeeze3A : i32
        %ge3A_642 = vector.broadcast %mul3A_28 : i32 to vector<16xi32>
        %ge3A_643 = arith.cmpi sge, %get3A_418, %ge3A_642 : vector<16xi32>
        %add3A_644 = arith.constant 12544 : i32
        %add3A_645 = arith.addi %mul3A_28, %add3A_644 : i32
        %lt3A_646 = vector.broadcast %add3A_645 : i32 to vector<16xi32>
        %lt3A_647 = arith.cmpi slt, %get3A_418, %lt3A_646 : vector<16xi32>
        %and3A_648 = arith.andi %ge3A_643, %lt3A_647 : vector<16xi1>
        %jit3A_649 = arith.constant 1 : i32
        %jit3A_650 = arith.constant 0 : i32
        %broadcast_in_dim3A_651 = vector.broadcast %jit3A_649 : i32 to vector<16xi32>
        %broadcast_in_dim3A_652 = vector.broadcast %jit3A_650 : i32 to vector<16xi32>
        %select_n3A_653 = arith.select %and3A_648, %broadcast_in_dim3A_651, %broadcast_in_dim3A_652 : vector<16xi1>, vector<16xi32>
        %sub3A_654 = arith.constant 1 : i32
        %sub3A_655 = vector.broadcast %sub3A_654 : i32 to vector<16xi32>
        %sub3A_656 = arith.subi %iota3A, %sub3A_655 : vector<16xi32>
        %max3A_657 = arith.constant 0 : i32
        %max3A_658 = vector.broadcast %max3A_657 : i32 to vector<16xi32>
        %max3A_659 = arith.maxsi %sub3A_656, %max3A_658 : vector<16xi32>
        %lt3A_660 = arith.constant 0 : i32
        %lt3A_661 = vector.broadcast %lt3A_660 : i32 to vector<16xi32>
        %lt3A_662 = arith.cmpi slt, %max3A_659, %lt3A_661 : vector<16xi32>
        %add3A_663 = arith.constant 16 : i32
        %add3A_664 = vector.broadcast %add3A_663 : i32 to vector<16xi32>
        %add3A_665 = arith.addi %max3A_659, %add3A_664 : vector<16xi32>
        %select_n3A_666 = arith.select %lt3A_662, %add3A_665, %max3A_659 : vector<16xi1>, vector<16xi32>
        %broadcast_in_dim3A_667 = vector.shape_cast %select_n3A_666 : vector<16xi32> to vector<16x1xi32>
        %gather3A_668 = vector.shape_cast %broadcast_in_dim3A_667 : vector<16x1xi32> to vector<16xi32>
        %gather3A_669 = tpu.dynamic_gather %select_n3A_653[%gather3A_668] in [0] : vector<16xi32>, vector<16xi32> -> vector<16xi32>
        %ge3A_670 = arith.constant 1 : i32
        %ge3A_671 = vector.broadcast %ge3A_670 : i32 to vector<16xi32>
        %ge3A_672 = arith.cmpi sge, %iota3A, %ge3A_671 : vector<16xi32>
        %jit3A_673 = arith.constant 0 : i32
        %broadcast_in_dim3A_674 = vector.broadcast %jit3A_673 : i32 to vector<16xi32>
        %select_n3A_675 = arith.select %ge3A_672, %gather3A_669, %broadcast_in_dim3A_674 : vector<16xi1>, vector<16xi32>
        %add3A_676 = arith.addi %select_n3A_653, %select_n3A_675 : vector<16xi32>
        %sub3A_677 = arith.constant 2 : i32
        %sub3A_678 = vector.broadcast %sub3A_677 : i32 to vector<16xi32>
        %sub3A_679 = arith.subi %iota3A, %sub3A_678 : vector<16xi32>
        %max3A_680 = arith.constant 0 : i32
        %max3A_681 = vector.broadcast %max3A_680 : i32 to vector<16xi32>
        %max3A_682 = arith.maxsi %sub3A_679, %max3A_681 : vector<16xi32>
        %lt3A_683 = arith.constant 0 : i32
        %lt3A_684 = vector.broadcast %lt3A_683 : i32 to vector<16xi32>
        %lt3A_685 = arith.cmpi slt, %max3A_682, %lt3A_684 : vector<16xi32>
        %add3A_686 = arith.constant 16 : i32
        %add3A_687 = vector.broadcast %add3A_686 : i32 to vector<16xi32>
        %add3A_688 = arith.addi %max3A_682, %add3A_687 : vector<16xi32>
        %select_n3A_689 = arith.select %lt3A_685, %add3A_688, %max3A_682 : vector<16xi1>, vector<16xi32>
        %broadcast_in_dim3A_690 = vector.shape_cast %select_n3A_689 : vector<16xi32> to vector<16x1xi32>
        %gather3A_691 = vector.shape_cast %broadcast_in_dim3A_690 : vector<16x1xi32> to vector<16xi32>
        %gather3A_692 = tpu.dynamic_gather %add3A_676[%gather3A_691] in [0] : vector<16xi32>, vector<16xi32> -> vector<16xi32>
        %ge3A_693 = arith.constant 2 : i32
        %ge3A_694 = vector.broadcast %ge3A_693 : i32 to vector<16xi32>
        %ge3A_695 = arith.cmpi sge, %iota3A, %ge3A_694 : vector<16xi32>
        %jit3A_696 = arith.constant 0 : i32
        %broadcast_in_dim3A_697 = vector.broadcast %jit3A_696 : i32 to vector<16xi32>
        %select_n3A_698 = arith.select %ge3A_695, %gather3A_692, %broadcast_in_dim3A_697 : vector<16xi1>, vector<16xi32>
        %add3A_699 = arith.addi %add3A_676, %select_n3A_698 : vector<16xi32>
        %sub3A_700 = arith.constant 4 : i32
        %sub3A_701 = vector.broadcast %sub3A_700 : i32 to vector<16xi32>
        %sub3A_702 = arith.subi %iota3A, %sub3A_701 : vector<16xi32>
        %max3A_703 = arith.constant 0 : i32
        %max3A_704 = vector.broadcast %max3A_703 : i32 to vector<16xi32>
        %max3A_705 = arith.maxsi %sub3A_702, %max3A_704 : vector<16xi32>
        %lt3A_706 = arith.constant 0 : i32
        %lt3A_707 = vector.broadcast %lt3A_706 : i32 to vector<16xi32>
        %lt3A_708 = arith.cmpi slt, %max3A_705, %lt3A_707 : vector<16xi32>
        %add3A_709 = arith.constant 16 : i32
        %add3A_710 = vector.broadcast %add3A_709 : i32 to vector<16xi32>
        %add3A_711 = arith.addi %max3A_705, %add3A_710 : vector<16xi32>
        %select_n3A_712 = arith.select %lt3A_708, %add3A_711, %max3A_705 : vector<16xi1>, vector<16xi32>
        %broadcast_in_dim3A_713 = vector.shape_cast %select_n3A_712 : vector<16xi32> to vector<16x1xi32>
        %gather3A_714 = vector.shape_cast %broadcast_in_dim3A_713 : vector<16x1xi32> to vector<16xi32>
        %gather3A_715 = tpu.dynamic_gather %add3A_699[%gather3A_714] in [0] : vector<16xi32>, vector<16xi32> -> vector<16xi32>
        %ge3A_716 = arith.constant 4 : i32
        %ge3A_717 = vector.broadcast %ge3A_716 : i32 to vector<16xi32>
        %ge3A_718 = arith.cmpi sge, %iota3A, %ge3A_717 : vector<16xi32>
        %jit3A_719 = arith.constant 0 : i32
        %broadcast_in_dim3A_720 = vector.broadcast %jit3A_719 : i32 to vector<16xi32>
        %select_n3A_721 = arith.select %ge3A_718, %gather3A_715, %broadcast_in_dim3A_720 : vector<16xi1>, vector<16xi32>
        %add3A_722 = arith.addi %add3A_699, %select_n3A_721 : vector<16xi32>
        %sub3A_723 = arith.constant 8 : i32
        %sub3A_724 = vector.broadcast %sub3A_723 : i32 to vector<16xi32>
        %sub3A_725 = arith.subi %iota3A, %sub3A_724 : vector<16xi32>
        %max3A_726 = arith.constant 0 : i32
        %max3A_727 = vector.broadcast %max3A_726 : i32 to vector<16xi32>
        %max3A_728 = arith.maxsi %sub3A_725, %max3A_727 : vector<16xi32>
        %lt3A_729 = arith.constant 0 : i32
        %lt3A_730 = vector.broadcast %lt3A_729 : i32 to vector<16xi32>
        %lt3A_731 = arith.cmpi slt, %max3A_728, %lt3A_730 : vector<16xi32>
        %add3A_732 = arith.constant 16 : i32
        %add3A_733 = vector.broadcast %add3A_732 : i32 to vector<16xi32>
        %add3A_734 = arith.addi %max3A_728, %add3A_733 : vector<16xi32>
        %select_n3A_735 = arith.select %lt3A_731, %add3A_734, %max3A_728 : vector<16xi1>, vector<16xi32>
        %broadcast_in_dim3A_736 = vector.shape_cast %select_n3A_735 : vector<16xi32> to vector<16x1xi32>
        %gather3A_737 = vector.shape_cast %broadcast_in_dim3A_736 : vector<16x1xi32> to vector<16xi32>
        %gather3A_738 = tpu.dynamic_gather %add3A_722[%gather3A_737] in [0] : vector<16xi32>, vector<16xi32> -> vector<16xi32>
        %ge3A_739 = arith.constant 8 : i32
        %ge3A_740 = vector.broadcast %ge3A_739 : i32 to vector<16xi32>
        %ge3A_741 = arith.cmpi sge, %iota3A, %ge3A_740 : vector<16xi32>
        %jit3A_742 = arith.constant 0 : i32
        %broadcast_in_dim3A_743 = vector.broadcast %jit3A_742 : i32 to vector<16xi32>
        %select_n3A_744 = arith.select %ge3A_741, %gather3A_738, %broadcast_in_dim3A_743 : vector<16xi1>, vector<16xi32>
        %add3A_745 = arith.addi %add3A_722, %select_n3A_744 : vector<16xi32>
        %slice3A_746 = vector.extract_strided_slice %add3A_745 {offsets = [15], sizes = [1], strides = [1]} : vector<16xi32> to vector<1xi32>
        %squeeze3A_747 = vector.extract %slice3A_746[0] : i32 from vector<1xi32>
        %broadcast_in_dim3A_748 = arith.constant 0 : i32
        %broadcast_in_dim3A_749 = vector.broadcast %broadcast_in_dim3A_748 : i32 to vector<16xi32>
        %add3A_750 = arith.constant 1 : i32
        %add3A_751 = vector.broadcast %add3A_750 : i32 to vector<16xi32>
        %add3A_752 = arith.addi %iota3A, %add3A_751 : vector<16xi32>
        %add3A_753 = arith.constant 8 : i32
        %add3A_754 = vector.broadcast %add3A_753 : i32 to vector<16xi32>
        %add3A_755 = arith.addi %broadcast_in_dim3A_749, %add3A_754 : vector<16xi32>
        %sub3A_756 = arith.constant 1 : i32
        %sub3A_757 = vector.broadcast %sub3A_756 : i32 to vector<16xi32>
        %sub3A_758 = arith.subi %add3A_755, %sub3A_757 : vector<16xi32>
        %lt3A_759 = arith.constant 0 : i32
        %lt3A_760 = vector.broadcast %lt3A_759 : i32 to vector<16xi32>
        %lt3A_761 = arith.cmpi slt, %sub3A_758, %lt3A_760 : vector<16xi32>
        %add3A_762 = arith.constant 16 : i32
        %add3A_763 = vector.broadcast %add3A_762 : i32 to vector<16xi32>
        %add3A_764 = arith.addi %sub3A_758, %add3A_763 : vector<16xi32>
        %select_n3A_765 = arith.select %lt3A_761, %add3A_764, %sub3A_758 : vector<16xi1>, vector<16xi32>
        %broadcast_in_dim3A_766 = vector.shape_cast %select_n3A_765 : vector<16xi32> to vector<16x1xi32>
        %gather3A_767 = vector.shape_cast %broadcast_in_dim3A_766 : vector<16x1xi32> to vector<16xi32>
        %gather3A_768 = tpu.dynamic_gather %add3A_745[%gather3A_767] in [0] : vector<16xi32>, vector<16xi32> -> vector<16xi32>
        %lt3A_769 = arith.cmpi slt, %gather3A_768, %add3A_752 : vector<16xi32>
        %select_n3A_770 = arith.select %lt3A_769, %add3A_755, %broadcast_in_dim3A_749 : vector<16xi1>, vector<16xi32>
        %add3A_771 = arith.constant 4 : i32
        %add3A_772 = vector.broadcast %add3A_771 : i32 to vector<16xi32>
        %add3A_773 = arith.addi %select_n3A_770, %add3A_772 : vector<16xi32>
        %sub3A_774 = arith.constant 1 : i32
        %sub3A_775 = vector.broadcast %sub3A_774 : i32 to vector<16xi32>
        %sub3A_776 = arith.subi %add3A_773, %sub3A_775 : vector<16xi32>
        %lt3A_777 = arith.constant 0 : i32
        %lt3A_778 = vector.broadcast %lt3A_777 : i32 to vector<16xi32>
        %lt3A_779 = arith.cmpi slt, %sub3A_776, %lt3A_778 : vector<16xi32>
        %add3A_780 = arith.constant 16 : i32
        %add3A_781 = vector.broadcast %add3A_780 : i32 to vector<16xi32>
        %add3A_782 = arith.addi %sub3A_776, %add3A_781 : vector<16xi32>
        %select_n3A_783 = arith.select %lt3A_779, %add3A_782, %sub3A_776 : vector<16xi1>, vector<16xi32>
        %broadcast_in_dim3A_784 = vector.shape_cast %select_n3A_783 : vector<16xi32> to vector<16x1xi32>
        %gather3A_785 = vector.shape_cast %broadcast_in_dim3A_784 : vector<16x1xi32> to vector<16xi32>
        %gather3A_786 = tpu.dynamic_gather %add3A_745[%gather3A_785] in [0] : vector<16xi32>, vector<16xi32> -> vector<16xi32>
        %lt3A_787 = arith.cmpi slt, %gather3A_786, %add3A_752 : vector<16xi32>
        %select_n3A_788 = arith.select %lt3A_787, %add3A_773, %select_n3A_770 : vector<16xi1>, vector<16xi32>
        %add3A_789 = arith.constant 2 : i32
        %add3A_790 = vector.broadcast %add3A_789 : i32 to vector<16xi32>
        %add3A_791 = arith.addi %select_n3A_788, %add3A_790 : vector<16xi32>
        %sub3A_792 = arith.constant 1 : i32
        %sub3A_793 = vector.broadcast %sub3A_792 : i32 to vector<16xi32>
        %sub3A_794 = arith.subi %add3A_791, %sub3A_793 : vector<16xi32>
        %lt3A_795 = arith.constant 0 : i32
        %lt3A_796 = vector.broadcast %lt3A_795 : i32 to vector<16xi32>
        %lt3A_797 = arith.cmpi slt, %sub3A_794, %lt3A_796 : vector<16xi32>
        %add3A_798 = arith.constant 16 : i32
        %add3A_799 = vector.broadcast %add3A_798 : i32 to vector<16xi32>
        %add3A_800 = arith.addi %sub3A_794, %add3A_799 : vector<16xi32>
        %select_n3A_801 = arith.select %lt3A_797, %add3A_800, %sub3A_794 : vector<16xi1>, vector<16xi32>
        %broadcast_in_dim3A_802 = vector.shape_cast %select_n3A_801 : vector<16xi32> to vector<16x1xi32>
        %gather3A_803 = vector.shape_cast %broadcast_in_dim3A_802 : vector<16x1xi32> to vector<16xi32>
        %gather3A_804 = tpu.dynamic_gather %add3A_745[%gather3A_803] in [0] : vector<16xi32>, vector<16xi32> -> vector<16xi32>
        %lt3A_805 = arith.cmpi slt, %gather3A_804, %add3A_752 : vector<16xi32>
        %select_n3A_806 = arith.select %lt3A_805, %add3A_791, %select_n3A_788 : vector<16xi1>, vector<16xi32>
        %add3A_807 = arith.constant 1 : i32
        %add3A_808 = vector.broadcast %add3A_807 : i32 to vector<16xi32>
        %add3A_809 = arith.addi %select_n3A_806, %add3A_808 : vector<16xi32>
        %sub3A_810 = arith.constant 1 : i32
        %sub3A_811 = vector.broadcast %sub3A_810 : i32 to vector<16xi32>
        %sub3A_812 = arith.subi %add3A_809, %sub3A_811 : vector<16xi32>
        %lt3A_813 = arith.constant 0 : i32
        %lt3A_814 = vector.broadcast %lt3A_813 : i32 to vector<16xi32>
        %lt3A_815 = arith.cmpi slt, %sub3A_812, %lt3A_814 : vector<16xi32>
        %add3A_816 = arith.constant 16 : i32
        %add3A_817 = vector.broadcast %add3A_816 : i32 to vector<16xi32>
        %add3A_818 = arith.addi %sub3A_812, %add3A_817 : vector<16xi32>
        %select_n3A_819 = arith.select %lt3A_815, %add3A_818, %sub3A_812 : vector<16xi1>, vector<16xi32>
        %broadcast_in_dim3A_820 = vector.shape_cast %select_n3A_819 : vector<16xi32> to vector<16x1xi32>
        %gather3A_821 = vector.shape_cast %broadcast_in_dim3A_820 : vector<16x1xi32> to vector<16xi32>
        %gather3A_822 = tpu.dynamic_gather %add3A_745[%gather3A_821] in [0] : vector<16xi32>, vector<16xi32> -> vector<16xi32>
        %lt3A_823 = arith.cmpi slt, %gather3A_822, %add3A_752 : vector<16xi32>
        %select_n3A_824 = arith.select %lt3A_823, %add3A_809, %select_n3A_806 : vector<16xi1>, vector<16xi32>
        %min3A_825 = arith.constant 15 : i32
        %min3A_826 = vector.broadcast %min3A_825 : i32 to vector<16xi32>
        %min3A_827 = arith.minsi %select_n3A_824, %min3A_826 : vector<16xi32>
        %sub3A_828 = vector.broadcast %mul3A_28 : i32 to vector<16xi32>
        %sub3A_829 = arith.subi %get3A_418, %sub3A_828 : vector<16xi32>
        %lt3A_830 = arith.constant 0 : i32
        %lt3A_831 = vector.broadcast %lt3A_830 : i32 to vector<16xi32>
        %lt3A_832 = arith.cmpi slt, %min3A_827, %lt3A_831 : vector<16xi32>
        %add3A_833 = arith.constant 16 : i32
        %add3A_834 = vector.broadcast %add3A_833 : i32 to vector<16xi32>
        %add3A_835 = arith.addi %min3A_827, %add3A_834 : vector<16xi32>
        %select_n3A_836 = arith.select %lt3A_832, %add3A_835, %min3A_827 : vector<16xi1>, vector<16xi32>
        %broadcast_in_dim3A_837 = vector.shape_cast %select_n3A_836 : vector<16xi32> to vector<16x1xi32>
        %gather3A_838 = vector.shape_cast %broadcast_in_dim3A_837 : vector<16x1xi32> to vector<16xi32>
        %gather3A_839 = tpu.dynamic_gather %sub3A_829[%gather3A_838] in [0] : vector<16xi32>, vector<16xi32> -> vector<16xi32>
        %swap3A_840 = arith.index_cast %add3A_641 : i32 to index
        %swap3A_841 = tpu.vector_load %arg12[%swap3A_840] {strides = array<i32>} : memref<1008xi32, #tpu.memory_space<vmem>>, vector<16xi32>,
        %swap3A_842 = vector.shape_cast %swap3A_841 : vector<16xi32> to vector<16xi32>
        %swap3A_843 = vector.shape_cast %gather3A_839 : vector<16xi32> to vector<16xi32>
        tpu.vector_store %arg12[%swap3A_840], %swap3A_843 {strides = array<i32>} : memref<1008xi32, #tpu.memory_space<vmem>>, vector<16xi32>,
        %mul3A_844 = arith.constant 4 : i32
        %mul3A_845 = vector.broadcast %mul3A_844 : i32 to vector<16xi32>
        %mul3A_846 = arith.muli %get3A_425, %mul3A_845 : vector<16xi32>
        %add3A_847 = vector.broadcast %select_n3A : i32 to vector<16xi32>
        %add3A_848 = arith.addi %mul3A_846, %add3A_847 : vector<16xi32>
        %lt3A_849 = arith.constant 0 : i32
        %lt3A_850 = vector.broadcast %lt3A_849 : i32 to vector<16xi32>
        %lt3A_851 = arith.cmpi slt, %min3A_827, %lt3A_850 : vector<16xi32>
        %add3A_852 = arith.constant 16 : i32
        %add3A_853 = vector.broadcast %add3A_852 : i32 to vector<16xi32>
        %add3A_854 = arith.addi %min3A_827, %add3A_853 : vector<16xi32>
        %select_n3A_855 = arith.select %lt3A_851, %add3A_854, %min3A_827 : vector<16xi1>, vector<16xi32>
        %broadcast_in_dim3A_856 = vector.shape_cast %select_n3A_855 : vector<16xi32> to vector<16x1xi32>
        %gather3A_857 = vector.shape_cast %broadcast_in_dim3A_856 : vector<16x1xi32> to vector<16xi32>
        %gather3A_858 = tpu.dynamic_gather %add3A_848[%gather3A_857] in [0] : vector<16xi32>, vector<16xi32> -> vector<16xi32>
        %swap3A_859 = arith.index_cast %add3A_641 : i32 to index
        %swap3A_860 = tpu.vector_load %arg11[%swap3A_859] {strides = array<i32>} : memref<1008xi32, #tpu.memory_space<vmem>>, vector<16xi32>,
        %swap3A_861 = vector.shape_cast %swap3A_860 : vector<16xi32> to vector<16xi32>
        %swap3A_862 = vector.shape_cast %gather3A_858 : vector<16xi32> to vector<16xi32>
        tpu.vector_store %arg11[%swap3A_859], %swap3A_862 {strides = array<i32>} : memref<1008xi32, #tpu.memory_space<vmem>>, vector<16xi32>,
        %add3A_863 = arith.addi %add3A_641, %squeeze3A_747 : i32
        scf.yield %add3A_863 : i32
      }
      %scan3A_53 = arith.constant 25 : i32
      %jit3A_54 = arith.constant 128 : i32
      %div3A_55 = arith.divsi %scan3A_52, %jit3A_54 : i32
      %sign3A_56 = arith.constant 0 : i32
      %sign3A_57 = arith.cmpi sgt, %scan3A_52, %sign3A_56 : i32
      %sign3A_58 = arith.extui %sign3A_57 : i1 to i32
      %sign3A_59 = arith.constant 0 : i32
      %sign3A_60 = arith.cmpi slt, %scan3A_52, %sign3A_59 : i32
      %sign3A_61 = arith.extui %sign3A_60 : i1 to i32
      %sign3A_62 = arith.subi %sign3A_58, %sign3A_61 : i32
      %sign3A_63 = arith.constant 0 : i32
      %sign3A_64 = arith.cmpi sgt, %jit3A_54, %sign3A_63 : i32
      %sign3A_65 = arith.extui %sign3A_64 : i1 to i32
      %sign3A_66 = arith.constant 0 : i32
      %sign3A_67 = arith.cmpi slt, %jit3A_54, %sign3A_66 : i32
      %sign3A_68 = arith.extui %sign3A_67 : i1 to i32
      %sign3A_69 = arith.subi %sign3A_65, %sign3A_68 : i32
      %ne3A_70 = arith.cmpi ne, %sign3A_62, %sign3A_69 : i32
      %rem3A_71 = arith.remsi %scan3A_52, %jit3A_54 : i32
      %ne3A_72 = arith.constant 0 : i32
      %ne3A_73 = arith.cmpi ne, %rem3A_71, %ne3A_72 : i32
      %and3A_74 = arith.andi %ne3A_70, %ne3A_73 : i1
      %sub3A_75 = arith.constant 1 : i32
      %sub3A_76 = arith.subi %div3A_55, %sub3A_75 : i32
      %select_n3A_77 = arith.select %and3A_74, %sub3A_76, %div3A_55 : i32
      %mul3A_78 = arith.constant 2 : i32
      %mul3A_79 = arith.muli %mul3A_78, %select_n3A_77 : i32
      %ge3A = arith.constant 1 : i32
      %ge3A_80 = arith.cmpi sge, %select_n3A_77, %ge3A : i32
      %convert_element_type3A = arith.extui %ge3A_80 : i1 to i32
      %cond3A = arith.constant 0 : i32
      %cond3A_81 = arith.cmpi ne, %convert_element_type3A, %cond3A : i32
      scf.if %cond3A_81 {
        %dma_start3A_400 = arith.constant 0 : i32
        %dma_start3A_401 = tpu.memref_slice %arg11[%dma_start3A_400] : memref<1008xi32, #tpu.memory_space<vmem>> -> memref<64xi32, #tpu.memory_space<vmem>>
        %dma_start3A_402 = arith.constant 0 : i32
        %dma_start3A_403 = arith.constant 0 : i32
        %dma_start3A_404 = tpu.memref_slice %arg2[%dma_start3A_402, %dma_start3A_403] : memref<400000x128xf32, #tpu.memory_space<hbm>> -> memref<400000x128xf32, #tpu.memory_space<hbm>>
        tpu.enqueue_indirect_dma source(%dma_start3A_404 : memref<400000x128xf32, #tpu.memory_space<hbm>>) target(%arg15 : memref<64x128xf32, #tpu.memory_space<vmem>>) offsets(%dma_start3A_401 : memref<64xi32, #tpu.memory_space<vmem>>) semaphore(%arg20 : memref<!tpu.dma_semaphore, #tpu.memory_space<semaphore_mem>>)
      } else {
      }
      %while3A = arith.constant 0 : i32
      %while3A_82 = arith.constant 0 : i32
      %while3A_83 = arith.subi %select_n3A_77, %while3A : i32
      %while3A_84 = arith.addi %while3A, %while3A_83 : i32
      %while3A_85 = arith.constant 1 : i32
      %while3A_86 = arith.divsi %while3A_83, %while3A_85 : i32
      %while3A_87 = arith.muli %while3A_86, %while3A_85 : i32
      %while3A_88 = arith.addi %while3A, %while3A_87 : i32
      %while3A_89 = arith.constant 1 : i32
      %while3A_90 = scf.for %while3A_400 = %while3A to %while3A_88 step %while3A_89 iter_args(%while3A_401 = %while3A_82) -> (i32)  : i32 {
        %ge3A_402 = arith.constant 1 : i32
        %ge3A_403 = arith.cmpi sge, %while3A_400, %ge3A_402 : i32
        %convert_element_type3A_404 = arith.extui %ge3A_403 : i1 to i32
        %cond3A_405 = arith.constant 0 : i32
        %cond3A_406 = arith.cmpi ne, %convert_element_type3A_404, %cond3A_405 : i32
        scf.if %cond3A_406 {
          %dma_wait3A_559 = arith.constant 0 : i32
          %dma_wait3A_560 = arith.constant 0 : i32
          %dma_wait3A_561 = tpu.memref_slice %arg17[%dma_wait3A_559, %dma_wait3A_560] : memref<12552x128xf32, #tpu.memory_space<vmem_shared>> -> memref<12552x128xf32, #tpu.memory_space<vmem_shared>>
          tpu.wait_indirect_dma semaphore(%arg23 : memref<!tpu.dma_semaphore, #tpu.memory_space<semaphore_mem>>) src(%arg16 : memref<64x128xf32, #tpu.memory_space<vmem>>) dst(%dma_wait3A_561 : memref<12552x128xf32, #tpu.memory_space<vmem_shared>>)
        } else {
        }
        %mul3A_407 = arith.constant 2 : i32
        %mul3A_408 = arith.muli %mul3A_407, %while3A_400 : i32
        %mul3A_409 = arith.constant 64 : i32
        %mul3A_410 = arith.muli %mul3A_408, %mul3A_409 : i32
        %add3A_411 = arith.constant 64 : i32
        %add3A_412 = arith.addi %mul3A_410, %add3A_411 : i32
        %dma_start3A_413 = tpu.memref_slice %arg11[%add3A_412] : memref<1008xi32, #tpu.memory_space<vmem>> -> memref<64xi32, #tpu.memory_space<vmem>>
        %dma_start3A_414 = arith.constant 0 : i32
        %dma_start3A_415 = arith.constant 0 : i32
        %dma_start3A_416 = tpu.memref_slice %arg2[%dma_start3A_414, %dma_start3A_415] : memref<400000x128xf32, #tpu.memory_space<hbm>> -> memref<400000x128xf32, #tpu.memory_space<hbm>>
        tpu.enqueue_indirect_dma source(%dma_start3A_416 : memref<400000x128xf32, #tpu.memory_space<hbm>>) target(%arg16 : memref<64x128xf32, #tpu.memory_space<vmem>>) offsets(%dma_start3A_413 : memref<64xi32, #tpu.memory_space<vmem>>) semaphore(%arg21 : memref<!tpu.dma_semaphore, #tpu.memory_space<semaphore_mem>>)
        %mul3A_417 = arith.constant 2 : i32
        %mul3A_418 = arith.muli %mul3A_417, %while3A_400 : i32
        %mul3A_419 = arith.constant 64 : i32
        %mul3A_420 = arith.muli %mul3A_418, %mul3A_419 : i32
        %dma_wait3A_421 = tpu.memref_slice %arg11[%mul3A_420] : memref<1008xi32, #tpu.memory_space<vmem>> -> memref<64xi32, #tpu.memory_space<vmem>>
        %dma_wait3A_422 = arith.constant 0 : i32
        %dma_wait3A_423 = arith.constant 0 : i32
        %dma_wait3A_424 = tpu.memref_slice %arg2[%dma_wait3A_422, %dma_wait3A_423] : memref<400000x128xf32, #tpu.memory_space<hbm>> -> memref<400000x128xf32, #tpu.memory_space<hbm>>
        tpu.wait_indirect_dma semaphore(%arg20 : memref<!tpu.dma_semaphore, #tpu.memory_space<semaphore_mem>>) src(%dma_wait3A_424 : memref<400000x128xf32, #tpu.memory_space<hbm>>) dst(%arg15 : memref<64x128xf32, #tpu.memory_space<vmem>>)
        %mul3A_425 = arith.constant 2 : i32
        %mul3A_426 = arith.muli %mul3A_425, %while3A_400 : i32
        %mul3A_427 = arith.constant 64 : i32
        %mul3A_428 = arith.muli %mul3A_426, %mul3A_427 : i32
        %add3A_429 = arith.constant 0 : i32
        %add3A_430 = arith.addi %mul3A_428, %add3A_429 : i32
        %get3A_431 = arith.index_cast %add3A_430 : i32 to index
        %get3A_432 = tpu.vector_load %arg12[%get3A_431] {strides = array<i32>} : memref<1008xi32, #tpu.memory_space<vmem>>, vector<16xi32>,
        %get3A_433 = vector.shape_cast %get3A_432 : vector<16xi32> to vector<16xi32>
        %swap3A_434 = arith.constant 0 : index
        %swap3A_435 = tpu.vector_load %arg13[%swap3A_434] {strides = array<i32>} : memref<64xi32, #tpu.memory_space<vmem>>, vector<16xi32>,
        %swap3A_436 = vector.shape_cast %swap3A_435 : vector<16xi32> to vector<16xi32>
        %swap3A_437 = vector.shape_cast %get3A_433 : vector<16xi32> to vector<16xi32>
        tpu.vector_store %arg13[%swap3A_434], %swap3A_437 {strides = array<i32>} : memref<64xi32, #tpu.memory_space<vmem>>, vector<16xi32>,
        %mul3A_438 = arith.constant 2 : i32
        %mul3A_439 = arith.muli %mul3A_438, %while3A_400 : i32
        %mul3A_440 = arith.constant 64 : i32
        %mul3A_441 = arith.muli %mul3A_439, %mul3A_440 : i32
        %add3A_442 = arith.constant 16 : i32
        %add3A_443 = arith.addi %mul3A_441, %add3A_442 : i32
        %get3A_444 = arith.index_cast %add3A_443 : i32 to index
        %get3A_445 = tpu.vector_load %arg12[%get3A_444] {strides = array<i32>} : memref<1008xi32, #tpu.memory_space<vmem>>, vector<16xi32>,
        %get3A_446 = vector.shape_cast %get3A_445 : vector<16xi32> to vector<16xi32>
        %swap3A_447 = arith.constant 16 : index
        %swap3A_448 = tpu.vector_load %arg13[%swap3A_447] {strides = array<i32>} : memref<64xi32, #tpu.memory_space<vmem>>, vector<16xi32>,
        %swap3A_449 = vector.shape_cast %swap3A_448 : vector<16xi32> to vector<16xi32>
        %swap3A_450 = vector.shape_cast %get3A_446 : vector<16xi32> to vector<16xi32>
        tpu.vector_store %arg13[%swap3A_447], %swap3A_450 {strides = array<i32>} : memref<64xi32, #tpu.memory_space<vmem>>, vector<16xi32>,
        %mul3A_451 = arith.constant 2 : i32
        %mul3A_452 = arith.muli %mul3A_451, %while3A_400 : i32
        %mul3A_453 = arith.constant 64 : i32
        %mul3A_454 = arith.muli %mul3A_452, %mul3A_453 : i32
        %add3A_455 = arith.constant 32 : i32
        %add3A_456 = arith.addi %mul3A_454, %add3A_455 : i32
        %get3A_457 = arith.index_cast %add3A_456 : i32 to index
        %get3A_458 = tpu.vector_load %arg12[%get3A_457] {strides = array<i32>} : memref<1008xi32, #tpu.memory_space<vmem>>, vector<16xi32>,
        %get3A_459 = vector.shape_cast %get3A_458 : vector<16xi32> to vector<16xi32>
        %swap3A_460 = arith.constant 32 : index
        %swap3A_461 = tpu.vector_load %arg13[%swap3A_460] {strides = array<i32>} : memref<64xi32, #tpu.memory_space<vmem>>, vector<16xi32>,
        %swap3A_462 = vector.shape_cast %swap3A_461 : vector<16xi32> to vector<16xi32>
        %swap3A_463 = vector.shape_cast %get3A_459 : vector<16xi32> to vector<16xi32>
        tpu.vector_store %arg13[%swap3A_460], %swap3A_463 {strides = array<i32>} : memref<64xi32, #tpu.memory_space<vmem>>, vector<16xi32>,
        %mul3A_464 = arith.constant 2 : i32
        %mul3A_465 = arith.muli %mul3A_464, %while3A_400 : i32
        %mul3A_466 = arith.constant 64 : i32
        %mul3A_467 = arith.muli %mul3A_465, %mul3A_466 : i32
        %add3A_468 = arith.constant 48 : i32
        %add3A_469 = arith.addi %mul3A_467, %add3A_468 : i32
        %get3A_470 = arith.index_cast %add3A_469 : i32 to index
        %get3A_471 = tpu.vector_load %arg12[%get3A_470] {strides = array<i32>} : memref<1008xi32, #tpu.memory_space<vmem>>, vector<16xi32>,
        %get3A_472 = vector.shape_cast %get3A_471 : vector<16xi32> to vector<16xi32>
        %swap3A_473 = arith.constant 48 : index
        %swap3A_474 = tpu.vector_load %arg13[%swap3A_473] {strides = array<i32>} : memref<64xi32, #tpu.memory_space<vmem>>, vector<16xi32>,
        %swap3A_475 = vector.shape_cast %swap3A_474 : vector<16xi32> to vector<16xi32>
        %swap3A_476 = vector.shape_cast %get3A_472 : vector<16xi32> to vector<16xi32>
        tpu.vector_store %arg13[%swap3A_473], %swap3A_476 {strides = array<i32>} : memref<64xi32, #tpu.memory_space<vmem>>, vector<16xi32>,
        %dma_start3A_477 = arith.constant 0 : i32
        %dma_start3A_478 = arith.constant 0 : i32
        %dma_start3A_479 = tpu.memref_slice %arg17[%dma_start3A_477, %dma_start3A_478] : memref<12552x128xf32, #tpu.memory_space<vmem_shared>> -> memref<12552x128xf32, #tpu.memory_space<vmem_shared>>
        tpu.enqueue_indirect_dma source(%arg15 : memref<64x128xf32, #tpu.memory_space<vmem>>) target(%dma_start3A_479 : memref<12552x128xf32, #tpu.memory_space<vmem_shared>>) offsets(%arg13 : memref<64xi32, #tpu.memory_space<vmem>>) semaphore(%arg22 : memref<!tpu.dma_semaphore, #tpu.memory_space<semaphore_mem>>) {add = true}
        %add3A_480 = arith.constant 1 : i32
        %add3A_481 = arith.addi %while3A_400, %add3A_480 : i32
        %lt3A = arith.cmpi slt, %add3A_481, %select_n3A_77 : i32
        %convert_element_type3A_482 = arith.extui %lt3A : i1 to i32
        %cond3A_483 = arith.constant 0 : i32
        %cond3A_484 = arith.cmpi ne, %convert_element_type3A_482, %cond3A_483 : i32
        scf.if %cond3A_484 {
          %dma_wait3A_559 = arith.constant 0 : i32
          %dma_wait3A_560 = arith.constant 0 : i32
          %dma_wait3A_561 = tpu.memref_slice %arg17[%dma_wait3A_559, %dma_wait3A_560] : memref<12552x128xf32, #tpu.memory_space<vmem_shared>> -> memref<12552x128xf32, #tpu.memory_space<vmem_shared>>
          tpu.wait_indirect_dma semaphore(%arg22 : memref<!tpu.dma_semaphore, #tpu.memory_space<semaphore_mem>>) src(%arg15 : memref<64x128xf32, #tpu.memory_space<vmem>>) dst(%dma_wait3A_561 : memref<12552x128xf32, #tpu.memory_space<vmem_shared>>)
          %mul3A_562 = arith.constant 2 : i32
          %mul3A_563 = arith.muli %mul3A_562, %while3A_400 : i32
          %mul3A_564 = arith.constant 64 : i32
          %mul3A_565 = arith.muli %mul3A_563, %mul3A_564 : i32
          %add3A_566 = arith.constant 128 : i32
          %add3A_567 = arith.addi %mul3A_565, %add3A_566 : i32
          %dma_start3A_568 = tpu.memref_slice %arg11[%add3A_567] : memref<1008xi32, #tpu.memory_space<vmem>> -> memref<64xi32, #tpu.memory_space<vmem>>
          %dma_start3A_569 = arith.constant 0 : i32
          %dma_start3A_570 = arith.constant 0 : i32
          %dma_start3A_571 = tpu.memref_slice %arg2[%dma_start3A_569, %dma_start3A_570] : memref<400000x128xf32, #tpu.memory_space<hbm>> -> memref<400000x128xf32, #tpu.memory_space<hbm>>
          tpu.enqueue_indirect_dma source(%dma_start3A_571 : memref<400000x128xf32, #tpu.memory_space<hbm>>) target(%arg15 : memref<64x128xf32, #tpu.memory_space<vmem>>) offsets(%dma_start3A_568 : memref<64xi32, #tpu.memory_space<vmem>>) semaphore(%arg20 : memref<!tpu.dma_semaphore, #tpu.memory_space<semaphore_mem>>)
        } else {
        }
        %mul3A_485 = arith.constant 2 : i32
        %mul3A_486 = arith.muli %mul3A_485, %while3A_400 : i32
        %mul3A_487 = arith.constant 64 : i32
        %mul3A_488 = arith.muli %mul3A_486, %mul3A_487 : i32
        %add3A_489 = arith.constant 64 : i32
        %add3A_490 = arith.addi %mul3A_488, %add3A_489 : i32
        %dma_wait3A_491 = tpu.memref_slice %arg11[%add3A_490] : memref<1008xi32, #tpu.memory_space<vmem>> -> memref<64xi32, #tpu.memory_space<vmem>>
        %dma_wait3A_492 = arith.constant 0 : i32
        %dma_wait3A_493 = arith.constant 0 : i32
        %dma_wait3A_494 = tpu.memref_slice %arg2[%dma_wait3A_492, %dma_wait3A_493] : memref<400000x128xf32, #tpu.memory_space<hbm>> -> memref<400000x128xf32, #tpu.memory_space<hbm>>
        tpu.wait_indirect_dma semaphore(%arg21 : memref<!tpu.dma_semaphore, #tpu.memory_space<semaphore_mem>>) src(%dma_wait3A_494 : memref<400000x128xf32, #tpu.memory_space<hbm>>) dst(%arg16 : memref<64x128xf32, #tpu.memory_space<vmem>>)
        %mul3A_495 = arith.constant 2 : i32
        %mul3A_496 = arith.muli %mul3A_495, %while3A_400 : i32
        %mul3A_497 = arith.constant 64 : i32
        %mul3A_498 = arith.muli %mul3A_496, %mul3A_497 : i32
        %add3A_499 = arith.constant 64 : i32
        %add3A_500 = arith.addi %mul3A_498, %add3A_499 : i32
        %add3A_501 = arith.constant 0 : i32
        %add3A_502 = arith.addi %add3A_500, %add3A_501 : i32
        %get3A_503 = arith.index_cast %add3A_502 : i32 to index
        %get3A_504 = tpu.vector_load %arg12[%get3A_503] {strides = array<i32>} : memref<1008xi32, #tpu.memory_space<vmem>>, vector<16xi32>,
        %get3A_505 = vector.shape_cast %get3A_504 : vector<16xi32> to vector<16xi32>
        %swap3A_506 = arith.constant 0 : index
        %swap3A_507 = tpu.vector_load %arg14[%swap3A_506] {strides = array<i32>} : memref<64xi32, #tpu.memory_space<vmem>>, vector<16xi32>,
        %swap3A_508 = vector.shape_cast %swap3A_507 : vector<16xi32> to vector<16xi32>
        %swap3A_509 = vector.shape_cast %get3A_505 : vector<16xi32> to vector<16xi32>
        tpu.vector_store %arg14[%swap3A_506], %swap3A_509 {strides = array<i32>} : memref<64xi32, #tpu.memory_space<vmem>>, vector<16xi32>,
        %mul3A_510 = arith.constant 2 : i32
        %mul3A_511 = arith.muli %mul3A_510, %while3A_400 : i32
        %mul3A_512 = arith.constant 64 : i32
        %mul3A_513 = arith.muli %mul3A_511, %mul3A_512 : i32
        %add3A_514 = arith.constant 64 : i32
        %add3A_515 = arith.addi %mul3A_513, %add3A_514 : i32
        %add3A_516 = arith.constant 16 : i32
        %add3A_517 = arith.addi %add3A_515, %add3A_516 : i32
        %get3A_518 = arith.index_cast %add3A_517 : i32 to index
        %get3A_519 = tpu.vector_load %arg12[%get3A_518] {strides = array<i32>} : memref<1008xi32, #tpu.memory_space<vmem>>, vector<16xi32>,
        %get3A_520 = vector.shape_cast %get3A_519 : vector<16xi32> to vector<16xi32>
        %swap3A_521 = arith.constant 16 : index
        %swap3A_522 = tpu.vector_load %arg14[%swap3A_521] {strides = array<i32>} : memref<64xi32, #tpu.memory_space<vmem>>, vector<16xi32>,
        %swap3A_523 = vector.shape_cast %swap3A_522 : vector<16xi32> to vector<16xi32>
        %swap3A_524 = vector.shape_cast %get3A_520 : vector<16xi32> to vector<16xi32>
        tpu.vector_store %arg14[%swap3A_521], %swap3A_524 {strides = array<i32>} : memref<64xi32, #tpu.memory_space<vmem>>, vector<16xi32>,
        %mul3A_525 = arith.constant 2 : i32
        %mul3A_526 = arith.muli %mul3A_525, %while3A_400 : i32
        %mul3A_527 = arith.constant 64 : i32
        %mul3A_528 = arith.muli %mul3A_526, %mul3A_527 : i32
        %add3A_529 = arith.constant 64 : i32
        %add3A_530 = arith.addi %mul3A_528, %add3A_529 : i32
        %add3A_531 = arith.constant 32 : i32
        %add3A_532 = arith.addi %add3A_530, %add3A_531 : i32
        %get3A_533 = arith.index_cast %add3A_532 : i32 to index
        %get3A_534 = tpu.vector_load %arg12[%get3A_533] {strides = array<i32>} : memref<1008xi32, #tpu.memory_space<vmem>>, vector<16xi32>,
        %get3A_535 = vector.shape_cast %get3A_534 : vector<16xi32> to vector<16xi32>
        %swap3A_536 = arith.constant 32 : index
        %swap3A_537 = tpu.vector_load %arg14[%swap3A_536] {strides = array<i32>} : memref<64xi32, #tpu.memory_space<vmem>>, vector<16xi32>,
        %swap3A_538 = vector.shape_cast %swap3A_537 : vector<16xi32> to vector<16xi32>
        %swap3A_539 = vector.shape_cast %get3A_535 : vector<16xi32> to vector<16xi32>
        tpu.vector_store %arg14[%swap3A_536], %swap3A_539 {strides = array<i32>} : memref<64xi32, #tpu.memory_space<vmem>>, vector<16xi32>,
        %mul3A_540 = arith.constant 2 : i32
        %mul3A_541 = arith.muli %mul3A_540, %while3A_400 : i32
        %mul3A_542 = arith.constant 64 : i32
        %mul3A_543 = arith.muli %mul3A_541, %mul3A_542 : i32
        %add3A_544 = arith.constant 64 : i32
        %add3A_545 = arith.addi %mul3A_543, %add3A_544 : i32
        %add3A_546 = arith.constant 48 : i32
        %add3A_547 = arith.addi %add3A_545, %add3A_546 : i32
        %get3A_548 = arith.index_cast %add3A_547 : i32 to index
        %get3A_549 = tpu.vector_load %arg12[%get3A_548] {strides = array<i32>} : memref<1008xi32, #tpu.memory_space<vmem>>, vector<16xi32>,
        %get3A_550 = vector.shape_cast %get3A_549 : vector<16xi32> to vector<16xi32>
        %swap3A_551 = arith.constant 48 : index
        %swap3A_552 = tpu.vector_load %arg14[%swap3A_551] {strides = array<i32>} : memref<64xi32, #tpu.memory_space<vmem>>, vector<16xi32>,
        %swap3A_553 = vector.shape_cast %swap3A_552 : vector<16xi32> to vector<16xi32>
        %swap3A_554 = vector.shape_cast %get3A_550 : vector<16xi32> to vector<16xi32>
        tpu.vector_store %arg14[%swap3A_551], %swap3A_554 {strides = array<i32>} : memref<64xi32, #tpu.memory_space<vmem>>, vector<16xi32>,
        %dma_start3A_555 = arith.constant 0 : i32
        %dma_start3A_556 = arith.constant 0 : i32
        %dma_start3A_557 = tpu.memref_slice %arg17[%dma_start3A_555, %dma_start3A_556] : memref<12552x128xf32, #tpu.memory_space<vmem_shared>> -> memref<12552x128xf32, #tpu.memory_space<vmem_shared>>
        tpu.enqueue_indirect_dma source(%arg16 : memref<64x128xf32, #tpu.memory_space<vmem>>) target(%dma_start3A_557 : memref<12552x128xf32, #tpu.memory_space<vmem_shared>>) offsets(%arg14 : memref<64xi32, #tpu.memory_space<vmem>>) semaphore(%arg23 : memref<!tpu.dma_semaphore, #tpu.memory_space<semaphore_mem>>) {add = true}
        %while3A_558 = arith.constant 0 : i32
        scf.yield %while3A_558 : i32
      }
      %while3A_91 = arith.constant 1 : i32
      %while3A_92 = scf.for %while3A_400 = %while3A_88 to %while3A_84 step %while3A_91 iter_args(%while3A_401 = %while3A_90) -> (i32)  : i32 {
        %ge3A_402 = arith.constant 1 : i32
        %ge3A_403 = arith.cmpi sge, %while3A_400, %ge3A_402 : i32
        %convert_element_type3A_404 = arith.extui %ge3A_403 : i1 to i32
        %cond3A_405 = arith.constant 0 : i32
        %cond3A_406 = arith.cmpi ne, %convert_element_type3A_404, %cond3A_405 : i32
        scf.if %cond3A_406 {
          %dma_wait3A_559 = arith.constant 0 : i32
          %dma_wait3A_560 = arith.constant 0 : i32
          %dma_wait3A_561 = tpu.memref_slice %arg17[%dma_wait3A_559, %dma_wait3A_560] : memref<12552x128xf32, #tpu.memory_space<vmem_shared>> -> memref<12552x128xf32, #tpu.memory_space<vmem_shared>>
          tpu.wait_indirect_dma semaphore(%arg23 : memref<!tpu.dma_semaphore, #tpu.memory_space<semaphore_mem>>) src(%arg16 : memref<64x128xf32, #tpu.memory_space<vmem>>) dst(%dma_wait3A_561 : memref<12552x128xf32, #tpu.memory_space<vmem_shared>>)
        } else {
        }
        %mul3A_407 = arith.constant 2 : i32
        %mul3A_408 = arith.muli %mul3A_407, %while3A_400 : i32
        %mul3A_409 = arith.constant 64 : i32
        %mul3A_410 = arith.muli %mul3A_408, %mul3A_409 : i32
        %add3A_411 = arith.constant 64 : i32
        %add3A_412 = arith.addi %mul3A_410, %add3A_411 : i32
        %dma_start3A_413 = tpu.memref_slice %arg11[%add3A_412] : memref<1008xi32, #tpu.memory_space<vmem>> -> memref<64xi32, #tpu.memory_space<vmem>>
        %dma_start3A_414 = arith.constant 0 : i32
        %dma_start3A_415 = arith.constant 0 : i32
        %dma_start3A_416 = tpu.memref_slice %arg2[%dma_start3A_414, %dma_start3A_415] : memref<400000x128xf32, #tpu.memory_space<hbm>> -> memref<400000x128xf32, #tpu.memory_space<hbm>>
        tpu.enqueue_indirect_dma source(%dma_start3A_416 : memref<400000x128xf32, #tpu.memory_space<hbm>>) target(%arg16 : memref<64x128xf32, #tpu.memory_space<vmem>>) offsets(%dma_start3A_413 : memref<64xi32, #tpu.memory_space<vmem>>) semaphore(%arg21 : memref<!tpu.dma_semaphore, #tpu.memory_space<semaphore_mem>>)
        %mul3A_417 = arith.constant 2 : i32
        %mul3A_418 = arith.muli %mul3A_417, %while3A_400 : i32
        %mul3A_419 = arith.constant 64 : i32
        %mul3A_420 = arith.muli %mul3A_418, %mul3A_419 : i32
        %dma_wait3A_421 = tpu.memref_slice %arg11[%mul3A_420] : memref<1008xi32, #tpu.memory_space<vmem>> -> memref<64xi32, #tpu.memory_space<vmem>>
        %dma_wait3A_422 = arith.constant 0 : i32
        %dma_wait3A_423 = arith.constant 0 : i32
        %dma_wait3A_424 = tpu.memref_slice %arg2[%dma_wait3A_422, %dma_wait3A_423] : memref<400000x128xf32, #tpu.memory_space<hbm>> -> memref<400000x128xf32, #tpu.memory_space<hbm>>
        tpu.wait_indirect_dma semaphore(%arg20 : memref<!tpu.dma_semaphore, #tpu.memory_space<semaphore_mem>>) src(%dma_wait3A_424 : memref<400000x128xf32, #tpu.memory_space<hbm>>) dst(%arg15 : memref<64x128xf32, #tpu.memory_space<vmem>>)
        %mul3A_425 = arith.constant 2 : i32
        %mul3A_426 = arith.muli %mul3A_425, %while3A_400 : i32
        %mul3A_427 = arith.constant 64 : i32
        %mul3A_428 = arith.muli %mul3A_426, %mul3A_427 : i32
        %add3A_429 = arith.constant 0 : i32
        %add3A_430 = arith.addi %mul3A_428, %add3A_429 : i32
        %get3A_431 = arith.index_cast %add3A_430 : i32 to index
        %get3A_432 = tpu.vector_load %arg12[%get3A_431] {strides = array<i32>} : memref<1008xi32, #tpu.memory_space<vmem>>, vector<16xi32>,
        %get3A_433 = vector.shape_cast %get3A_432 : vector<16xi32> to vector<16xi32>
        %swap3A_434 = arith.constant 0 : index
        %swap3A_435 = tpu.vector_load %arg13[%swap3A_434] {strides = array<i32>} : memref<64xi32, #tpu.memory_space<vmem>>, vector<16xi32>,
        %swap3A_436 = vector.shape_cast %swap3A_435 : vector<16xi32> to vector<16xi32>
        %swap3A_437 = vector.shape_cast %get3A_433 : vector<16xi32> to vector<16xi32>
        tpu.vector_store %arg13[%swap3A_434], %swap3A_437 {strides = array<i32>} : memref<64xi32, #tpu.memory_space<vmem>>, vector<16xi32>,
        %mul3A_438 = arith.constant 2 : i32
        %mul3A_439 = arith.muli %mul3A_438, %while3A_400 : i32
        %mul3A_440 = arith.constant 64 : i32
        %mul3A_441 = arith.muli %mul3A_439, %mul3A_440 : i32
        %add3A_442 = arith.constant 16 : i32
        %add3A_443 = arith.addi %mul3A_441, %add3A_442 : i32
        %get3A_444 = arith.index_cast %add3A_443 : i32 to index
        %get3A_445 = tpu.vector_load %arg12[%get3A_444] {strides = array<i32>} : memref<1008xi32, #tpu.memory_space<vmem>>, vector<16xi32>,
        %get3A_446 = vector.shape_cast %get3A_445 : vector<16xi32> to vector<16xi32>
        %swap3A_447 = arith.constant 16 : index
        %swap3A_448 = tpu.vector_load %arg13[%swap3A_447] {strides = array<i32>} : memref<64xi32, #tpu.memory_space<vmem>>, vector<16xi32>,
        %swap3A_449 = vector.shape_cast %swap3A_448 : vector<16xi32> to vector<16xi32>
        %swap3A_450 = vector.shape_cast %get3A_446 : vector<16xi32> to vector<16xi32>
        tpu.vector_store %arg13[%swap3A_447], %swap3A_450 {strides = array<i32>} : memref<64xi32, #tpu.memory_space<vmem>>, vector<16xi32>,
        %mul3A_451 = arith.constant 2 : i32
        %mul3A_452 = arith.muli %mul3A_451, %while3A_400 : i32
        %mul3A_453 = arith.constant 64 : i32
        %mul3A_454 = arith.muli %mul3A_452, %mul3A_453 : i32
        %add3A_455 = arith.constant 32 : i32
        %add3A_456 = arith.addi %mul3A_454, %add3A_455 : i32
        %get3A_457 = arith.index_cast %add3A_456 : i32 to index
        %get3A_458 = tpu.vector_load %arg12[%get3A_457] {strides = array<i32>} : memref<1008xi32, #tpu.memory_space<vmem>>, vector<16xi32>,
        %get3A_459 = vector.shape_cast %get3A_458 : vector<16xi32> to vector<16xi32>
        %swap3A_460 = arith.constant 32 : index
        %swap3A_461 = tpu.vector_load %arg13[%swap3A_460] {strides = array<i32>} : memref<64xi32, #tpu.memory_space<vmem>>, vector<16xi32>,
        %swap3A_462 = vector.shape_cast %swap3A_461 : vector<16xi32> to vector<16xi32>
        %swap3A_463 = vector.shape_cast %get3A_459 : vector<16xi32> to vector<16xi32>
        tpu.vector_store %arg13[%swap3A_460], %swap3A_463 {strides = array<i32>} : memref<64xi32, #tpu.memory_space<vmem>>, vector<16xi32>,
        %mul3A_464 = arith.constant 2 : i32
        %mul3A_465 = arith.muli %mul3A_464, %while3A_400 : i32
        %mul3A_466 = arith.constant 64 : i32
        %mul3A_467 = arith.muli %mul3A_465, %mul3A_466 : i32
        %add3A_468 = arith.constant 48 : i32
        %add3A_469 = arith.addi %mul3A_467, %add3A_468 : i32
        %get3A_470 = arith.index_cast %add3A_469 : i32 to index
        %get3A_471 = tpu.vector_load %arg12[%get3A_470] {strides = array<i32>} : memref<1008xi32, #tpu.memory_space<vmem>>, vector<16xi32>,
        %get3A_472 = vector.shape_cast %get3A_471 : vector<16xi32> to vector<16xi32>
        %swap3A_473 = arith.constant 48 : index
        %swap3A_474 = tpu.vector_load %arg13[%swap3A_473] {strides = array<i32>} : memref<64xi32, #tpu.memory_space<vmem>>, vector<16xi32>,
        %swap3A_475 = vector.shape_cast %swap3A_474 : vector<16xi32> to vector<16xi32>
        %swap3A_476 = vector.shape_cast %get3A_472 : vector<16xi32> to vector<16xi32>
        tpu.vector_store %arg13[%swap3A_473], %swap3A_476 {strides = array<i32>} : memref<64xi32, #tpu.memory_space<vmem>>, vector<16xi32>,
        %dma_start3A_477 = arith.constant 0 : i32
        %dma_start3A_478 = arith.constant 0 : i32
        %dma_start3A_479 = tpu.memref_slice %arg17[%dma_start3A_477, %dma_start3A_478] : memref<12552x128xf32, #tpu.memory_space<vmem_shared>> -> memref<12552x128xf32, #tpu.memory_space<vmem_shared>>
        tpu.enqueue_indirect_dma source(%arg15 : memref<64x128xf32, #tpu.memory_space<vmem>>) target(%dma_start3A_479 : memref<12552x128xf32, #tpu.memory_space<vmem_shared>>) offsets(%arg13 : memref<64xi32, #tpu.memory_space<vmem>>) semaphore(%arg22 : memref<!tpu.dma_semaphore, #tpu.memory_space<semaphore_mem>>) {add = true}
        %add3A_480 = arith.constant 1 : i32
        %add3A_481 = arith.addi %while3A_400, %add3A_480 : i32
        %lt3A = arith.cmpi slt, %add3A_481, %select_n3A_77 : i32
        %convert_element_type3A_482 = arith.extui %lt3A : i1 to i32
        %cond3A_483 = arith.constant 0 : i32
        %cond3A_484 = arith.cmpi ne, %convert_element_type3A_482, %cond3A_483 : i32
        scf.if %cond3A_484 {
          %dma_wait3A_559 = arith.constant 0 : i32
          %dma_wait3A_560 = arith.constant 0 : i32
          %dma_wait3A_561 = tpu.memref_slice %arg17[%dma_wait3A_559, %dma_wait3A_560] : memref<12552x128xf32, #tpu.memory_space<vmem_shared>> -> memref<12552x128xf32, #tpu.memory_space<vmem_shared>>
          tpu.wait_indirect_dma semaphore(%arg22 : memref<!tpu.dma_semaphore, #tpu.memory_space<semaphore_mem>>) src(%arg15 : memref<64x128xf32, #tpu.memory_space<vmem>>) dst(%dma_wait3A_561 : memref<12552x128xf32, #tpu.memory_space<vmem_shared>>)
          %mul3A_562 = arith.constant 2 : i32
          %mul3A_563 = arith.muli %mul3A_562, %while3A_400 : i32
          %mul3A_564 = arith.constant 64 : i32
          %mul3A_565 = arith.muli %mul3A_563, %mul3A_564 : i32
          %add3A_566 = arith.constant 128 : i32
          %add3A_567 = arith.addi %mul3A_565, %add3A_566 : i32
          %dma_start3A_568 = tpu.memref_slice %arg11[%add3A_567] : memref<1008xi32, #tpu.memory_space<vmem>> -> memref<64xi32, #tpu.memory_space<vmem>>
          %dma_start3A_569 = arith.constant 0 : i32
          %dma_start3A_570 = arith.constant 0 : i32
          %dma_start3A_571 = tpu.memref_slice %arg2[%dma_start3A_569, %dma_start3A_570] : memref<400000x128xf32, #tpu.memory_space<hbm>> -> memref<400000x128xf32, #tpu.memory_space<hbm>>
          tpu.enqueue_indirect_dma source(%dma_start3A_571 : memref<400000x128xf32, #tpu.memory_space<hbm>>) target(%arg15 : memref<64x128xf32, #tpu.memory_space<vmem>>) offsets(%dma_start3A_568 : memref<64xi32, #tpu.memory_space<vmem>>) semaphore(%arg20 : memref<!tpu.dma_semaphore, #tpu.memory_space<semaphore_mem>>)
        } else {
        }
        %mul3A_485 = arith.constant 2 : i32
        %mul3A_486 = arith.muli %mul3A_485, %while3A_400 : i32
        %mul3A_487 = arith.constant 64 : i32
        %mul3A_488 = arith.muli %mul3A_486, %mul3A_487 : i32
        %add3A_489 = arith.constant 64 : i32
        %add3A_490 = arith.addi %mul3A_488, %add3A_489 : i32
        %dma_wait3A_491 = tpu.memref_slice %arg11[%add3A_490] : memref<1008xi32, #tpu.memory_space<vmem>> -> memref<64xi32, #tpu.memory_space<vmem>>
        %dma_wait3A_492 = arith.constant 0 : i32
        %dma_wait3A_493 = arith.constant 0 : i32
        %dma_wait3A_494 = tpu.memref_slice %arg2[%dma_wait3A_492, %dma_wait3A_493] : memref<400000x128xf32, #tpu.memory_space<hbm>> -> memref<400000x128xf32, #tpu.memory_space<hbm>>
        tpu.wait_indirect_dma semaphore(%arg21 : memref<!tpu.dma_semaphore, #tpu.memory_space<semaphore_mem>>) src(%dma_wait3A_494 : memref<400000x128xf32, #tpu.memory_space<hbm>>) dst(%arg16 : memref<64x128xf32, #tpu.memory_space<vmem>>)
        %mul3A_495 = arith.constant 2 : i32
        %mul3A_496 = arith.muli %mul3A_495, %while3A_400 : i32
        %mul3A_497 = arith.constant 64 : i32
        %mul3A_498 = arith.muli %mul3A_496, %mul3A_497 : i32
        %add3A_499 = arith.constant 64 : i32
        %add3A_500 = arith.addi %mul3A_498, %add3A_499 : i32
        %add3A_501 = arith.constant 0 : i32
        %add3A_502 = arith.addi %add3A_500, %add3A_501 : i32
        %get3A_503 = arith.index_cast %add3A_502 : i32 to index
        %get3A_504 = tpu.vector_load %arg12[%get3A_503] {strides = array<i32>} : memref<1008xi32, #tpu.memory_space<vmem>>, vector<16xi32>,
        %get3A_505 = vector.shape_cast %get3A_504 : vector<16xi32> to vector<16xi32>
        %swap3A_506 = arith.constant 0 : index
        %swap3A_507 = tpu.vector_load %arg14[%swap3A_506] {strides = array<i32>} : memref<64xi32, #tpu.memory_space<vmem>>, vector<16xi32>,
        %swap3A_508 = vector.shape_cast %swap3A_507 : vector<16xi32> to vector<16xi32>
        %swap3A_509 = vector.shape_cast %get3A_505 : vector<16xi32> to vector<16xi32>
        tpu.vector_store %arg14[%swap3A_506], %swap3A_509 {strides = array<i32>} : memref<64xi32, #tpu.memory_space<vmem>>, vector<16xi32>,
        %mul3A_510 = arith.constant 2 : i32
        %mul3A_511 = arith.muli %mul3A_510, %while3A_400 : i32
        %mul3A_512 = arith.constant 64 : i32
        %mul3A_513 = arith.muli %mul3A_511, %mul3A_512 : i32
        %add3A_514 = arith.constant 64 : i32
        %add3A_515 = arith.addi %mul3A_513, %add3A_514 : i32
        %add3A_516 = arith.constant 16 : i32
        %add3A_517 = arith.addi %add3A_515, %add3A_516 : i32
        %get3A_518 = arith.index_cast %add3A_517 : i32 to index
        %get3A_519 = tpu.vector_load %arg12[%get3A_518] {strides = array<i32>} : memref<1008xi32, #tpu.memory_space<vmem>>, vector<16xi32>,
        %get3A_520 = vector.shape_cast %get3A_519 : vector<16xi32> to vector<16xi32>
        %swap3A_521 = arith.constant 16 : index
        %swap3A_522 = tpu.vector_load %arg14[%swap3A_521] {strides = array<i32>} : memref<64xi32, #tpu.memory_space<vmem>>, vector<16xi32>,
        %swap3A_523 = vector.shape_cast %swap3A_522 : vector<16xi32> to vector<16xi32>
        %swap3A_524 = vector.shape_cast %get3A_520 : vector<16xi32> to vector<16xi32>
        tpu.vector_store %arg14[%swap3A_521], %swap3A_524 {strides = array<i32>} : memref<64xi32, #tpu.memory_space<vmem>>, vector<16xi32>,
        %mul3A_525 = arith.constant 2 : i32
        %mul3A_526 = arith.muli %mul3A_525, %while3A_400 : i32
        %mul3A_527 = arith.constant 64 : i32
        %mul3A_528 = arith.muli %mul3A_526, %mul3A_527 : i32
        %add3A_529 = arith.constant 64 : i32
        %add3A_530 = arith.addi %mul3A_528, %add3A_529 : i32
        %add3A_531 = arith.constant 32 : i32
        %add3A_532 = arith.addi %add3A_530, %add3A_531 : i32
        %get3A_533 = arith.index_cast %add3A_532 : i32 to index
        %get3A_534 = tpu.vector_load %arg12[%get3A_533] {strides = array<i32>} : memref<1008xi32, #tpu.memory_space<vmem>>, vector<16xi32>,
        %get3A_535 = vector.shape_cast %get3A_534 : vector<16xi32> to vector<16xi32>
        %swap3A_536 = arith.constant 32 : index
        %swap3A_537 = tpu.vector_load %arg14[%swap3A_536] {strides = array<i32>} : memref<64xi32, #tpu.memory_space<vmem>>, vector<16xi32>,
        %swap3A_538 = vector.shape_cast %swap3A_537 : vector<16xi32> to vector<16xi32>
        %swap3A_539 = vector.shape_cast %get3A_535 : vector<16xi32> to vector<16xi32>
        tpu.vector_store %arg14[%swap3A_536], %swap3A_539 {strides = array<i32>} : memref<64xi32, #tpu.memory_space<vmem>>, vector<16xi32>,
        %mul3A_540 = arith.constant 2 : i32
        %mul3A_541 = arith.muli %mul3A_540, %while3A_400 : i32
        %mul3A_542 = arith.constant 64 : i32
        %mul3A_543 = arith.muli %mul3A_541, %mul3A_542 : i32
        %add3A_544 = arith.constant 64 : i32
        %add3A_545 = arith.addi %mul3A_543, %add3A_544 : i32
        %add3A_546 = arith.constant 48 : i32
        %add3A_547 = arith.addi %add3A_545, %add3A_546 : i32
        %get3A_548 = arith.index_cast %add3A_547 : i32 to index
        %get3A_549 = tpu.vector_load %arg12[%get3A_548] {strides = array<i32>} : memref<1008xi32, #tpu.memory_space<vmem>>, vector<16xi32>,
        %get3A_550 = vector.shape_cast %get3A_549 : vector<16xi32> to vector<16xi32>
        %swap3A_551 = arith.constant 48 : index
        %swap3A_552 = tpu.vector_load %arg14[%swap3A_551] {strides = array<i32>} : memref<64xi32, #tpu.memory_space<vmem>>, vector<16xi32>,
        %swap3A_553 = vector.shape_cast %swap3A_552 : vector<16xi32> to vector<16xi32>
        %swap3A_554 = vector.shape_cast %get3A_550 : vector<16xi32> to vector<16xi32>
        tpu.vector_store %arg14[%swap3A_551], %swap3A_554 {strides = array<i32>} : memref<64xi32, #tpu.memory_space<vmem>>, vector<16xi32>,
        %dma_start3A_555 = arith.constant 0 : i32
        %dma_start3A_556 = arith.constant 0 : i32
        %dma_start3A_557 = tpu.memref_slice %arg17[%dma_start3A_555, %dma_start3A_556] : memref<12552x128xf32, #tpu.memory_space<vmem_shared>> -> memref<12552x128xf32, #tpu.memory_space<vmem_shared>>
        tpu.enqueue_indirect_dma source(%arg16 : memref<64x128xf32, #tpu.memory_space<vmem>>) target(%dma_start3A_557 : memref<12552x128xf32, #tpu.memory_space<vmem_shared>>) offsets(%arg14 : memref<64xi32, #tpu.memory_space<vmem>>) semaphore(%arg23 : memref<!tpu.dma_semaphore, #tpu.memory_space<semaphore_mem>>) {add = true}
        %while3A_558 = arith.constant 0 : i32
        scf.yield %while3A_558 : i32
      }
      %ge3A_93 = arith.constant 1 : i32
      %ge3A_94 = arith.cmpi sge, %select_n3A_77, %ge3A_93 : i32
      %convert_element_type3A_95 = arith.extui %ge3A_94 : i1 to i32
      %cond3A_96 = arith.constant 0 : i32
      %cond3A_97 = arith.cmpi ne, %convert_element_type3A_95, %cond3A_96 : i32
      scf.if %cond3A_97 {
        %dma_wait3A_400 = arith.constant 0 : i32
        %dma_wait3A_401 = arith.constant 0 : i32
        %dma_wait3A_402 = tpu.memref_slice %arg17[%dma_wait3A_400, %dma_wait3A_401] : memref<12552x128xf32, #tpu.memory_space<vmem_shared>> -> memref<12552x128xf32, #tpu.memory_space<vmem_shared>>
        tpu.wait_indirect_dma semaphore(%arg22 : memref<!tpu.dma_semaphore, #tpu.memory_space<semaphore_mem>>) src(%arg15 : memref<64x128xf32, #tpu.memory_space<vmem>>) dst(%dma_wait3A_402 : memref<12552x128xf32, #tpu.memory_space<vmem_shared>>)
        %dma_wait3A_403 = arith.constant 0 : i32
        %dma_wait3A_404 = arith.constant 0 : i32
        %dma_wait3A_405 = tpu.memref_slice %arg17[%dma_wait3A_403, %dma_wait3A_404] : memref<12552x128xf32, #tpu.memory_space<vmem_shared>> -> memref<12552x128xf32, #tpu.memory_space<vmem_shared>>
        tpu.wait_indirect_dma semaphore(%arg23 : memref<!tpu.dma_semaphore, #tpu.memory_space<semaphore_mem>>) src(%arg16 : memref<64x128xf32, #tpu.memory_space<vmem>>) dst(%dma_wait3A_405 : memref<12552x128xf32, #tpu.memory_space<vmem_shared>>)
      } else {
      }
      %mul3A_98 = arith.constant 128 : i32
      %mul3A_99 = arith.muli %select_n3A_77, %mul3A_98 : i32
      %add3A_100 = arith.constant 0 : i32
      %add3A_101 = arith.addi %mul3A_99, %add3A_100 : i32
      %get3A = arith.index_cast %add3A_101 : i32 to index
      %get3A_102 = tpu.vector_load %arg11[%get3A] {strides = array<i32>} : memref<1008xi32, #tpu.memory_space<vmem>>, vector<16xi32>,
      %get3A_103 = vector.shape_cast %get3A_102 : vector<16xi32> to vector<16xi32>
      %add3A_104 = arith.constant 0 : i32
      %add3A_105 = arith.addi %mul3A_99, %add3A_104 : i32
      %get3A_106 = arith.index_cast %add3A_105 : i32 to index
      %get3A_107 = tpu.vector_load %arg12[%get3A_106] {strides = array<i32>} : memref<1008xi32, #tpu.memory_space<vmem>>, vector<16xi32>,
      %get3A_108 = vector.shape_cast %get3A_107 : vector<16xi32> to vector<16xi32>
      %swap3A = arith.constant 0 : index
      %swap3A_109 = tpu.vector_load %arg11[%swap3A] {strides = array<i32>} : memref<1008xi32, #tpu.memory_space<vmem>>, vector<16xi32>,
      %swap3A_110 = vector.shape_cast %swap3A_109 : vector<16xi32> to vector<16xi32>
      %swap3A_111 = vector.shape_cast %get3A_103 : vector<16xi32> to vector<16xi32>
      tpu.vector_store %arg11[%swap3A], %swap3A_111 {strides = array<i32>} : memref<1008xi32, #tpu.memory_space<vmem>>, vector<16xi32>,
      %swap3A_112 = arith.constant 0 : index
      %swap3A_113 = tpu.vector_load %arg12[%swap3A_112] {strides = array<i32>} : memref<1008xi32, #tpu.memory_space<vmem>>, vector<16xi32>,
      %swap3A_114 = vector.shape_cast %swap3A_113 : vector<16xi32> to vector<16xi32>
      %swap3A_115 = vector.shape_cast %get3A_108 : vector<16xi32> to vector<16xi32>
      tpu.vector_store %arg12[%swap3A_112], %swap3A_115 {strides = array<i32>} : memref<1008xi32, #tpu.memory_space<vmem>>, vector<16xi32>,
      %add3A_116 = arith.constant 16 : i32
      %add3A_117 = arith.addi %mul3A_99, %add3A_116 : i32
      %get3A_118 = arith.index_cast %add3A_117 : i32 to index
      %get3A_119 = tpu.vector_load %arg11[%get3A_118] {strides = array<i32>} : memref<1008xi32, #tpu.memory_space<vmem>>, vector<16xi32>,
      %get3A_120 = vector.shape_cast %get3A_119 : vector<16xi32> to vector<16xi32>
      %add3A_121 = arith.constant 16 : i32
      %add3A_122 = arith.addi %mul3A_99, %add3A_121 : i32
      %get3A_123 = arith.index_cast %add3A_122 : i32 to index
      %get3A_124 = tpu.vector_load %arg12[%get3A_123] {strides = array<i32>} : memref<1008xi32, #tpu.memory_space<vmem>>, vector<16xi32>,
      %get3A_125 = vector.shape_cast %get3A_124 : vector<16xi32> to vector<16xi32>
      %swap3A_126 = arith.constant 16 : index
      %swap3A_127 = tpu.vector_load %arg11[%swap3A_126] {strides = array<i32>} : memref<1008xi32, #tpu.memory_space<vmem>>, vector<16xi32>,
      %swap3A_128 = vector.shape_cast %swap3A_127 : vector<16xi32> to vector<16xi32>
      %swap3A_129 = vector.shape_cast %get3A_120 : vector<16xi32> to vector<16xi32>
      tpu.vector_store %arg11[%swap3A_126], %swap3A_129 {strides = array<i32>} : memref<1008xi32, #tpu.memory_space<vmem>>, vector<16xi32>,
      %swap3A_130 = arith.constant 16 : index
      %swap3A_131 = tpu.vector_load %arg12[%swap3A_130] {strides = array<i32>} : memref<1008xi32, #tpu.memory_space<vmem>>, vector<16xi32>,
      %swap3A_132 = vector.shape_cast %swap3A_131 : vector<16xi32> to vector<16xi32>
      %swap3A_133 = vector.shape_cast %get3A_125 : vector<16xi32> to vector<16xi32>
      tpu.vector_store %arg12[%swap3A_130], %swap3A_133 {strides = array<i32>} : memref<1008xi32, #tpu.memory_space<vmem>>, vector<16xi32>,
      %add3A_134 = arith.constant 32 : i32
      %add3A_135 = arith.addi %mul3A_99, %add3A_134 : i32
      %get3A_136 = arith.index_cast %add3A_135 : i32 to index
      %get3A_137 = tpu.vector_load %arg11[%get3A_136] {strides = array<i32>} : memref<1008xi32, #tpu.memory_space<vmem>>, vector<16xi32>,
      %get3A_138 = vector.shape_cast %get3A_137 : vector<16xi32> to vector<16xi32>
      %add3A_139 = arith.constant 32 : i32
      %add3A_140 = arith.addi %mul3A_99, %add3A_139 : i32
      %get3A_141 = arith.index_cast %add3A_140 : i32 to index
      %get3A_142 = tpu.vector_load %arg12[%get3A_141] {strides = array<i32>} : memref<1008xi32, #tpu.memory_space<vmem>>, vector<16xi32>,
      %get3A_143 = vector.shape_cast %get3A_142 : vector<16xi32> to vector<16xi32>
      %swap3A_144 = arith.constant 32 : index
      %swap3A_145 = tpu.vector_load %arg11[%swap3A_144] {strides = array<i32>} : memref<1008xi32, #tpu.memory_space<vmem>>, vector<16xi32>,
      %swap3A_146 = vector.shape_cast %swap3A_145 : vector<16xi32> to vector<16xi32>
      %swap3A_147 = vector.shape_cast %get3A_138 : vector<16xi32> to vector<16xi32>
      tpu.vector_store %arg11[%swap3A_144], %swap3A_147 {strides = array<i32>} : memref<1008xi32, #tpu.memory_space<vmem>>, vector<16xi32>,
      %swap3A_148 = arith.constant 32 : index
      %swap3A_149 = tpu.vector_load %arg12[%swap3A_148] {strides = array<i32>} : memref<1008xi32, #tpu.memory_space<vmem>>, vector<16xi32>,
      %swap3A_150 = vector.shape_cast %swap3A_149 : vector<16xi32> to vector<16xi32>
      %swap3A_151 = vector.shape_cast %get3A_143 : vector<16xi32> to vector<16xi32>
      tpu.vector_store %arg12[%swap3A_148], %swap3A_151 {strides = array<i32>} : memref<1008xi32, #tpu.memory_space<vmem>>, vector<16xi32>,
      %add3A_152 = arith.constant 48 : i32
      %add3A_153 = arith.addi %mul3A_99, %add3A_152 : i32
      %get3A_154 = arith.index_cast %add3A_153 : i32 to index
      %get3A_155 = tpu.vector_load %arg11[%get3A_154] {strides = array<i32>} : memref<1008xi32, #tpu.memory_space<vmem>>, vector<16xi32>,
      %get3A_156 = vector.shape_cast %get3A_155 : vector<16xi32> to vector<16xi32>
      %add3A_157 = arith.constant 48 : i32
      %add3A_158 = arith.addi %mul3A_99, %add3A_157 : i32
      %get3A_159 = arith.index_cast %add3A_158 : i32 to index
      %get3A_160 = tpu.vector_load %arg12[%get3A_159] {strides = array<i32>} : memref<1008xi32, #tpu.memory_space<vmem>>, vector<16xi32>,
      %get3A_161 = vector.shape_cast %get3A_160 : vector<16xi32> to vector<16xi32>
      %swap3A_162 = arith.constant 48 : index
      %swap3A_163 = tpu.vector_load %arg11[%swap3A_162] {strides = array<i32>} : memref<1008xi32, #tpu.memory_space<vmem>>, vector<16xi32>,
      %swap3A_164 = vector.shape_cast %swap3A_163 : vector<16xi32> to vector<16xi32>
      %swap3A_165 = vector.shape_cast %get3A_156 : vector<16xi32> to vector<16xi32>
      tpu.vector_store %arg11[%swap3A_162], %swap3A_165 {strides = array<i32>} : memref<1008xi32, #tpu.memory_space<vmem>>, vector<16xi32>,
      %swap3A_166 = arith.constant 48 : index
      %swap3A_167 = tpu.vector_load %arg12[%swap3A_166] {strides = array<i32>} : memref<1008xi32, #tpu.memory_space<vmem>>, vector<16xi32>,
      %swap3A_168 = vector.shape_cast %swap3A_167 : vector<16xi32> to vector<16xi32>
      %swap3A_169 = vector.shape_cast %get3A_161 : vector<16xi32> to vector<16xi32>
      tpu.vector_store %arg12[%swap3A_166], %swap3A_169 {strides = array<i32>} : memref<1008xi32, #tpu.memory_space<vmem>>, vector<16xi32>,
      %add3A_170 = arith.constant 64 : i32
      %add3A_171 = arith.addi %mul3A_99, %add3A_170 : i32
      %get3A_172 = arith.index_cast %add3A_171 : i32 to index
      %get3A_173 = tpu.vector_load %arg11[%get3A_172] {strides = array<i32>} : memref<1008xi32, #tpu.memory_space<vmem>>, vector<16xi32>,
      %get3A_174 = vector.shape_cast %get3A_173 : vector<16xi32> to vector<16xi32>
      %add3A_175 = arith.constant 64 : i32
      %add3A_176 = arith.addi %mul3A_99, %add3A_175 : i32
      %get3A_177 = arith.index_cast %add3A_176 : i32 to index
      %get3A_178 = tpu.vector_load %arg12[%get3A_177] {strides = array<i32>} : memref<1008xi32, #tpu.memory_space<vmem>>, vector<16xi32>,
      %get3A_179 = vector.shape_cast %get3A_178 : vector<16xi32> to vector<16xi32>
      %swap3A_180 = arith.constant 64 : index
      %swap3A_181 = tpu.vector_load %arg11[%swap3A_180] {strides = array<i32>} : memref<1008xi32, #tpu.memory_space<vmem>>, vector<16xi32>,
      %swap3A_182 = vector.shape_cast %swap3A_181 : vector<16xi32> to vector<16xi32>
      %swap3A_183 = vector.shape_cast %get3A_174 : vector<16xi32> to vector<16xi32>
      tpu.vector_store %arg11[%swap3A_180], %swap3A_183 {strides = array<i32>} : memref<1008xi32, #tpu.memory_space<vmem>>, vector<16xi32>,
      %swap3A_184 = arith.constant 64 : index
      %swap3A_185 = tpu.vector_load %arg12[%swap3A_184] {strides = array<i32>} : memref<1008xi32, #tpu.memory_space<vmem>>, vector<16xi32>,
      %swap3A_186 = vector.shape_cast %swap3A_185 : vector<16xi32> to vector<16xi32>
      %swap3A_187 = vector.shape_cast %get3A_179 : vector<16xi32> to vector<16xi32>
      tpu.vector_store %arg12[%swap3A_184], %swap3A_187 {strides = array<i32>} : memref<1008xi32, #tpu.memory_space<vmem>>, vector<16xi32>,
      %add3A_188 = arith.constant 80 : i32
      %add3A_189 = arith.addi %mul3A_99, %add3A_188 : i32
      %get3A_190 = arith.index_cast %add3A_189 : i32 to index
      %get3A_191 = tpu.vector_load %arg11[%get3A_190] {strides = array<i32>} : memref<1008xi32, #tpu.memory_space<vmem>>, vector<16xi32>,
      %get3A_192 = vector.shape_cast %get3A_191 : vector<16xi32> to vector<16xi32>
      %add3A_193 = arith.constant 80 : i32
      %add3A_194 = arith.addi %mul3A_99, %add3A_193 : i32
      %get3A_195 = arith.index_cast %add3A_194 : i32 to index
      %get3A_196 = tpu.vector_load %arg12[%get3A_195] {strides = array<i32>} : memref<1008xi32, #tpu.memory_space<vmem>>, vector<16xi32>,
      %get3A_197 = vector.shape_cast %get3A_196 : vector<16xi32> to vector<16xi32>
      %swap3A_198 = arith.constant 80 : index
      %swap3A_199 = tpu.vector_load %arg11[%swap3A_198] {strides = array<i32>} : memref<1008xi32, #tpu.memory_space<vmem>>, vector<16xi32>,
      %swap3A_200 = vector.shape_cast %swap3A_199 : vector<16xi32> to vector<16xi32>
      %swap3A_201 = vector.shape_cast %get3A_192 : vector<16xi32> to vector<16xi32>
      tpu.vector_store %arg11[%swap3A_198], %swap3A_201 {strides = array<i32>} : memref<1008xi32, #tpu.memory_space<vmem>>, vector<16xi32>,
      %swap3A_202 = arith.constant 80 : index
      %swap3A_203 = tpu.vector_load %arg12[%swap3A_202] {strides = array<i32>} : memref<1008xi32, #tpu.memory_space<vmem>>, vector<16xi32>,
      %swap3A_204 = vector.shape_cast %swap3A_203 : vector<16xi32> to vector<16xi32>
      %swap3A_205 = vector.shape_cast %get3A_197 : vector<16xi32> to vector<16xi32>
      tpu.vector_store %arg12[%swap3A_202], %swap3A_205 {strides = array<i32>} : memref<1008xi32, #tpu.memory_space<vmem>>, vector<16xi32>,
      %add3A_206 = arith.constant 96 : i32
      %add3A_207 = arith.addi %mul3A_99, %add3A_206 : i32
      %get3A_208 = arith.index_cast %add3A_207 : i32 to index
      %get3A_209 = tpu.vector_load %arg11[%get3A_208] {strides = array<i32>} : memref<1008xi32, #tpu.memory_space<vmem>>, vector<16xi32>,
      %get3A_210 = vector.shape_cast %get3A_209 : vector<16xi32> to vector<16xi32>
      %add3A_211 = arith.constant 96 : i32
      %add3A_212 = arith.addi %mul3A_99, %add3A_211 : i32
      %get3A_213 = arith.index_cast %add3A_212 : i32 to index
      %get3A_214 = tpu.vector_load %arg12[%get3A_213] {strides = array<i32>} : memref<1008xi32, #tpu.memory_space<vmem>>, vector<16xi32>,
      %get3A_215 = vector.shape_cast %get3A_214 : vector<16xi32> to vector<16xi32>
      %swap3A_216 = arith.constant 96 : index
      %swap3A_217 = tpu.vector_load %arg11[%swap3A_216] {strides = array<i32>} : memref<1008xi32, #tpu.memory_space<vmem>>, vector<16xi32>,
      %swap3A_218 = vector.shape_cast %swap3A_217 : vector<16xi32> to vector<16xi32>
      %swap3A_219 = vector.shape_cast %get3A_210 : vector<16xi32> to vector<16xi32>
      tpu.vector_store %arg11[%swap3A_216], %swap3A_219 {strides = array<i32>} : memref<1008xi32, #tpu.memory_space<vmem>>, vector<16xi32>,
      %swap3A_220 = arith.constant 96 : index
      %swap3A_221 = tpu.vector_load %arg12[%swap3A_220] {strides = array<i32>} : memref<1008xi32, #tpu.memory_space<vmem>>, vector<16xi32>,
      %swap3A_222 = vector.shape_cast %swap3A_221 : vector<16xi32> to vector<16xi32>
      %swap3A_223 = vector.shape_cast %get3A_215 : vector<16xi32> to vector<16xi32>
      tpu.vector_store %arg12[%swap3A_220], %swap3A_223 {strides = array<i32>} : memref<1008xi32, #tpu.memory_space<vmem>>, vector<16xi32>,
      %add3A_224 = arith.constant 112 : i32
      %add3A_225 = arith.addi %mul3A_99, %add3A_224 : i32
      %get3A_226 = arith.index_cast %add3A_225 : i32 to index
      %get3A_227 = tpu.vector_load %arg11[%get3A_226] {strides = array<i32>} : memref<1008xi32, #tpu.memory_space<vmem>>, vector<16xi32>,
      %get3A_228 = vector.shape_cast %get3A_227 : vector<16xi32> to vector<16xi32>
      %add3A_229 = arith.constant 112 : i32
      %add3A_230 = arith.addi %mul3A_99, %add3A_229 : i32
      %get3A_231 = arith.index_cast %add3A_230 : i32 to index
      %get3A_232 = tpu.vector_load %arg12[%get3A_231] {strides = array<i32>} : memref<1008xi32, #tpu.memory_space<vmem>>, vector<16xi32>,
      %get3A_233 = vector.shape_cast %get3A_232 : vector<16xi32> to vector<16xi32>
      %swap3A_234 = arith.constant 112 : index
      %swap3A_235 = tpu.vector_load %arg11[%swap3A_234] {strides = array<i32>} : memref<1008xi32, #tpu.memory_space<vmem>>, vector<16xi32>,
      %swap3A_236 = vector.shape_cast %swap3A_235 : vector<16xi32> to vector<16xi32>
      %swap3A_237 = vector.shape_cast %get3A_228 : vector<16xi32> to vector<16xi32>
      tpu.vector_store %arg11[%swap3A_234], %swap3A_237 {strides = array<i32>} : memref<1008xi32, #tpu.memory_space<vmem>>, vector<16xi32>,
      %swap3A_238 = arith.constant 112 : index
      %swap3A_239 = tpu.vector_load %arg12[%swap3A_238] {strides = array<i32>} : memref<1008xi32, #tpu.memory_space<vmem>>, vector<16xi32>,
      %swap3A_240 = vector.shape_cast %swap3A_239 : vector<16xi32> to vector<16xi32>
      %swap3A_241 = vector.shape_cast %get3A_233 : vector<16xi32> to vector<16xi32>
      tpu.vector_store %arg12[%swap3A_238], %swap3A_241 {strides = array<i32>} : memref<1008xi32, #tpu.memory_space<vmem>>, vector<16xi32>,
      %sub3A_242 = arith.subi %scan3A_52, %mul3A_99 : i32
      %broadcast_in_dim3A = arith.constant 12544 : i32
      %broadcast_in_dim3A_243 = vector.broadcast %broadcast_in_dim3A : i32 to vector<16xi32>
      %broadcast_in_dim3A_244 = arith.constant 0 : i32
      %broadcast_in_dim3A_245 = vector.broadcast %broadcast_in_dim3A_244 : i32 to vector<16xi32>
      %add3A_246 = arith.constant 0 : i32
      %add3A_247 = arith.addi %sub3A_242, %add3A_246 : i32
      %swap3A_248 = arith.index_cast %add3A_247 : i32 to index
      %swap3A_249 = tpu.vector_load %arg12[%swap3A_248] {strides = array<i32>} : memref<1008xi32, #tpu.memory_space<vmem>>, vector<16xi32>,
      %swap3A_250 = vector.shape_cast %swap3A_249 : vector<16xi32> to vector<16xi32>
      %swap3A_251 = vector.shape_cast %broadcast_in_dim3A_243 : vector<16xi32> to vector<16xi32>
      tpu.vector_store %arg12[%swap3A_248], %swap3A_251 {strides = array<i32>} : memref<1008xi32, #tpu.memory_space<vmem>>, vector<16xi32>,
      %add3A_252 = arith.constant 0 : i32
      %add3A_253 = arith.addi %sub3A_242, %add3A_252 : i32
      %swap3A_254 = arith.index_cast %add3A_253 : i32 to index
      %swap3A_255 = tpu.vector_load %arg11[%swap3A_254] {strides = array<i32>} : memref<1008xi32, #tpu.memory_space<vmem>>, vector<16xi32>,
      %swap3A_256 = vector.shape_cast %swap3A_255 : vector<16xi32> to vector<16xi32>
      %swap3A_257 = vector.shape_cast %broadcast_in_dim3A_245 : vector<16xi32> to vector<16xi32>
      tpu.vector_store %arg11[%swap3A_254], %swap3A_257 {strides = array<i32>} : memref<1008xi32, #tpu.memory_space<vmem>>, vector<16xi32>,
      %add3A_258 = arith.constant 16 : i32
      %add3A_259 = arith.addi %sub3A_242, %add3A_258 : i32
      %swap3A_260 = arith.index_cast %add3A_259 : i32 to index
      %swap3A_261 = tpu.vector_load %arg12[%swap3A_260] {strides = array<i32>} : memref<1008xi32, #tpu.memory_space<vmem>>, vector<16xi32>,
      %swap3A_262 = vector.shape_cast %swap3A_261 : vector<16xi32> to vector<16xi32>
      %swap3A_263 = vector.shape_cast %broadcast_in_dim3A_243 : vector<16xi32> to vector<16xi32>
      tpu.vector_store %arg12[%swap3A_260], %swap3A_263 {strides = array<i32>} : memref<1008xi32, #tpu.memory_space<vmem>>, vector<16xi32>,
      %add3A_264 = arith.constant 16 : i32
      %add3A_265 = arith.addi %sub3A_242, %add3A_264 : i32
      %swap3A_266 = arith.index_cast %add3A_265 : i32 to index
      %swap3A_267 = tpu.vector_load %arg11[%swap3A_266] {strides = array<i32>} : memref<1008xi32, #tpu.memory_space<vmem>>, vector<16xi32>,
      %swap3A_268 = vector.shape_cast %swap3A_267 : vector<16xi32> to vector<16xi32>
      %swap3A_269 = vector.shape_cast %broadcast_in_dim3A_245 : vector<16xi32> to vector<16xi32>
      tpu.vector_store %arg11[%swap3A_266], %swap3A_269 {strides = array<i32>} : memref<1008xi32, #tpu.memory_space<vmem>>, vector<16xi32>,
      %add3A_270 = arith.constant 32 : i32
      %add3A_271 = arith.addi %sub3A_242, %add3A_270 : i32
      %swap3A_272 = arith.index_cast %add3A_271 : i32 to index
      %swap3A_273 = tpu.vector_load %arg12[%swap3A_272] {strides = array<i32>} : memref<1008xi32, #tpu.memory_space<vmem>>, vector<16xi32>,
      %swap3A_274 = vector.shape_cast %swap3A_273 : vector<16xi32> to vector<16xi32>
      %swap3A_275 = vector.shape_cast %broadcast_in_dim3A_243 : vector<16xi32> to vector<16xi32>
      tpu.vector_store %arg12[%swap3A_272], %swap3A_275 {strides = array<i32>} : memref<1008xi32, #tpu.memory_space<vmem>>, vector<16xi32>,
      %add3A_276 = arith.constant 32 : i32
      %add3A_277 = arith.addi %sub3A_242, %add3A_276 : i32
      %swap3A_278 = arith.index_cast %add3A_277 : i32 to index
      %swap3A_279 = tpu.vector_load %arg11[%swap3A_278] {strides = array<i32>} : memref<1008xi32, #tpu.memory_space<vmem>>, vector<16xi32>,
      %swap3A_280 = vector.shape_cast %swap3A_279 : vector<16xi32> to vector<16xi32>
      %swap3A_281 = vector.shape_cast %broadcast_in_dim3A_245 : vector<16xi32> to vector<16xi32>
      tpu.vector_store %arg11[%swap3A_278], %swap3A_281 {strides = array<i32>} : memref<1008xi32, #tpu.memory_space<vmem>>, vector<16xi32>,
      %add3A_282 = arith.constant 48 : i32
      %add3A_283 = arith.addi %sub3A_242, %add3A_282 : i32
      %swap3A_284 = arith.index_cast %add3A_283 : i32 to index
      %swap3A_285 = tpu.vector_load %arg12[%swap3A_284] {strides = array<i32>} : memref<1008xi32, #tpu.memory_space<vmem>>, vector<16xi32>,
      %swap3A_286 = vector.shape_cast %swap3A_285 : vector<16xi32> to vector<16xi32>
      %swap3A_287 = vector.shape_cast %broadcast_in_dim3A_243 : vector<16xi32> to vector<16xi32>
      tpu.vector_store %arg12[%swap3A_284], %swap3A_287 {strides = array<i32>} : memref<1008xi32, #tpu.memory_space<vmem>>, vector<16xi32>,
      %add3A_288 = arith.constant 48 : i32
      %add3A_289 = arith.addi %sub3A_242, %add3A_288 : i32
      %swap3A_290 = arith.index_cast %add3A_289 : i32 to index
      %swap3A_291 = tpu.vector_load %arg11[%swap3A_290] {strides = array<i32>} : memref<1008xi32, #tpu.memory_space<vmem>>, vector<16xi32>,
      %swap3A_292 = vector.shape_cast %swap3A_291 : vector<16xi32> to vector<16xi32>
      %swap3A_293 = vector.shape_cast %broadcast_in_dim3A_245 : vector<16xi32> to vector<16xi32>
      tpu.vector_store %arg11[%swap3A_290], %swap3A_293 {strides = array<i32>} : memref<1008xi32, #tpu.memory_space<vmem>>, vector<16xi32>,
      %add3A_294 = arith.constant 64 : i32
      %add3A_295 = arith.addi %sub3A_242, %add3A_294 : i32
      %swap3A_296 = arith.index_cast %add3A_295 : i32 to index
      %swap3A_297 = tpu.vector_load %arg12[%swap3A_296] {strides = array<i32>} : memref<1008xi32, #tpu.memory_space<vmem>>, vector<16xi32>,
      %swap3A_298 = vector.shape_cast %swap3A_297 : vector<16xi32> to vector<16xi32>
      %swap3A_299 = vector.shape_cast %broadcast_in_dim3A_243 : vector<16xi32> to vector<16xi32>
      tpu.vector_store %arg12[%swap3A_296], %swap3A_299 {strides = array<i32>} : memref<1008xi32, #tpu.memory_space<vmem>>, vector<16xi32>,
      %add3A_300 = arith.constant 64 : i32
      %add3A_301 = arith.addi %sub3A_242, %add3A_300 : i32
      %swap3A_302 = arith.index_cast %add3A_301 : i32 to index
      %swap3A_303 = tpu.vector_load %arg11[%swap3A_302] {strides = array<i32>} : memref<1008xi32, #tpu.memory_space<vmem>>, vector<16xi32>,
      %swap3A_304 = vector.shape_cast %swap3A_303 : vector<16xi32> to vector<16xi32>
      %swap3A_305 = vector.shape_cast %broadcast_in_dim3A_245 : vector<16xi32> to vector<16xi32>
      tpu.vector_store %arg11[%swap3A_302], %swap3A_305 {strides = array<i32>} : memref<1008xi32, #tpu.memory_space<vmem>>, vector<16xi32>,
      %add3A_306 = arith.constant 80 : i32
      %add3A_307 = arith.addi %sub3A_242, %add3A_306 : i32
      %swap3A_308 = arith.index_cast %add3A_307 : i32 to index
      %swap3A_309 = tpu.vector_load %arg12[%swap3A_308] {strides = array<i32>} : memref<1008xi32, #tpu.memory_space<vmem>>, vector<16xi32>,
      %swap3A_310 = vector.shape_cast %swap3A_309 : vector<16xi32> to vector<16xi32>
      %swap3A_311 = vector.shape_cast %broadcast_in_dim3A_243 : vector<16xi32> to vector<16xi32>
      tpu.vector_store %arg12[%swap3A_308], %swap3A_311 {strides = array<i32>} : memref<1008xi32, #tpu.memory_space<vmem>>, vector<16xi32>,
      %add3A_312 = arith.constant 80 : i32
      %add3A_313 = arith.addi %sub3A_242, %add3A_312 : i32
      %swap3A_314 = arith.index_cast %add3A_313 : i32 to index
      %swap3A_315 = tpu.vector_load %arg11[%swap3A_314] {strides = array<i32>} : memref<1008xi32, #tpu.memory_space<vmem>>, vector<16xi32>,
      %swap3A_316 = vector.shape_cast %swap3A_315 : vector<16xi32> to vector<16xi32>
      %swap3A_317 = vector.shape_cast %broadcast_in_dim3A_245 : vector<16xi32> to vector<16xi32>
      tpu.vector_store %arg11[%swap3A_314], %swap3A_317 {strides = array<i32>} : memref<1008xi32, #tpu.memory_space<vmem>>, vector<16xi32>,
      %add3A_318 = arith.constant 96 : i32
      %add3A_319 = arith.addi %sub3A_242, %add3A_318 : i32
      %swap3A_320 = arith.index_cast %add3A_319 : i32 to index
      %swap3A_321 = tpu.vector_load %arg12[%swap3A_320] {strides = array<i32>} : memref<1008xi32, #tpu.memory_space<vmem>>, vector<16xi32>,
      %swap3A_322 = vector.shape_cast %swap3A_321 : vector<16xi32> to vector<16xi32>
      %swap3A_323 = vector.shape_cast %broadcast_in_dim3A_243 : vector<16xi32> to vector<16xi32>
      tpu.vector_store %arg12[%swap3A_320], %swap3A_323 {strides = array<i32>} : memref<1008xi32, #tpu.memory_space<vmem>>, vector<16xi32>,
      %add3A_324 = arith.constant 96 : i32
      %add3A_325 = arith.addi %sub3A_242, %add3A_324 : i32
      %swap3A_326 = arith.index_cast %add3A_325 : i32 to index
      %swap3A_327 = tpu.vector_load %arg11[%swap3A_326] {strides = array<i32>} : memref<1008xi32, #tpu.memory_space<vmem>>, vector<16xi32>,
      %swap3A_328 = vector.shape_cast %swap3A_327 : vector<16xi32> to vector<16xi32>
      %swap3A_329 = vector.shape_cast %broadcast_in_dim3A_245 : vector<16xi32> to vector<16xi32>
      tpu.vector_store %arg11[%swap3A_326], %swap3A_329 {strides = array<i32>} : memref<1008xi32, #tpu.memory_space<vmem>>, vector<16xi32>,
      %add3A_330 = arith.constant 112 : i32
      %add3A_331 = arith.addi %sub3A_242, %add3A_330 : i32
      %swap3A_332 = arith.index_cast %add3A_331 : i32 to index
      %swap3A_333 = tpu.vector_load %arg12[%swap3A_332] {strides = array<i32>} : memref<1008xi32, #tpu.memory_space<vmem>>, vector<16xi32>,
      %swap3A_334 = vector.shape_cast %swap3A_333 : vector<16xi32> to vector<16xi32>
      %swap3A_335 = vector.shape_cast %broadcast_in_dim3A_243 : vector<16xi32> to vector<16xi32>
      tpu.vector_store %arg12[%swap3A_332], %swap3A_335 {strides = array<i32>} : memref<1008xi32, #tpu.memory_space<vmem>>, vector<16xi32>,
      %add3A_336 = arith.constant 112 : i32
      %add3A_337 = arith.addi %sub3A_242, %add3A_336 : i32
      %swap3A_338 = arith.index_cast %add3A_337 : i32 to index
      %swap3A_339 = tpu.vector_load %arg11[%swap3A_338] {strides = array<i32>} : memref<1008xi32, #tpu.memory_space<vmem>>, vector<16xi32>,
      %swap3A_340 = vector.shape_cast %swap3A_339 : vector<16xi32> to vector<16xi32>
      %swap3A_341 = vector.shape_cast %broadcast_in_dim3A_245 : vector<16xi32> to vector<16xi32>
      tpu.vector_store %arg11[%swap3A_338], %swap3A_341 {strides = array<i32>} : memref<1008xi32, #tpu.memory_space<vmem>>, vector<16xi32>,
      %add3A_342 = arith.constant 128 : i32
      %add3A_343 = arith.addi %sub3A_242, %add3A_342 : i32
      %jit3A_344 = arith.constant 128 : i32
      %div3A_345 = arith.divsi %add3A_343, %jit3A_344 : i32
      %sign3A_346 = arith.constant 0 : i32
      %sign3A_347 = arith.cmpi sgt, %add3A_343, %sign3A_346 : i32
      %sign3A_348 = arith.extui %sign3A_347 : i1 to i32
      %sign3A_349 = arith.constant 0 : i32
      %sign3A_350 = arith.cmpi slt, %add3A_343, %sign3A_349 : i32
      %sign3A_351 = arith.extui %sign3A_350 : i1 to i32
      %sign3A_352 = arith.subi %sign3A_348, %sign3A_351 : i32
      %sign3A_353 = arith.constant 0 : i32
      %sign3A_354 = arith.cmpi sgt, %jit3A_344, %sign3A_353 : i32
      %sign3A_355 = arith.extui %sign3A_354 : i1 to i32
      %sign3A_356 = arith.constant 0 : i32
      %sign3A_357 = arith.cmpi slt, %jit3A_344, %sign3A_356 : i32
      %sign3A_358 = arith.extui %sign3A_357 : i1 to i32
      %sign3A_359 = arith.subi %sign3A_355, %sign3A_358 : i32
      %ne3A_360 = arith.cmpi ne, %sign3A_352, %sign3A_359 : i32
      %rem3A_361 = arith.remsi %add3A_343, %jit3A_344 : i32
      %ne3A_362 = arith.constant 0 : i32
      %ne3A_363 = arith.cmpi ne, %rem3A_361, %ne3A_362 : i32
      %and3A_364 = arith.andi %ne3A_360, %ne3A_363 : i1
      %sub3A_365 = arith.constant 1 : i32
      %sub3A_366 = arith.subi %div3A_345, %sub3A_365 : i32
      %select_n3A_367 = arith.select %and3A_364, %sub3A_366, %div3A_345 : i32
      %mul3A_368 = arith.constant 2 : i32
      %mul3A_369 = arith.muli %mul3A_368, %select_n3A_367 : i32
      %ge3A_370 = arith.constant 1 : i32
      %ge3A_371 = arith.cmpi sge, %select_n3A_367, %ge3A_370 : i32
      %convert_element_type3A_372 = arith.extui %ge3A_371 : i1 to i32
      %cond3A_373 = arith.constant 0 : i32
      %cond3A_374 = arith.cmpi ne, %convert_element_type3A_372, %cond3A_373 : i32
      scf.if %cond3A_374 {
        %dma_start3A_400 = arith.constant 0 : i32
        %dma_start3A_401 = tpu.memref_slice %arg11[%dma_start3A_400] : memref<1008xi32, #tpu.memory_space<vmem>> -> memref<64xi32, #tpu.memory_space<vmem>>
        %dma_start3A_402 = arith.constant 0 : i32
        %dma_start3A_403 = arith.constant 0 : i32
        %dma_start3A_404 = tpu.memref_slice %arg2[%dma_start3A_402, %dma_start3A_403] : memref<400000x128xf32, #tpu.memory_space<hbm>> -> memref<400000x128xf32, #tpu.memory_space<hbm>>
        tpu.enqueue_indirect_dma source(%dma_start3A_404 : memref<400000x128xf32, #tpu.memory_space<hbm>>) target(%arg15 : memref<64x128xf32, #tpu.memory_space<vmem>>) offsets(%dma_start3A_401 : memref<64xi32, #tpu.memory_space<vmem>>) semaphore(%arg20 : memref<!tpu.dma_semaphore, #tpu.memory_space<semaphore_mem>>)
      } else {
      }
      %while3A_375 = arith.constant 0 : i32
      %while3A_376 = arith.constant 0 : i32
      %while3A_377 = arith.subi %select_n3A_367, %while3A_375 : i32
      %while3A_378 = arith.addi %while3A_375, %while3A_377 : i32
      %while3A_379 = arith.constant 1 : i32
      %while3A_380 = arith.divsi %while3A_377, %while3A_379 : i32
      %while3A_381 = arith.muli %while3A_380, %while3A_379 : i32
      %while3A_382 = arith.addi %while3A_375, %while3A_381 : i32
      %while3A_383 = arith.constant 1 : i32
      %while3A_384 = scf.for %while3A_400 = %while3A_375 to %while3A_382 step %while3A_383 iter_args(%while3A_401 = %while3A_376) -> (i32)  : i32 {
        %ge3A_402 = arith.constant 1 : i32
        %ge3A_403 = arith.cmpi sge, %while3A_400, %ge3A_402 : i32
        %convert_element_type3A_404 = arith.extui %ge3A_403 : i1 to i32
        %cond3A_405 = arith.constant 0 : i32
        %cond3A_406 = arith.cmpi ne, %convert_element_type3A_404, %cond3A_405 : i32
        scf.if %cond3A_406 {
          %dma_wait3A_559 = arith.constant 0 : i32
          %dma_wait3A_560 = arith.constant 0 : i32
          %dma_wait3A_561 = tpu.memref_slice %arg17[%dma_wait3A_559, %dma_wait3A_560] : memref<12552x128xf32, #tpu.memory_space<vmem_shared>> -> memref<12552x128xf32, #tpu.memory_space<vmem_shared>>
          tpu.wait_indirect_dma semaphore(%arg23 : memref<!tpu.dma_semaphore, #tpu.memory_space<semaphore_mem>>) src(%arg16 : memref<64x128xf32, #tpu.memory_space<vmem>>) dst(%dma_wait3A_561 : memref<12552x128xf32, #tpu.memory_space<vmem_shared>>)
        } else {
        }
        %mul3A_407 = arith.constant 2 : i32
        %mul3A_408 = arith.muli %mul3A_407, %while3A_400 : i32
        %mul3A_409 = arith.constant 64 : i32
        %mul3A_410 = arith.muli %mul3A_408, %mul3A_409 : i32
        %add3A_411 = arith.constant 64 : i32
        %add3A_412 = arith.addi %mul3A_410, %add3A_411 : i32
        %dma_start3A_413 = tpu.memref_slice %arg11[%add3A_412] : memref<1008xi32, #tpu.memory_space<vmem>> -> memref<64xi32, #tpu.memory_space<vmem>>
        %dma_start3A_414 = arith.constant 0 : i32
        %dma_start3A_415 = arith.constant 0 : i32
        %dma_start3A_416 = tpu.memref_slice %arg2[%dma_start3A_414, %dma_start3A_415] : memref<400000x128xf32, #tpu.memory_space<hbm>> -> memref<400000x128xf32, #tpu.memory_space<hbm>>
        tpu.enqueue_indirect_dma source(%dma_start3A_416 : memref<400000x128xf32, #tpu.memory_space<hbm>>) target(%arg16 : memref<64x128xf32, #tpu.memory_space<vmem>>) offsets(%dma_start3A_413 : memref<64xi32, #tpu.memory_space<vmem>>) semaphore(%arg21 : memref<!tpu.dma_semaphore, #tpu.memory_space<semaphore_mem>>)
        %mul3A_417 = arith.constant 2 : i32
        %mul3A_418 = arith.muli %mul3A_417, %while3A_400 : i32
        %mul3A_419 = arith.constant 64 : i32
        %mul3A_420 = arith.muli %mul3A_418, %mul3A_419 : i32
        %dma_wait3A_421 = tpu.memref_slice %arg11[%mul3A_420] : memref<1008xi32, #tpu.memory_space<vmem>> -> memref<64xi32, #tpu.memory_space<vmem>>
        %dma_wait3A_422 = arith.constant 0 : i32
        %dma_wait3A_423 = arith.constant 0 : i32
        %dma_wait3A_424 = tpu.memref_slice %arg2[%dma_wait3A_422, %dma_wait3A_423] : memref<400000x128xf32, #tpu.memory_space<hbm>> -> memref<400000x128xf32, #tpu.memory_space<hbm>>
        tpu.wait_indirect_dma semaphore(%arg20 : memref<!tpu.dma_semaphore, #tpu.memory_space<semaphore_mem>>) src(%dma_wait3A_424 : memref<400000x128xf32, #tpu.memory_space<hbm>>) dst(%arg15 : memref<64x128xf32, #tpu.memory_space<vmem>>)
        %mul3A_425 = arith.constant 2 : i32
        %mul3A_426 = arith.muli %mul3A_425, %while3A_400 : i32
        %mul3A_427 = arith.constant 64 : i32
        %mul3A_428 = arith.muli %mul3A_426, %mul3A_427 : i32
        %add3A_429 = arith.constant 0 : i32
        %add3A_430 = arith.addi %mul3A_428, %add3A_429 : i32
        %get3A_431 = arith.index_cast %add3A_430 : i32 to index
        %get3A_432 = tpu.vector_load %arg12[%get3A_431] {strides = array<i32>} : memref<1008xi32, #tpu.memory_space<vmem>>, vector<16xi32>,
        %get3A_433 = vector.shape_cast %get3A_432 : vector<16xi32> to vector<16xi32>
        %swap3A_434 = arith.constant 0 : index
        %swap3A_435 = tpu.vector_load %arg13[%swap3A_434] {strides = array<i32>} : memref<64xi32, #tpu.memory_space<vmem>>, vector<16xi32>,
        %swap3A_436 = vector.shape_cast %swap3A_435 : vector<16xi32> to vector<16xi32>
        %swap3A_437 = vector.shape_cast %get3A_433 : vector<16xi32> to vector<16xi32>
        tpu.vector_store %arg13[%swap3A_434], %swap3A_437 {strides = array<i32>} : memref<64xi32, #tpu.memory_space<vmem>>, vector<16xi32>,
        %mul3A_438 = arith.constant 2 : i32
        %mul3A_439 = arith.muli %mul3A_438, %while3A_400 : i32
        %mul3A_440 = arith.constant 64 : i32
        %mul3A_441 = arith.muli %mul3A_439, %mul3A_440 : i32
        %add3A_442 = arith.constant 16 : i32
        %add3A_443 = arith.addi %mul3A_441, %add3A_442 : i32
        %get3A_444 = arith.index_cast %add3A_443 : i32 to index
        %get3A_445 = tpu.vector_load %arg12[%get3A_444] {strides = array<i32>} : memref<1008xi32, #tpu.memory_space<vmem>>, vector<16xi32>,
        %get3A_446 = vector.shape_cast %get3A_445 : vector<16xi32> to vector<16xi32>
        %swap3A_447 = arith.constant 16 : index
        %swap3A_448 = tpu.vector_load %arg13[%swap3A_447] {strides = array<i32>} : memref<64xi32, #tpu.memory_space<vmem>>, vector<16xi32>,
        %swap3A_449 = vector.shape_cast %swap3A_448 : vector<16xi32> to vector<16xi32>
        %swap3A_450 = vector.shape_cast %get3A_446 : vector<16xi32> to vector<16xi32>
        tpu.vector_store %arg13[%swap3A_447], %swap3A_450 {strides = array<i32>} : memref<64xi32, #tpu.memory_space<vmem>>, vector<16xi32>,
        %mul3A_451 = arith.constant 2 : i32
        %mul3A_452 = arith.muli %mul3A_451, %while3A_400 : i32
        %mul3A_453 = arith.constant 64 : i32
        %mul3A_454 = arith.muli %mul3A_452, %mul3A_453 : i32
        %add3A_455 = arith.constant 32 : i32
        %add3A_456 = arith.addi %mul3A_454, %add3A_455 : i32
        %get3A_457 = arith.index_cast %add3A_456 : i32 to index
        %get3A_458 = tpu.vector_load %arg12[%get3A_457] {strides = array<i32>} : memref<1008xi32, #tpu.memory_space<vmem>>, vector<16xi32>,
        %get3A_459 = vector.shape_cast %get3A_458 : vector<16xi32> to vector<16xi32>
        %swap3A_460 = arith.constant 32 : index
        %swap3A_461 = tpu.vector_load %arg13[%swap3A_460] {strides = array<i32>} : memref<64xi32, #tpu.memory_space<vmem>>, vector<16xi32>,
        %swap3A_462 = vector.shape_cast %swap3A_461 : vector<16xi32> to vector<16xi32>
        %swap3A_463 = vector.shape_cast %get3A_459 : vector<16xi32> to vector<16xi32>
        tpu.vector_store %arg13[%swap3A_460], %swap3A_463 {strides = array<i32>} : memref<64xi32, #tpu.memory_space<vmem>>, vector<16xi32>,
        %mul3A_464 = arith.constant 2 : i32
        %mul3A_465 = arith.muli %mul3A_464, %while3A_400 : i32
        %mul3A_466 = arith.constant 64 : i32
        %mul3A_467 = arith.muli %mul3A_465, %mul3A_466 : i32
        %add3A_468 = arith.constant 48 : i32
        %add3A_469 = arith.addi %mul3A_467, %add3A_468 : i32
        %get3A_470 = arith.index_cast %add3A_469 : i32 to index
        %get3A_471 = tpu.vector_load %arg12[%get3A_470] {strides = array<i32>} : memref<1008xi32, #tpu.memory_space<vmem>>, vector<16xi32>,
        %get3A_472 = vector.shape_cast %get3A_471 : vector<16xi32> to vector<16xi32>
        %swap3A_473 = arith.constant 48 : index
        %swap3A_474 = tpu.vector_load %arg13[%swap3A_473] {strides = array<i32>} : memref<64xi32, #tpu.memory_space<vmem>>, vector<16xi32>,
        %swap3A_475 = vector.shape_cast %swap3A_474 : vector<16xi32> to vector<16xi32>
        %swap3A_476 = vector.shape_cast %get3A_472 : vector<16xi32> to vector<16xi32>
        tpu.vector_store %arg13[%swap3A_473], %swap3A_476 {strides = array<i32>} : memref<64xi32, #tpu.memory_space<vmem>>, vector<16xi32>,
        %dma_start3A_477 = arith.constant 0 : i32
        %dma_start3A_478 = arith.constant 0 : i32
        %dma_start3A_479 = tpu.memref_slice %arg17[%dma_start3A_477, %dma_start3A_478] : memref<12552x128xf32, #tpu.memory_space<vmem_shared>> -> memref<12552x128xf32, #tpu.memory_space<vmem_shared>>
        tpu.enqueue_indirect_dma source(%arg15 : memref<64x128xf32, #tpu.memory_space<vmem>>) target(%dma_start3A_479 : memref<12552x128xf32, #tpu.memory_space<vmem_shared>>) offsets(%arg13 : memref<64xi32, #tpu.memory_space<vmem>>) semaphore(%arg22 : memref<!tpu.dma_semaphore, #tpu.memory_space<semaphore_mem>>) {add = true}
        %add3A_480 = arith.constant 1 : i32
        %add3A_481 = arith.addi %while3A_400, %add3A_480 : i32
        %lt3A = arith.cmpi slt, %add3A_481, %select_n3A_367 : i32
        %convert_element_type3A_482 = arith.extui %lt3A : i1 to i32
        %cond3A_483 = arith.constant 0 : i32
        %cond3A_484 = arith.cmpi ne, %convert_element_type3A_482, %cond3A_483 : i32
        scf.if %cond3A_484 {
          %dma_wait3A_559 = arith.constant 0 : i32
          %dma_wait3A_560 = arith.constant 0 : i32
          %dma_wait3A_561 = tpu.memref_slice %arg17[%dma_wait3A_559, %dma_wait3A_560] : memref<12552x128xf32, #tpu.memory_space<vmem_shared>> -> memref<12552x128xf32, #tpu.memory_space<vmem_shared>>
          tpu.wait_indirect_dma semaphore(%arg22 : memref<!tpu.dma_semaphore, #tpu.memory_space<semaphore_mem>>) src(%arg15 : memref<64x128xf32, #tpu.memory_space<vmem>>) dst(%dma_wait3A_561 : memref<12552x128xf32, #tpu.memory_space<vmem_shared>>)
          %mul3A_562 = arith.constant 2 : i32
          %mul3A_563 = arith.muli %mul3A_562, %while3A_400 : i32
          %mul3A_564 = arith.constant 64 : i32
          %mul3A_565 = arith.muli %mul3A_563, %mul3A_564 : i32
          %add3A_566 = arith.constant 128 : i32
          %add3A_567 = arith.addi %mul3A_565, %add3A_566 : i32
          %dma_start3A_568 = tpu.memref_slice %arg11[%add3A_567] : memref<1008xi32, #tpu.memory_space<vmem>> -> memref<64xi32, #tpu.memory_space<vmem>>
          %dma_start3A_569 = arith.constant 0 : i32
          %dma_start3A_570 = arith.constant 0 : i32
          %dma_start3A_571 = tpu.memref_slice %arg2[%dma_start3A_569, %dma_start3A_570] : memref<400000x128xf32, #tpu.memory_space<hbm>> -> memref<400000x128xf32, #tpu.memory_space<hbm>>
          tpu.enqueue_indirect_dma source(%dma_start3A_571 : memref<400000x128xf32, #tpu.memory_space<hbm>>) target(%arg15 : memref<64x128xf32, #tpu.memory_space<vmem>>) offsets(%dma_start3A_568 : memref<64xi32, #tpu.memory_space<vmem>>) semaphore(%arg20 : memref<!tpu.dma_semaphore, #tpu.memory_space<semaphore_mem>>)
        } else {
        }
        %mul3A_485 = arith.constant 2 : i32
        %mul3A_486 = arith.muli %mul3A_485, %while3A_400 : i32
        %mul3A_487 = arith.constant 64 : i32
        %mul3A_488 = arith.muli %mul3A_486, %mul3A_487 : i32
        %add3A_489 = arith.constant 64 : i32
        %add3A_490 = arith.addi %mul3A_488, %add3A_489 : i32
        %dma_wait3A_491 = tpu.memref_slice %arg11[%add3A_490] : memref<1008xi32, #tpu.memory_space<vmem>> -> memref<64xi32, #tpu.memory_space<vmem>>
        %dma_wait3A_492 = arith.constant 0 : i32
        %dma_wait3A_493 = arith.constant 0 : i32
        %dma_wait3A_494 = tpu.memref_slice %arg2[%dma_wait3A_492, %dma_wait3A_493] : memref<400000x128xf32, #tpu.memory_space<hbm>> -> memref<400000x128xf32, #tpu.memory_space<hbm>>
        tpu.wait_indirect_dma semaphore(%arg21 : memref<!tpu.dma_semaphore, #tpu.memory_space<semaphore_mem>>) src(%dma_wait3A_494 : memref<400000x128xf32, #tpu.memory_space<hbm>>) dst(%arg16 : memref<64x128xf32, #tpu.memory_space<vmem>>)
        %mul3A_495 = arith.constant 2 : i32
        %mul3A_496 = arith.muli %mul3A_495, %while3A_400 : i32
        %mul3A_497 = arith.constant 64 : i32
        %mul3A_498 = arith.muli %mul3A_496, %mul3A_497 : i32
        %add3A_499 = arith.constant 64 : i32
        %add3A_500 = arith.addi %mul3A_498, %add3A_499 : i32
        %add3A_501 = arith.constant 0 : i32
        %add3A_502 = arith.addi %add3A_500, %add3A_501 : i32
        %get3A_503 = arith.index_cast %add3A_502 : i32 to index
        %get3A_504 = tpu.vector_load %arg12[%get3A_503] {strides = array<i32>} : memref<1008xi32, #tpu.memory_space<vmem>>, vector<16xi32>,
        %get3A_505 = vector.shape_cast %get3A_504 : vector<16xi32> to vector<16xi32>
        %swap3A_506 = arith.constant 0 : index
        %swap3A_507 = tpu.vector_load %arg14[%swap3A_506] {strides = array<i32>} : memref<64xi32, #tpu.memory_space<vmem>>, vector<16xi32>,
        %swap3A_508 = vector.shape_cast %swap3A_507 : vector<16xi32> to vector<16xi32>
        %swap3A_509 = vector.shape_cast %get3A_505 : vector<16xi32> to vector<16xi32>
        tpu.vector_store %arg14[%swap3A_506], %swap3A_509 {strides = array<i32>} : memref<64xi32, #tpu.memory_space<vmem>>, vector<16xi32>,
        %mul3A_510 = arith.constant 2 : i32
        %mul3A_511 = arith.muli %mul3A_510, %while3A_400 : i32
        %mul3A_512 = arith.constant 64 : i32
        %mul3A_513 = arith.muli %mul3A_511, %mul3A_512 : i32
        %add3A_514 = arith.constant 64 : i32
        %add3A_515 = arith.addi %mul3A_513, %add3A_514 : i32
        %add3A_516 = arith.constant 16 : i32
        %add3A_517 = arith.addi %add3A_515, %add3A_516 : i32
        %get3A_518 = arith.index_cast %add3A_517 : i32 to index
        %get3A_519 = tpu.vector_load %arg12[%get3A_518] {strides = array<i32>} : memref<1008xi32, #tpu.memory_space<vmem>>, vector<16xi32>,
        %get3A_520 = vector.shape_cast %get3A_519 : vector<16xi32> to vector<16xi32>
        %swap3A_521 = arith.constant 16 : index
        %swap3A_522 = tpu.vector_load %arg14[%swap3A_521] {strides = array<i32>} : memref<64xi32, #tpu.memory_space<vmem>>, vector<16xi32>,
        %swap3A_523 = vector.shape_cast %swap3A_522 : vector<16xi32> to vector<16xi32>
        %swap3A_524 = vector.shape_cast %get3A_520 : vector<16xi32> to vector<16xi32>
        tpu.vector_store %arg14[%swap3A_521], %swap3A_524 {strides = array<i32>} : memref<64xi32, #tpu.memory_space<vmem>>, vector<16xi32>,
        %mul3A_525 = arith.constant 2 : i32
        %mul3A_526 = arith.muli %mul3A_525, %while3A_400 : i32
        %mul3A_527 = arith.constant 64 : i32
        %mul3A_528 = arith.muli %mul3A_526, %mul3A_527 : i32
        %add3A_529 = arith.constant 64 : i32
        %add3A_530 = arith.addi %mul3A_528, %add3A_529 : i32
        %add3A_531 = arith.constant 32 : i32
        %add3A_532 = arith.addi %add3A_530, %add3A_531 : i32
        %get3A_533 = arith.index_cast %add3A_532 : i32 to index
        %get3A_534 = tpu.vector_load %arg12[%get3A_533] {strides = array<i32>} : memref<1008xi32, #tpu.memory_space<vmem>>, vector<16xi32>,
        %get3A_535 = vector.shape_cast %get3A_534 : vector<16xi32> to vector<16xi32>
        %swap3A_536 = arith.constant 32 : index
        %swap3A_537 = tpu.vector_load %arg14[%swap3A_536] {strides = array<i32>} : memref<64xi32, #tpu.memory_space<vmem>>, vector<16xi32>,
        %swap3A_538 = vector.shape_cast %swap3A_537 : vector<16xi32> to vector<16xi32>
        %swap3A_539 = vector.shape_cast %get3A_535 : vector<16xi32> to vector<16xi32>
        tpu.vector_store %arg14[%swap3A_536], %swap3A_539 {strides = array<i32>} : memref<64xi32, #tpu.memory_space<vmem>>, vector<16xi32>,
        %mul3A_540 = arith.constant 2 : i32
        %mul3A_541 = arith.muli %mul3A_540, %while3A_400 : i32
        %mul3A_542 = arith.constant 64 : i32
        %mul3A_543 = arith.muli %mul3A_541, %mul3A_542 : i32
        %add3A_544 = arith.constant 64 : i32
        %add3A_545 = arith.addi %mul3A_543, %add3A_544 : i32
        %add3A_546 = arith.constant 48 : i32
        %add3A_547 = arith.addi %add3A_545, %add3A_546 : i32
        %get3A_548 = arith.index_cast %add3A_547 : i32 to index
        %get3A_549 = tpu.vector_load %arg12[%get3A_548] {strides = array<i32>} : memref<1008xi32, #tpu.memory_space<vmem>>, vector<16xi32>,
        %get3A_550 = vector.shape_cast %get3A_549 : vector<16xi32> to vector<16xi32>
        %swap3A_551 = arith.constant 48 : index
        %swap3A_552 = tpu.vector_load %arg14[%swap3A_551] {strides = array<i32>} : memref<64xi32, #tpu.memory_space<vmem>>, vector<16xi32>,
        %swap3A_553 = vector.shape_cast %swap3A_552 : vector<16xi32> to vector<16xi32>
        %swap3A_554 = vector.shape_cast %get3A_550 : vector<16xi32> to vector<16xi32>
        tpu.vector_store %arg14[%swap3A_551], %swap3A_554 {strides = array<i32>} : memref<64xi32, #tpu.memory_space<vmem>>, vector<16xi32>,
        %dma_start3A_555 = arith.constant 0 : i32
        %dma_start3A_556 = arith.constant 0 : i32
        %dma_start3A_557 = tpu.memref_slice %arg17[%dma_start3A_555, %dma_start3A_556] : memref<12552x128xf32, #tpu.memory_space<vmem_shared>> -> memref<12552x128xf32, #tpu.memory_space<vmem_shared>>
        tpu.enqueue_indirect_dma source(%arg16 : memref<64x128xf32, #tpu.memory_space<vmem>>) target(%dma_start3A_557 : memref<12552x128xf32, #tpu.memory_space<vmem_shared>>) offsets(%arg14 : memref<64xi32, #tpu.memory_space<vmem>>) semaphore(%arg23 : memref<!tpu.dma_semaphore, #tpu.memory_space<semaphore_mem>>) {add = true}
        %while3A_558 = arith.constant 0 : i32
        scf.yield %while3A_558 : i32
      }
      %while3A_385 = arith.constant 1 : i32
      %while3A_386 = scf.for %while3A_400 = %while3A_382 to %while3A_378 step %while3A_385 iter_args(%while3A_401 = %while3A_384) -> (i32)  : i32 {
        %ge3A_402 = arith.constant 1 : i32
        %ge3A_403 = arith.cmpi sge, %while3A_400, %ge3A_402 : i32
        %convert_element_type3A_404 = arith.extui %ge3A_403 : i1 to i32
        %cond3A_405 = arith.constant 0 : i32
        %cond3A_406 = arith.cmpi ne, %convert_element_type3A_404, %cond3A_405 : i32
        scf.if %cond3A_406 {
          %dma_wait3A_559 = arith.constant 0 : i32
          %dma_wait3A_560 = arith.constant 0 : i32
          %dma_wait3A_561 = tpu.memref_slice %arg17[%dma_wait3A_559, %dma_wait3A_560] : memref<12552x128xf32, #tpu.memory_space<vmem_shared>> -> memref<12552x128xf32, #tpu.memory_space<vmem_shared>>
          tpu.wait_indirect_dma semaphore(%arg23 : memref<!tpu.dma_semaphore, #tpu.memory_space<semaphore_mem>>) src(%arg16 : memref<64x128xf32, #tpu.memory_space<vmem>>) dst(%dma_wait3A_561 : memref<12552x128xf32, #tpu.memory_space<vmem_shared>>)
        } else {
        }
        %mul3A_407 = arith.constant 2 : i32
        %mul3A_408 = arith.muli %mul3A_407, %while3A_400 : i32
        %mul3A_409 = arith.constant 64 : i32
        %mul3A_410 = arith.muli %mul3A_408, %mul3A_409 : i32
        %add3A_411 = arith.constant 64 : i32
        %add3A_412 = arith.addi %mul3A_410, %add3A_411 : i32
        %dma_start3A_413 = tpu.memref_slice %arg11[%add3A_412] : memref<1008xi32, #tpu.memory_space<vmem>> -> memref<64xi32, #tpu.memory_space<vmem>>
        %dma_start3A_414 = arith.constant 0 : i32
        %dma_start3A_415 = arith.constant 0 : i32
        %dma_start3A_416 = tpu.memref_slice %arg2[%dma_start3A_414, %dma_start3A_415] : memref<400000x128xf32, #tpu.memory_space<hbm>> -> memref<400000x128xf32, #tpu.memory_space<hbm>>
        tpu.enqueue_indirect_dma source(%dma_start3A_416 : memref<400000x128xf32, #tpu.memory_space<hbm>>) target(%arg16 : memref<64x128xf32, #tpu.memory_space<vmem>>) offsets(%dma_start3A_413 : memref<64xi32, #tpu.memory_space<vmem>>) semaphore(%arg21 : memref<!tpu.dma_semaphore, #tpu.memory_space<semaphore_mem>>)
        %mul3A_417 = arith.constant 2 : i32
        %mul3A_418 = arith.muli %mul3A_417, %while3A_400 : i32
        %mul3A_419 = arith.constant 64 : i32
        %mul3A_420 = arith.muli %mul3A_418, %mul3A_419 : i32
        %dma_wait3A_421 = tpu.memref_slice %arg11[%mul3A_420] : memref<1008xi32, #tpu.memory_space<vmem>> -> memref<64xi32, #tpu.memory_space<vmem>>
        %dma_wait3A_422 = arith.constant 0 : i32
        %dma_wait3A_423 = arith.constant 0 : i32
        %dma_wait3A_424 = tpu.memref_slice %arg2[%dma_wait3A_422, %dma_wait3A_423] : memref<400000x128xf32, #tpu.memory_space<hbm>> -> memref<400000x128xf32, #tpu.memory_space<hbm>>
        tpu.wait_indirect_dma semaphore(%arg20 : memref<!tpu.dma_semaphore, #tpu.memory_space<semaphore_mem>>) src(%dma_wait3A_424 : memref<400000x128xf32, #tpu.memory_space<hbm>>) dst(%arg15 : memref<64x128xf32, #tpu.memory_space<vmem>>)
        %mul3A_425 = arith.constant 2 : i32
        %mul3A_426 = arith.muli %mul3A_425, %while3A_400 : i32
        %mul3A_427 = arith.constant 64 : i32
        %mul3A_428 = arith.muli %mul3A_426, %mul3A_427 : i32
        %add3A_429 = arith.constant 0 : i32
        %add3A_430 = arith.addi %mul3A_428, %add3A_429 : i32
        %get3A_431 = arith.index_cast %add3A_430 : i32 to index
        %get3A_432 = tpu.vector_load %arg12[%get3A_431] {strides = array<i32>} : memref<1008xi32, #tpu.memory_space<vmem>>, vector<16xi32>,
        %get3A_433 = vector.shape_cast %get3A_432 : vector<16xi32> to vector<16xi32>
        %swap3A_434 = arith.constant 0 : index
        %swap3A_435 = tpu.vector_load %arg13[%swap3A_434] {strides = array<i32>} : memref<64xi32, #tpu.memory_space<vmem>>, vector<16xi32>,
        %swap3A_436 = vector.shape_cast %swap3A_435 : vector<16xi32> to vector<16xi32>
        %swap3A_437 = vector.shape_cast %get3A_433 : vector<16xi32> to vector<16xi32>
        tpu.vector_store %arg13[%swap3A_434], %swap3A_437 {strides = array<i32>} : memref<64xi32, #tpu.memory_space<vmem>>, vector<16xi32>,
        %mul3A_438 = arith.constant 2 : i32
        %mul3A_439 = arith.muli %mul3A_438, %while3A_400 : i32
        %mul3A_440 = arith.constant 64 : i32
        %mul3A_441 = arith.muli %mul3A_439, %mul3A_440 : i32
        %add3A_442 = arith.constant 16 : i32
        %add3A_443 = arith.addi %mul3A_441, %add3A_442 : i32
        %get3A_444 = arith.index_cast %add3A_443 : i32 to index
        %get3A_445 = tpu.vector_load %arg12[%get3A_444] {strides = array<i32>} : memref<1008xi32, #tpu.memory_space<vmem>>, vector<16xi32>,
        %get3A_446 = vector.shape_cast %get3A_445 : vector<16xi32> to vector<16xi32>
        %swap3A_447 = arith.constant 16 : index
        %swap3A_448 = tpu.vector_load %arg13[%swap3A_447] {strides = array<i32>} : memref<64xi32, #tpu.memory_space<vmem>>, vector<16xi32>,
        %swap3A_449 = vector.shape_cast %swap3A_448 : vector<16xi32> to vector<16xi32>
        %swap3A_450 = vector.shape_cast %get3A_446 : vector<16xi32> to vector<16xi32>
        tpu.vector_store %arg13[%swap3A_447], %swap3A_450 {strides = array<i32>} : memref<64xi32, #tpu.memory_space<vmem>>, vector<16xi32>,
        %mul3A_451 = arith.constant 2 : i32
        %mul3A_452 = arith.muli %mul3A_451, %while3A_400 : i32
        %mul3A_453 = arith.constant 64 : i32
        %mul3A_454 = arith.muli %mul3A_452, %mul3A_453 : i32
        %add3A_455 = arith.constant 32 : i32
        %add3A_456 = arith.addi %mul3A_454, %add3A_455 : i32
        %get3A_457 = arith.index_cast %add3A_456 : i32 to index
        %get3A_458 = tpu.vector_load %arg12[%get3A_457] {strides = array<i32>} : memref<1008xi32, #tpu.memory_space<vmem>>, vector<16xi32>,
        %get3A_459 = vector.shape_cast %get3A_458 : vector<16xi32> to vector<16xi32>
        %swap3A_460 = arith.constant 32 : index
        %swap3A_461 = tpu.vector_load %arg13[%swap3A_460] {strides = array<i32>} : memref<64xi32, #tpu.memory_space<vmem>>, vector<16xi32>,
        %swap3A_462 = vector.shape_cast %swap3A_461 : vector<16xi32> to vector<16xi32>
        %swap3A_463 = vector.shape_cast %get3A_459 : vector<16xi32> to vector<16xi32>
        tpu.vector_store %arg13[%swap3A_460], %swap3A_463 {strides = array<i32>} : memref<64xi32, #tpu.memory_space<vmem>>, vector<16xi32>,
        %mul3A_464 = arith.constant 2 : i32
        %mul3A_465 = arith.muli %mul3A_464, %while3A_400 : i32
        %mul3A_466 = arith.constant 64 : i32
        %mul3A_467 = arith.muli %mul3A_465, %mul3A_466 : i32
        %add3A_468 = arith.constant 48 : i32
        %add3A_469 = arith.addi %mul3A_467, %add3A_468 : i32
        %get3A_470 = arith.index_cast %add3A_469 : i32 to index
        %get3A_471 = tpu.vector_load %arg12[%get3A_470] {strides = array<i32>} : memref<1008xi32, #tpu.memory_space<vmem>>, vector<16xi32>,
        %get3A_472 = vector.shape_cast %get3A_471 : vector<16xi32> to vector<16xi32>
        %swap3A_473 = arith.constant 48 : index
        %swap3A_474 = tpu.vector_load %arg13[%swap3A_473] {strides = array<i32>} : memref<64xi32, #tpu.memory_space<vmem>>, vector<16xi32>,
        %swap3A_475 = vector.shape_cast %swap3A_474 : vector<16xi32> to vector<16xi32>
        %swap3A_476 = vector.shape_cast %get3A_472 : vector<16xi32> to vector<16xi32>
        tpu.vector_store %arg13[%swap3A_473], %swap3A_476 {strides = array<i32>} : memref<64xi32, #tpu.memory_space<vmem>>, vector<16xi32>,
        %dma_start3A_477 = arith.constant 0 : i32
        %dma_start3A_478 = arith.constant 0 : i32
        %dma_start3A_479 = tpu.memref_slice %arg17[%dma_start3A_477, %dma_start3A_478] : memref<12552x128xf32, #tpu.memory_space<vmem_shared>> -> memref<12552x128xf32, #tpu.memory_space<vmem_shared>>
        tpu.enqueue_indirect_dma source(%arg15 : memref<64x128xf32, #tpu.memory_space<vmem>>) target(%dma_start3A_479 : memref<12552x128xf32, #tpu.memory_space<vmem_shared>>) offsets(%arg13 : memref<64xi32, #tpu.memory_space<vmem>>) semaphore(%arg22 : memref<!tpu.dma_semaphore, #tpu.memory_space<semaphore_mem>>) {add = true}
        %add3A_480 = arith.constant 1 : i32
        %add3A_481 = arith.addi %while3A_400, %add3A_480 : i32
        %lt3A = arith.cmpi slt, %add3A_481, %select_n3A_367 : i32
        %convert_element_type3A_482 = arith.extui %lt3A : i1 to i32
        %cond3A_483 = arith.constant 0 : i32
        %cond3A_484 = arith.cmpi ne, %convert_element_type3A_482, %cond3A_483 : i32
        scf.if %cond3A_484 {
          %dma_wait3A_559 = arith.constant 0 : i32
          %dma_wait3A_560 = arith.constant 0 : i32
          %dma_wait3A_561 = tpu.memref_slice %arg17[%dma_wait3A_559, %dma_wait3A_560] : memref<12552x128xf32, #tpu.memory_space<vmem_shared>> -> memref<12552x128xf32, #tpu.memory_space<vmem_shared>>
          tpu.wait_indirect_dma semaphore(%arg22 : memref<!tpu.dma_semaphore, #tpu.memory_space<semaphore_mem>>) src(%arg15 : memref<64x128xf32, #tpu.memory_space<vmem>>) dst(%dma_wait3A_561 : memref<12552x128xf32, #tpu.memory_space<vmem_shared>>)
          %mul3A_562 = arith.constant 2 : i32
          %mul3A_563 = arith.muli %mul3A_562, %while3A_400 : i32
          %mul3A_564 = arith.constant 64 : i32
          %mul3A_565 = arith.muli %mul3A_563, %mul3A_564 : i32
          %add3A_566 = arith.constant 128 : i32
          %add3A_567 = arith.addi %mul3A_565, %add3A_566 : i32
          %dma_start3A_568 = tpu.memref_slice %arg11[%add3A_567] : memref<1008xi32, #tpu.memory_space<vmem>> -> memref<64xi32, #tpu.memory_space<vmem>>
          %dma_start3A_569 = arith.constant 0 : i32
          %dma_start3A_570 = arith.constant 0 : i32
          %dma_start3A_571 = tpu.memref_slice %arg2[%dma_start3A_569, %dma_start3A_570] : memref<400000x128xf32, #tpu.memory_space<hbm>> -> memref<400000x128xf32, #tpu.memory_space<hbm>>
          tpu.enqueue_indirect_dma source(%dma_start3A_571 : memref<400000x128xf32, #tpu.memory_space<hbm>>) target(%arg15 : memref<64x128xf32, #tpu.memory_space<vmem>>) offsets(%dma_start3A_568 : memref<64xi32, #tpu.memory_space<vmem>>) semaphore(%arg20 : memref<!tpu.dma_semaphore, #tpu.memory_space<semaphore_mem>>)
        } else {
        }
        %mul3A_485 = arith.constant 2 : i32
        %mul3A_486 = arith.muli %mul3A_485, %while3A_400 : i32
        %mul3A_487 = arith.constant 64 : i32
        %mul3A_488 = arith.muli %mul3A_486, %mul3A_487 : i32
        %add3A_489 = arith.constant 64 : i32
        %add3A_490 = arith.addi %mul3A_488, %add3A_489 : i32
        %dma_wait3A_491 = tpu.memref_slice %arg11[%add3A_490] : memref<1008xi32, #tpu.memory_space<vmem>> -> memref<64xi32, #tpu.memory_space<vmem>>
        %dma_wait3A_492 = arith.constant 0 : i32
        %dma_wait3A_493 = arith.constant 0 : i32
        %dma_wait3A_494 = tpu.memref_slice %arg2[%dma_wait3A_492, %dma_wait3A_493] : memref<400000x128xf32, #tpu.memory_space<hbm>> -> memref<400000x128xf32, #tpu.memory_space<hbm>>
        tpu.wait_indirect_dma semaphore(%arg21 : memref<!tpu.dma_semaphore, #tpu.memory_space<semaphore_mem>>) src(%dma_wait3A_494 : memref<400000x128xf32, #tpu.memory_space<hbm>>) dst(%arg16 : memref<64x128xf32, #tpu.memory_space<vmem>>)
        %mul3A_495 = arith.constant 2 : i32
        %mul3A_496 = arith.muli %mul3A_495, %while3A_400 : i32
        %mul3A_497 = arith.constant 64 : i32
        %mul3A_498 = arith.muli %mul3A_496, %mul3A_497 : i32
        %add3A_499 = arith.constant 64 : i32
        %add3A_500 = arith.addi %mul3A_498, %add3A_499 : i32
        %add3A_501 = arith.constant 0 : i32
        %add3A_502 = arith.addi %add3A_500, %add3A_501 : i32
        %get3A_503 = arith.index_cast %add3A_502 : i32 to index
        %get3A_504 = tpu.vector_load %arg12[%get3A_503] {strides = array<i32>} : memref<1008xi32, #tpu.memory_space<vmem>>, vector<16xi32>,
        %get3A_505 = vector.shape_cast %get3A_504 : vector<16xi32> to vector<16xi32>
        %swap3A_506 = arith.constant 0 : index
        %swap3A_507 = tpu.vector_load %arg14[%swap3A_506] {strides = array<i32>} : memref<64xi32, #tpu.memory_space<vmem>>, vector<16xi32>,
        %swap3A_508 = vector.shape_cast %swap3A_507 : vector<16xi32> to vector<16xi32>
        %swap3A_509 = vector.shape_cast %get3A_505 : vector<16xi32> to vector<16xi32>
        tpu.vector_store %arg14[%swap3A_506], %swap3A_509 {strides = array<i32>} : memref<64xi32, #tpu.memory_space<vmem>>, vector<16xi32>,
        %mul3A_510 = arith.constant 2 : i32
        %mul3A_511 = arith.muli %mul3A_510, %while3A_400 : i32
        %mul3A_512 = arith.constant 64 : i32
        %mul3A_513 = arith.muli %mul3A_511, %mul3A_512 : i32
        %add3A_514 = arith.constant 64 : i32
        %add3A_515 = arith.addi %mul3A_513, %add3A_514 : i32
        %add3A_516 = arith.constant 16 : i32
        %add3A_517 = arith.addi %add3A_515, %add3A_516 : i32
        %get3A_518 = arith.index_cast %add3A_517 : i32 to index
        %get3A_519 = tpu.vector_load %arg12[%get3A_518] {strides = array<i32>} : memref<1008xi32, #tpu.memory_space<vmem>>, vector<16xi32>,
        %get3A_520 = vector.shape_cast %get3A_519 : vector<16xi32> to vector<16xi32>
        %swap3A_521 = arith.constant 16 : index
        %swap3A_522 = tpu.vector_load %arg14[%swap3A_521] {strides = array<i32>} : memref<64xi32, #tpu.memory_space<vmem>>, vector<16xi32>,
        %swap3A_523 = vector.shape_cast %swap3A_522 : vector<16xi32> to vector<16xi32>
        %swap3A_524 = vector.shape_cast %get3A_520 : vector<16xi32> to vector<16xi32>
        tpu.vector_store %arg14[%swap3A_521], %swap3A_524 {strides = array<i32>} : memref<64xi32, #tpu.memory_space<vmem>>, vector<16xi32>,
        %mul3A_525 = arith.constant 2 : i32
        %mul3A_526 = arith.muli %mul3A_525, %while3A_400 : i32
        %mul3A_527 = arith.constant 64 : i32
        %mul3A_528 = arith.muli %mul3A_526, %mul3A_527 : i32
        %add3A_529 = arith.constant 64 : i32
        %add3A_530 = arith.addi %mul3A_528, %add3A_529 : i32
        %add3A_531 = arith.constant 32 : i32
        %add3A_532 = arith.addi %add3A_530, %add3A_531 : i32
        %get3A_533 = arith.index_cast %add3A_532 : i32 to index
        %get3A_534 = tpu.vector_load %arg12[%get3A_533] {strides = array<i32>} : memref<1008xi32, #tpu.memory_space<vmem>>, vector<16xi32>,
        %get3A_535 = vector.shape_cast %get3A_534 : vector<16xi32> to vector<16xi32>
        %swap3A_536 = arith.constant 32 : index
        %swap3A_537 = tpu.vector_load %arg14[%swap3A_536] {strides = array<i32>} : memref<64xi32, #tpu.memory_space<vmem>>, vector<16xi32>,
        %swap3A_538 = vector.shape_cast %swap3A_537 : vector<16xi32> to vector<16xi32>
        %swap3A_539 = vector.shape_cast %get3A_535 : vector<16xi32> to vector<16xi32>
        tpu.vector_store %arg14[%swap3A_536], %swap3A_539 {strides = array<i32>} : memref<64xi32, #tpu.memory_space<vmem>>, vector<16xi32>,
        %mul3A_540 = arith.constant 2 : i32
        %mul3A_541 = arith.muli %mul3A_540, %while3A_400 : i32
        %mul3A_542 = arith.constant 64 : i32
        %mul3A_543 = arith.muli %mul3A_541, %mul3A_542 : i32
        %add3A_544 = arith.constant 64 : i32
        %add3A_545 = arith.addi %mul3A_543, %add3A_544 : i32
        %add3A_546 = arith.constant 48 : i32
        %add3A_547 = arith.addi %add3A_545, %add3A_546 : i32
        %get3A_548 = arith.index_cast %add3A_547 : i32 to index
        %get3A_549 = tpu.vector_load %arg12[%get3A_548] {strides = array<i32>} : memref<1008xi32, #tpu.memory_space<vmem>>, vector<16xi32>,
        %get3A_550 = vector.shape_cast %get3A_549 : vector<16xi32> to vector<16xi32>
        %swap3A_551 = arith.constant 48 : index
        %swap3A_552 = tpu.vector_load %arg14[%swap3A_551] {strides = array<i32>} : memref<64xi32, #tpu.memory_space<vmem>>, vector<16xi32>,
        %swap3A_553 = vector.shape_cast %swap3A_552 : vector<16xi32> to vector<16xi32>
        %swap3A_554 = vector.shape_cast %get3A_550 : vector<16xi32> to vector<16xi32>
        tpu.vector_store %arg14[%swap3A_551], %swap3A_554 {strides = array<i32>} : memref<64xi32, #tpu.memory_space<vmem>>, vector<16xi32>,
        %dma_start3A_555 = arith.constant 0 : i32
        %dma_start3A_556 = arith.constant 0 : i32
        %dma_start3A_557 = tpu.memref_slice %arg17[%dma_start3A_555, %dma_start3A_556] : memref<12552x128xf32, #tpu.memory_space<vmem_shared>> -> memref<12552x128xf32, #tpu.memory_space<vmem_shared>>
        tpu.enqueue_indirect_dma source(%arg16 : memref<64x128xf32, #tpu.memory_space<vmem>>) target(%dma_start3A_557 : memref<12552x128xf32, #tpu.memory_space<vmem_shared>>) offsets(%arg14 : memref<64xi32, #tpu.memory_space<vmem>>) semaphore(%arg23 : memref<!tpu.dma_semaphore, #tpu.memory_space<semaphore_mem>>) {add = true}
        %while3A_558 = arith.constant 0 : i32
        scf.yield %while3A_558 : i32
      }
      %ge3A_387 = arith.constant 1 : i32
      %ge3A_388 = arith.cmpi sge, %select_n3A_367, %ge3A_387 : i32
      %convert_element_type3A_389 = arith.extui %ge3A_388 : i1 to i32
      %cond3A_390 = arith.constant 0 : i32
      %cond3A_391 = arith.cmpi ne, %convert_element_type3A_389, %cond3A_390 : i32
      scf.if %cond3A_391 {
        %dma_wait3A_400 = arith.constant 0 : i32
        %dma_wait3A_401 = arith.constant 0 : i32
        %dma_wait3A_402 = tpu.memref_slice %arg17[%dma_wait3A_400, %dma_wait3A_401] : memref<12552x128xf32, #tpu.memory_space<vmem_shared>> -> memref<12552x128xf32, #tpu.memory_space<vmem_shared>>
        tpu.wait_indirect_dma semaphore(%arg22 : memref<!tpu.dma_semaphore, #tpu.memory_space<semaphore_mem>>) src(%arg15 : memref<64x128xf32, #tpu.memory_space<vmem>>) dst(%dma_wait3A_402 : memref<12552x128xf32, #tpu.memory_space<vmem_shared>>)
        %dma_wait3A_403 = arith.constant 0 : i32
        %dma_wait3A_404 = arith.constant 0 : i32
        %dma_wait3A_405 = tpu.memref_slice %arg17[%dma_wait3A_403, %dma_wait3A_404] : memref<12552x128xf32, #tpu.memory_space<vmem_shared>> -> memref<12552x128xf32, #tpu.memory_space<vmem_shared>>
        tpu.wait_indirect_dma semaphore(%arg23 : memref<!tpu.dma_semaphore, #tpu.memory_space<semaphore_mem>>) src(%arg16 : memref<64x128xf32, #tpu.memory_space<vmem>>) dst(%dma_wait3A_405 : memref<12552x128xf32, #tpu.memory_space<vmem_shared>>)
      } else {
      }
      %barrier3A_392 = arith.constant 0 : index
      tpu.barrier barrier_id(%barrier3A_392)
      %mul3A_393 = arith.constant 784 : i32
      %mul3A_394 = arith.muli %arg1, %mul3A_393 : i32
      %mul3A_395 = arith.constant 784 : i32
      %mul3A_396 = arith.muli %arg1, %mul3A_395 : i32
      %add3A_397 = arith.addi %mul3A_28, %mul3A_396 : i32
      "tpu.region"() ({
        %run_scoped3A = tpu.sem_alloc : memref<!tpu.dma_semaphore, #tpu.memory_space<semaphore_mem>>
        %dma_start3A_400 = arith.constant 0 : i32
        %dma_start3A_401 = tpu.memref_slice %arg6[%add3A_397, %dma_start3A_400] : memref<100352x128xf32, #tpu.memory_space<hbm>> -> memref<784x128xf32, #tpu.memory_space<hbm>>
        %dma_start3A_402 = arith.constant 0 : i32
        %dma_start3A_403 = tpu.memref_slice %arg17[%mul3A_394, %dma_start3A_402] : memref<12552x128xf32, #tpu.memory_space<vmem_shared>> -> memref<784x128xf32, #tpu.memory_space<vmem_shared>>
        tpu.enqueue_dma source(%dma_start3A_403 : memref<784x128xf32, #tpu.memory_space<vmem_shared>>) target(%dma_start3A_401 : memref<784x128xf32, #tpu.memory_space<hbm>>) target_semaphore(%run_scoped3A : memref<!tpu.dma_semaphore, #tpu.memory_space<semaphore_mem>>)
        %dma_wait3A_404 = arith.constant 0 : i32
        %dma_wait3A_405 = tpu.memref_slice %arg6[%add3A_397, %dma_wait3A_404] : memref<100352x128xf32, #tpu.memory_space<hbm>> -> memref<784x128xf32, #tpu.memory_space<hbm>>
        %dma_wait3A_406 = arith.constant 0 : i32
        %dma_wait3A_407 = tpu.memref_slice %arg17[%mul3A_394, %dma_wait3A_406] : memref<12552x128xf32, #tpu.memory_space<vmem_shared>> -> memref<784x128xf32, #tpu.memory_space<vmem_shared>>
        tpu.wait_dma2 semaphore(%run_scoped3A : memref<!tpu.dma_semaphore, #tpu.memory_space<semaphore_mem>>) src(%dma_wait3A_407 : memref<784x128xf32, #tpu.memory_space<vmem_shared>>) dst(%dma_wait3A_405 : memref<784x128xf32, #tpu.memory_space<hbm>>)
        tpu.yield
      }) : () -> ()
      %barrier3A_398 = arith.constant 0 : index
      tpu.barrier barrier_id(%barrier3A_398)
      %scan3A_399 = arith.constant 0 : i32
      scf.yield %scan3A_399 : i32
    }
    %scan3A_22 = arith.constant 4 : i32
    return
  }
}

module attributes {stable_mosaic.version = 14 : i64} {
  func.func @_matmul_body(%arg0: i32, %arg1: memref<2000x128xf32, #tpu.memory_space<vmem>>, %arg2: memref<128x512xf32, #tpu.memory_space<vmem>>, %arg3: memref<2000x512xf32, #tpu.memory_space<vmem>>) attributes {dimension_semantics = [#tpu.dimension_semantics<arbitrary>], iteration_bounds = array<i64: 50>, scalar_prefetch = 0 : i64, scratch_operands = 0 : i64, tpu.core_type = #tpu.core_type<tc>, window_params = [{transform_indices = @transform_0, window_bounds = array<i64: 2000, 128>}, {pipeline_mode = #tpu.pipeline_mode<synchronous>, transform_indices = @transform_1, window_bounds = array<i64: 128, 512>}, {transform_indices = @transform_2, window_bounds = array<i64: 2000, 512>}]} {
    %get3A = arith.constant 0 : index
    %get3A_0 = arith.constant 0 : index
    %get3A_1 = vector.load %arg1[%get3A, %get3A_0] : memref<2000x128xf32, #tpu.memory_space<vmem>>, vector<2000x128xf32>
    %get3A_2 = arith.constant 0 : index
    %get3A_3 = arith.constant 0 : index
    %get3A_4 = vector.load %arg2[%get3A_2, %get3A_3] : memref<128x512xf32, #tpu.memory_space<vmem>>, vector<128x512xf32>
    %dot_general3A = arith.constant dense<0.000000e+00> : vector<2000x512xf32>
    %dot_general3A_5 = tpu.matmul %get3A_1, %get3A_4, %dot_general3A {dimension_numbers = #tpu.dot_dimension_numbers<[1], [0], [0], [1], [0, 0, 1, 1], [], []>, transpose_lhs_hint = false} : vector<2000x128xf32>, vector<128x512xf32>, vector<2000x512xf32> -> vector<2000x512xf32>
    %swap3A = arith.constant 0 : index
    %swap3A_6 = arith.constant 0 : index
    %swap3A_7 = vector.load %arg3[%swap3A, %swap3A_6] : memref<2000x512xf32, #tpu.memory_space<vmem>>, vector<2000x512xf32>
    tpu.vector_store %arg3[%swap3A, %swap3A_6], %dot_general3A_5 {strides = array<i32>} : memref<2000x512xf32, #tpu.memory_space<vmem>>, vector<2000x512xf32>,
    return
  }
  func.func @transform_0(%arg0: i32) -> (i32, i32) {
    %c0_i32 = arith.constant 0 : i32
    %c0_i32_0 = arith.constant 0 : i32
    return %arg0, %c0_i32 : i32, i32
  }
  func.func @transform_1(%arg0: i32) -> (i32, i32) {
    %c0_i32 = arith.constant 0 : i32
    %c0_i32_0 = arith.constant 0 : i32
    %c0_i32_1 = arith.constant 0 : i32
    return %c0_i32, %c0_i32_0 : i32, i32
  }
  func.func @transform_2(%arg0: i32) -> (i32, i32) {
    %c0_i32 = arith.constant 0 : i32
    %c0_i32_0 = arith.constant 0 : i32
    return %arg0, %c0_i32 : i32, i32
  }
}

</mosaic_0001>

<sc_bundles>
// kernel: kernel.4.cloned.1.call-start
scs
__scs_entry_jumppad:
0x0: {  	(pc) =	sbr.rel $0x88, $3  }
0x1: {  	(tag) =	ssettag $0x0;
	lr =	simm.s32 $0x1  }
0x2: {  	[smem:$0x3F98] =	sst lr;
	_ =	strace $0xD0000000  }
0x3: {  	_ = 	snop  }
0x4: {  	_ = 	snop  }
0x5: {  	_ = 	snop  }
0x6: {  	_ = 	snop  }
0x7: {  	_ = 	snop  }
__scs_overlays_trampoline_lowered:
0x8: {  	[smem:$0x3FA7] =	sst s0  }
0x9: {  	[smem:$0x3FA8] =	sst s1  }
0xa: {  	[smem:$0x3FA9] =	sst s2  }
0xb: {  	[smem:$0x3FAA] =	sst s3  }
0xc: {  	[smem:$0x3FAB] =	sst s4  }
0xd: {  	[smem:$0x3FAC] =	sst s5  }
0xe: {  	[smem:$0x3FAD] =	sst s6  }
0xf: {  	[smem:$0x3FAE] =	sst s7  }
0x10: {  	[smem:$0x3FAF] =	sst s8  }
0x11: {  	[smem:$0x3FB0] =	sst s9;
	s0 =	simm.s32 @!p0 $0x0  }
0x12: {  	s1 =	sld [smem:$0x3F96];
	s0 =	simm.s32 @p0 $0x1  }
0x13: {  	[smem:$0x3FB1] =	sst s0;
	s0 =	simm.s32 @!p1 $0x0  }
0x14: {  	s2 =	sld [smem:$0x3F95];
	s0 =	simm.s32 @p1 $0x1  }
0x15: {  	[smem:$0x3FB2] =	sst s0;
	s0 =	simm.s32 @!p2 $0x0  }
0x16: {  	s3 =	sld [smem:$0x3FDB];
	s0 =	simm.s32 @p2 $0x1  }
0x17: {  	s4 =	simm.s32 $0x1BF5;
	[smem:$0x3FB4] =	sst s0  }
0x18: {  	s0 =	sld [smem:$0x3F97];
	_ =	swait.ge [sflag:s4], $0x0  }
0x19: {  	s7 =	sld [smem:$0x3F98]  }
0x1a: {  	s8 =	sadd.s32 $0xFFFFE003, lr  }
0x1b: {  	s9 =	sadd.s32 $0xFFFFFEF7, lr;
	s5 =	simm.s32 $0xFFFFFFFF;
	p2 =	slt.u32 s8, $0xFFFFF086  }
0x1c: {  	p1 =	slt.u32 s9, $0xF7A;
	s5 =	simm.s32 @!p2 $0x0  }
0x1d: {  	s5 =	simm.s32 @p1 $0x1;
	p0 =	seq.s32 s7, s2  }
0x1e: {  	s7 =	smul.u32 @!p0 $0xF7A, s2;
	p2 =	seq.s32 @!p0 s5, $0x0  }
0x1f: {  	s9 =	smul.u32 $0xF7A, s1;
	s8 =	simm.s32 @!p0 $0x1BF5;
	p2 =	por !p2, p0  }
0x20: {  	[sflag:s8] =	ssyncset.s32 @!p0 $0xFFFFF086;
	s6 =	sadd.s32 @!p0 s3, s7;
	s7 =	simm.s32 @!p0 $0x108  }
0x21: {  	s3 =	sadd.s32 s3, s9;
	s6 =	sadd.s32 @!p0 $0x88, s6;
	s7 =	simm.s32 @p2 $0x1082  }
0x22: {  	[simem:s7], [sflag:s8] =	dma.local @!p0 [hbm:s6], $0xF7A  }
0x23: {  	s9 =	sor.u32 $0xD0000000, s2;
	s6 =	simm.s32 $0x108;
	_ =	swait.ge @!p0 [sflag:s8], $0x0  }
0x24: {  	s3 =	sadd.s32 $0x88, s3;
	s6 =	simm.s32 @!p1 $0x1082;
	[sflag:s4] =	ssyncset.s32 $0xFFFFF086  }
0x25: {  	[simem:s6], [sflag:s4] =	dma.local [hbm:s3], $0xF7A  }
0x26: {  	[smem:$0x3F98] =	sst s1;
	(tag) =	ssettag s2;
	_ =	strace s9  }
0x27: {  	s1 =	sld [smem:$0x3FA8]  }
0x28: {  	s2 =	sld [smem:$0x3FA9]  }
0x29: {  	s4 =	sld [smem:$0x3FAB]  }
0x2a: {  	p0 =	seq.s32 s5, $0x0;
	s5 =	sld [smem:$0x3FAC]  }
0x2b: {  	s6 =	sld [smem:$0x3FAD]  }
0x2c: {  	s7 =	sld [smem:$0x3FAE]  }
0x2d: {  	s3 =	simm.s32 $0x108;
	s8 =	sld [smem:$0x3FAF]  }
0x2e: {  	s3 =	simm.s32 @!p0 $0x1082;
	s9 =	sld [smem:$0x3FB0]  }
0x2f: {  	lr =	sadd.s32 s0, s3;
	s0 =	sld [smem:$0x3FA7]  }
0x30: {  	s3 =	sld [smem:$0x3FAA]  }
0x31: {  	[smem:$0x3FB3] =	sst s10  }
0x32: {  	s10 =	sld [smem:$0x3FB1];
	_ =	sdelay $0x3  }
0x33: {  	p0 =	seq.s32 s10, $0x1;
	s10 =	sld [smem:$0x3FB3];
	_ =	sdelay $0x3  }
0x34: {  	[smem:$0x3FB3] =	sst s10  }
0x35: {  	s10 =	sld [smem:$0x3FB2];
	_ =	sdelay $0x3  }
0x36: {  	p1 =	seq.s32 s10, $0x1;
	s10 =	sld [smem:$0x3FB3];
	_ =	sdelay $0x3  }
0x37: {  	[smem:$0x3FB3] =	sst s10  }
0x38: {  	s10 =	sld [smem:$0x3FB4]  }
0x39: {  	_ = 	snop;
	(pc) =	sbr.ind lr, $3  }
0x3a: {  	_ = 	snop  }
0x3b: {  	_ = 	snop  }
0x3c: {  	p2 =	seq.s32 s10, $0x1;
	s10 =	sld [smem:$0x3FB3]  }
0x3d: {  	_ =	shalt  }
0x3e: {  	_ =	shalt  }
0x3f: {  	_ =	shalt  }
0x40: {  	_ =	shalt  }
0x41: {  	_ =	shalt  }
0x42: {  	_ =	shalt  }
0x43: {  	_ =	shalt  }
0x44: {  	_ =	shalt  }
0x45: {  	_ =	shalt  }
0x46: {  	_ =	shalt  }
0x47: {  	_ =	shalt  }
0x48: {  	_ =	shalt  }
0x49: {  	_ =	shalt  }
0x4a: {  	_ =	shalt  }
0x4b: {  	_ =	shalt  }
0x4c: {  	_ =	shalt  }
0x4d: {  	_ =	shalt  }
0x4e: {  	_ =	shalt  }
0x4f: {  	_ =	shalt  }
0x50: {  	_ =	shalt  }
0x51: {  	_ =	shalt  }
0x52: {  	_ =	shalt  }
0x53: {  	_ =	shalt  }
0x54: {  	_ =	shalt  }
0x55: {  	_ =	shalt  }
0x56: {  	_ =	shalt  }
0x57: {  	_ =	shalt  }
0x58: {  	_ =	shalt  }
0x59: {  	_ =	shalt  }
0x5a: {  	_ =	shalt  }
0x5b: {  	_ =	shalt  }
0x5c: {  	_ =	shalt  }
0x5d: {  	_ =	shalt  }
0x5e: {  	_ =	shalt  }
0x5f: {  	_ =	shalt  }
0x60: {  	_ =	shalt  }
0x61: {  	_ =	shalt  }
0x62: {  	_ =	shalt  }
0x63: {  	_ =	shalt  }
0x64: {  	_ =	shalt  }
0x65: {  	_ =	shalt  }
0x66: {  	_ =	shalt  }
0x67: {  	_ =	shalt  }
0x68: {  	_ =	shalt  }
0x69: {  	_ =	shalt  }
0x6a: {  	_ =	shalt  }
0x6b: {  	_ =	shalt  }
0x6c: {  	_ =	shalt  }
0x6d: {  	_ =	shalt  }
0x6e: {  	_ =	shalt  }
0x6f: {  	_ =	shalt  }
0x70: {  	_ =	shalt  }
0x71: {  	_ =	shalt  }
0x72: {  	_ =	shalt  }
0x73: {  	_ =	shalt  }
0x74: {  	_ =	shalt  }
0x75: {  	_ =	shalt  }
0x76: {  	_ =	shalt  }
0x77: {  	_ =	shalt  }
0x78: {  	_ =	shalt  }
0x79: {  	_ =	shalt  }
0x7a: {  	_ =	shalt  }
0x7b: {  	_ =	shalt  }
0x7c: {  	_ =	shalt  }
0x7d: {  	_ =	shalt  }
0x7e: {  	_ =	shalt  }
0x7f: {  	_ =	shalt  }
0x80: {  	_ =	shalt  }
0x81: {  	_ =	shalt  }
0x82: {  	_ =	shalt  }
0x83: {  	_ =	shalt  }
0x84: {  	_ =	shalt  }
0x85: {  	_ =	shalt  }
0x86: {  	_ =	shalt  }
0x87: {  	_ =	shalt  }
.Lfunc_end0:
.L_simem_size_0:
called_computation_lowered:
.L_overlay_start_0:
0x88: {  	s2 =	sld [smem:$0x3FD9]  }
0x89: {  	s3 =	sld [smem:$0x3FFE];
	_ =	sdelay $0x1  }
0x8a: {  	s1 =	srdreg.scid  }
0x8b: {  	s0 =	sand.u32 $0x1, s1  }
0x8c: {  	s17 =	sshll.u32 s0, $0xA;
	s2 =	sadd.s32 s3, s2  }
0x8d: {  	s2 =	sadd.s32 s2, s17  }
0x8e: {  	[smem:$0x3FBF] =	sst s2  }
0x8f: {  	_ = 	snop  }
0x90: {  	s2 =	sld [smem:$0x3FD0];
	(tm) =	ssettm $0x1  }
0x91: {  	s18 =	sld [smem:$0x3FFB];
	_ =	sdelay $0x3  }
0x92: {  	_ =	strace s18  }
0x93: {  	s3 =	sld [smem:$0x3FFC];
	_ =	sdelay $0x3  }
0x94: {  	_ =	strace s3  }
0x95: {  	s3 =	sld [smem:$0x3FFD];
	_ =	sdelay $0x3  }
0x96: {  	_ =	strace s3  }
0x97: {  	_ =	strace $0x8FFFFFFF  }
0x98: {  	s19 =	sld [smem:$0x3FDB];
	_ =	sdelay $0x1  }
0x99: {  	s4 =	simm.s32 $_scs_section_size  }
0x9a: {  	s5 =	simm.s32 $_size__tile_overlayer_lowered;
	s6 =	simm.s32 $_tile_overlayer_lowered  }
0x9b: {  	s22 =	simm.s32 $0x1BFF;
	s21 =	sshll.u32 s6, $0x1;
	s3 =	sadd.s32 s4, s19  }
0x9c: {  	s7 =	simm.s32 $0x0;
	s20 =	sshll.u32 s5, $0x1;
	s5 =	sadd.s32 s21, s3  }
0x9d: {  	[timem:s7], [sflag:s22] =	dma.local [hbm:s5], s20  }
0x9e: {  	_ =	swait.ge [sflag:s22], s20  }
0x9f: {  	s4 =	ssub.s32 $0x0, s20;
	[sflag:s22] =	ssyncset.done $0x0  }
0xa0: {  	[sflag:s22] =	ssyncadd.s32 s4;
	_ =	sdelay $0x1  }
0xa1: {  	s23 =	simm.s32 $0x1B8B  }
0xa2: {  	_ =	swait.ge [sflag:s23], $0x1  }
0xa3: {  	[sflag:s23] =	ssyncset.done $0x0  }
0xa4: {  	s25 =	simm.s32 $0x1B8E;
	s24 =	sld [smem:$0x3FFE];
	[sflag:s23] =	ssyncadd.s32 $0xFFFFFFFF  }
0xa5: {  	s26 =	simm.s32 $execute0_lowered;
	[smem:$0x3FD2] =	sst s25  }
0xa6: {  	s5 =	sshll.u32 s26, $0x1;
	_ =	strace $0x80000046;
	[dreg:$0x1] =	wrdreg $0xFFFFFFFF  }
0xa7: {  	s28 =	simm.s32 $_size_execute0_lowered;
	s3 =	sadd.s32 s3, s5;
	[dreg:$0x0] =	wrdreg $0x0  }
0xa8: {  	s5 =	sshll.u32 s28, $0x1;
	[dreg:$0x2] =	wrdreg s3  }
0xa9: {  	[dreg:$0x3] =	wrdreg s5  }
0xaa: {  	[dreg:$0x4] =	wrdreg $0xC0  }
0xab: {  	_ =	task [dreg:s7], $0x5FFFF  }
0xac: {  	[dreg:$0x1] =	wrdreg $0xFFFFFFFF  }
0xad: {  	[dreg:$0x0] =	wrdreg $0x60  }
0xae: {  	[dreg:$0x2] =	wrdreg s24  }
0xaf: {  	[dreg:$0x3] =	wrdreg s2  }
0xb0: {  	[dreg:$0x4] =	wrdreg $0x57000  }
0xb1: {  	[dreg:$0x5] =	wrdreg $0x9  }
0xb2: {  	_ =	task.clear_ibuf [dreg:s7], $0x6FFFF;
	_ =	strace $0x90000046  }
0xb3: {  	s29 =	simm.s32 $0x9;
	_ =	strace $0x80000048  }
0xb4: {  	_ =	swait.ge [sflag:s29], $0x1  }
0xb5: {  	[sflag:s29] =	ssyncadd.s32 $0xFFFFFFFF  }
0xb6: {  	_ =	strace $0x90000048  }
0xb7: {  	_ =	sfence  }
0xb8: {  	s30 =	sld [smem:$0x0];
	_ =	sdelay $0x2  }
0xb9: {  	s31 =	sshll.u32 s1, $0xD;
	s1 =	sshrl.u32 s1, $0x2  }
0xba: {  	s3 =	sand.u32 $0x4000, s31;
	s1 =	sadd.s32 s1, s30  }
0xbb: {  	s0 =	sor.u32 s3, s0;
	s1 =	sshll.u32 s1, $0x11  }
0xbc: {  	s0 =	sor.u32 s1, s0  }
0xbd: {  	s0 =	sadd.s32 $0x8F2B, s0  }
0xbe: {  	[sflag:s0] =	ssyncadd.remote.s32 $0x1  }
0xbf: {  	_ =	sfence.sel $0xFFFF  }
0xc0: {  	[dreg:$0x0] =	wrdreg $0xFFFFFFFF;
	(pc) =	sbr.abs _section_cstart, $3  }
0xc1: {  	[dreg:$0x1] =	wrdreg $0xFFFFFFFF  }
0xc2: {  	_ =	task.clear_ibuf [dreg:s7], $0x2FFFF;
	_ =	strace $0x9FFFFFFF  }
0xc3: {  	(tm) =	ssettm $0x7FFFFFFF  }
tec
execute0_lowered:
.L_overlay_start_1:
0x0: {  	(tag) =	ssettag $0x1  }
0x1: {  	s1 =	rddreg [dreg:$0x0]  }
0x2: {  	s0 =	rddreg [dreg:$0x1]  }
0x3: {  	s2 =	rddreg [dreg:$0x2]  }
0x4: {  	s11 =	simm.s32 $0x0;
	s3 =	srdreg.scid;
	s10 =	stileid.u32  }
0x5: {  	s18 =	simm.s32 $0x380;
	s28 =	simm.s32 $0x3;
	s29 =	simm.s32 $0x1600  }
0x6: {  	s30 =	simm.s32 $0x4;
	s31 =	simm.s32 $0x1680;
	s15 =	simm.s32 $0x2  }
0x7: {  	v0 =	vimm.s32 $0xEDCBA987;
	v1 =	vimm.s32 $0x65432100;
	[smem:$0x7FF] =	sst s11;
	s3 =	sand.u32 $0x1, s3;
	s9 =	smul.u32 $0x62000, s10  }
0x8: {  	v4 =	vimm.s32 $0xDCBA9876;
	v2 =	vunpack.c.l.s4.s8 v0;
	s4 =	sshrl.u32 s10, $0x2;
	s5 =	sadd.s32 $0x61A800, s1;
	s21 =	smul.u32 $0x3100, s10  }
0x9: {  	v5 =	vimm.s32 $0x54321000;
	v3 =	vunpack.c.l.s4.s8 v1;
	s6 =	sadd.s32 $0x30E00, s1;
	s8 =	sadd.s32 $0x61C00, s1;
	s22 =	smul.u32 $0x310, s10  }
0xa: {  	v6 =	vimm.s32 $0xBA987654;
	vm0 =	vmmov $0x3;
	s23 =	sshll.u32 s10, $0x6;
	_ =	strace $0x80000047;
	s7 =	ssub.s32 $0x2, s3;
	v2 =	vunpack.c.0.s8.s32 v2  }
0xb: {  	vm2 =	vcmask $0x3F30;
	vm1 =	vmmov $0xf;
	[dreg:$0x5] =	wrdreg s8;
	s8 =	smul.u32 $0x186A0, s10;
	s3 =	sshll.u32 s3, $0x2;
	v3 =	vunpack.c.0.s8.s32 v3  }
0xc: {  	v1 =	vimm.s32 $0x0;
	v4 =	vunpack.c.l.s4.s8 v4;
	s10 =	simm.s32 $0x7;
	s19 =	sshrl.u32 s7, $0x1;
	[dreg:$0x6] =	wrdreg s3;
	v2 =	vand.u32 $0xF, v2  }
0xd: {  	s20 =	sshrl.u32 s9, $0x2;
	[dreg:$0x7] =	wrdreg s22;
	s0 =	sadd.s32 s0, s21;
	v2 =	vcombine.low v3, v2;
	v3 =	vunpack.c.l.s4.s8 v5;
	v5 =	vimm.s32 $0xE40000  }
0xe: {  	v0 =	vmov s4;
	v4 =	vunpack.c.0.s8.s32 v4;
	s21 =	simm.s32 $0x700;
	s22 =	simm.s32 $0x40;
	s4 =	ssub.s32 s7, s19;
	v5 =	vunpack.c.l.s2.s4 v5  }
0xf: {  	v6 =	vunpack.c.l.s4.s8 v6;
	s3 =	sadd.s32 s20, s2;
	[dreg:$0x8] =	wrdreg s0;
	s7 =	sor.u32 $0x1C07, s23;
	v7 =	vunpack.c.0.s8.s32 v3;
	v3 =	vimm.s32 $0x32100000  }
0x10: {  	s24 =	sshrl.u32 s8, $0x3;
	s19 =	simm.s32 $0x1;
	s23 =	simm.s32 $0xE00;
	v4 =	vand.u32 $0xF, v4;
	v8 =	vunpack.c.l.s4.s8 v3;
	v5 =	vunpack.c.l.s4.s8 v5  }
.Ltmp0:
0x11: {  	v6 =	vunpack.c.0.s8.s32 v6;
	s25 =	sadd.s32 s1, s24;
	[dreg:$0x9] =	wrdreg s7;
	v3 =	vlaneseq.u32;
	v4 =	vcombine.low v7, v4;
	(pc) =	sbr.rel .LBB2_1-.Ltmp0, $4  }
0x12: {  	s0 =	sadd.s32 s6, s24;
	s26 =	smax.u32 s4, $0x1;
	[dreg:$0xa] =	wrdreg s25;
	v7 =	vunpack.c.0.s8.s32 v8;
	v8 =	vimm.s32 $0x7060504;
	v9 =	vunpack.c.0.s8.s32 v5  }
0x13: {  	s9 =	sshrl.u32 s3, $0x3;
	s24 =	simm.s32 $0x1700;
	[dreg:$0xb] =	wrdreg s0;
	v5 =	vand.u32 $0xF, v6;
	v6 =	vunpack.c.0.s8.s32 v8;
	v8 =	vadd.s32 $0x1, v3  }
0x14: {  	s3 =	simm.s32 $0x6;
	[dreg:$0xc] =	wrdreg s26;
	s25 =	simm.s32 $0xE40;
	v5 =	vcombine.low v7, v5;
	v7 =	vand.u32 $0x3, v9;
	v9 =	vimm.s32 $0x3100  }
0x15: {  	s26 =	simm.s32 $0x3700;
	s0 =	simm.s32 $0x5;
	[dreg:$0xd] =	wrdreg s9;
	v6 =	vsel vm2, v6, v7;
	vm2 =	vmmov $0xff;
	v7 =	vimm.s32 $0x7  }
.LBB2_35:
0x16: {  	s11 =	rddreg [dreg:$0x4]  }
0x17: {  	s4 =	rddreg [dreg:$0xc];
	s11 =	sadd.s32 $0x1, s11  }
0x18: {  	p0 =	sne.s32 s11, s4  }
.Ltmp1:
0x19: {  	_ = 	snop;
	(pc) =	sbr.rel @!p0 .LBB2_36-.Ltmp1, $1  }
0x1a: {  	_ =	sdelay $0x3  }
.LBB2_1:
.Ltmp2:
0x1b: {  	(pc) =	sbr.rel .LBB2_2-.Ltmp2, $2  }
0x1c: {  	_ =	sdelay $0x2  }
0x1d: {  	[dreg:$0x4] =	wrdreg s11;
	s11 =	simm.s32 $0x0  }
.LBB2_32:
0x1e: {  	[tilespmem:$0x16B0] =	vst v10  }
0x1f: {  	[spmem:s2] =	stream.indirect.scatter.add.f32 [tilespmem:s26], [sflag:$0x6], $0x80, s31, s22, $0xb8;
	[tilespmem:$0x1DF40] =	vst v63  }
.LBB2_33:
0x20: {  	_ =	swait.ge [sflag:s0], $0x2000  }
0x21: {  	[sflag:s0] =	ssyncset.done $0x0  }
0x22: {  	[sflag:s0] =	ssyncadd.s32 $0xFFFFE000  }
0x23: {  	_ =	swait.ge [sflag:s3], $0x2000  }
0x24: {  	[sflag:s3] =	ssyncset.done $0x0  }
0x25: {  	[sflag:s3] =	ssyncadd.s32 $0xFFFFE000  }
.LBB2_34:
0x26: {  	s4 =	rddreg [dreg:$0x7]  }
0x27: {  	s7 =	rddreg [dreg:$0xf];
	[bflag:$0x0] =	sbarrier.arrive $0xFFFF  }
0x28: {  	s4 =	sadd.s32 s4, s7;
	s20 =	rddreg [dreg:$0x5]  }
0x29: {  	s7 =	rddreg [dreg:$0x9];
	s4 =	sshll.u32 s4, $0x4  }
0x2a: {  	s10 =	simm.s32 $0x7;
	s9 =	rddreg [dreg:$0xd];
	s4 =	sadd.s32 s20, s4  }
0x2b: {  	[hbm:s4], [sflag:s7] =	dma.local [spmem:s9], $0x3100  }
0x2c: {  	_ =	swait.ge [sflag:s10], $0x3100  }
0x2d: {  	s11 =	rddreg [dreg:$0xe]  }
0x2e: {  	s11 =	sadd.s32 $0x1, s11  }
0x2f: {  	p0 =	sne.s32 s11, $0x4  }
.Ltmp3:
0x30: {  	_ = 	snop;
	(pc) =	sbr.rel @!p0 .LBB2_35-.Ltmp3, $3  }
0x31: {  	[sflag:s10] =	ssyncset.done $0x0  }
0x32: {  	[sflag:s10] =	ssyncadd.s32 $0xFFFFCF00  }
0x33: {  	[bflag:$0x0] =	sbarrier.arrive $0xFFFF;
	_ =	sdelay $0x1  }
.LBB2_2:
0x34: {  	s4 =	rddreg [dreg:$0x8]  }
0x35: {  	[spmem:s9], [sflag:s7] =	dma.local [hbm:s4], $0x3100  }
0x36: {  	_ =	swait.ge [sflag:s10], $0x3100  }
0x37: {  	[sflag:s10] =	ssyncset.done $0x0  }
0x38: {  	[dreg:$0xe] =	wrdreg s11;
	[sflag:s10] =	ssyncadd.s32 $0xFFFFCF00  }
0x39: {  	s9 =	simm.s32 $0x0;
	s13 =	rddreg [dreg:$0x6];
	[bflag:$0x0] =	sbarrier.arrive $0xFFFF  }
.Ltmp4:
0x3a: {  	s14 =	sadd.s32 s13, s11;
	s16 =	rddreg [dreg:$0xa];
	(pc) =	sbr.rel .LBB2_3-.Ltmp4, $4  }
0x3b: {  	s11 =	simm.s32 $0x0;
	s17 =	smul.u32 $0x3100, s14;
	s20 =	rddreg [dreg:$0xb]  }
0x3c: {  	[tilespmem:s9], [sflag:$0x1] =	stream.linear.gather [hbm4b:s16+s9], $0x320, $0x38;
	[tilespmem:$0x1DF40] =	vst v63  }
0x3d: {  	s10 =	simm.s32 $0x0;
	s7 =	sadd.s32 $0x3100, s17;
	[dreg:$0xf] =	wrdreg s17  }
0x3e: {  	v10 =	vmov s17;
	v11 =	vmov s7;
	[tilespmem:s18], [sflag:$0x1] =	stream.linear.gather [hbm4b:s20+s9], $0x320, $0x38;
	[tilespmem:$0x1DF40] =	vst v63  }
.LBB2_17:
0x3f: {  	[tilespmem:$0x16B0] =	vst v12  }
0x40: {  	[spmem:s2] =	stream.indirect.scatter.add.f32 [tilespmem:s26], [sflag:$0x6], $0x80, s31, s22, $0xb8;
	[tilespmem:$0x1DF40] =	vst v63  }
.LBB2_18:
0x41: {  	_ =	swait.ge [sflag:s0], $0x2000  }
0x42: {  	[sflag:s0] =	ssyncset.done $0x0  }
0x43: {  	[sflag:s0] =	ssyncadd.s32 $0xFFFFE000  }
0x44: {  	_ =	swait.ge [sflag:s3], $0x2000  }
0x45: {  	[sflag:s3] =	ssyncset.done $0x0  }
0x46: {  	[sflag:s3] =	ssyncadd.s32 $0xFFFFE000  }
.LBB2_19:
0x47: {  	s4 =	sshll.u32 s13, $0x7  }
0x48: {  	v12 =	vld [tilespmem:s4+$0xE00]  }
0x49: {  	v13 =	vld [tilespmem:s4+$0x1200];
	_ =	sdelay $0x3  }
0x4a: {  	[tilespmem:$0xE00] =	vst v12  }
0x4b: {  	[tilespmem:$0x1200] =	vst v13  }
0x4c: {  	v12 =	vld [tilespmem:s4+$0xE10]  }
0x4d: {  	v13 =	vld [tilespmem:s4+$0x1210];
	_ =	sdelay $0x3  }
0x4e: {  	[tilespmem:$0xE10] =	vst v12  }
0x4f: {  	[tilespmem:$0x1210] =	vst v13  }
0x50: {  	v12 =	vld [tilespmem:s4+$0xE20]  }
0x51: {  	v13 =	vld [tilespmem:s4+$0x1220];
	_ =	sdelay $0x3  }
0x52: {  	[tilespmem:$0xE20] =	vst v12  }
0x53: {  	[tilespmem:$0x1220] =	vst v13  }
0x54: {  	v12 =	vld [tilespmem:s4+$0xE30]  }
0x55: {  	v13 =	vld [tilespmem:s4+$0x1230];
	_ =	sdelay $0x3  }
0x56: {  	[tilespmem:$0xE30] =	vst v12  }
0x57: {  	[tilespmem:$0x1230] =	vst v13  }
0x58: {  	v12 =	vld [tilespmem:s4+$0xE40]  }
0x59: {  	v13 =	vld [tilespmem:s4+$0x1240];
	_ =	sdelay $0x3  }
0x5a: {  	[tilespmem:$0xE40] =	vst v12  }
0x5b: {  	[tilespmem:$0x1240] =	vst v13  }
0x5c: {  	v12 =	vld [tilespmem:s4+$0xE50]  }
0x5d: {  	v13 =	vld [tilespmem:s4+$0x1250];
	_ =	sdelay $0x3  }
0x5e: {  	[tilespmem:$0xE50] =	vst v12  }
0x5f: {  	[tilespmem:$0x1250] =	vst v13  }
0x60: {  	v12 =	vld [tilespmem:s4+$0xE60]  }
0x61: {  	v13 =	vld [tilespmem:s4+$0x1260];
	_ =	sdelay $0x3  }
0x62: {  	[tilespmem:$0xE60] =	vst v12  }
0x63: {  	[tilespmem:$0x1260] =	vst v13  }
0x64: {  	s10 =	sadd.s32 $0x1, s10;
	v12 =	vld [tilespmem:s4+$0xE70]  }
0x65: {  	p0 =	sne.s32 s10, $0x3E;
	v13 =	vld [tilespmem:s4+$0x1270]  }
.Ltmp5:
0x66: {  	_ = 	snop;
	(pc) =	sbr.rel @!p0 .LBB2_20-.Ltmp5, $3  }
0x67: {  	_ =	sdelay $0x1  }
0x68: {  	[tilespmem:$0xE70] =	vst v12  }
0x69: {  	s11 =	ssub.s32 s11, s4;
	[tilespmem:$0x1270] =	vst v13  }
.LBB2_3:
0x6a: {  	s7 =	smul.u32 $0x640, s10;
	_ =	swait.ge [sflag:s19], $0x320  }
0x6b: {  	[sflag:s19] =	ssyncset.done $0x0  }
0x6c: {  	s7 =	sadd.s32 s8, s7;
	[sflag:s19] =	ssyncadd.s32 $0xFFFFFCE0  }
0x6d: {  	_ =	swait.ge [sflag:s19], $0x320;
	s13 =	sshrl.u32 s7, $0x3  }
0x6e: {  	[sflag:s19] =	ssyncset.done $0x0;
	s7 =	sadd.s32 $0x64, s13  }
0x6f: {  	[sflag:s19] =	ssyncadd.s32 $0xFFFFFCE0;
	s12 =	sadd.s32 s1, s7  }
0x70: {  	[tilespmem:s21], [sflag:$0x2] =	stream.linear.gather [hbm4b:s12+s9], $0x320, $0x38;
	[tilespmem:$0x1DF40] =	vst v63  }
0x71: {  	s4 =	simm.s32 $0xA80;
	s7 =	sadd.s32 s6, s7  }
0x72: {  	[tilespmem:s4], [sflag:$0x2] =	stream.linear.gather [hbm4b:s7+s9], $0x320, $0x38;
	[tilespmem:$0x1DF40] =	vst v63  }
0x73: {  	s7 =	simm.s32 $0x0  }
0x74: {  	v13 =	vld [tilespmem:s7+$0x380]  }
0x75: {  	s14 =	simm.s32 $0x80;
	v12 =	vld [tilespmem:s7+$0x10]  }
.LBB2_4:
0x76: {  	p0 =	sne.s32 s14, $0xC00;
	v14 =	vld [tilespmem:s7+$0x390]  }
0x77: {  	v15 =	vld [tilespmem:s7+$0x0];
	_ =	sdelay $0x1  }
0x78: {  	vm3 =	vge.s32 v13, v10;
	vm4 =	vlt.s32 v13, v11  }
0x79: {  	vm3 =	vmand vm3, vm4  }
0x7a: {  	v16 =	vsel vm3, $0x1, v1;
	vm3 =	vge.s32 v14, v10;
	vm4 =	vlt.s32 v14, v11  }
0x7b: {  	v14 =	vsub.s32 v14, v10;
	v17 =	vperm.xlane v16, v2;
	vm4 =	vmand vm3, vm4  }
0x7c: {  	vm3 =	veq.s32 v3, $0x0;
	v18 =	vsel vm4, $0x1, v1  }
0x7d: {  	v17 =	vsel vm3, $0x0, v17;
	v19 =	vperm.xlane v18, v2  }
0x7e: {  	v16 =	vadd.s32 v16, v17  }
0x7f: {  	v17 =	vperm.xlane v16, v4;
	v19 =	vsel vm3, $0x0, v19  }
0x80: {  	v18 =	vadd.s32 v18, v19  }
0x81: {  	v17 =	vsel vm0, $0x0, v17;
	v19 =	vperm.xlane v18, v4  }
0x82: {  	v16 =	vadd.s32 v17, v16  }
0x83: {  	v17 =	vperm.xlane v16, v5;
	v19 =	vsel vm0, $0x0, v19  }
0x84: {  	v18 =	vadd.s32 v19, v18  }
0x85: {  	v17 =	vsel vm1, $0x0, v17;
	v19 =	vperm.xlane v18, v5  }
0x86: {  	v16 =	vadd.s32 v17, v16  }
0x87: {  	v17 =	vperm.xlane v16, v6;
	v19 =	vsel vm1, $0x0, v19  }
0x88: {  	v18 =	vadd.s32 v19, v18  }
0x89: {  	v17 =	vsel vm2, $0x0, v17;
	v19 =	vperm.xlane v18, v6  }
0x8a: {  	v16 =	vadd.s32 v17, v16  }
0x8b: {  	v17 =	vperm.xlane v16, v7;
	v19 =	vsel vm2, $0x0, v19  }
0x8c: {  	v18 =	vadd.s32 v19, v18  }
0x8d: {  	vm4 =	vlt.s32 v17, v8;
	v17 =	vperm.xlane v18, v7;
	(v2sf) =	vpush v18, $0xF  }
0x8e: {  	v19 =	vsel vm4, $0x8, v1  }
0x8f: {  	v20 =	vor.u32 $0x3, v19;
	vm4 =	vlt.s32 v17, v8  }
0x90: {  	v17 =	vperm.xlane v16, v20;
	v20 =	vsel vm4, $0x8, v1  }
0x91: {  	v21 =	vor.u32 $0x3, v20;
	(v2sf) =	vpush v16, $0xF  }
0x92: {  	v22 =	vor.u32 $0x4, v19;
	vm4 =	vlt.s32 v17, v8;
	v17 =	vperm.xlane v18, v21  }
0x93: {  	v19 =	vsel vm4, v22, v19  }
0x94: {  	v22 =	vor.u32 $0x4, v20;
	v21 =	vor.u32 $0x1, v19;
	vm4 =	vlt.s32 v17, v8  }
0x95: {  	v17 =	vperm.xlane v16, v21;
	v20 =	vsel vm4, v22, v20  }
0x96: {  	v21 =	vor.u32 $0x1, v20  }
0x97: {  	v22 =	vor.u32 $0x2, v19;
	vm4 =	vlt.s32 v17, v8;
	v17 =	vperm.xlane v18, v21  }
0x98: {  	v19 =	vsel vm4, v22, v19  }
0x99: {  	v21 =	vor.u32 $0x2, v20;
	v16 =	vperm.xlane v16, v19;
	vm4 =	vlt.s32 v17, v8  }
0x9a: {  	v17 =	vsel vm4, v21, v20  }
0x9b: {  	v15 =	vshll.u32 v15, $0x2;
	vm4 =	vlt.s32 v16, v8;
	v16 =	vperm.xlane v18, v17  }
0x9c: {  	v15 =	vor.u32 v0, v15;
	v18 =	vsel vm4, $0x1, v1;
	s7 =	spop (v2sf)  }
0x9d: {  	v13 =	vsub.s32 v13, v10;
	v18 =	vor.u32 v18, v19;
	vm4 =	vlt.s32 v16, v8  }
0x9e: {  	v12 =	vshll.u32 v12, $0x2;
	v13 =	vperm.xlane v13, v18;
	v16 =	vsel vm4, $0x1, v1  }
0x9f: {  	v12 =	vor.u32 v0, v12;
	v15 =	vperm.xlane v15, v18;
	v16 =	vor.u32 v16, v17  }
0xa0: {  	[tilespmem:s11+$0x1200] =	vst v13;
	v13 =	vperm.xlane v14, v16;
	v12 =	vperm.xlane v12, v16;
	s12 =	spop (v2sf)  }
.Ltmp6:
0xa1: {  	[tilespmem:s11+$0xE00] =	vst v15;
	s12 =	sadd.s32 s11, s12;
	(pc) =	sbr.rel @p0 .LBB2_4-.Ltmp6, $4  }
0xa2: {  	[tilespmem:s12+$0xE00] =	vst v12;
	s11 =	sadd.s32 s12, s7  }
0xa3: {  	s7 =	sshra.s32 s14, $0x2;
	[tilespmem:s12+$0x1200] =	vst v13  }
0xa4: {  	v13 =	vld [tilespmem:s7+$0x380]  }
0xa5: {  	s14 =	sadd.s32 $0x80, s14;
	v12 =	vld [tilespmem:s7+$0x10]  }
0xa6: {  	v14 =	vld [tilespmem:s7+$0x390];
	_ =	sdelay $0x4  }
0xa7: {  	vm4 =	vge.s32 v14, v10;
	vm5 =	vlt.s32 v14, v11  }
0xa8: {  	vm6 =	vge.s32 v13, v10;
	vm15 =	vlt.s32 v13, v11;
	vm4 =	vmand vm4, vm5  }
0xa9: {  	vm5 =	vmand vm6, vm15;
	v15 =	vsel vm4, $0x1, v1  }
0xaa: {  	v16 =	vsel vm5, $0x1, v1;
	v17 =	vperm.xlane v15, v2  }
0xab: {  	v18 =	vperm.xlane v16, v2  }
0xac: {  	v17 =	vsel vm3, $0x0, v17  }
0xad: {  	v18 =	vsel vm3, $0x0, v18;
	v15 =	vadd.s32 v15, v17  }
0xae: {  	v16 =	vadd.s32 v16, v18;
	v17 =	vperm.xlane v15, v4  }
0xaf: {  	v18 =	vperm.xlane v16, v4  }
0xb0: {  	v17 =	vsel vm0, $0x0, v17  }
0xb1: {  	v18 =	vsel vm0, $0x0, v18;
	v15 =	vadd.s32 v17, v15  }
0xb2: {  	v16 =	vadd.s32 v18, v16;
	v17 =	vperm.xlane v15, v5  }
0xb3: {  	v18 =	vperm.xlane v16, v5  }
0xb4: {  	v17 =	vsel vm1, $0x0, v17  }
0xb5: {  	v18 =	vsel vm1, $0x0, v18;
	v15 =	vadd.s32 v17, v15  }
0xb6: {  	v16 =	vadd.s32 v18, v16;
	v17 =	vperm.xlane v15, v6  }
0xb7: {  	v18 =	vperm.xlane v16, v6  }
0xb8: {  	v17 =	vsel vm2, $0x0, v17  }
0xb9: {  	v18 =	vsel vm2, $0x0, v18;
	v15 =	vadd.s32 v17, v15  }
0xba: {  	v16 =	vadd.s32 v18, v16;
	(v2sf) =	vpush v15, $0xF  }
0xbb: {  	(v2sf) =	vpush v16, $0xF  }
0xbc: {  	v48 =	vperm.xlane v16, v7;
	_ =	sdelay $0x1  }
0xbd: {  	vm3 =	vlt.s32 v48, v8  }
0xbe: {  	v49 =	vperm.xlane v15, v7;
	v50 =	vsel vm3, $0x8, v1  }
0xbf: {  	v19 =	vor.u32 $0x3, v50  }
0xc0: {  	vm3 =	vlt.s32 v49, v8;
	v51 =	vperm.xlane v16, v19  }
0xc1: {  	v52 =	vsel vm3, $0x8, v1  }
0xc2: {  	v21 =	vor.u32 $0x4, v50;
	v20 =	vor.u32 $0x3, v52;
	vm3 =	vlt.s32 v51, v8  }
0xc3: {  	v53 =	vperm.xlane v15, v20;
	v18 =	vsel vm3, v21, v50  }
0xc4: {  	v54 =	vor.u32 $0x1, v18  }
0xc5: {  	v55 =	vor.u32 $0x4, v52;
	vm3 =	vlt.s32 v53, v8;
	v56 =	vperm.xlane v16, v54  }
0xc6: {  	v19 =	vsel vm3, v55, v52  }
0xc7: {  	v22 =	vor.u32 $0x2, v18;
	v21 =	vor.u32 $0x1, v19;
	vm3 =	vlt.s32 v56, v8  }
0xc8: {  	v57 =	vld [tilespmem:s7+$0x0];
	v58 =	vperm.xlane v15, v21;
	v18 =	vsel vm3, v22, v18;
	s17 =	spop (v2sf)  }
0xc9: {  	v16 =	vperm.xlane v16, v18;
	s12 =	spop (v2sf)  }
0xca: {  	v59 =	vor.u32 $0x2, v19;
	vm3 =	vlt.s32 v58, v8;
	s12 =	sadd.s32 s11, s12  }
0xcb: {  	v17 =	vsel vm3, v59, v19;
	vm3 =	vlt.s32 v16, v8;
	s14 =	sadd.s32 s12, s17  }
0xcc: {  	v61 =	vsel vm3, $0x1, v1;
	s7 =	sand.u32 $0x7F, s14  }
0xcd: {  	v62 =	vsub.s32 v13, v10;
	v60 =	vshll.u32 v57, $0x2;
	v18 =	vor.u32 v61, v18;
	s16 =	sshra.s32 s14, $0x1F;
	p0 =	slt.s32 s14, $0x1;
	p1 =	sne.s32 s7, $0x0  }
0xce: {  	v16 =	vor.u32 v0, v60;
	v13 =	vperm.xlane v62, v18;
	s20 =	sshrl.u32 s16, $0x19;
	p0 =	por !p0, !p1  }
0xcf: {  	v15 =	vperm.xlane v15, v17;
	v16 =	vperm.xlane v16, v18;
	s16 =	simm.s32 $0x1;
	s7 =	sadd.s32 s20, s14;
	p0 =	por !p0, !p0  }
0xd0: {  	[tilespmem:s11+$0x1200] =	vst v13;
	s7 =	sshra.s32 s7, $0x7;
	s16 =	simm.s32 @!p0 $0x0  }
0xd1: {  	vm3 =	vlt.s32 v15, v8;
	[tilespmem:s11+$0xE00] =	vst v16;
	s11 =	ssub.s32 s7, s16  }
0xd2: {  	v12 =	vshll.u32 v12, $0x2;
	v15 =	vsel vm3, $0x1, v1;
	p1 =	slt.s32 s11, $0x1  }
.Ltmp7:
0xd3: {  	v12 =	vor.u32 v0, v12;
	v15 =	vor.u32 v15, v17;
	(pc) =	sbr.rel @p1 .LBB2_11-.Ltmp7, $4  }
0xd4: {  	v14 =	vsub.s32 v14, v10;
	v12 =	vperm.xlane v12, v15  }
0xd5: {  	v63 =	vperm.xlane v14, v15  }
0xd6: {  	[tilespmem:s12+$0xE00] =	vst v12  }
0xd7: {  	[tilespmem:s12+$0x1200] =	vst v63  }
0xd8: {  	[tilespmem:s24], [sflag:$0x3] =	stream.indirect.gather [hbm4b:s5+s22], $0x80, s23, s22, $0xb8;
	[tilespmem:$0x1DF40] =	vst v63  }
0xd9: {  	_ = 	snop  }
0xda: {  	[tilespmem:s26], [sflag:$0x4] =	stream.indirect.gather [hbm4b:s5+s22], $0x80, s25, s22, $0xb8;
	[tilespmem:$0x1DF40] =	vst v63  }
0xdb: {  	_ =	swait.ge [sflag:s28], $0x2000  }
0xdc: {  	[sflag:s28] =	ssyncset.done $0x0  }
0xdd: {  	[sflag:s28] =	ssyncadd.s32 $0xFFFFE000  }
0xde: {  	v12 =	vld [tilespmem:$0x1200]  }
0xdf: {  	v13 =	vld [tilespmem:$0x1210]  }
0xe0: {  	v14 =	vld [tilespmem:$0x1220]  }
0xe1: {  	v15 =	vld [tilespmem:$0x1230];
	_ =	sdelay $0x1  }
0xe2: {  	[tilespmem:$0x1600] =	vst v12  }
0xe3: {  	[tilespmem:$0x1610] =	vst v13  }
0xe4: {  	p1 =	seq.s32 s11, $0x1;
	[tilespmem:$0x1620] =	vst v14  }
0xe5: {  	s12 =	simm.s32 @!p1 $0x5;
	[tilespmem:$0x1630] =	vst v15  }
0xe6: {  	[spmem:s2] =	stream.indirect.scatter.add.f32 [tilespmem:s24], [sflag:$0x5], $0x80, s29, s22, $0xb8;
	[tilespmem:$0x1DF40] =	vst v63  }
0xe7: {  	_ =	swait.ge @!p1 [sflag:s12], $0x2000  }
0xe8: {  	s16 =	simm.s32 @!p1 $0xE80;
	[sflag:s12] =	ssyncset.done @!p1 $0x0  }
0xe9: {  	s17 =	simm.s32 @!p1 $0x1700;
	[sflag:s12] =	ssyncadd.s32 @!p1 $0xFFFFE000;
	s12 =	simm.s32 @!p1 $0x40  }
0xea: {  	[tilespmem:s17], [sflag:$0x3] =	stream.indirect.gather @!p1 [hbm4b:s5+s12], $0x80, s16, s12, $0xb8;
	[tilespmem:$0x1DF40] =	vst v63  }
0xeb: {  	_ =	swait.ge [sflag:s30], $0x2000  }
0xec: {  	[sflag:s30] =	ssyncset.done $0x0  }
0xed: {  	[sflag:s30] =	ssyncadd.s32 $0xFFFFE000  }
0xee: {  	v60 =	vld [tilespmem:$0x1240]  }
0xef: {  	v61 =	vld [tilespmem:$0x1250]  }
0xf0: {  	v62 =	vld [tilespmem:$0x1260]  }
0xf1: {  	v63 =	vld [tilespmem:$0x1270];
	_ =	sdelay $0x1  }
.Ltmp8:
0xf2: {  	[tilespmem:$0x1680] =	vst v60;
	(pc) =	sbr.rel @p1 .LBB2_10-.Ltmp8, $4  }
0xf3: {  	[tilespmem:$0x1690] =	vst v61  }
0xf4: {  	[tilespmem:$0x16A0] =	vst v62  }
0xf5: {  	[tilespmem:$0x16B0] =	vst v63  }
0xf6: {  	[spmem:s2] =	stream.indirect.scatter.add.f32 [tilespmem:s26], [sflag:$0x6], $0x80, s31, s22, $0xb8;
	[tilespmem:$0x1DF40] =	vst v63  }
0xf7: {  	_ =	swait.ge [sflag:s3], $0x2000  }
0xf8: {  	[sflag:s3] =	ssyncset.done $0x0  }
0xf9: {  	s12 =	simm.s32 $0xEC0;
	[sflag:s3] =	ssyncadd.s32 $0xFFFFE000  }
0xfa: {  	[tilespmem:s26], [sflag:$0x4] =	stream.indirect.gather [hbm4b:s5+s22], $0x80, s12, s22, $0xb8;
	[tilespmem:$0x1DF40] =	vst v63  }
0xfb: {  	_ =	swait.ge [sflag:s28], $0x2000  }
0xfc: {  	[sflag:s28] =	ssyncset.done $0x0  }
0xfd: {  	s12 =	simm.s32 $0x12F0;
	[sflag:s28] =	ssyncadd.s32 $0xFFFFE000  }
0xfe: {  	v12 =	vld [tilespmem:s12+$0xFFFFFF90];
	_ =	sdelay $0x4  }
0xff: {  	[tilespmem:$0x1600] =	vst v12  }
0x100: {  	v12 =	vld [tilespmem:s12+$0xFFFFFFA0];
	_ =	sdelay $0x4  }
0x101: {  	[tilespmem:$0x1610] =	vst v12  }
0x102: {  	v12 =	vld [tilespmem:s12+$0xFFFFFFB0];
	_ =	sdelay $0x4  }
0x103: {  	[tilespmem:$0x1620] =	vst v12  }
0x104: {  	v12 =	vld [tilespmem:s12+$0xFFFFFFC0];
	_ =	sdelay $0x3  }
0x105: {  	p1 =	sle.s32 s11, $0x2  }
0x106: {  	s17 =	simm.s32 @!p1 $0x5;
	[tilespmem:$0x1630] =	vst v12  }
0x107: {  	[spmem:s2] =	stream.indirect.scatter.add.f32 [tilespmem:s24], [sflag:$0x5], $0x80, s29, s22, $0xb8;
	[tilespmem:$0x1DF40] =	vst v63  }
0x108: {  	_ =	swait.ge @!p1 [sflag:s17], $0x2000  }
0x109: {  	s16 =	simm.s32 $0xF00;
	[sflag:s17] =	ssyncset.done @!p1 $0x0  }
0x10a: {  	s4 =	simm.s32 @!p1 $0x40;
	s20 =	simm.s32 @!p1 $0x1700;
	[sflag:s17] =	ssyncadd.s32 @!p1 $0xFFFFE000  }
0x10b: {  	[tilespmem:s20], [sflag:$0x3] =	stream.indirect.gather @!p1 [hbm4b:s5+s4], $0x80, s16, s4, $0xb8;
	[tilespmem:$0x1DF40] =	vst v63  }
0x10c: {  	_ =	swait.ge [sflag:s30], $0x2000  }
0x10d: {  	[sflag:s30] =	ssyncset.done $0x0  }
0x10e: {  	[sflag:s30] =	ssyncadd.s32 $0xFFFFE000  }
0x10f: {  	v12 =	vld [tilespmem:s12+$0xFFFFFFD0];
	_ =	sdelay $0x4  }
0x110: {  	[tilespmem:$0x1680] =	vst v12  }
0x111: {  	v12 =	vld [tilespmem:s12+$0xFFFFFFE0];
	_ =	sdelay $0x2  }
0x112: {  	s4 =	simm.s32 $0xFFFFFFFF  }
0x113: {  	s4 =	simm.s32 @!p0 $0x0  }
0x114: {  	s4 =	sadd.s32 s4, s7;
	[tilespmem:$0x1690] =	vst v12  }
0x115: {  	s17 =	sadd.s32 $0xFFFFFFFF, s4;
	v12 =	vld [tilespmem:s12+$0xFFFFFFF0]  }
0x116: {  	p0 =	sne.s32 s17, $0x1  }
.Ltmp9:
0x117: {  	_ = 	snop;
	(pc) =	sbr.rel @!p0 .LBB2_9-.Ltmp9, $3  }
0x118: {  	_ =	sdelay $0x1  }
0x119: {  	[tilespmem:$0x16A0] =	vst v12  }
0x11a: {  	s7 =	simm.s32 $0x1;
	v12 =	vld [tilespmem:s12+$0x0]  }
.LBB2_8:
0x11b: {  	_ =	sdelay $0x2  }
0x11c: {  	s16 =	sadd.s32 $0x80, s16  }
0x11d: {  	s12 =	sadd.s32 $0x80, s12;
	s4 =	smov.u32 s7;
	s7 =	sadd.s32 $0x1, s7;
	[tilespmem:$0x16B0] =	vst v12  }
0x11e: {  	[spmem:s2] =	stream.indirect.scatter.add.f32 [tilespmem:s26], [sflag:$0x6], $0x80, s31, s22, $0xb8;
	[tilespmem:$0x1DF40] =	vst v63  }
0x11f: {  	p0 =	sne.s32 s17, s7;
	_ =	swait.ge [sflag:s3], $0x2000  }
0x120: {  	s20 =	sadd.s32 $0xFFFFFFC0, s16;
	[sflag:s3] =	ssyncset.done $0x0  }
0x121: {  	[sflag:s3] =	ssyncadd.s32 $0xFFFFE000  }
0x122: {  	[tilespmem:s26], [sflag:$0x4] =	stream.indirect.gather [hbm4b:s5+s22], $0x80, s20, s22, $0xb8;
	[tilespmem:$0x1DF40] =	vst v63  }
0x123: {  	_ =	swait.ge [sflag:s28], $0x2000  }
0x124: {  	[sflag:s28] =	ssyncset.done $0x0  }
0x125: {  	[sflag:s28] =	ssyncadd.s32 $0xFFFFE000  }
0x126: {  	v12 =	vld [tilespmem:s12+$0xFFFFFF90];
	_ =	sdelay $0x4  }
0x127: {  	[tilespmem:$0x1600] =	vst v12  }
0x128: {  	v12 =	vld [tilespmem:s12+$0xFFFFFFA0];
	_ =	sdelay $0x4  }
0x129: {  	[tilespmem:$0x1610] =	vst v12  }
0x12a: {  	v12 =	vld [tilespmem:s12+$0xFFFFFFB0];
	_ =	sdelay $0x4  }
0x12b: {  	[tilespmem:$0x1620] =	vst v12  }
0x12c: {  	v12 =	vld [tilespmem:s12+$0xFFFFFFC0];
	_ =	sdelay $0x2  }
0x12d: {  	s4 =	sadd.s32 $0x2, s4  }
0x12e: {  	p1 =	sge.s32 s4, s11  }
0x12f: {  	s4 =	simm.s32 @!p1 $0x5;
	[tilespmem:$0x1630] =	vst v12  }
0x130: {  	[spmem:s2] =	stream.indirect.scatter.add.f32 [tilespmem:s24], [sflag:$0x5], $0x80, s29, s22, $0xb8;
	[tilespmem:$0x1DF40] =	vst v63  }
0x131: {  	_ =	swait.ge @!p1 [sflag:s4], $0x2000  }
0x132: {  	s21 =	simm.s32 @!p1 $0x1700;
	s20 =	simm.s32 @!p1 $0x40;
	[sflag:s4] =	ssyncset.done @!p1 $0x0  }
0x133: {  	[sflag:s4] =	ssyncadd.s32 @!p1 $0xFFFFE000  }
0x134: {  	[tilespmem:s21], [sflag:$0x3] =	stream.indirect.gather @!p1 [hbm4b:s5+s20], $0x80, s16, s20, $0xb8;
	[tilespmem:$0x1DF40] =	vst v63  }
0x135: {  	_ =	swait.ge [sflag:s30], $0x2000  }
0x136: {  	[sflag:s30] =	ssyncset.done $0x0  }
0x137: {  	[sflag:s30] =	ssyncadd.s32 $0xFFFFE000  }
0x138: {  	v12 =	vld [tilespmem:s12+$0xFFFFFFD0];
	_ =	sdelay $0x4  }
0x139: {  	[tilespmem:$0x1680] =	vst v12  }
0x13a: {  	v12 =	vld [tilespmem:s12+$0xFFFFFFE0];
	_ =	sdelay $0x4  }
0x13b: {  	[tilespmem:$0x1690] =	vst v12  }
0x13c: {  	v12 =	vld [tilespmem:s12+$0xFFFFFFF0];
	_ =	sdelay $0x1  }
.Ltmp10:
0x13d: {  	(pc) =	sbr.rel @p0 .LBB2_8-.Ltmp10, $3  }
0x13e: {  	_ =	sdelay $0x1  }
0x13f: {  	[tilespmem:$0x16A0] =	vst v12  }
0x140: {  	v12 =	vld [tilespmem:s12+$0x0]  }
.LBB2_9:
0x141: {  	_ =	sdelay $0x3  }
0x142: {  	s21 =	simm.s32 $0x700;
	[tilespmem:$0x16B0] =	vst v12  }
0x143: {  	[spmem:s2] =	stream.indirect.scatter.add.f32 [tilespmem:s26], [sflag:$0x6], $0x80, s31, s22, $0xb8;
	[tilespmem:$0x1DF40] =	vst v63  }
.LBB2_10:
0x144: {  	_ =	swait.ge [sflag:s0], $0x2000  }
0x145: {  	[sflag:s0] =	ssyncset.done $0x0  }
0x146: {  	[sflag:s0] =	ssyncadd.s32 $0xFFFFE000  }
0x147: {  	_ =	swait.ge [sflag:s3], $0x2000  }
0x148: {  	[sflag:s3] =	ssyncset.done $0x0  }
0x149: {  	[sflag:s3] =	ssyncadd.s32 $0xFFFFE000  }
.LBB2_11:
0x14a: {  	s4 =	sshll.u32 s11, $0x7  }
0x14b: {  	v12 =	vld [tilespmem:s4+$0xE00]  }
0x14c: {  	v13 =	vld [tilespmem:s4+$0x1200];
	_ =	sdelay $0x3  }
0x14d: {  	[tilespmem:$0xE00] =	vst v12  }
0x14e: {  	[tilespmem:$0x1200] =	vst v13  }
0x14f: {  	v12 =	vld [tilespmem:s4+$0xE10]  }
0x150: {  	v13 =	vld [tilespmem:s4+$0x1210];
	_ =	sdelay $0x3  }
0x151: {  	[tilespmem:$0xE10] =	vst v12  }
0x152: {  	[tilespmem:$0x1210] =	vst v13  }
0x153: {  	v12 =	vld [tilespmem:s4+$0xE20]  }
0x154: {  	v13 =	vld [tilespmem:s4+$0x1220];
	_ =	sdelay $0x3  }
0x155: {  	[tilespmem:$0xE20] =	vst v12  }
0x156: {  	[tilespmem:$0x1220] =	vst v13  }
0x157: {  	v12 =	vld [tilespmem:s4+$0xE30]  }
0x158: {  	v13 =	vld [tilespmem:s4+$0x1230];
	_ =	sdelay $0x3  }
0x159: {  	[tilespmem:$0xE30] =	vst v12  }
0x15a: {  	[tilespmem:$0x1230] =	vst v13  }
0x15b: {  	v12 =	vld [tilespmem:s4+$0xE40]  }
0x15c: {  	v13 =	vld [tilespmem:s4+$0x1240];
	_ =	sdelay $0x3  }
0x15d: {  	[tilespmem:$0xE40] =	vst v12  }
0x15e: {  	[tilespmem:$0x1240] =	vst v13  }
0x15f: {  	v12 =	vld [tilespmem:s4+$0xE50]  }
0x160: {  	v13 =	vld [tilespmem:s4+$0x1250];
	_ =	sdelay $0x3  }
0x161: {  	[tilespmem:$0xE50] =	vst v12  }
0x162: {  	[tilespmem:$0x1250] =	vst v13  }
0x163: {  	v12 =	vld [tilespmem:s4+$0xE60]  }
0x164: {  	v13 =	vld [tilespmem:s4+$0x1260];
	_ =	sdelay $0x3  }
0x165: {  	[tilespmem:$0xE60] =	vst v12  }
0x166: {  	[tilespmem:$0x1260] =	vst v13  }
0x167: {  	v12 =	vld [tilespmem:s4+$0xE70]  }
0x168: {  	v13 =	vld [tilespmem:s4+$0x1270];
	_ =	sdelay $0x3  }
0x169: {  	[tilespmem:$0xE70] =	vst v12  }
0x16a: {  	[tilespmem:$0x1270] =	vst v13  }
0x16b: {  	_ =	swait.ge [sflag:s15], $0x320  }
0x16c: {  	[sflag:s15] =	ssyncset.done $0x0  }
0x16d: {  	[sflag:s15] =	ssyncadd.s32 $0xFFFFFCE0  }
0x16e: {  	_ =	swait.ge [sflag:s15], $0x320  }
0x16f: {  	s7 =	sadd.s32 $0xC8, s13;
	[sflag:s15] =	ssyncset.done $0x0  }
0x170: {  	s12 =	simm.s32 $0x0;
	s20 =	sadd.s32 s1, s7;
	[sflag:s15] =	ssyncadd.s32 $0xFFFFFCE0  }
0x171: {  	[tilespmem:s12], [sflag:$0x1] =	stream.linear.gather [hbm4b:s20+s12], $0x320, $0x38;
	[tilespmem:$0x1DF40] =	vst v63  }
0x172: {  	s7 =	sadd.s32 s6, s7  }
0x173: {  	[tilespmem:s18], [sflag:$0x1] =	stream.linear.gather [hbm4b:s7+s12], $0x320, $0x38;
	[tilespmem:$0x1DF40] =	vst v63  }
0x174: {  	s7 =	simm.s32 $0x0  }
0x175: {  	v13 =	vld [tilespmem:s7+$0xA80]  }
0x176: {  	s11 =	simm.s32 $0x80;
	s13 =	ssub.s32 s14, s4;
	v12 =	vld [tilespmem:s7+$0x710]  }
.LBB2_12:
0x177: {  	p0 =	sne.s32 s11, $0xC00;
	v14 =	vld [tilespmem:s7+$0xA90]  }
0x178: {  	v15 =	vld [tilespmem:s7+$0x700];
	_ =	sdelay $0x1  }
0x179: {  	vm3 =	vge.s32 v13, v10;
	vm4 =	vlt.s32 v13, v11  }
0x17a: {  	vm3 =	vmand vm3, vm4  }
0x17b: {  	v16 =	vsel vm3, $0x1, v1;
	vm3 =	vge.s32 v14, v10;
	vm4 =	vlt.s32 v14, v11  }
0x17c: {  	v14 =	vsub.s32 v14, v10;
	v17 =	vperm.xlane v16, v2;
	vm4 =	vmand vm3, vm4  }
0x17d: {  	vm3 =	veq.s32 v3, $0x0;
	v18 =	vsel vm4, $0x1, v1  }
0x17e: {  	v17 =	vsel vm3, $0x0, v17;
	v19 =	vperm.xlane v18, v2  }
0x17f: {  	v16 =	vadd.s32 v16, v17  }
0x180: {  	v17 =	vperm.xlane v16, v4;
	v19 =	vsel vm3, $0x0, v19  }
0x181: {  	v18 =	vadd.s32 v18, v19  }
0x182: {  	v17 =	vsel vm0, $0x0, v17;
	v19 =	vperm.xlane v18, v4  }
0x183: {  	v16 =	vadd.s32 v17, v16  }
0x184: {  	v17 =	vperm.xlane v16, v5;
	v19 =	vsel vm0, $0x0, v19  }
0x185: {  	v18 =	vadd.s32 v19, v18  }
0x186: {  	v17 =	vsel vm1, $0x0, v17;
	v19 =	vperm.xlane v18, v5  }
0x187: {  	v16 =	vadd.s32 v17, v16  }
0x188: {  	v17 =	vperm.xlane v16, v6;
	v19 =	vsel vm1, $0x0, v19  }
0x189: {  	v18 =	vadd.s32 v19, v18  }
0x18a: {  	v17 =	vsel vm2, $0x0, v17;
	v19 =	vperm.xlane v18, v6  }
0x18b: {  	v16 =	vadd.s32 v17, v16  }
0x18c: {  	v17 =	vperm.xlane v16, v7;
	v19 =	vsel vm2, $0x0, v19  }
0x18d: {  	v18 =	vadd.s32 v19, v18  }
0x18e: {  	vm4 =	vlt.s32 v17, v8;
	v17 =	vperm.xlane v18, v7;
	(v2sf) =	vpush v18, $0xF  }
0x18f: {  	v19 =	vsel vm4, $0x8, v1  }
0x190: {  	v20 =	vor.u32 $0x3, v19;
	vm4 =	vlt.s32 v17, v8  }
0x191: {  	v17 =	vperm.xlane v16, v20;
	v20 =	vsel vm4, $0x8, v1  }
0x192: {  	v21 =	vor.u32 $0x3, v20;
	(v2sf) =	vpush v16, $0xF  }
0x193: {  	v22 =	vor.u32 $0x4, v19;
	vm4 =	vlt.s32 v17, v8;
	v17 =	vperm.xlane v18, v21  }
0x194: {  	v19 =	vsel vm4, v22, v19  }
0x195: {  	v22 =	vor.u32 $0x4, v20;
	v21 =	vor.u32 $0x1, v19;
	vm4 =	vlt.s32 v17, v8  }
0x196: {  	v17 =	vperm.xlane v16, v21;
	v20 =	vsel vm4, v22, v20  }
0x197: {  	v21 =	vor.u32 $0x1, v20  }
0x198: {  	v22 =	vor.u32 $0x2, v19;
	vm4 =	vlt.s32 v17, v8;
	v17 =	vperm.xlane v18, v21  }
0x199: {  	v19 =	vsel vm4, v22, v19  }
0x19a: {  	v21 =	vor.u32 $0x2, v20;
	v16 =	vperm.xlane v16, v19;
	vm4 =	vlt.s32 v17, v8  }
0x19b: {  	v17 =	vsel vm4, v21, v20  }
0x19c: {  	v15 =	vshll.u32 v15, $0x2;
	vm4 =	vlt.s32 v16, v8;
	v16 =	vperm.xlane v18, v17  }
0x19d: {  	v15 =	vor.u32 v0, v15;
	v18 =	vsel vm4, $0x1, v1;
	s4 =	spop (v2sf)  }
0x19e: {  	v13 =	vsub.s32 v13, v10;
	v18 =	vor.u32 v18, v19;
	vm4 =	vlt.s32 v16, v8  }
0x19f: {  	v12 =	vshll.u32 v12, $0x2;
	v13 =	vperm.xlane v13, v18;
	v16 =	vsel vm4, $0x1, v1  }
0x1a0: {  	v12 =	vor.u32 v0, v12;
	v15 =	vperm.xlane v15, v18;
	v16 =	vor.u32 v16, v17  }
0x1a1: {  	[tilespmem:s13+$0x1200] =	vst v13;
	v13 =	vperm.xlane v14, v16;
	v12 =	vperm.xlane v12, v16;
	s7 =	spop (v2sf)  }
.Ltmp11:
0x1a2: {  	[tilespmem:s13+$0xE00] =	vst v15;
	s12 =	sadd.s32 s13, s7;
	(pc) =	sbr.rel @p0 .LBB2_12-.Ltmp11, $4  }
0x1a3: {  	[tilespmem:s12+$0xE00] =	vst v12;
	s13 =	sadd.s32 s12, s4  }
0x1a4: {  	s7 =	sshra.s32 s11, $0x2;
	[tilespmem:s12+$0x1200] =	vst v13  }
0x1a5: {  	v13 =	vld [tilespmem:s7+$0xA80]  }
0x1a6: {  	s11 =	sadd.s32 $0x80, s11;
	v12 =	vld [tilespmem:s7+$0x710]  }
0x1a7: {  	v14 =	vld [tilespmem:s7+$0xA90];
	_ =	sdelay $0x4  }
0x1a8: {  	vm4 =	vge.s32 v14, v10;
	vm5 =	vlt.s32 v14, v11  }
0x1a9: {  	vm6 =	vge.s32 v13, v10;
	vm15 =	vlt.s32 v13, v11;
	vm4 =	vmand vm4, vm5  }
0x1aa: {  	vm5 =	vmand vm6, vm15;
	v15 =	vsel vm4, $0x1, v1  }
0x1ab: {  	v16 =	vsel vm5, $0x1, v1;
	v17 =	vperm.xlane v15, v2  }
0x1ac: {  	v18 =	vperm.xlane v16, v2  }
0x1ad: {  	v17 =	vsel vm3, $0x0, v17  }
0x1ae: {  	v18 =	vsel vm3, $0x0, v18;
	v15 =	vadd.s32 v15, v17  }
0x1af: {  	v16 =	vadd.s32 v16, v18;
	v17 =	vperm.xlane v15, v4  }
0x1b0: {  	v18 =	vperm.xlane v16, v4  }
0x1b1: {  	v17 =	vsel vm0, $0x0, v17  }
0x1b2: {  	v18 =	vsel vm0, $0x0, v18;
	v15 =	vadd.s32 v17, v15  }
0x1b3: {  	v16 =	vadd.s32 v18, v16;
	v17 =	vperm.xlane v15, v5  }
0x1b4: {  	v18 =	vperm.xlane v16, v5  }
0x1b5: {  	v17 =	vsel vm1, $0x0, v17  }
0x1b6: {  	v18 =	vsel vm1, $0x0, v18;
	v15 =	vadd.s32 v17, v15  }
0x1b7: {  	v16 =	vadd.s32 v18, v16;
	v17 =	vperm.xlane v15, v6  }
0x1b8: {  	v18 =	vperm.xlane v16, v6  }
0x1b9: {  	v17 =	vsel vm2, $0x0, v17  }
0x1ba: {  	v18 =	vsel vm2, $0x0, v18;
	v15 =	vadd.s32 v17, v15  }
0x1bb: {  	v16 =	vadd.s32 v18, v16;
	(v2sf) =	vpush v15, $0xF  }
0x1bc: {  	(v2sf) =	vpush v16, $0xF  }
0x1bd: {  	v48 =	vperm.xlane v16, v7;
	_ =	sdelay $0x1  }
0x1be: {  	vm3 =	vlt.s32 v48, v8  }
0x1bf: {  	v49 =	vperm.xlane v15, v7;
	v50 =	vsel vm3, $0x8, v1  }
0x1c0: {  	v19 =	vor.u32 $0x3, v50  }
0x1c1: {  	vm3 =	vlt.s32 v49, v8;
	v51 =	vperm.xlane v16, v19  }
0x1c2: {  	v52 =	vsel vm3, $0x8, v1  }
0x1c3: {  	v21 =	vor.u32 $0x4, v50;
	v20 =	vor.u32 $0x3, v52;
	vm3 =	vlt.s32 v51, v8  }
0x1c4: {  	v53 =	vperm.xlane v15, v20;
	v18 =	vsel vm3, v21, v50  }
0x1c5: {  	v54 =	vor.u32 $0x1, v18  }
0x1c6: {  	v55 =	vor.u32 $0x4, v52;
	vm3 =	vlt.s32 v53, v8;
	v56 =	vperm.xlane v16, v54  }
0x1c7: {  	v19 =	vsel vm3, v55, v52  }
0x1c8: {  	v22 =	vor.u32 $0x2, v18;
	v21 =	vor.u32 $0x1, v19;
	vm3 =	vlt.s32 v56, v8  }
0x1c9: {  	v57 =	vld [tilespmem:s7+$0x700];
	v58 =	vperm.xlane v15, v21;
	v18 =	vsel vm3, v22, v18;
	s4 =	spop (v2sf)  }
0x1ca: {  	v16 =	vperm.xlane v16, v18;
	s16 =	spop (v2sf)  }
0x1cb: {  	v59 =	vor.u32 $0x2, v19;
	vm3 =	vlt.s32 v58, v8;
	s12 =	sadd.s32 s13, s16  }
0x1cc: {  	v17 =	vsel vm3, v59, v19;
	vm3 =	vlt.s32 v16, v8;
	s11 =	sadd.s32 s12, s4  }
0x1cd: {  	v61 =	vsel vm3, $0x1, v1;
	s4 =	sand.u32 $0x7F, s11  }
0x1ce: {  	v62 =	vsub.s32 v13, v10;
	v60 =	vshll.u32 v57, $0x2;
	v18 =	vor.u32 v61, v18;
	s17 =	sshra.s32 s11, $0x1F;
	p0 =	slt.s32 s11, $0x1;
	p1 =	sne.s32 s4, $0x0  }
0x1cf: {  	v16 =	vor.u32 v0, v60;
	v13 =	vperm.xlane v62, v18;
	s20 =	sshrl.u32 s17, $0x19;
	p0 =	por !p0, !p1  }
0x1d0: {  	s14 =	simm.s32 $0x1;
	v15 =	vperm.xlane v15, v17;
	v16 =	vperm.xlane v16, v18;
	s4 =	sadd.s32 s20, s11;
	p0 =	por !p0, !p0  }
0x1d1: {  	[tilespmem:s13+$0x1200] =	vst v13;
	s7 =	sshra.s32 s4, $0x7;
	s14 =	simm.s32 @!p0 $0x0  }
0x1d2: {  	vm3 =	vlt.s32 v15, v8;
	[tilespmem:s13+$0xE00] =	vst v16;
	s13 =	ssub.s32 s7, s14  }
0x1d3: {  	v12 =	vshll.u32 v12, $0x2;
	v15 =	vsel vm3, $0x1, v1;
	p1 =	slt.s32 s13, $0x1  }
.Ltmp12:
0x1d4: {  	v12 =	vor.u32 v0, v12;
	v15 =	vor.u32 v15, v17;
	(pc) =	sbr.rel @p1 .LBB2_19-.Ltmp12, $4  }
0x1d5: {  	v14 =	vsub.s32 v14, v10;
	v12 =	vperm.xlane v12, v15  }
0x1d6: {  	v63 =	vperm.xlane v14, v15  }
0x1d7: {  	[tilespmem:s12+$0xE00] =	vst v12  }
0x1d8: {  	[tilespmem:s12+$0x1200] =	vst v63  }
0x1d9: {  	[tilespmem:s24], [sflag:$0x3] =	stream.indirect.gather [hbm4b:s5+s22], $0x80, s23, s22, $0xb8;
	[tilespmem:$0x1DF40] =	vst v63  }
0x1da: {  	_ = 	snop  }
0x1db: {  	[tilespmem:s26], [sflag:$0x4] =	stream.indirect.gather [hbm4b:s5+s22], $0x80, s25, s22, $0xb8;
	[tilespmem:$0x1DF40] =	vst v63  }
0x1dc: {  	_ =	swait.ge [sflag:s28], $0x2000  }
0x1dd: {  	[sflag:s28] =	ssyncset.done $0x0  }
0x1de: {  	[sflag:s28] =	ssyncadd.s32 $0xFFFFE000  }
0x1df: {  	v12 =	vld [tilespmem:$0x1200]  }
0x1e0: {  	v13 =	vld [tilespmem:$0x1210]  }
0x1e1: {  	v14 =	vld [tilespmem:$0x1220]  }
0x1e2: {  	v15 =	vld [tilespmem:$0x1230];
	_ =	sdelay $0x1  }
0x1e3: {  	[tilespmem:$0x1600] =	vst v12  }
0x1e4: {  	[tilespmem:$0x1610] =	vst v13  }
0x1e5: {  	p1 =	seq.s32 s13, $0x1;
	[tilespmem:$0x1620] =	vst v14  }
0x1e6: {  	s4 =	simm.s32 @!p1 $0x5;
	[tilespmem:$0x1630] =	vst v15  }
0x1e7: {  	[spmem:s2] =	stream.indirect.scatter.add.f32 [tilespmem:s24], [sflag:$0x5], $0x80, s29, s22, $0xb8;
	[tilespmem:$0x1DF40] =	vst v63  }
0x1e8: {  	_ =	swait.ge @!p1 [sflag:s4], $0x2000  }
0x1e9: {  	s12 =	simm.s32 @!p1 $0xE80;
	[sflag:s4] =	ssyncset.done @!p1 $0x0  }
0x1ea: {  	s14 =	simm.s32 @!p1 $0x1700;
	[sflag:s4] =	ssyncadd.s32 @!p1 $0xFFFFE000;
	s4 =	simm.s32 @!p1 $0x40  }
0x1eb: {  	[tilespmem:s14], [sflag:$0x3] =	stream.indirect.gather @!p1 [hbm4b:s5+s4], $0x80, s12, s4, $0xb8;
	[tilespmem:$0x1DF40] =	vst v63  }
0x1ec: {  	_ =	swait.ge [sflag:s30], $0x2000  }
0x1ed: {  	[sflag:s30] =	ssyncset.done $0x0  }
0x1ee: {  	[sflag:s30] =	ssyncadd.s32 $0xFFFFE000  }
0x1ef: {  	v60 =	vld [tilespmem:$0x1240]  }
0x1f0: {  	v61 =	vld [tilespmem:$0x1250]  }
0x1f1: {  	v62 =	vld [tilespmem:$0x1260]  }
0x1f2: {  	v63 =	vld [tilespmem:$0x1270];
	_ =	sdelay $0x1  }
.Ltmp13:
0x1f3: {  	[tilespmem:$0x1680] =	vst v60;
	(pc) =	sbr.rel @p1 .LBB2_18-.Ltmp13, $4  }
0x1f4: {  	[tilespmem:$0x1690] =	vst v61  }
0x1f5: {  	[tilespmem:$0x16A0] =	vst v62  }
0x1f6: {  	[tilespmem:$0x16B0] =	vst v63  }
0x1f7: {  	[spmem:s2] =	stream.indirect.scatter.add.f32 [tilespmem:s26], [sflag:$0x6], $0x80, s31, s22, $0xb8;
	[tilespmem:$0x1DF40] =	vst v63  }
0x1f8: {  	_ =	swait.ge [sflag:s3], $0x2000  }
0x1f9: {  	[sflag:s3] =	ssyncset.done $0x0  }
0x1fa: {  	s4 =	simm.s32 $0xEC0;
	[sflag:s3] =	ssyncadd.s32 $0xFFFFE000  }
0x1fb: {  	[tilespmem:s26], [sflag:$0x4] =	stream.indirect.gather [hbm4b:s5+s22], $0x80, s4, s22, $0xb8;
	[tilespmem:$0x1DF40] =	vst v63  }
0x1fc: {  	_ =	swait.ge [sflag:s28], $0x2000  }
0x1fd: {  	[sflag:s28] =	ssyncset.done $0x0  }
0x1fe: {  	s12 =	simm.s32 $0x12F0;
	[sflag:s28] =	ssyncadd.s32 $0xFFFFE000  }
0x1ff: {  	v12 =	vld [tilespmem:s12+$0xFFFFFF90];
	_ =	sdelay $0x4  }
0x200: {  	[tilespmem:$0x1600] =	vst v12  }
0x201: {  	v12 =	vld [tilespmem:s12+$0xFFFFFFA0];
	_ =	sdelay $0x4  }
0x202: {  	[tilespmem:$0x1610] =	vst v12  }
0x203: {  	v12 =	vld [tilespmem:s12+$0xFFFFFFB0];
	_ =	sdelay $0x4  }
0x204: {  	[tilespmem:$0x1620] =	vst v12  }
0x205: {  	v12 =	vld [tilespmem:s12+$0xFFFFFFC0];
	_ =	sdelay $0x3  }
0x206: {  	p1 =	sle.s32 s13, $0x2  }
0x207: {  	s4 =	simm.s32 @!p1 $0x5;
	[tilespmem:$0x1630] =	vst v12  }
0x208: {  	[spmem:s2] =	stream.indirect.scatter.add.f32 [tilespmem:s24], [sflag:$0x5], $0x80, s29, s22, $0xb8;
	[tilespmem:$0x1DF40] =	vst v63  }
0x209: {  	_ =	swait.ge @!p1 [sflag:s4], $0x2000  }
0x20a: {  	s14 =	simm.s32 $0xF00;
	[sflag:s4] =	ssyncset.done @!p1 $0x0  }
0x20b: {  	s16 =	simm.s32 @!p1 $0x40;
	s17 =	simm.s32 @!p1 $0x1700;
	[sflag:s4] =	ssyncadd.s32 @!p1 $0xFFFFE000  }
0x20c: {  	[tilespmem:s17], [sflag:$0x3] =	stream.indirect.gather @!p1 [hbm4b:s5+s16], $0x80, s14, s16, $0xb8;
	[tilespmem:$0x1DF40] =	vst v63  }
0x20d: {  	_ =	swait.ge [sflag:s30], $0x2000  }
0x20e: {  	[sflag:s30] =	ssyncset.done $0x0  }
0x20f: {  	[sflag:s30] =	ssyncadd.s32 $0xFFFFE000  }
0x210: {  	v12 =	vld [tilespmem:s12+$0xFFFFFFD0];
	_ =	sdelay $0x4  }
0x211: {  	[tilespmem:$0x1680] =	vst v12  }
0x212: {  	v12 =	vld [tilespmem:s12+$0xFFFFFFE0];
	_ =	sdelay $0x4  }
0x213: {  	[tilespmem:$0x1690] =	vst v12  }
0x214: {  	v12 =	vld [tilespmem:s12+$0xFFFFFFF0]  }
0x215: {  	s4 =	simm.s32 $0xFFFFFFFF  }
0x216: {  	s4 =	simm.s32 @!p0 $0x0  }
0x217: {  	s4 =	sadd.s32 s4, s7  }
0x218: {  	s16 =	sadd.s32 $0xFFFFFFFF, s4  }
0x219: {  	p0 =	sne.s32 s16, $0x1;
	[tilespmem:$0x16A0] =	vst v12  }
.Ltmp14:
0x21a: {  	v12 =	vld [tilespmem:s12+$0x0];
	(pc) =	sbr.rel @!p0 .LBB2_17-.Ltmp14, $2  }
0x21b: {  	_ =	sdelay $0x2  }
0x21c: {  	s7 =	simm.s32 $0x1  }
.LBB2_16:
0x21d: {  	s14 =	sadd.s32 $0x80, s14  }
0x21e: {  	[tilespmem:$0x16B0] =	vst v12;
	s12 =	sadd.s32 $0x80, s12;
	s4 =	smov.u32 s7;
	s7 =	sadd.s32 $0x1, s7  }
0x21f: {  	[spmem:s2] =	stream.indirect.scatter.add.f32 [tilespmem:s26], [sflag:$0x6], $0x80, s31, s22, $0xb8;
	[tilespmem:$0x1DF40] =	vst v63  }
0x220: {  	p0 =	sne.s32 s16, s7;
	_ =	swait.ge [sflag:s3], $0x2000  }
0x221: {  	s17 =	sadd.s32 $0xFFFFFFC0, s14;
	[sflag:s3] =	ssyncset.done $0x0  }
0x222: {  	[sflag:s3] =	ssyncadd.s32 $0xFFFFE000  }
0x223: {  	[tilespmem:s26], [sflag:$0x4] =	stream.indirect.gather [hbm4b:s5+s22], $0x80, s17, s22, $0xb8;
	[tilespmem:$0x1DF40] =	vst v63  }
0x224: {  	_ =	swait.ge [sflag:s28], $0x2000  }
0x225: {  	[sflag:s28] =	ssyncset.done $0x0  }
0x226: {  	[sflag:s28] =	ssyncadd.s32 $0xFFFFE000  }
0x227: {  	v12 =	vld [tilespmem:s12+$0xFFFFFF90];
	_ =	sdelay $0x4  }
0x228: {  	[tilespmem:$0x1600] =	vst v12  }
0x229: {  	v12 =	vld [tilespmem:s12+$0xFFFFFFA0];
	_ =	sdelay $0x4  }
0x22a: {  	[tilespmem:$0x1610] =	vst v12  }
0x22b: {  	v12 =	vld [tilespmem:s12+$0xFFFFFFB0];
	_ =	sdelay $0x4  }
0x22c: {  	[tilespmem:$0x1620] =	vst v12  }
0x22d: {  	v12 =	vld [tilespmem:s12+$0xFFFFFFC0];
	_ =	sdelay $0x2  }
0x22e: {  	s4 =	sadd.s32 $0x2, s4  }
0x22f: {  	p1 =	sge.s32 s4, s13  }
0x230: {  	s4 =	simm.s32 @!p1 $0x5;
	[tilespmem:$0x1630] =	vst v12  }
0x231: {  	[spmem:s2] =	stream.indirect.scatter.add.f32 [tilespmem:s24], [sflag:$0x5], $0x80, s29, s22, $0xb8;
	[tilespmem:$0x1DF40] =	vst v63  }
0x232: {  	_ =	swait.ge @!p1 [sflag:s4], $0x2000  }
0x233: {  	s20 =	simm.s32 @!p1 $0x1700;
	s17 =	simm.s32 @!p1 $0x40;
	[sflag:s4] =	ssyncset.done @!p1 $0x0  }
0x234: {  	[sflag:s4] =	ssyncadd.s32 @!p1 $0xFFFFE000  }
0x235: {  	[tilespmem:s20], [sflag:$0x3] =	stream.indirect.gather @!p1 [hbm4b:s5+s17], $0x80, s14, s17, $0xb8;
	[tilespmem:$0x1DF40] =	vst v63  }
0x236: {  	_ =	swait.ge [sflag:s30], $0x2000  }
0x237: {  	[sflag:s30] =	ssyncset.done $0x0  }
0x238: {  	[sflag:s30] =	ssyncadd.s32 $0xFFFFE000  }
0x239: {  	v12 =	vld [tilespmem:s12+$0xFFFFFFD0];
	_ =	sdelay $0x4  }
0x23a: {  	[tilespmem:$0x1680] =	vst v12  }
0x23b: {  	v12 =	vld [tilespmem:s12+$0xFFFFFFE0];
	_ =	sdelay $0x4  }
0x23c: {  	[tilespmem:$0x1690] =	vst v12  }
0x23d: {  	v12 =	vld [tilespmem:s12+$0xFFFFFFF0];
	_ =	sdelay $0x1  }
.Ltmp15:
0x23e: {  	(pc) =	sbr.rel @p0 .LBB2_16-.Ltmp15, $3  }
0x23f: {  	_ =	sdelay $0x1  }
0x240: {  	[tilespmem:$0x16A0] =	vst v12  }
0x241: {  	v12 =	vld [tilespmem:s12+$0x0]  }
.Ltmp16:
0x242: {  	_ = 	snop;
	(pc) =	sbr.rel .LBB2_17-.Ltmp16, $1  }
0x243: {  	_ =	sdelay $0x3  }
.LBB2_20:
0x244: {  	_ =	swait.ge [sflag:s19], $0x320  }
0x245: {  	[sflag:s19] =	ssyncset.done $0x0  }
0x246: {  	[sflag:s19] =	ssyncadd.s32 $0xFFFFFCE0  }
0x247: {  	_ =	swait.ge [sflag:s19], $0x320  }
0x248: {  	[sflag:s19] =	ssyncset.done $0x0  }
0x249: {  	s7 =	simm.s32 $0x0;
	[sflag:s19] =	ssyncadd.s32 $0xFFFFFCE0  }
0x24a: {  	v13 =	vld [tilespmem:s7+$0x380]  }
0x24b: {  	s9 =	simm.s32 $0x80;
	v12 =	vld [tilespmem:s7+$0x10]  }
.LBB2_21:
0x24c: {  	p0 =	sne.s32 s9, $0xC00;
	v14 =	vld [tilespmem:s7+$0x390]  }
0x24d: {  	v15 =	vld [tilespmem:s7+$0x0];
	_ =	sdelay $0x1  }
0x24e: {  	vm3 =	vge.s32 v13, v10;
	vm4 =	vlt.s32 v13, v11  }
0x24f: {  	vm3 =	vmand vm3, vm4  }
0x250: {  	v16 =	vsel vm3, $0x1, v1;
	vm3 =	vge.s32 v14, v10;
	vm4 =	vlt.s32 v14, v11  }
0x251: {  	v14 =	vsub.s32 v14, v10;
	v17 =	vperm.xlane v16, v2;
	vm4 =	vmand vm3, vm4  }
0x252: {  	vm3 =	veq.s32 v3, $0x0;
	v18 =	vsel vm4, $0x1, v1  }
0x253: {  	v17 =	vsel vm3, $0x0, v17;
	v19 =	vperm.xlane v18, v2  }
0x254: {  	v16 =	vadd.s32 v16, v17  }
0x255: {  	v17 =	vperm.xlane v16, v4;
	v19 =	vsel vm3, $0x0, v19  }
0x256: {  	v18 =	vadd.s32 v18, v19  }
0x257: {  	v17 =	vsel vm0, $0x0, v17;
	v19 =	vperm.xlane v18, v4  }
0x258: {  	v16 =	vadd.s32 v17, v16  }
0x259: {  	v17 =	vperm.xlane v16, v5;
	v19 =	vsel vm0, $0x0, v19  }
0x25a: {  	v18 =	vadd.s32 v19, v18  }
0x25b: {  	v17 =	vsel vm1, $0x0, v17;
	v19 =	vperm.xlane v18, v5  }
0x25c: {  	v16 =	vadd.s32 v17, v16  }
0x25d: {  	v17 =	vperm.xlane v16, v6;
	v19 =	vsel vm1, $0x0, v19  }
0x25e: {  	v18 =	vadd.s32 v19, v18  }
0x25f: {  	v17 =	vsel vm2, $0x0, v17;
	v19 =	vperm.xlane v18, v6  }
0x260: {  	v16 =	vadd.s32 v17, v16  }
0x261: {  	v17 =	vperm.xlane v16, v7;
	v19 =	vsel vm2, $0x0, v19  }
0x262: {  	v18 =	vadd.s32 v19, v18  }
0x263: {  	vm4 =	vlt.s32 v17, v8;
	v17 =	vperm.xlane v18, v7;
	(v2sf) =	vpush v18, $0xF  }
0x264: {  	v19 =	vsel vm4, $0x8, v1  }
0x265: {  	v20 =	vor.u32 $0x3, v19;
	vm4 =	vlt.s32 v17, v8  }
0x266: {  	v17 =	vperm.xlane v16, v20;
	v20 =	vsel vm4, $0x8, v1  }
0x267: {  	v21 =	vor.u32 $0x3, v20;
	(v2sf) =	vpush v16, $0xF  }
0x268: {  	v22 =	vor.u32 $0x4, v19;
	vm4 =	vlt.s32 v17, v8;
	v17 =	vperm.xlane v18, v21  }
0x269: {  	v19 =	vsel vm4, v22, v19  }
0x26a: {  	v22 =	vor.u32 $0x4, v20;
	v21 =	vor.u32 $0x1, v19;
	vm4 =	vlt.s32 v17, v8  }
0x26b: {  	v17 =	vperm.xlane v16, v21;
	v20 =	vsel vm4, v22, v20  }
0x26c: {  	v21 =	vor.u32 $0x1, v20  }
0x26d: {  	v22 =	vor.u32 $0x2, v19;
	vm4 =	vlt.s32 v17, v8;
	v17 =	vperm.xlane v18, v21  }
0x26e: {  	v19 =	vsel vm4, v22, v19  }
0x26f: {  	v21 =	vor.u32 $0x2, v20;
	v16 =	vperm.xlane v16, v19;
	vm4 =	vlt.s32 v17, v8  }
0x270: {  	v17 =	vsel vm4, v21, v20  }
0x271: {  	v15 =	vshll.u32 v15, $0x2;
	vm4 =	vlt.s32 v16, v8;
	v16 =	vperm.xlane v18, v17  }
0x272: {  	v15 =	vor.u32 v0, v15;
	v18 =	vsel vm4, $0x1, v1;
	s4 =	spop (v2sf)  }
0x273: {  	v13 =	vsub.s32 v13, v10;
	v18 =	vor.u32 v18, v19;
	vm4 =	vlt.s32 v16, v8  }
0x274: {  	v12 =	vshll.u32 v12, $0x2;
	v13 =	vperm.xlane v13, v18;
	v16 =	vsel vm4, $0x1, v1  }
0x275: {  	v12 =	vor.u32 v0, v12;
	v15 =	vperm.xlane v15, v18;
	v16 =	vor.u32 v16, v17  }
0x276: {  	[tilespmem:s11+$0x1200] =	vst v13;
	v13 =	vperm.xlane v14, v16;
	v12 =	vperm.xlane v12, v16;
	s7 =	spop (v2sf)  }
.Ltmp17:
0x277: {  	[tilespmem:s11+$0xE00] =	vst v15;
	s10 =	sadd.s32 s11, s7;
	(pc) =	sbr.rel @p0 .LBB2_21-.Ltmp17, $4  }
0x278: {  	[tilespmem:s10+$0xE00] =	vst v12;
	s11 =	sadd.s32 s10, s4  }
0x279: {  	s7 =	sshra.s32 s9, $0x2;
	[tilespmem:s10+$0x1200] =	vst v13  }
0x27a: {  	v13 =	vld [tilespmem:s7+$0x380]  }
0x27b: {  	s9 =	sadd.s32 $0x80, s9;
	v12 =	vld [tilespmem:s7+$0x10]  }
0x27c: {  	v14 =	vld [tilespmem:s7+$0x390];
	_ =	sdelay $0x4  }
0x27d: {  	vm4 =	vge.s32 v14, v10;
	vm5 =	vlt.s32 v14, v11  }
0x27e: {  	vm6 =	vge.s32 v13, v10;
	vm15 =	vlt.s32 v13, v11;
	vm4 =	vmand vm4, vm5  }
0x27f: {  	vm5 =	vmand vm6, vm15;
	v11 =	vsel vm4, $0x1, v1  }
0x280: {  	v15 =	vsel vm5, $0x1, v1;
	v16 =	vperm.xlane v11, v2  }
0x281: {  	v17 =	vperm.xlane v15, v2  }
0x282: {  	v16 =	vsel vm3, $0x0, v16  }
0x283: {  	v17 =	vsel vm3, $0x0, v17;
	v11 =	vadd.s32 v11, v16  }
0x284: {  	v15 =	vadd.s32 v15, v17;
	v16 =	vperm.xlane v11, v4  }
0x285: {  	v17 =	vperm.xlane v15, v4  }
0x286: {  	v16 =	vsel vm0, $0x0, v16  }
0x287: {  	v17 =	vsel vm0, $0x0, v17;
	v11 =	vadd.s32 v16, v11  }
0x288: {  	v15 =	vadd.s32 v17, v15;
	v16 =	vperm.xlane v11, v5  }
0x289: {  	v17 =	vperm.xlane v15, v5  }
0x28a: {  	v16 =	vsel vm1, $0x0, v16  }
0x28b: {  	v17 =	vsel vm1, $0x0, v17;
	v11 =	vadd.s32 v16, v11  }
0x28c: {  	v15 =	vadd.s32 v17, v15;
	v16 =	vperm.xlane v11, v6  }
0x28d: {  	v17 =	vperm.xlane v15, v6  }
0x28e: {  	v16 =	vsel vm2, $0x0, v16  }
0x28f: {  	v17 =	vsel vm2, $0x0, v17;
	v11 =	vadd.s32 v16, v11  }
0x290: {  	v15 =	vadd.s32 v17, v15;
	(v2sf) =	vpush v11, $0xF  }
0x291: {  	(v2sf) =	vpush v15, $0xF  }
0x292: {  	v48 =	vperm.xlane v15, v7;
	_ =	sdelay $0x1  }
0x293: {  	vm3 =	vlt.s32 v48, v8  }
0x294: {  	v49 =	vperm.xlane v11, v7;
	v50 =	vsel vm3, $0x8, v1  }
0x295: {  	v18 =	vor.u32 $0x3, v50  }
0x296: {  	vm3 =	vlt.s32 v49, v8;
	v51 =	vperm.xlane v15, v18  }
0x297: {  	v52 =	vsel vm3, $0x8, v1  }
0x298: {  	v20 =	vor.u32 $0x4, v50;
	v19 =	vor.u32 $0x3, v52;
	vm3 =	vlt.s32 v51, v8  }
0x299: {  	v53 =	vperm.xlane v11, v19;
	v17 =	vsel vm3, v20, v50  }
0x29a: {  	v54 =	vor.u32 $0x1, v17  }
0x29b: {  	v55 =	vor.u32 $0x4, v52;
	vm3 =	vlt.s32 v53, v8;
	v56 =	vperm.xlane v15, v54  }
0x29c: {  	v18 =	vsel vm3, v55, v52  }
0x29d: {  	v21 =	vor.u32 $0x2, v17;
	v20 =	vor.u32 $0x1, v18;
	vm3 =	vlt.s32 v56, v8  }
0x29e: {  	v57 =	vld [tilespmem:s7+$0x0];
	v58 =	vperm.xlane v11, v20;
	v17 =	vsel vm3, v21, v17;
	s4 =	spop (v2sf)  }
0x29f: {  	v15 =	vperm.xlane v15, v17;
	s20 =	spop (v2sf)  }
0x2a0: {  	v59 =	vor.u32 $0x2, v18;
	vm3 =	vlt.s32 v58, v8;
	s12 =	sadd.s32 s11, s20  }
0x2a1: {  	v16 =	vsel vm3, v59, v18;
	vm3 =	vlt.s32 v15, v8;
	s10 =	sadd.s32 s12, s4  }
0x2a2: {  	v11 =	vperm.xlane v11, v16;
	v61 =	vsel vm3, $0x1, v1;
	s9 =	sand.u32 $0x7F, s10  }
0x2a3: {  	v62 =	vsub.s32 v13, v10;
	v60 =	vshll.u32 v57, $0x2;
	v17 =	vor.u32 v61, v17;
	s4 =	sshra.s32 s10, $0x1F;
	p1 =	slt.s32 s10, $0x1;
	p0 =	sne.s32 s9, $0x0  }
0x2a4: {  	v15 =	vor.u32 v0, v60;
	vm3 =	vlt.s32 v11, v8;
	v11 =	vperm.xlane v62, v17;
	s4 =	sshrl.u32 s4, $0x19;
	p1 =	por !p1, !p0  }
0x2a5: {  	s13 =	simm.s32 $0x1;
	v15 =	vperm.xlane v15, v17;
	s4 =	sadd.s32 s4, s10;
	p1 =	por !p1, !p1  }
0x2a6: {  	[tilespmem:s11+$0x1200] =	vst v11;
	s7 =	sshra.s32 s4, $0x7;
	s13 =	simm.s32 @!p1 $0x0  }
0x2a7: {  	[tilespmem:s11+$0xE00] =	vst v15;
	s11 =	ssub.s32 s7, s13  }
0x2a8: {  	v63 =	vsel vm3, $0x1, v1;
	p2 =	slt.s32 s11, $0x1  }
.Ltmp18:
0x2a9: {  	v12 =	vshll.u32 v12, $0x2;
	v10 =	vsub.s32 v14, v10;
	v13 =	vor.u32 v63, v16;
	(pc) =	sbr.rel @p2 .LBB2_28-.Ltmp18, $4  }
0x2aa: {  	v12 =	vor.u32 v0, v12;
	v10 =	vperm.xlane v10, v13  }
0x2ab: {  	v11 =	vperm.xlane v12, v13  }
0x2ac: {  	[tilespmem:s12+$0x1200] =	vst v10  }
0x2ad: {  	[tilespmem:s12+$0xE00] =	vst v11  }
0x2ae: {  	[tilespmem:s24], [sflag:$0x3] =	stream.indirect.gather [hbm4b:s5+s22], $0x80, s23, s22, $0xb8;
	[tilespmem:$0x1DF40] =	vst v63  }
0x2af: {  	_ = 	snop  }
0x2b0: {  	[tilespmem:s26], [sflag:$0x4] =	stream.indirect.gather [hbm4b:s5+s22], $0x80, s25, s22, $0xb8;
	[tilespmem:$0x1DF40] =	vst v63  }
0x2b1: {  	_ =	swait.ge [sflag:s28], $0x2000  }
0x2b2: {  	[sflag:s28] =	ssyncset.done $0x0  }
0x2b3: {  	[sflag:s28] =	ssyncadd.s32 $0xFFFFE000  }
0x2b4: {  	v10 =	vld [tilespmem:$0x1200]  }
0x2b5: {  	v11 =	vld [tilespmem:$0x1210]  }
0x2b6: {  	v12 =	vld [tilespmem:$0x1220]  }
0x2b7: {  	v13 =	vld [tilespmem:$0x1230];
	_ =	sdelay $0x1  }
0x2b8: {  	[tilespmem:$0x1600] =	vst v10  }
0x2b9: {  	[tilespmem:$0x1610] =	vst v11  }
0x2ba: {  	p2 =	seq.s32 s11, $0x1;
	[tilespmem:$0x1620] =	vst v12  }
0x2bb: {  	s4 =	simm.s32 @!p2 $0x5;
	[tilespmem:$0x1630] =	vst v13  }
0x2bc: {  	[spmem:s2] =	stream.indirect.scatter.add.f32 [tilespmem:s24], [sflag:$0x5], $0x80, s29, s22, $0xb8;
	[tilespmem:$0x1DF40] =	vst v63  }
0x2bd: {  	_ =	swait.ge @!p2 [sflag:s4], $0x2000  }
0x2be: {  	s12 =	simm.s32 @!p2 $0xE80;
	[sflag:s4] =	ssyncset.done @!p2 $0x0  }
0x2bf: {  	s13 =	simm.s32 @!p2 $0x1700;
	[sflag:s4] =	ssyncadd.s32 @!p2 $0xFFFFE000;
	s4 =	simm.s32 @!p2 $0x40  }
0x2c0: {  	[tilespmem:s13], [sflag:$0x3] =	stream.indirect.gather @!p2 [hbm4b:s5+s4], $0x80, s12, s4, $0xb8;
	[tilespmem:$0x1DF40] =	vst v63  }
0x2c1: {  	_ =	swait.ge [sflag:s30], $0x2000  }
0x2c2: {  	[sflag:s30] =	ssyncset.done $0x0  }
0x2c3: {  	[sflag:s30] =	ssyncadd.s32 $0xFFFFE000  }
0x2c4: {  	v10 =	vld [tilespmem:$0x1240]  }
0x2c5: {  	v11 =	vld [tilespmem:$0x1250]  }
0x2c6: {  	v62 =	vld [tilespmem:$0x1260]  }
0x2c7: {  	v63 =	vld [tilespmem:$0x1270];
	_ =	sdelay $0x1  }
.Ltmp19:
0x2c8: {  	[tilespmem:$0x1680] =	vst v10;
	(pc) =	sbr.rel @p2 .LBB2_27-.Ltmp19, $4  }
0x2c9: {  	[tilespmem:$0x1690] =	vst v11  }
0x2ca: {  	[tilespmem:$0x16A0] =	vst v62  }
0x2cb: {  	[tilespmem:$0x16B0] =	vst v63  }
0x2cc: {  	[spmem:s2] =	stream.indirect.scatter.add.f32 [tilespmem:s26], [sflag:$0x6], $0x80, s31, s22, $0xb8;
	[tilespmem:$0x1DF40] =	vst v63  }
0x2cd: {  	_ =	swait.ge [sflag:s3], $0x2000  }
0x2ce: {  	[sflag:s3] =	ssyncset.done $0x0  }
0x2cf: {  	s4 =	simm.s32 $0xEC0;
	[sflag:s3] =	ssyncadd.s32 $0xFFFFE000  }
0x2d0: {  	[tilespmem:s26], [sflag:$0x4] =	stream.indirect.gather [hbm4b:s5+s22], $0x80, s4, s22, $0xb8;
	[tilespmem:$0x1DF40] =	vst v63  }
0x2d1: {  	_ =	swait.ge [sflag:s28], $0x2000  }
0x2d2: {  	[sflag:s28] =	ssyncset.done $0x0  }
0x2d3: {  	s12 =	simm.s32 $0x12F0;
	[sflag:s28] =	ssyncadd.s32 $0xFFFFE000  }
0x2d4: {  	v10 =	vld [tilespmem:s12+$0xFFFFFF90];
	_ =	sdelay $0x4  }
0x2d5: {  	[tilespmem:$0x1600] =	vst v10  }
0x2d6: {  	v10 =	vld [tilespmem:s12+$0xFFFFFFA0];
	_ =	sdelay $0x4  }
0x2d7: {  	[tilespmem:$0x1610] =	vst v10  }
0x2d8: {  	v10 =	vld [tilespmem:s12+$0xFFFFFFB0];
	_ =	sdelay $0x4  }
0x2d9: {  	[tilespmem:$0x1620] =	vst v10  }
0x2da: {  	v10 =	vld [tilespmem:s12+$0xFFFFFFC0];
	_ =	sdelay $0x3  }
0x2db: {  	p2 =	sle.s32 s11, $0x2  }
0x2dc: {  	s4 =	simm.s32 @!p2 $0x5;
	[tilespmem:$0x1630] =	vst v10  }
0x2dd: {  	[spmem:s2] =	stream.indirect.scatter.add.f32 [tilespmem:s24], [sflag:$0x5], $0x80, s29, s22, $0xb8;
	[tilespmem:$0x1DF40] =	vst v63  }
0x2de: {  	_ =	swait.ge @!p2 [sflag:s4], $0x2000  }
0x2df: {  	s13 =	simm.s32 $0xF00;
	[sflag:s4] =	ssyncset.done @!p2 $0x0  }
0x2e0: {  	s14 =	simm.s32 @!p2 $0x40;
	s16 =	simm.s32 @!p2 $0x1700;
	[sflag:s4] =	ssyncadd.s32 @!p2 $0xFFFFE000  }
0x2e1: {  	[tilespmem:s16], [sflag:$0x3] =	stream.indirect.gather @!p2 [hbm4b:s5+s14], $0x80, s13, s14, $0xb8;
	[tilespmem:$0x1DF40] =	vst v63  }
0x2e2: {  	_ =	swait.ge [sflag:s30], $0x2000  }
0x2e3: {  	[sflag:s30] =	ssyncset.done $0x0  }
0x2e4: {  	[sflag:s30] =	ssyncadd.s32 $0xFFFFE000  }
0x2e5: {  	v10 =	vld [tilespmem:s12+$0xFFFFFFD0];
	_ =	sdelay $0x4  }
0x2e6: {  	[tilespmem:$0x1680] =	vst v10  }
0x2e7: {  	v10 =	vld [tilespmem:s12+$0xFFFFFFE0];
	_ =	sdelay $0x2  }
0x2e8: {  	s4 =	simm.s32 $0xFFFFFFFF  }
0x2e9: {  	s4 =	simm.s32 @!p1 $0x0  }
0x2ea: {  	s4 =	sadd.s32 s4, s7;
	[tilespmem:$0x1690] =	vst v10  }
0x2eb: {  	s14 =	sadd.s32 $0xFFFFFFFF, s4;
	v10 =	vld [tilespmem:s12+$0xFFFFFFF0]  }
0x2ec: {  	p1 =	sne.s32 s14, $0x1  }
.Ltmp20:
0x2ed: {  	_ = 	snop;
	(pc) =	sbr.rel @!p1 .LBB2_26-.Ltmp20, $3  }
0x2ee: {  	_ =	sdelay $0x1  }
0x2ef: {  	[tilespmem:$0x16A0] =	vst v10  }
0x2f0: {  	s7 =	simm.s32 $0x1;
	v10 =	vld [tilespmem:s12+$0x0]  }
.LBB2_25:
0x2f1: {  	_ =	sdelay $0x2  }
0x2f2: {  	s13 =	sadd.s32 $0x80, s13  }
0x2f3: {  	s12 =	sadd.s32 $0x80, s12;
	s4 =	smov.u32 s7;
	s7 =	sadd.s32 $0x1, s7;
	[tilespmem:$0x16B0] =	vst v10  }
0x2f4: {  	[spmem:s2] =	stream.indirect.scatter.add.f32 [tilespmem:s26], [sflag:$0x6], $0x80, s31, s22, $0xb8;
	[tilespmem:$0x1DF40] =	vst v63  }
0x2f5: {  	p1 =	sne.s32 s14, s7;
	_ =	swait.ge [sflag:s3], $0x2000  }
0x2f6: {  	s16 =	sadd.s32 $0xFFFFFFC0, s13;
	[sflag:s3] =	ssyncset.done $0x0  }
0x2f7: {  	[sflag:s3] =	ssyncadd.s32 $0xFFFFE000  }
0x2f8: {  	[tilespmem:s26], [sflag:$0x4] =	stream.indirect.gather [hbm4b:s5+s22], $0x80, s16, s22, $0xb8;
	[tilespmem:$0x1DF40] =	vst v63  }
0x2f9: {  	_ =	swait.ge [sflag:s28], $0x2000  }
0x2fa: {  	[sflag:s28] =	ssyncset.done $0x0  }
0x2fb: {  	[sflag:s28] =	ssyncadd.s32 $0xFFFFE000  }
0x2fc: {  	v10 =	vld [tilespmem:s12+$0xFFFFFF90];
	_ =	sdelay $0x4  }
0x2fd: {  	[tilespmem:$0x1600] =	vst v10  }
0x2fe: {  	v10 =	vld [tilespmem:s12+$0xFFFFFFA0];
	_ =	sdelay $0x4  }
0x2ff: {  	[tilespmem:$0x1610] =	vst v10  }
0x300: {  	v10 =	vld [tilespmem:s12+$0xFFFFFFB0];
	_ =	sdelay $0x4  }
0x301: {  	[tilespmem:$0x1620] =	vst v10  }
0x302: {  	v10 =	vld [tilespmem:s12+$0xFFFFFFC0];
	_ =	sdelay $0x2  }
0x303: {  	s4 =	sadd.s32 $0x2, s4  }
0x304: {  	p2 =	sge.s32 s4, s11  }
0x305: {  	s4 =	simm.s32 @!p2 $0x5;
	[tilespmem:$0x1630] =	vst v10  }
0x306: {  	[spmem:s2] =	stream.indirect.scatter.add.f32 [tilespmem:s24], [sflag:$0x5], $0x80, s29, s22, $0xb8;
	[tilespmem:$0x1DF40] =	vst v63  }
0x307: {  	_ =	swait.ge @!p2 [sflag:s4], $0x2000  }
0x308: {  	s17 =	simm.s32 @!p2 $0x1700;
	s16 =	simm.s32 @!p2 $0x40;
	[sflag:s4] =	ssyncset.done @!p2 $0x0  }
0x309: {  	[sflag:s4] =	ssyncadd.s32 @!p2 $0xFFFFE000  }
0x30a: {  	[tilespmem:s17], [sflag:$0x3] =	stream.indirect.gather @!p2 [hbm4b:s5+s16], $0x80, s13, s16, $0xb8;
	[tilespmem:$0x1DF40] =	vst v63  }
0x30b: {  	_ =	swait.ge [sflag:s30], $0x2000  }
0x30c: {  	[sflag:s30] =	ssyncset.done $0x0  }
0x30d: {  	[sflag:s30] =	ssyncadd.s32 $0xFFFFE000  }
0x30e: {  	v10 =	vld [tilespmem:s12+$0xFFFFFFD0];
	_ =	sdelay $0x4  }
0x30f: {  	[tilespmem:$0x1680] =	vst v10  }
0x310: {  	v10 =	vld [tilespmem:s12+$0xFFFFFFE0];
	_ =	sdelay $0x4  }
0x311: {  	[tilespmem:$0x1690] =	vst v10  }
0x312: {  	v10 =	vld [tilespmem:s12+$0xFFFFFFF0];
	_ =	sdelay $0x1  }
.Ltmp21:
0x313: {  	(pc) =	sbr.rel @p1 .LBB2_25-.Ltmp21, $3  }
0x314: {  	_ =	sdelay $0x1  }
0x315: {  	[tilespmem:$0x16A0] =	vst v10  }
0x316: {  	v10 =	vld [tilespmem:s12+$0x0]  }
.LBB2_26:
0x317: {  	_ =	sdelay $0x3  }
0x318: {  	[tilespmem:$0x16B0] =	vst v10  }
0x319: {  	[spmem:s2] =	stream.indirect.scatter.add.f32 [tilespmem:s26], [sflag:$0x6], $0x80, s31, s22, $0xb8;
	[tilespmem:$0x1DF40] =	vst v63  }
.LBB2_27:
0x31a: {  	_ =	swait.ge [sflag:s0], $0x2000  }
0x31b: {  	[sflag:s0] =	ssyncset.done $0x0  }
0x31c: {  	[sflag:s0] =	ssyncadd.s32 $0xFFFFE000  }
0x31d: {  	_ =	swait.ge [sflag:s3], $0x2000  }
0x31e: {  	[sflag:s3] =	ssyncset.done $0x0  }
0x31f: {  	[sflag:s3] =	ssyncadd.s32 $0xFFFFE000  }
.LBB2_28:
0x320: {  	s4 =	sshll.u32 s11, $0x7  }
0x321: {  	v10 =	vld [tilespmem:s4+$0xE00]  }
0x322: {  	v11 =	vld [tilespmem:s4+$0x1200];
	_ =	sdelay $0x3  }
0x323: {  	[tilespmem:$0xE00] =	vst v10  }
0x324: {  	[tilespmem:$0x1200] =	vst v11  }
0x325: {  	v10 =	vld [tilespmem:s4+$0xE10]  }
0x326: {  	v11 =	vld [tilespmem:s4+$0x1210];
	_ =	sdelay $0x3  }
0x327: {  	[tilespmem:$0xE10] =	vst v10  }
0x328: {  	[tilespmem:$0x1210] =	vst v11  }
0x329: {  	v10 =	vld [tilespmem:s4+$0xE20]  }
0x32a: {  	v11 =	vld [tilespmem:s4+$0x1220];
	_ =	sdelay $0x3  }
0x32b: {  	[tilespmem:$0xE20] =	vst v10  }
0x32c: {  	[tilespmem:$0x1220] =	vst v11  }
0x32d: {  	v10 =	vld [tilespmem:s4+$0xE30]  }
0x32e: {  	v11 =	vld [tilespmem:s4+$0x1230];
	_ =	sdelay $0x3  }
0x32f: {  	[tilespmem:$0xE30] =	vst v10  }
0x330: {  	[tilespmem:$0x1230] =	vst v11  }
0x331: {  	v10 =	vld [tilespmem:s4+$0xE40]  }
0x332: {  	v11 =	vld [tilespmem:s4+$0x1240];
	_ =	sdelay $0x3  }
0x333: {  	[tilespmem:$0xE40] =	vst v10  }
0x334: {  	[tilespmem:$0x1240] =	vst v11  }
0x335: {  	v10 =	vld [tilespmem:s4+$0xE50]  }
0x336: {  	v11 =	vld [tilespmem:s4+$0x1250];
	_ =	sdelay $0x3  }
0x337: {  	[tilespmem:$0xE50] =	vst v10  }
0x338: {  	[tilespmem:$0x1250] =	vst v11  }
0x339: {  	v10 =	vld [tilespmem:s4+$0xE60]  }
0x33a: {  	v11 =	vld [tilespmem:s4+$0x1260];
	_ =	sdelay $0x3  }
0x33b: {  	[tilespmem:$0xE60] =	vst v10  }
0x33c: {  	[tilespmem:$0x1260] =	vst v11  }
0x33d: {  	v10 =	vld [tilespmem:s4+$0xE70]  }
0x33e: {  	v11 =	vld [tilespmem:s4+$0x1270];
	_ =	sdelay $0x2  }
0x33f: {  	s4 =	ssub.s32 s10, s4  }
0x340: {  	s7 =	sand.u32 $0xFFFFFF80, s4;
	[tilespmem:$0xE70] =	vst v10  }
0x341: {  	s7 =	sor.u32 s9, s7;
	[tilespmem:$0x1270] =	vst v11  }
0x342: {  	[tilespmem:s7+$0x1200] =	vst v9  }
0x343: {  	[tilespmem:s7+$0xE00] =	vst v1  }
0x344: {  	[tilespmem:s4+$0x1210] =	vst v9  }
0x345: {  	[tilespmem:s4+$0xE10] =	vst v1  }
0x346: {  	s17 =	sadd.s32 $0x80, s4;
	[tilespmem:s4+$0x1220] =	vst v9  }
0x347: {  	s20 =	sshra.s32 s17, $0x1F;
	p1 =	slt.s32 s17, $0x1;
	[tilespmem:s4+$0xE20] =	vst v1  }
0x348: {  	s9 =	sshrl.u32 s20, $0x19;
	p0 =	por !p0, !p1;
	[tilespmem:s4+$0x1230] =	vst v9  }
0x349: {  	p0 =	por !p0, !p0;
	s7 =	sadd.s32 s9, s17;
	s9 =	simm.s32 $0x1;
	[tilespmem:s4+$0xE30] =	vst v1  }
0x34a: {  	[tilespmem:s4+$0x1240] =	vst v9;
	s7 =	sshra.s32 s7, $0x7;
	s9 =	simm.s32 @!p0 $0x0  }
0x34b: {  	[tilespmem:s4+$0xE40] =	vst v1;
	s9 =	ssub.s32 s7, s9  }
0x34c: {  	[tilespmem:s4+$0x1250] =	vst v9;
	p1 =	slt.s32 s9, $0x1  }
.Ltmp22:
0x34d: {  	[tilespmem:s4+$0xE50] =	vst v1;
	(pc) =	sbr.rel @p1 .LBB2_34-.Ltmp22, $4  }
0x34e: {  	[tilespmem:s4+$0x1260] =	vst v9  }
0x34f: {  	[tilespmem:s4+$0xE60] =	vst v1  }
0x350: {  	[tilespmem:s4+$0x1270] =	vst v9  }
0x351: {  	[tilespmem:s4+$0xE70] =	vst v1  }
0x352: {  	[tilespmem:s24], [sflag:$0x3] =	stream.indirect.gather [hbm4b:s5+s22], $0x80, s23, s22, $0xb8;
	[tilespmem:$0x1DF40] =	vst v63  }
0x353: {  	_ = 	snop  }
0x354: {  	[tilespmem:s26], [sflag:$0x4] =	stream.indirect.gather [hbm4b:s5+s22], $0x80, s25, s22, $0xb8;
	[tilespmem:$0x1DF40] =	vst v63  }
0x355: {  	_ =	swait.ge [sflag:s28], $0x2000  }
0x356: {  	[sflag:s28] =	ssyncset.done $0x0  }
0x357: {  	[sflag:s28] =	ssyncadd.s32 $0xFFFFE000  }
0x358: {  	v10 =	vld [tilespmem:$0x1200]  }
0x359: {  	v11 =	vld [tilespmem:$0x1210]  }
0x35a: {  	v12 =	vld [tilespmem:$0x1220]  }
0x35b: {  	v13 =	vld [tilespmem:$0x1230];
	_ =	sdelay $0x1  }
0x35c: {  	[tilespmem:$0x1600] =	vst v10  }
0x35d: {  	[tilespmem:$0x1610] =	vst v11  }
0x35e: {  	p1 =	seq.s32 s9, $0x1;
	[tilespmem:$0x1620] =	vst v12  }
0x35f: {  	s4 =	simm.s32 @!p1 $0x5;
	[tilespmem:$0x1630] =	vst v13  }
0x360: {  	[spmem:s2] =	stream.indirect.scatter.add.f32 [tilespmem:s24], [sflag:$0x5], $0x80, s29, s22, $0xb8;
	[tilespmem:$0x1DF40] =	vst v63  }
0x361: {  	_ =	swait.ge @!p1 [sflag:s4], $0x2000  }
0x362: {  	s10 =	simm.s32 @!p1 $0xE80;
	[sflag:s4] =	ssyncset.done @!p1 $0x0  }
0x363: {  	s11 =	simm.s32 @!p1 $0x1700;
	[sflag:s4] =	ssyncadd.s32 @!p1 $0xFFFFE000;
	s4 =	simm.s32 @!p1 $0x40  }
0x364: {  	[tilespmem:s11], [sflag:$0x3] =	stream.indirect.gather @!p1 [hbm4b:s5+s4], $0x80, s10, s4, $0xb8;
	[tilespmem:$0x1DF40] =	vst v63  }
0x365: {  	_ =	swait.ge [sflag:s30], $0x2000  }
0x366: {  	[sflag:s30] =	ssyncset.done $0x0  }
0x367: {  	[sflag:s30] =	ssyncadd.s32 $0xFFFFE000  }
0x368: {  	v10 =	vld [tilespmem:$0x1240]  }
0x369: {  	v11 =	vld [tilespmem:$0x1250]  }
0x36a: {  	v62 =	vld [tilespmem:$0x1260]  }
0x36b: {  	v63 =	vld [tilespmem:$0x1270];
	_ =	sdelay $0x1  }
.Ltmp23:
0x36c: {  	[tilespmem:$0x1680] =	vst v10;
	(pc) =	sbr.rel @p1 .LBB2_33-.Ltmp23, $4  }
0x36d: {  	[tilespmem:$0x1690] =	vst v11  }
0x36e: {  	[tilespmem:$0x16A0] =	vst v62  }
0x36f: {  	[tilespmem:$0x16B0] =	vst v63  }
0x370: {  	[spmem:s2] =	stream.indirect.scatter.add.f32 [tilespmem:s26], [sflag:$0x6], $0x80, s31, s22, $0xb8;
	[tilespmem:$0x1DF40] =	vst v63  }
0x371: {  	_ =	swait.ge [sflag:s3], $0x2000  }
0x372: {  	[sflag:s3] =	ssyncset.done $0x0  }
0x373: {  	s4 =	simm.s32 $0xEC0;
	[sflag:s3] =	ssyncadd.s32 $0xFFFFE000  }
0x374: {  	[tilespmem:s26], [sflag:$0x4] =	stream.indirect.gather [hbm4b:s5+s22], $0x80, s4, s22, $0xb8;
	[tilespmem:$0x1DF40] =	vst v63  }
0x375: {  	_ =	swait.ge [sflag:s28], $0x2000  }
0x376: {  	[sflag:s28] =	ssyncset.done $0x0  }
0x377: {  	s10 =	simm.s32 $0x12F0;
	[sflag:s28] =	ssyncadd.s32 $0xFFFFE000  }
0x378: {  	v10 =	vld [tilespmem:s10+$0xFFFFFF90];
	_ =	sdelay $0x4  }
0x379: {  	[tilespmem:$0x1600] =	vst v10  }
0x37a: {  	v10 =	vld [tilespmem:s10+$0xFFFFFFA0];
	_ =	sdelay $0x4  }
0x37b: {  	[tilespmem:$0x1610] =	vst v10  }
0x37c: {  	v10 =	vld [tilespmem:s10+$0xFFFFFFB0];
	_ =	sdelay $0x4  }
0x37d: {  	[tilespmem:$0x1620] =	vst v10  }
0x37e: {  	v10 =	vld [tilespmem:s10+$0xFFFFFFC0];
	_ =	sdelay $0x3  }
0x37f: {  	p1 =	sle.s32 s9, $0x2  }
0x380: {  	s4 =	simm.s32 @!p1 $0x5;
	[tilespmem:$0x1630] =	vst v10  }
0x381: {  	[spmem:s2] =	stream.indirect.scatter.add.f32 [tilespmem:s24], [sflag:$0x5], $0x80, s29, s22, $0xb8;
	[tilespmem:$0x1DF40] =	vst v63  }
0x382: {  	_ =	swait.ge @!p1 [sflag:s4], $0x2000  }
0x383: {  	s11 =	simm.s32 $0xF00;
	[sflag:s4] =	ssyncset.done @!p1 $0x0  }
0x384: {  	s12 =	simm.s32 @!p1 $0x40;
	s13 =	simm.s32 @!p1 $0x1700;
	[sflag:s4] =	ssyncadd.s32 @!p1 $0xFFFFE000  }
0x385: {  	[tilespmem:s13], [sflag:$0x3] =	stream.indirect.gather @!p1 [hbm4b:s5+s12], $0x80, s11, s12, $0xb8;
	[tilespmem:$0x1DF40] =	vst v63  }
0x386: {  	_ =	swait.ge [sflag:s30], $0x2000  }
0x387: {  	[sflag:s30] =	ssyncset.done $0x0  }
0x388: {  	[sflag:s30] =	ssyncadd.s32 $0xFFFFE000  }
0x389: {  	v10 =	vld [tilespmem:s10+$0xFFFFFFD0];
	_ =	sdelay $0x4  }
0x38a: {  	[tilespmem:$0x1680] =	vst v10  }
0x38b: {  	v10 =	vld [tilespmem:s10+$0xFFFFFFE0];
	_ =	sdelay $0x4  }
0x38c: {  	[tilespmem:$0x1690] =	vst v10  }
0x38d: {  	v10 =	vld [tilespmem:s10+$0xFFFFFFF0]  }
0x38e: {  	s4 =	simm.s32 $0xFFFFFFFF  }
0x38f: {  	s4 =	simm.s32 @!p0 $0x0  }
0x390: {  	s4 =	sadd.s32 s4, s7  }
0x391: {  	s12 =	sadd.s32 $0xFFFFFFFF, s4  }
0x392: {  	p0 =	sne.s32 s12, $0x1;
	[tilespmem:$0x16A0] =	vst v10  }
.Ltmp24:
0x393: {  	v10 =	vld [tilespmem:s10+$0x0];
	(pc) =	sbr.rel @!p0 .LBB2_32-.Ltmp24, $2  }
0x394: {  	_ =	sdelay $0x2  }
0x395: {  	s7 =	simm.s32 $0x1  }
.LBB2_31:
0x396: {  	s11 =	sadd.s32 $0x80, s11  }
0x397: {  	[tilespmem:$0x16B0] =	vst v10;
	s10 =	sadd.s32 $0x80, s10;
	s4 =	smov.u32 s7;
	s7 =	sadd.s32 $0x1, s7  }
0x398: {  	[spmem:s2] =	stream.indirect.scatter.add.f32 [tilespmem:s26], [sflag:$0x6], $0x80, s31, s22, $0xb8;
	[tilespmem:$0x1DF40] =	vst v63  }
0x399: {  	p0 =	sne.s32 s12, s7;
	_ =	swait.ge [sflag:s3], $0x2000  }
0x39a: {  	s13 =	sadd.s32 $0xFFFFFFC0, s11;
	[sflag:s3] =	ssyncset.done $0x0  }
0x39b: {  	[sflag:s3] =	ssyncadd.s32 $0xFFFFE000  }
0x39c: {  	[tilespmem:s26], [sflag:$0x4] =	stream.indirect.gather [hbm4b:s5+s22], $0x80, s13, s22, $0xb8;
	[tilespmem:$0x1DF40] =	vst v63  }
0x39d: {  	_ =	swait.ge [sflag:s28], $0x2000  }
0x39e: {  	[sflag:s28] =	ssyncset.done $0x0  }
0x39f: {  	[sflag:s28] =	ssyncadd.s32 $0xFFFFE000  }
0x3a0: {  	v10 =	vld [tilespmem:s10+$0xFFFFFF90];
	_ =	sdelay $0x4  }
0x3a1: {  	[tilespmem:$0x1600] =	vst v10  }
0x3a2: {  	v10 =	vld [tilespmem:s10+$0xFFFFFFA0];
	_ =	sdelay $0x4  }
0x3a3: {  	[tilespmem:$0x1610] =	vst v10  }
0x3a4: {  	v10 =	vld [tilespmem:s10+$0xFFFFFFB0];
	_ =	sdelay $0x4  }
0x3a5: {  	[tilespmem:$0x1620] =	vst v10  }
0x3a6: {  	v10 =	vld [tilespmem:s10+$0xFFFFFFC0];
	_ =	sdelay $0x2  }
0x3a7: {  	s4 =	sadd.s32 $0x2, s4  }
0x3a8: {  	p1 =	sge.s32 s4, s9  }
0x3a9: {  	s4 =	simm.s32 @!p1 $0x5;
	[tilespmem:$0x1630] =	vst v10  }
0x3aa: {  	[spmem:s2] =	stream.indirect.scatter.add.f32 [tilespmem:s24], [sflag:$0x5], $0x80, s29, s22, $0xb8;
	[tilespmem:$0x1DF40] =	vst v63  }
0x3ab: {  	_ =	swait.ge @!p1 [sflag:s4], $0x2000  }
0x3ac: {  	s14 =	simm.s32 @!p1 $0x1700;
	s13 =	simm.s32 @!p1 $0x40;
	[sflag:s4] =	ssyncset.done @!p1 $0x0  }
0x3ad: {  	[sflag:s4] =	ssyncadd.s32 @!p1 $0xFFFFE000  }
0x3ae: {  	[tilespmem:s14], [sflag:$0x3] =	stream.indirect.gather @!p1 [hbm4b:s5+s13], $0x80, s11, s13, $0xb8;
	[tilespmem:$0x1DF40] =	vst v63  }
0x3af: {  	_ =	swait.ge [sflag:s30], $0x2000  }
0x3b0: {  	[sflag:s30] =	ssyncset.done $0x0  }
0x3b1: {  	[sflag:s30] =	ssyncadd.s32 $0xFFFFE000  }
0x3b2: {  	v10 =	vld [tilespmem:s10+$0xFFFFFFD0];
	_ =	sdelay $0x4  }
0x3b3: {  	[tilespmem:$0x1680] =	vst v10  }
0x3b4: {  	v10 =	vld [tilespmem:s10+$0xFFFFFFE0];
	_ =	sdelay $0x4  }
0x3b5: {  	[tilespmem:$0x1690] =	vst v10  }
0x3b6: {  	v10 =	vld [tilespmem:s10+$0xFFFFFFF0];
	_ =	sdelay $0x1  }
.Ltmp25:
0x3b7: {  	(pc) =	sbr.rel @p0 .LBB2_31-.Ltmp25, $3  }
0x3b8: {  	_ =	sdelay $0x1  }
0x3b9: {  	[tilespmem:$0x16A0] =	vst v10  }
0x3ba: {  	v10 =	vld [tilespmem:s10+$0x0]  }
.Ltmp26:
0x3bb: {  	_ = 	snop;
	(pc) =	sbr.rel .LBB2_32-.Ltmp26, $1  }
0x3bc: {  	_ =	sdelay $0x3  }
.LBB2_36:
0x3bd: {  	_ =	sfence.sel $0x180000  }
0x3be: {  	[bflag:$0x0] =	sbarrier.arrive $0xFFFF  }
0x3bf: {  	_ =	strace $0x90000047  }
0x3c0: {  	s0 =	stileid.u32;
	[bflag:$0x2] =	sbarrier.arrive $0xFFFF  }
0x3c1: {  	p0 =	sne.s32 s0, $0x0;
	s0 =	rddreg [dreg:$0x3]  }
0x3c2: {  	s0 =	sadd.s32 @!p0 $0x100000, s0  }
0x3c3: {  	[sflag:s0] =	ssyncadd.tile.s32 @!p0 $0x1;
	_ =	shalt  }
.Lfunc_end2:
_tile_overlayer_lowered:
.L_overlay_start_2:
0x3c4: {  	(tag) =	ssettag $0x2  }
0x3c5: {  	s0 =	rddreg [dreg:$0x0];
	s2 =	stileid.u32  }
0x3c6: {  	s1 =	rddreg [dreg:$0x1];
	p0 =	sne.s32 s2, $0x0  }
0x3c7: {  	s3 =	rddreg [dreg:$0x2];
	[bflag:$0x3] =	sbarrier.arrive $0xFFFF;
	s2 =	simm.s32 @!p0 $0x1C07  }
0x3c8: {  	[timem:s3], [sflag:s2] =	dma.local @!p0 [hbm:s0], s1  }
0x3c9: {  	s0 =	simm.s32 @!p0 $0x7  }
0x3ca: {  	_ =	swait.ge @!p0 [sflag:s0], s1  }
0x3cb: {  	s1 =	ssub.s32 @!p0 $0x0, s1;
	[sflag:s0] =	ssyncset.done @!p0 $0x0  }
0x3cc: {  	[sflag:s0] =	ssyncadd.s32 @!p0 s1  }
0x3cd: {  	[bflag:$0x3] =	sbarrier.arrive $0xFFFF  }
0x3ce: {  	_ =	shalt  }

</sc_bundles>
